<compile_context>
chip_gen: v7x
topology: tpu7x:2x2x1
jax: 0.10.2.dev20260603
libtpu: 0.0.44.dev20260713+nightly
codegen_flags: <defaults>
</compile_context>

<pallas_src>
import jax
import jax.numpy as jnp
import numpy as np
from jax.experimental import pallas as pl
from jax.experimental.pallas import tpu as pltpu
from jax.experimental.pallas import tpu_sc as plsc

N_REL = 16384
N_FRAMES = 16
D_MODEL = 512
N_HEADS = 8
DH = D_MODEL // N_HEADS
D_FF = 2048
BLK = 512
NBLK = N_REL // BLK
SCALE = 1.0 / float(np.sqrt(DH))
NEG = -1e9


NPMAX = NBLK * NBLK
SC_LANES = 16
SC_ROWS = N_REL // SC_LANES


SC_SUBS = 32
SC_SHARD = SC_ROWS // SC_SUBS
N_TH = 2 * SC_LANES


def _sc_hist_kernel(seg_hbm, o_hbm, buf, acc):
    s = jax.lax.axis_index("c") * SC_LANES + jax.lax.axis_index("s")
    pltpu.sync_copy(seg_hbm.at[pl.ds(s * SC_SHARD, SC_SHARD), :], buf)
    for r in range(N_TH):
        acc[r] = jnp.zeros((SC_LANES,), jnp.int32)
    for fth in range(N_FRAMES + 1):
        @pl.loop(0, SC_SHARD)
        def _(i):
            acc[fth] = acc[fth] + (buf[i] < fth).astype(jnp.int32)
    pltpu.sync_copy(acc, o_hbm.at[s])


def _sc_hist(seg):
    mesh = plsc.VectorSubcoreMesh(core_axis_name="c", subcore_axis_name="s")
    cp = pltpu.CompilerParams()
    if "needs_layout_passes" in pltpu.CompilerParams.__dataclass_fields__:
        import dataclasses
        cp = dataclasses.replace(cp, needs_layout_passes=False)
    kern = pl.kernel(
        _sc_hist_kernel,
        out_type=jax.ShapeDtypeStruct((SC_SUBS, N_TH, SC_LANES), jnp.int32),
        mesh=mesh,
        compiler_params=cp,
        scratch_types=[
            pltpu.VMEM((SC_SHARD, SC_LANES), jnp.int32),
            pltpu.VMEM((N_TH, SC_LANES), jnp.int32),
        ],
    )
    return kern(seg.reshape(SC_ROWS, SC_LANES).astype(jnp.int32))


def _meta_kernel(part_ref, pi_ref, pj_ref, pf_ref, np_ref):
    csum = jnp.sum(jnp.sum(part_ref[...], axis=0), axis=1,
                   keepdims=True)
    cl = csum[0:N_FRAMES, :]
    ce = csum[1:N_FRAMES + 1, :]
    clr = jax.lax.transpose(jnp.broadcast_to(cl, (N_FRAMES, 128)), (1, 0))
    cer = jax.lax.transpose(jnp.broadcast_to(ce, (N_FRAMES, 128)), (1, 0))
    bi = jax.lax.broadcasted_iota(jnp.int32, (128, N_FRAMES), 0)
    inter = (clr < (bi + 1) * BLK) & (cer > bi * BLK)
    starts = jnp.where(inter, clr, jnp.int32(N_REL))
    ends = jnp.where(inter, cer, jnp.int32(0))
    kvs128 = jnp.clip(jnp.min(starts, axis=1, keepdims=True) // BLK,
                      0, NBLK - 1)
    kve128 = jnp.clip((jnp.max(ends, axis=1, keepdims=True) - 1) // BLK,
                      0, NBLK - 1)
    rowi = jax.lax.broadcasted_iota(jnp.int32, (128, 1), 0)
    span128 = jnp.where(rowi < NBLK, kve128 - kvs128 + 1, 0)
    kvs = kvs128[0:NBLK, :]
    span = span128[0:NBLK, :]
    spanT = jax.lax.transpose(jnp.broadcast_to(span128, (128, 128)),
                              (1, 0))[0:NBLK, :]
    li = jax.lax.broadcasted_iota(jnp.int32, (NBLK, 128), 1)
    si = jax.lax.broadcasted_iota(jnp.int32, (NBLK, 128), 0)
    off = jnp.sum(jnp.where(li < si, spanT, 0),
                  axis=1, keepdims=True)
    npair = jnp.sum(spanT[0:1, :], axis=1, keepdims=True)
    pp = jax.lax.broadcasted_iota(jnp.int32, (NBLK, NPMAX), 1)
    off_b = jnp.broadcast_to(off, (NBLK, NPMAX))
    offn_b = jnp.broadcast_to(off + span, (NBLK, NPMAX))
    pair_i = jnp.sum((offn_b <= pp).astype(jnp.int32), axis=0,
                     keepdims=True)
    onehot = ((off_b <= pp) & (pp < offn_b)).astype(jnp.int32)
    kvs_sel = jnp.sum(onehot * jnp.broadcast_to(kvs, (NBLK, NPMAX)),
                      axis=0, keepdims=True)
    off_sel = jnp.sum(onehot * off_b, axis=0, keepdims=True)
    pair_j = kvs_sel + pp[0:1, :] - off_sel
    pair_i = jnp.clip(pair_i, 0, NBLK - 1)
    pair_j = jnp.clip(pair_j, 0, NBLK - 1)
    cont = (clr <= bi * BLK) & (cer >= (bi + 1) * BLK)
    fi = jax.lax.broadcasted_iota(jnp.int32, (128, N_FRAMES), 1)
    pure128 = jnp.max(cont.astype(jnp.int32), axis=1, keepdims=True)
    fr128 = jnp.sum(jnp.where(cont, fi, 0), axis=1, keepdims=True)
    pure_b = jnp.broadcast_to(pure128[0:NBLK, :], (NBLK, NPMAX))
    fr_b = jnp.broadcast_to(fr128[0:NBLK, :], (NBLK, NPMAX))
    sub_i = jax.lax.broadcasted_iota(jnp.int32, (NBLK, NPMAX), 0)
    oj = (jnp.broadcast_to(pair_j, (NBLK, NPMAX)) == sub_i).astype(jnp.int32)
    pure_i = jnp.sum(onehot * pure_b, axis=0, keepdims=True)
    fr_i = jnp.sum(onehot * fr_b, axis=0, keepdims=True)
    pure_j = jnp.sum(oj * pure_b, axis=0, keepdims=True)
    fr_j = jnp.sum(oj * fr_b, axis=0, keepdims=True)
    pair_full = ((pure_i == 1) & (pure_j == 1)
                 & (fr_i == fr_j)).astype(jnp.int32)
    pi_ref[...] = pair_i
    pj_ref[...] = pair_j
    pf_ref[...] = pair_full
    np_ref[...] = jnp.broadcast_to(npair, (1, 128))


def _compute_pairs(seg):
    partials = _sc_hist(seg)
    out = pl.pallas_call(
        _meta_kernel,
        out_shape=(
            jax.ShapeDtypeStruct((1, NPMAX), jnp.int32),
            jax.ShapeDtypeStruct((1, NPMAX), jnp.int32),
            jax.ShapeDtypeStruct((1, NPMAX), jnp.int32),
            jax.ShapeDtypeStruct((1, 128), jnp.int32),
        ),
    )(partials)
    return out[0][0], out[1][0], out[2][0], out[3][0, 0]


def _qkv_kernel(x_ref, w_ref, b_ref, q_ref, k_ref, v_ref):
    x = x_ref[...].astype(jnp.bfloat16)
    y = jax.lax.dot_general(x, w_ref[...], (((1,), (0,)), ((), ())),
                            preferred_element_type=jnp.float32)
    y = y + b_ref[...]
    ones = jnp.ones((BLK, 1), jnp.bfloat16)
    zeros = jnp.zeros((BLK, 128 - DH - 1), jnp.bfloat16)
    for h in range(N_HEADS):
        q_ref[h] = (y[:, h * DH:(h + 1) * DH] * SCALE).astype(jnp.bfloat16)
        k_ref[h] = y[:, D_MODEL + h * DH:D_MODEL + (h + 1) * DH].astype(
            jnp.bfloat16)
        vh = y[:, 2 * D_MODEL + h * DH:2 * D_MODEL + (h + 1) * DH].astype(
            jnp.bfloat16)
        v_ref[h] = jnp.concatenate([vh, ones, zeros], axis=1)


def _qkv_proj(x, w_qkv, b_qkv):
    return pl.pallas_call(
        _qkv_kernel,
        grid=(NBLK,),
        in_specs=[
            pl.BlockSpec((BLK, D_MODEL), lambda i: (i, 0)),
            pl.BlockSpec((D_MODEL, 3 * D_MODEL), lambda i: (0, 0)),
            pl.BlockSpec((1, 3 * D_MODEL), lambda i: (0, 0)),
        ],
        out_specs=(
            pl.BlockSpec((N_HEADS, BLK, DH), lambda i: (0, i, 0)),
            pl.BlockSpec((N_HEADS, BLK, DH), lambda i: (0, i, 0)),
            pl.BlockSpec((N_HEADS, BLK, 128), lambda i: (0, i, 0)),
        ),
        out_shape=(
            jax.ShapeDtypeStruct((N_HEADS, N_REL, DH), jnp.bfloat16),
            jax.ShapeDtypeStruct((N_HEADS, N_REL, DH), jnp.bfloat16),
            jax.ShapeDtypeStruct((N_HEADS, N_REL, 128), jnp.bfloat16),
        ),
    )(x, w_qkv, b_qkv)


def _attn_kernel(pi_ref, pj_ref, pf_ref, q_ref, k_ref, v_ref, sq_ref, sk_ref,
                 x_ref, wo_ref, bo_ref, g1_ref, b1n_ref, w1_ref, b1_ref,
                 w2_ref, b2_ref, g2_ref, b2n_ref,
                 o_ref, acc_ref, m_ref):
    p = pl.program_id(0)
    i = pi_ref[p]
    first = (p == 0) | (pi_ref[jnp.maximum(p - 1, 0)] != i)
    full = pf_ref[p] != 0

    def _make_bias():
        sq = sq_ref[0, 0, :]
        sk = sk_ref[0, 0, :]
        mask = sq[:, None] == sk[None, :]
        return jnp.where(mask, 0.0, NEG).astype(jnp.bfloat16)

    def _run(is_first, bias):
        for h in range(N_HEADS):
            s = jax.lax.dot_general(q_ref[h], k_ref[h],
                                    (((1,), (1,)), ((), ())),
                                    preferred_element_type=jnp.float32)
            s = s.astype(jnp.bfloat16)
            if bias is not None:
                s = s + bias
            m_cur = jnp.max(s, axis=1, keepdims=True)
            if is_first:
                m_new = m_cur
            else:
                m_prev = m_ref[h][:, 0:1]
                m_new = jnp.maximum(m_prev, m_cur)
            p_ = jnp.exp(s - m_new)
            pv = jax.lax.dot_general(p_, v_ref[h], (((1,), (0,)), ((), ())),
                                     preferred_element_type=jnp.float32)
            if is_first:
                acc_ref[h] = pv
            else:
                alpha = jnp.exp((m_prev - m_new).astype(jnp.float32))
                acc_ref[h] = acc_ref[h] * alpha + pv
            m_ref[h] = jnp.broadcast_to(m_new, (BLK, 128))

    @pl.when(first & full)
    def _ff():
        _run(True, None)

    @pl.when(first & jnp.logical_not(full))
    def _fm():
        _run(True, _make_bias())

    @pl.when(jnp.logical_not(first) & full)
    def _nf():
        _run(False, None)

    @pl.when(jnp.logical_not(first) & jnp.logical_not(full))
    def _nm():
        _run(False, _make_bias())

    @pl.when((p == pl.num_programs(0) - 1)
             | (pi_ref[jnp.minimum(p + 1, NPMAX - 1)] != i))
    def _flush():
        parts = []
        for h in range(N_HEADS):
            a = acc_ref[h]
            inv_l = 1.0 / a[:, DH:DH + 1]
            parts.append((a[:, 0:DH] * inv_l).astype(jnp.bfloat16))
        ctx = jnp.concatenate(parts, axis=1)
        t = jax.lax.dot_general(ctx, wo_ref[...], (((1,), (0,)), ((), ())),
                                preferred_element_type=jnp.float32)
        t = x_ref[...] + t + bo_ref[...]
        x1 = _ln(t, g1_ref[...], b1n_ref[...])
        hh = jax.lax.dot_general(x1.astype(jnp.bfloat16), w1_ref[...],
                                 (((1,), (0,)), ((), ())),
                                 preferred_element_type=jnp.float32)
        hh = jnp.maximum(hh + b1_ref[...], 0.0)
        ff = jax.lax.dot_general(hh.astype(jnp.bfloat16), w2_ref[...],
                                 (((1,), (0,)), ((), ())),
                                 preferred_element_type=jnp.float32)
        ff = ff + b2_ref[...]
        o_ref[...] = _ln(x1 + ff, g2_ref[...], b2n_ref[...])


def _attention(q, k, v, seg3, pair_i, pair_j, pair_f, n_pairs, x, wo, bo,
               g1, b1n, w1, b1, w2, b2, g2, b2n):
    def qmap(p, pi_ref, pj_ref, pf_ref):
        return (0, pi_ref[p], 0)

    def kvmap(p, pi_ref, pj_ref, pf_ref):
        return (0, pj_ref[p], 0)

    def omap(p, pi_ref, pj_ref, pf_ref):
        return (pi_ref[p], 0)

    def sqmap(p, pi_ref, pj_ref, pf_ref):
        return (pi_ref[p], 0, 0)

    def skmap(p, pi_ref, pj_ref, pf_ref):
        return (pj_ref[p], 0, 0)

    def full(p, pi_ref, pj_ref, pf_ref):
        return (0, 0)

    grid_spec = pltpu.PrefetchScalarGridSpec(
        num_scalar_prefetch=3,
        grid=(n_pairs,),
        in_specs=[
            pl.BlockSpec((N_HEADS, BLK, DH), qmap),
            pl.BlockSpec((N_HEADS, BLK, DH), kvmap),
            pl.BlockSpec((N_HEADS, BLK, 128), kvmap),
            pl.BlockSpec((1, 1, BLK), sqmap),
            pl.BlockSpec((1, 1, BLK), skmap),
            pl.BlockSpec((BLK, D_MODEL), omap),
            pl.BlockSpec((D_MODEL, D_MODEL), full),
            pl.BlockSpec((1, D_MODEL), full),
            pl.BlockSpec((1, D_MODEL), full),
            pl.BlockSpec((1, D_MODEL), full),
            pl.BlockSpec((D_MODEL, D_FF), full),
            pl.BlockSpec((1, D_FF), full),
            pl.BlockSpec((D_FF, D_MODEL), full),
            pl.BlockSpec((1, D_MODEL), full),
            pl.BlockSpec((1, D_MODEL), full),
            pl.BlockSpec((1, D_MODEL), full),
        ],
        out_specs=pl.BlockSpec((BLK, D_MODEL), omap),
        scratch_shapes=[
            pltpu.VMEM((N_HEADS, BLK, 128), jnp.float32),
            pltpu.VMEM((N_HEADS, BLK, 128), jnp.bfloat16),
        ],
    )
    return pl.pallas_call(
        _attn_kernel,
        grid_spec=grid_spec,
        out_shape=jax.ShapeDtypeStruct((N_REL, D_MODEL), jnp.float32),
        compiler_params=pltpu.CompilerParams(
            dimension_semantics=("arbitrary",),
        ),
    )(pair_i, pair_j, pair_f, q, k, v, seg3, seg3, x, wo, bo,
      g1, b1n, w1, b1, w2, b2, g2, b2n)


def _ln(x, g, b):
    m = jnp.mean(x, axis=-1, keepdims=True)
    c = x - m
    v = jnp.mean(c * c, axis=-1, keepdims=True)
    return c * jax.lax.rsqrt(v + 1e-5) * g + b


def kernel(rel_features, im_indices, Wq, bq, Wk, bk, Wv, bv, Wo, bo,
           ln1_g, ln1_b, W1, b1, W2, b2, ln2_g, ln2_b):
    seg = im_indices.astype(jnp.int32)
    pair_i, pair_j, pair_f, n_pairs = _compute_pairs(seg)
    seg3 = seg.reshape(NBLK, 1, BLK)

    w_qkv = jnp.concatenate([Wq, Wk, Wv], axis=1).astype(jnp.bfloat16)
    b_qkv = jnp.concatenate([bq, bk, bv]).reshape(1, 3 * D_MODEL)
    q, k, v = _qkv_proj(rel_features, w_qkv, b_qkv)

    out = _attention(q, k, v, seg3, pair_i, pair_j, pair_f, n_pairs,
                     rel_features,
                     Wo.astype(jnp.bfloat16), bo.reshape(1, D_MODEL),
                     ln1_g.reshape(1, D_MODEL), ln1_b.reshape(1, D_MODEL),
                     W1.astype(jnp.bfloat16), b1.reshape(1, D_FF),
                     W2.astype(jnp.bfloat16), b2.reshape(1, D_MODEL),
                     ln2_g.reshape(1, D_MODEL), ln2_b.reshape(1, D_MODEL))
    return out

# --- scband reference (transcript-rebuilt; emitter-appended) ---
"""Pipeline reference for scband-base-transformer-6476810682918 (READ-ONLY COPY).

The authoritative reference and input builder live on the scoring server;
editing this copy changes nothing except your own understanding.
"""

import jax, jax.numpy as jnp
import numpy as np

N_REL = 16384
N_FRAMES = 16
D_MODEL = 512
N_HEADS = 8
D_FF = 2048


def _layer_norm(x, g, b):
    m = jnp.mean(x, axis=-1, keepdims=True)
    v = jnp.var(x, axis=-1, keepdims=True)
    return (x - m) / jnp.sqrt(v + 1e-5) * g + b


def setup_inputs(seed: int = 0) -> dict:
    key = jax.random.key(seed)
    ks = jax.random.split(key, 8)
    s = 0.02
    inp = {}
    inp["rel_features"] = jax.random.normal(ks[0], (N_REL, D_MODEL), dtype=jnp.float32)
    inp["im_indices"] = jnp.sort(jax.random.randint(ks[1], (N_REL,), 0, N_FRAMES))
    inp["Wq"] = jax.random.normal(ks[2], (D_MODEL, D_MODEL), dtype=jnp.float32) * s
    inp["bq"] = jnp.zeros((D_MODEL,), dtype=jnp.float32)
    inp["Wk"] = jax.random.normal(ks[3], (D_MODEL, D_MODEL), dtype=jnp.float32) * s
    inp["bk"] = jnp.zeros((D_MODEL,), dtype=jnp.float32)
    inp["Wv"] = jax.random.normal(ks[4], (D_MODEL, D_MODEL), dtype=jnp.float32) * s
    inp["bv"] = jnp.zeros((D_MODEL,), dtype=jnp.float32)
    inp["Wo"] = jax.random.normal(ks[5], (D_MODEL, D_MODEL), dtype=jnp.float32) * s
    inp["bo"] = jnp.zeros((D_MODEL,), dtype=jnp.float32)
    inp["ln1_g"] = jnp.ones((D_MODEL,), dtype=jnp.float32)
    inp["ln1_b"] = jnp.zeros((D_MODEL,), dtype=jnp.float32)
    inp["W1"] = jax.random.normal(ks[6], (D_MODEL, D_FF), dtype=jnp.float32) * s
    inp["b1"] = jnp.zeros((D_FF,), dtype=jnp.float32)
    inp["W2"] = jax.random.normal(ks[7], (D_FF, D_MODEL), dtype=jnp.float32) * s
    inp["b2"] = jnp.zeros((D_MODEL,), dtype=jnp.float32)
    inp["ln2_g"] = jnp.ones((D_MODEL,), dtype=jnp.float32)
    inp["ln2_b"] = jnp.zeros((D_MODEL,), dtype=jnp.float32)
    return inp


def reference(rel_features, im_indices, Wq, bq, Wk, bk, Wv, bv, Wo, bo, ln1_g, ln1_b, W1, b1, W2, b2, ln2_g, ln2_b):
    # Ragged core of BaseTransformer.generate_spatial_predicate_embeddings:
    # group flat relation features by frame index (im_indices, sorted),
    # build key-padding mask, run one post-norm TransformerEncoderLayer
    # (as in nn.TransformerEncoder) in the flat ragged layout.
    seg = im_indices
    dh = D_MODEL // N_HEADS
    q = (rel_features @ Wq + bq).reshape(N_REL, N_HEADS, dh)
    k = (rel_features @ Wk + bk).reshape(N_REL, N_HEADS, dh)
    v = (rel_features @ Wv + bv).reshape(N_REL, N_HEADS, dh)
    scale = float(np.sqrt(dh))
    BLK = 512
    n_blk = N_REL // BLK
    qb = q.reshape(n_blk, BLK, N_HEADS, dh)
    segb = seg.reshape(n_blk, BLK)

    def _attn_block(carry, inp):
        qi, si = inp
        scores = jnp.einsum('qhd,khd->hqk', qi, k) / scale
        same_frame = si[:, None] == seg[None, :]
        scores = jnp.where(same_frame[None, :, :], scores, -1e9)
        attn = jax.nn.softmax(scores, axis=-1)
        ctxi = jnp.einsum('hqk,khd->qhd', attn, v)
        return carry, ctxi

    _, ctx = jax.lax.scan(_attn_block, 0, (qb, segb))
    ctx = ctx.reshape(N_REL, D_MODEL)
    x = _layer_norm(rel_features + ctx @ Wo + bo, ln1_g, ln1_b)
    ff = jax.nn.relu(x @ W1 + b1) @ W2 + b2
    x = _layer_norm(x + ff, ln2_g, ln2_b)
    return x

if __name__ == "__main__":
    import jax
    _d = setup_inputs()
    print(jax.jit(kernel)(*tuple(_d.values())))

</pallas_src>

<mosaic_0001>
#map = affine_map<(d0, d1) -> (0, 0)>
#map1 = affine_map<(d0, d1) -> (0, 0, 0)>
module attributes {stable_mosaic.version = 14 : i64} {
  func.func @_sc_hist_kernel(%arg0: i32, %arg1: i32, %arg2: memref<1024x16xi32, #tpu.memory_space<hbm>>, %arg3: memref<32x32x16xi32, #tpu.memory_space<hbm>>, %arg4: memref<32x16xi32, #tpu.memory_space<vmem>>, %arg5: memref<32x16xi32, #tpu.memory_space<vmem>>) attributes {dimension_semantics = [#tpu.dimension_semantics<core_parallel>, #tpu.dimension_semantics<subcore_parallel>], iteration_bounds = array<i64: 2, 16>, scalar_prefetch = 0 : i64, scratch_operands = 2 : i64, tpu.core_type = #tpu.core_type<sc_vector_subcore>, window_params = [{transform_indices = #map}, {transform_indices = #map1}]} {
    %mul3A = arith.constant 16 : i32
    %mul3A_0 = arith.muli %arg0, %mul3A : i32
    %add3A = arith.addi %mul3A_0, %arg1 : i32
    %mul3A_1 = arith.constant 32 : i32
    %mul3A_2 = arith.muli %add3A, %mul3A_1 : i32
    "tpu.region"() ({
      %run_scoped3A = tpu.sem_alloc : memref<!tpu.dma_semaphore, #tpu.memory_space<semaphore_mem>>
      %dma_start3A = arith.constant 0 : i32
      %dma_start3A_277 = tpu.memref_slice %arg2[%mul3A_2, %dma_start3A] : memref<1024x16xi32, #tpu.memory_space<hbm>> -> memref<32x16xi32, #tpu.memory_space<hbm>>
      %dma_start3A_278 = arith.constant 0 : i32
      %dma_start3A_279 = tpu.memref_slice %arg2[%mul3A_2, %dma_start3A_278] : memref<1024x16xi32, #tpu.memory_space<hbm>> -> memref<32x16xi32, #tpu.memory_space<hbm>>
      tpu.enqueue_dma source(%dma_start3A_279 : memref<32x16xi32, #tpu.memory_space<hbm>>) target(%arg4 : memref<32x16xi32, #tpu.memory_space<vmem>>) target_semaphore(%run_scoped3A : memref<!tpu.dma_semaphore, #tpu.memory_space<semaphore_mem>>)
      %dma_wait3A = arith.constant 0 : i32
      %dma_wait3A_280 = tpu.memref_slice %arg2[%mul3A_2, %dma_wait3A] : memref<1024x16xi32, #tpu.memory_space<hbm>> -> memref<32x16xi32, #tpu.memory_space<hbm>>
      %dma_wait3A_281 = arith.constant 0 : i32
      %dma_wait3A_282 = tpu.memref_slice %arg2[%mul3A_2, %dma_wait3A_281] : memref<1024x16xi32, #tpu.memory_space<hbm>> -> memref<32x16xi32, #tpu.memory_space<hbm>>
      tpu.wait_dma2 semaphore(%run_scoped3A : memref<!tpu.dma_semaphore, #tpu.memory_space<semaphore_mem>>) src(%dma_wait3A_282 : memref<32x16xi32, #tpu.memory_space<hbm>>) dst(%arg4 : memref<32x16xi32, #tpu.memory_space<vmem>>)
      tpu.yield
    }) : () -> ()
    %broadcast_in_dim3A = arith.constant 0 : i32
    %broadcast_in_dim3A_3 = vector.broadcast %broadcast_in_dim3A : i32 to vector<16xi32>
    %swap3A = arith.constant 0 : i32
    %swap3A_4 = arith.index_cast %swap3A : i32 to index
    %swap3A_5 = arith.constant 0 : index
    %swap3A_6 = tpu.vector_load %arg5[%swap3A_4, %swap3A_5] {strides = array<i32>} : memref<32x16xi32, #tpu.memory_space<vmem>>, vector<16xi32>,
    tpu.vector_store %arg5[%swap3A_4, %swap3A_5], %broadcast_in_dim3A_3 {strides = array<i32>} : memref<32x16xi32, #tpu.memory_space<vmem>>, vector<16xi32>,
    %broadcast_in_dim3A_7 = arith.constant 0 : i32
    %broadcast_in_dim3A_8 = vector.broadcast %broadcast_in_dim3A_7 : i32 to vector<16xi32>
    %swap3A_9 = arith.constant 1 : i32
    %swap3A_10 = arith.index_cast %swap3A_9 : i32 to index
    %swap3A_11 = arith.constant 0 : index
    %swap3A_12 = tpu.vector_load %arg5[%swap3A_10, %swap3A_11] {strides = array<i32>} : memref<32x16xi32, #tpu.memory_space<vmem>>, vector<16xi32>,
    tpu.vector_store %arg5[%swap3A_10, %swap3A_11], %broadcast_in_dim3A_8 {strides = array<i32>} : memref<32x16xi32, #tpu.memory_space<vmem>>, vector<16xi32>,
    %broadcast_in_dim3A_13 = arith.constant 0 : i32
    %broadcast_in_dim3A_14 = vector.broadcast %broadcast_in_dim3A_13 : i32 to vector<16xi32>
    %swap3A_15 = arith.constant 2 : i32
    %swap3A_16 = arith.index_cast %swap3A_15 : i32 to index
    %swap3A_17 = arith.constant 0 : index
    %swap3A_18 = tpu.vector_load %arg5[%swap3A_16, %swap3A_17] {strides = array<i32>} : memref<32x16xi32, #tpu.memory_space<vmem>>, vector<16xi32>,
    tpu.vector_store %arg5[%swap3A_16, %swap3A_17], %broadcast_in_dim3A_14 {strides = array<i32>} : memref<32x16xi32, #tpu.memory_space<vmem>>, vector<16xi32>,
    %broadcast_in_dim3A_19 = arith.constant 0 : i32
    %broadcast_in_dim3A_20 = vector.broadcast %broadcast_in_dim3A_19 : i32 to vector<16xi32>
    %swap3A_21 = arith.constant 3 : i32
    %swap3A_22 = arith.index_cast %swap3A_21 : i32 to index
    %swap3A_23 = arith.constant 0 : index
    %swap3A_24 = tpu.vector_load %arg5[%swap3A_22, %swap3A_23] {strides = array<i32>} : memref<32x16xi32, #tpu.memory_space<vmem>>, vector<16xi32>,
    tpu.vector_store %arg5[%swap3A_22, %swap3A_23], %broadcast_in_dim3A_20 {strides = array<i32>} : memref<32x16xi32, #tpu.memory_space<vmem>>, vector<16xi32>,
    %broadcast_in_dim3A_25 = arith.constant 0 : i32
    %broadcast_in_dim3A_26 = vector.broadcast %broadcast_in_dim3A_25 : i32 to vector<16xi32>
    %swap3A_27 = arith.constant 4 : i32
    %swap3A_28 = arith.index_cast %swap3A_27 : i32 to index
    %swap3A_29 = arith.constant 0 : index
    %swap3A_30 = tpu.vector_load %arg5[%swap3A_28, %swap3A_29] {strides = array<i32>} : memref<32x16xi32, #tpu.memory_space<vmem>>, vector<16xi32>,
    tpu.vector_store %arg5[%swap3A_28, %swap3A_29], %broadcast_in_dim3A_26 {strides = array<i32>} : memref<32x16xi32, #tpu.memory_space<vmem>>, vector<16xi32>,
    %broadcast_in_dim3A_31 = arith.constant 0 : i32
    %broadcast_in_dim3A_32 = vector.broadcast %broadcast_in_dim3A_31 : i32 to vector<16xi32>
    %swap3A_33 = arith.constant 5 : i32
    %swap3A_34 = arith.index_cast %swap3A_33 : i32 to index
    %swap3A_35 = arith.constant 0 : index
    %swap3A_36 = tpu.vector_load %arg5[%swap3A_34, %swap3A_35] {strides = array<i32>} : memref<32x16xi32, #tpu.memory_space<vmem>>, vector<16xi32>,
    tpu.vector_store %arg5[%swap3A_34, %swap3A_35], %broadcast_in_dim3A_32 {strides = array<i32>} : memref<32x16xi32, #tpu.memory_space<vmem>>, vector<16xi32>,
    %broadcast_in_dim3A_37 = arith.constant 0 : i32
    %broadcast_in_dim3A_38 = vector.broadcast %broadcast_in_dim3A_37 : i32 to vector<16xi32>
    %swap3A_39 = arith.constant 6 : i32
    %swap3A_40 = arith.index_cast %swap3A_39 : i32 to index
    %swap3A_41 = arith.constant 0 : index
    %swap3A_42 = tpu.vector_load %arg5[%swap3A_40, %swap3A_41] {strides = array<i32>} : memref<32x16xi32, #tpu.memory_space<vmem>>, vector<16xi32>,
    tpu.vector_store %arg5[%swap3A_40, %swap3A_41], %broadcast_in_dim3A_38 {strides = array<i32>} : memref<32x16xi32, #tpu.memory_space<vmem>>, vector<16xi32>,
    %broadcast_in_dim3A_43 = arith.constant 0 : i32
    %broadcast_in_dim3A_44 = vector.broadcast %broadcast_in_dim3A_43 : i32 to vector<16xi32>
    %swap3A_45 = arith.constant 7 : i32
    %swap3A_46 = arith.index_cast %swap3A_45 : i32 to index
    %swap3A_47 = arith.constant 0 : index
    %swap3A_48 = tpu.vector_load %arg5[%swap3A_46, %swap3A_47] {strides = array<i32>} : memref<32x16xi32, #tpu.memory_space<vmem>>, vector<16xi32>,
    tpu.vector_store %arg5[%swap3A_46, %swap3A_47], %broadcast_in_dim3A_44 {strides = array<i32>} : memref<32x16xi32, #tpu.memory_space<vmem>>, vector<16xi32>,
    %broadcast_in_dim3A_49 = arith.constant 0 : i32
    %broadcast_in_dim3A_50 = vector.broadcast %broadcast_in_dim3A_49 : i32 to vector<16xi32>
    %swap3A_51 = arith.constant 8 : i32
    %swap3A_52 = arith.index_cast %swap3A_51 : i32 to index
    %swap3A_53 = arith.constant 0 : index
    %swap3A_54 = tpu.vector_load %arg5[%swap3A_52, %swap3A_53] {strides = array<i32>} : memref<32x16xi32, #tpu.memory_space<vmem>>, vector<16xi32>,
    tpu.vector_store %arg5[%swap3A_52, %swap3A_53], %broadcast_in_dim3A_50 {strides = array<i32>} : memref<32x16xi32, #tpu.memory_space<vmem>>, vector<16xi32>,
    %broadcast_in_dim3A_55 = arith.constant 0 : i32
    %broadcast_in_dim3A_56 = vector.broadcast %broadcast_in_dim3A_55 : i32 to vector<16xi32>
    %swap3A_57 = arith.constant 9 : i32
    %swap3A_58 = arith.index_cast %swap3A_57 : i32 to index
    %swap3A_59 = arith.constant 0 : index
    %swap3A_60 = tpu.vector_load %arg5[%swap3A_58, %swap3A_59] {strides = array<i32>} : memref<32x16xi32, #tpu.memory_space<vmem>>, vector<16xi32>,
    tpu.vector_store %arg5[%swap3A_58, %swap3A_59], %broadcast_in_dim3A_56 {strides = array<i32>} : memref<32x16xi32, #tpu.memory_space<vmem>>, vector<16xi32>,
    %broadcast_in_dim3A_61 = arith.constant 0 : i32
    %broadcast_in_dim3A_62 = vector.broadcast %broadcast_in_dim3A_61 : i32 to vector<16xi32>
    %swap3A_63 = arith.constant 10 : i32
    %swap3A_64 = arith.index_cast %swap3A_63 : i32 to index
    %swap3A_65 = arith.constant 0 : index
    %swap3A_66 = tpu.vector_load %arg5[%swap3A_64, %swap3A_65] {strides = array<i32>} : memref<32x16xi32, #tpu.memory_space<vmem>>, vector<16xi32>,
    tpu.vector_store %arg5[%swap3A_64, %swap3A_65], %broadcast_in_dim3A_62 {strides = array<i32>} : memref<32x16xi32, #tpu.memory_space<vmem>>, vector<16xi32>,
    %broadcast_in_dim3A_67 = arith.constant 0 : i32
    %broadcast_in_dim3A_68 = vector.broadcast %broadcast_in_dim3A_67 : i32 to vector<16xi32>
    %swap3A_69 = arith.constant 11 : i32
    %swap3A_70 = arith.index_cast %swap3A_69 : i32 to index
    %swap3A_71 = arith.constant 0 : index
    %swap3A_72 = tpu.vector_load %arg5[%swap3A_70, %swap3A_71] {strides = array<i32>} : memref<32x16xi32, #tpu.memory_space<vmem>>, vector<16xi32>,
    tpu.vector_store %arg5[%swap3A_70, %swap3A_71], %broadcast_in_dim3A_68 {strides = array<i32>} : memref<32x16xi32, #tpu.memory_space<vmem>>, vector<16xi32>,
    %broadcast_in_dim3A_73 = arith.constant 0 : i32
    %broadcast_in_dim3A_74 = vector.broadcast %broadcast_in_dim3A_73 : i32 to vector<16xi32>
    %swap3A_75 = arith.constant 12 : i32
    %swap3A_76 = arith.index_cast %swap3A_75 : i32 to index
    %swap3A_77 = arith.constant 0 : index
    %swap3A_78 = tpu.vector_load %arg5[%swap3A_76, %swap3A_77] {strides = array<i32>} : memref<32x16xi32, #tpu.memory_space<vmem>>, vector<16xi32>,
    tpu.vector_store %arg5[%swap3A_76, %swap3A_77], %broadcast_in_dim3A_74 {strides = array<i32>} : memref<32x16xi32, #tpu.memory_space<vmem>>, vector<16xi32>,
    %broadcast_in_dim3A_79 = arith.constant 0 : i32
    %broadcast_in_dim3A_80 = vector.broadcast %broadcast_in_dim3A_79 : i32 to vector<16xi32>
    %swap3A_81 = arith.constant 13 : i32
    %swap3A_82 = arith.index_cast %swap3A_81 : i32 to index
    %swap3A_83 = arith.constant 0 : index
    %swap3A_84 = tpu.vector_load %arg5[%swap3A_82, %swap3A_83] {strides = array<i32>} : memref<32x16xi32, #tpu.memory_space<vmem>>, vector<16xi32>,
    tpu.vector_store %arg5[%swap3A_82, %swap3A_83], %broadcast_in_dim3A_80 {strides = array<i32>} : memref<32x16xi32, #tpu.memory_space<vmem>>, vector<16xi32>,
    %broadcast_in_dim3A_85 = arith.constant 0 : i32
    %broadcast_in_dim3A_86 = vector.broadcast %broadcast_in_dim3A_85 : i32 to vector<16xi32>
    %swap3A_87 = arith.constant 14 : i32
    %swap3A_88 = arith.index_cast %swap3A_87 : i32 to index
    %swap3A_89 = arith.constant 0 : index
    %swap3A_90 = tpu.vector_load %arg5[%swap3A_88, %swap3A_89] {strides = array<i32>} : memref<32x16xi32, #tpu.memory_space<vmem>>, vector<16xi32>,
    tpu.vector_store %arg5[%swap3A_88, %swap3A_89], %broadcast_in_dim3A_86 {strides = array<i32>} : memref<32x16xi32, #tpu.memory_space<vmem>>, vector<16xi32>,
    %broadcast_in_dim3A_91 = arith.constant 0 : i32
    %broadcast_in_dim3A_92 = vector.broadcast %broadcast_in_dim3A_91 : i32 to vector<16xi32>
    %swap3A_93 = arith.constant 15 : i32
    %swap3A_94 = arith.index_cast %swap3A_93 : i32 to index
    %swap3A_95 = arith.constant 0 : index
    %swap3A_96 = tpu.vector_load %arg5[%swap3A_94, %swap3A_95] {strides = array<i32>} : memref<32x16xi32, #tpu.memory_space<vmem>>, vector<16xi32>,
    tpu.vector_store %arg5[%swap3A_94, %swap3A_95], %broadcast_in_dim3A_92 {strides = array<i32>} : memref<32x16xi32, #tpu.memory_space<vmem>>, vector<16xi32>,
    %broadcast_in_dim3A_97 = arith.constant 0 : i32
    %broadcast_in_dim3A_98 = vector.broadcast %broadcast_in_dim3A_97 : i32 to vector<16xi32>
    %swap3A_99 = arith.constant 16 : i32
    %swap3A_100 = arith.index_cast %swap3A_99 : i32 to index
    %swap3A_101 = arith.constant 0 : index
    %swap3A_102 = tpu.vector_load %arg5[%swap3A_100, %swap3A_101] {strides = array<i32>} : memref<32x16xi32, #tpu.memory_space<vmem>>, vector<16xi32>,
    tpu.vector_store %arg5[%swap3A_100, %swap3A_101], %broadcast_in_dim3A_98 {strides = array<i32>} : memref<32x16xi32, #tpu.memory_space<vmem>>, vector<16xi32>,
    %broadcast_in_dim3A_103 = arith.constant 0 : i32
    %broadcast_in_dim3A_104 = vector.broadcast %broadcast_in_dim3A_103 : i32 to vector<16xi32>
    %swap3A_105 = arith.constant 17 : i32
    %swap3A_106 = arith.index_cast %swap3A_105 : i32 to index
    %swap3A_107 = arith.constant 0 : index
    %swap3A_108 = tpu.vector_load %arg5[%swap3A_106, %swap3A_107] {strides = array<i32>} : memref<32x16xi32, #tpu.memory_space<vmem>>, vector<16xi32>,
    tpu.vector_store %arg5[%swap3A_106, %swap3A_107], %broadcast_in_dim3A_104 {strides = array<i32>} : memref<32x16xi32, #tpu.memory_space<vmem>>, vector<16xi32>,
    %broadcast_in_dim3A_109 = arith.constant 0 : i32
    %broadcast_in_dim3A_110 = vector.broadcast %broadcast_in_dim3A_109 : i32 to vector<16xi32>
    %swap3A_111 = arith.constant 18 : i32
    %swap3A_112 = arith.index_cast %swap3A_111 : i32 to index
    %swap3A_113 = arith.constant 0 : index
    %swap3A_114 = tpu.vector_load %arg5[%swap3A_112, %swap3A_113] {strides = array<i32>} : memref<32x16xi32, #tpu.memory_space<vmem>>, vector<16xi32>,
    tpu.vector_store %arg5[%swap3A_112, %swap3A_113], %broadcast_in_dim3A_110 {strides = array<i32>} : memref<32x16xi32, #tpu.memory_space<vmem>>, vector<16xi32>,
    %broadcast_in_dim3A_115 = arith.constant 0 : i32
    %broadcast_in_dim3A_116 = vector.broadcast %broadcast_in_dim3A_115 : i32 to vector<16xi32>
    %swap3A_117 = arith.constant 19 : i32
    %swap3A_118 = arith.index_cast %swap3A_117 : i32 to index
    %swap3A_119 = arith.constant 0 : index
    %swap3A_120 = tpu.vector_load %arg5[%swap3A_118, %swap3A_119] {strides = array<i32>} : memref<32x16xi32, #tpu.memory_space<vmem>>, vector<16xi32>,
    tpu.vector_store %arg5[%swap3A_118, %swap3A_119], %broadcast_in_dim3A_116 {strides = array<i32>} : memref<32x16xi32, #tpu.memory_space<vmem>>, vector<16xi32>,
    %broadcast_in_dim3A_121 = arith.constant 0 : i32
    %broadcast_in_dim3A_122 = vector.broadcast %broadcast_in_dim3A_121 : i32 to vector<16xi32>
    %swap3A_123 = arith.constant 20 : i32
    %swap3A_124 = arith.index_cast %swap3A_123 : i32 to index
    %swap3A_125 = arith.constant 0 : index
    %swap3A_126 = tpu.vector_load %arg5[%swap3A_124, %swap3A_125] {strides = array<i32>} : memref<32x16xi32, #tpu.memory_space<vmem>>, vector<16xi32>,
    tpu.vector_store %arg5[%swap3A_124, %swap3A_125], %broadcast_in_dim3A_122 {strides = array<i32>} : memref<32x16xi32, #tpu.memory_space<vmem>>, vector<16xi32>,
    %broadcast_in_dim3A_127 = arith.constant 0 : i32
    %broadcast_in_dim3A_128 = vector.broadcast %broadcast_in_dim3A_127 : i32 to vector<16xi32>
    %swap3A_129 = arith.constant 21 : i32
    %swap3A_130 = arith.index_cast %swap3A_129 : i32 to index
    %swap3A_131 = arith.constant 0 : index
    %swap3A_132 = tpu.vector_load %arg5[%swap3A_130, %swap3A_131] {strides = array<i32>} : memref<32x16xi32, #tpu.memory_space<vmem>>, vector<16xi32>,
    tpu.vector_store %arg5[%swap3A_130, %swap3A_131], %broadcast_in_dim3A_128 {strides = array<i32>} : memref<32x16xi32, #tpu.memory_space<vmem>>, vector<16xi32>,
    %broadcast_in_dim3A_133 = arith.constant 0 : i32
    %broadcast_in_dim3A_134 = vector.broadcast %broadcast_in_dim3A_133 : i32 to vector<16xi32>
    %swap3A_135 = arith.constant 22 : i32
    %swap3A_136 = arith.index_cast %swap3A_135 : i32 to index
    %swap3A_137 = arith.constant 0 : index
    %swap3A_138 = tpu.vector_load %arg5[%swap3A_136, %swap3A_137] {strides = array<i32>} : memref<32x16xi32, #tpu.memory_space<vmem>>, vector<16xi32>,
    tpu.vector_store %arg5[%swap3A_136, %swap3A_137], %broadcast_in_dim3A_134 {strides = array<i32>} : memref<32x16xi32, #tpu.memory_space<vmem>>, vector<16xi32>,
    %broadcast_in_dim3A_139 = arith.constant 0 : i32
    %broadcast_in_dim3A_140 = vector.broadcast %broadcast_in_dim3A_139 : i32 to vector<16xi32>
    %swap3A_141 = arith.constant 23 : i32
    %swap3A_142 = arith.index_cast %swap3A_141 : i32 to index
    %swap3A_143 = arith.constant 0 : index
    %swap3A_144 = tpu.vector_load %arg5[%swap3A_142, %swap3A_143] {strides = array<i32>} : memref<32x16xi32, #tpu.memory_space<vmem>>, vector<16xi32>,
    tpu.vector_store %arg5[%swap3A_142, %swap3A_143], %broadcast_in_dim3A_140 {strides = array<i32>} : memref<32x16xi32, #tpu.memory_space<vmem>>, vector<16xi32>,
    %broadcast_in_dim3A_145 = arith.constant 0 : i32
    %broadcast_in_dim3A_146 = vector.broadcast %broadcast_in_dim3A_145 : i32 to vector<16xi32>
    %swap3A_147 = arith.constant 24 : i32
    %swap3A_148 = arith.index_cast %swap3A_147 : i32 to index
    %swap3A_149 = arith.constant 0 : index
    %swap3A_150 = tpu.vector_load %arg5[%swap3A_148, %swap3A_149] {strides = array<i32>} : memref<32x16xi32, #tpu.memory_space<vmem>>, vector<16xi32>,
    tpu.vector_store %arg5[%swap3A_148, %swap3A_149], %broadcast_in_dim3A_146 {strides = array<i32>} : memref<32x16xi32, #tpu.memory_space<vmem>>, vector<16xi32>,
    %broadcast_in_dim3A_151 = arith.constant 0 : i32
    %broadcast_in_dim3A_152 = vector.broadcast %broadcast_in_dim3A_151 : i32 to vector<16xi32>
    %swap3A_153 = arith.constant 25 : i32
    %swap3A_154 = arith.index_cast %swap3A_153 : i32 to index
    %swap3A_155 = arith.constant 0 : index
    %swap3A_156 = tpu.vector_load %arg5[%swap3A_154, %swap3A_155] {strides = array<i32>} : memref<32x16xi32, #tpu.memory_space<vmem>>, vector<16xi32>,
    tpu.vector_store %arg5[%swap3A_154, %swap3A_155], %broadcast_in_dim3A_152 {strides = array<i32>} : memref<32x16xi32, #tpu.memory_space<vmem>>, vector<16xi32>,
    %broadcast_in_dim3A_157 = arith.constant 0 : i32
    %broadcast_in_dim3A_158 = vector.broadcast %broadcast_in_dim3A_157 : i32 to vector<16xi32>
    %swap3A_159 = arith.constant 26 : i32
    %swap3A_160 = arith.index_cast %swap3A_159 : i32 to index
    %swap3A_161 = arith.constant 0 : index
    %swap3A_162 = tpu.vector_load %arg5[%swap3A_160, %swap3A_161] {strides = array<i32>} : memref<32x16xi32, #tpu.memory_space<vmem>>, vector<16xi32>,
    tpu.vector_store %arg5[%swap3A_160, %swap3A_161], %broadcast_in_dim3A_158 {strides = array<i32>} : memref<32x16xi32, #tpu.memory_space<vmem>>, vector<16xi32>,
    %broadcast_in_dim3A_163 = arith.constant 0 : i32
    %broadcast_in_dim3A_164 = vector.broadcast %broadcast_in_dim3A_163 : i32 to vector<16xi32>
    %swap3A_165 = arith.constant 27 : i32
    %swap3A_166 = arith.index_cast %swap3A_165 : i32 to index
    %swap3A_167 = arith.constant 0 : index
    %swap3A_168 = tpu.vector_load %arg5[%swap3A_166, %swap3A_167] {strides = array<i32>} : memref<32x16xi32, #tpu.memory_space<vmem>>, vector<16xi32>,
    tpu.vector_store %arg5[%swap3A_166, %swap3A_167], %broadcast_in_dim3A_164 {strides = array<i32>} : memref<32x16xi32, #tpu.memory_space<vmem>>, vector<16xi32>,
    %broadcast_in_dim3A_169 = arith.constant 0 : i32
    %broadcast_in_dim3A_170 = vector.broadcast %broadcast_in_dim3A_169 : i32 to vector<16xi32>
    %swap3A_171 = arith.constant 28 : i32
    %swap3A_172 = arith.index_cast %swap3A_171 : i32 to index
    %swap3A_173 = arith.constant 0 : index
    %swap3A_174 = tpu.vector_load %arg5[%swap3A_172, %swap3A_173] {strides = array<i32>} : memref<32x16xi32, #tpu.memory_space<vmem>>, vector<16xi32>,
    tpu.vector_store %arg5[%swap3A_172, %swap3A_173], %broadcast_in_dim3A_170 {strides = array<i32>} : memref<32x16xi32, #tpu.memory_space<vmem>>, vector<16xi32>,
    %broadcast_in_dim3A_175 = arith.constant 0 : i32
    %broadcast_in_dim3A_176 = vector.broadcast %broadcast_in_dim3A_175 : i32 to vector<16xi32>
    %swap3A_177 = arith.constant 29 : i32
    %swap3A_178 = arith.index_cast %swap3A_177 : i32 to index
    %swap3A_179 = arith.constant 0 : index
    %swap3A_180 = tpu.vector_load %arg5[%swap3A_178, %swap3A_179] {strides = array<i32>} : memref<32x16xi32, #tpu.memory_space<vmem>>, vector<16xi32>,
    tpu.vector_store %arg5[%swap3A_178, %swap3A_179], %broadcast_in_dim3A_176 {strides = array<i32>} : memref<32x16xi32, #tpu.memory_space<vmem>>, vector<16xi32>,
    %broadcast_in_dim3A_181 = arith.constant 0 : i32
    %broadcast_in_dim3A_182 = vector.broadcast %broadcast_in_dim3A_181 : i32 to vector<16xi32>
    %swap3A_183 = arith.constant 30 : i32
    %swap3A_184 = arith.index_cast %swap3A_183 : i32 to index
    %swap3A_185 = arith.constant 0 : index
    %swap3A_186 = tpu.vector_load %arg5[%swap3A_184, %swap3A_185] {strides = array<i32>} : memref<32x16xi32, #tpu.memory_space<vmem>>, vector<16xi32>,
    tpu.vector_store %arg5[%swap3A_184, %swap3A_185], %broadcast_in_dim3A_182 {strides = array<i32>} : memref<32x16xi32, #tpu.memory_space<vmem>>, vector<16xi32>,
    %broadcast_in_dim3A_187 = arith.constant 0 : i32
    %broadcast_in_dim3A_188 = vector.broadcast %broadcast_in_dim3A_187 : i32 to vector<16xi32>
    %swap3A_189 = arith.constant 31 : i32
    %swap3A_190 = arith.index_cast %swap3A_189 : i32 to index
    %swap3A_191 = arith.constant 0 : index
    %swap3A_192 = tpu.vector_load %arg5[%swap3A_190, %swap3A_191] {strides = array<i32>} : memref<32x16xi32, #tpu.memory_space<vmem>>, vector<16xi32>,
    tpu.vector_store %arg5[%swap3A_190, %swap3A_191], %broadcast_in_dim3A_188 {strides = array<i32>} : memref<32x16xi32, #tpu.memory_space<vmem>>, vector<16xi32>,
    %scan3A = arith.constant 0 : i32
    %scan3A_193 = arith.constant 32 : i32
    %scan3A_194 = arith.addi %scan3A, %scan3A_193 : i32
    %scan3A_195 = arith.constant 1 : i32
    scf.for %scan3A_277 = %scan3A to %scan3A_194 step %scan3A_195  : i32 {
      %mul3A_278 = arith.constant 1 : i32
      %mul3A_279 = arith.muli %scan3A_277, %mul3A_278 : i32
      %add3A_280 = arith.constant 0 : i32
      %add3A_281 = arith.addi %add3A_280, %mul3A_279 : i32
      %get3A = arith.constant 0 : i32
      %get3A_282 = arith.index_cast %get3A : i32 to index
      %get3A_283 = arith.constant 0 : index
      %get3A_284 = tpu.vector_load %arg5[%get3A_282, %get3A_283] {strides = array<i32>} : memref<32x16xi32, #tpu.memory_space<vmem>>, vector<16xi32>,
      %get3A_285 = arith.index_cast %add3A_281 : i32 to index
      %get3A_286 = arith.constant 0 : index
      %get3A_287 = tpu.vector_load %arg4[%get3A_285, %get3A_286] {strides = array<i32>} : memref<32x16xi32, #tpu.memory_space<vmem>>, vector<16xi32>,
      %lt3A = arith.constant 0 : i32
      %lt3A_288 = vector.broadcast %lt3A : i32 to vector<16xi32>
      %lt3A_289 = arith.cmpi slt, %get3A_287, %lt3A_288 : vector<16xi32>
      %convert_element_type3A = arith.extui %lt3A_289 : vector<16xi1> to vector<16xi32>
      %add3A_290 = arith.addi %get3A_284, %convert_element_type3A : vector<16xi32>
      %swap3A_291 = arith.constant 0 : i32
      %swap3A_292 = arith.index_cast %swap3A_291 : i32 to index
      %swap3A_293 = arith.constant 0 : index
      %swap3A_294 = tpu.vector_load %arg5[%swap3A_292, %swap3A_293] {strides = array<i32>} : memref<32x16xi32, #tpu.memory_space<vmem>>, vector<16xi32>,
      tpu.vector_store %arg5[%swap3A_292, %swap3A_293], %add3A_290 {strides = array<i32>} : memref<32x16xi32, #tpu.memory_space<vmem>>, vector<16xi32>,
    }
    %scan3A_196 = arith.constant 32 : i32
    %scan3A_197 = arith.constant 0 : i32
    %scan3A_198 = arith.constant 32 : i32
    %scan3A_199 = arith.addi %scan3A_197, %scan3A_198 : i32
    %scan3A_200 = arith.constant 1 : i32
    scf.for %scan3A_277 = %scan3A_197 to %scan3A_199 step %scan3A_200  : i32 {
      %mul3A_278 = arith.constant 1 : i32
      %mul3A_279 = arith.muli %scan3A_277, %mul3A_278 : i32
      %add3A_280 = arith.constant 0 : i32
      %add3A_281 = arith.addi %add3A_280, %mul3A_279 : i32
      %get3A = arith.constant 1 : i32
      %get3A_282 = arith.index_cast %get3A : i32 to index
      %get3A_283 = arith.constant 0 : index
      %get3A_284 = tpu.vector_load %arg5[%get3A_282, %get3A_283] {strides = array<i32>} : memref<32x16xi32, #tpu.memory_space<vmem>>, vector<16xi32>,
      %get3A_285 = arith.index_cast %add3A_281 : i32 to index
      %get3A_286 = arith.constant 0 : index
      %get3A_287 = tpu.vector_load %arg4[%get3A_285, %get3A_286] {strides = array<i32>} : memref<32x16xi32, #tpu.memory_space<vmem>>, vector<16xi32>,
      %lt3A = arith.constant 1 : i32
      %lt3A_288 = vector.broadcast %lt3A : i32 to vector<16xi32>
      %lt3A_289 = arith.cmpi slt, %get3A_287, %lt3A_288 : vector<16xi32>
      %convert_element_type3A = arith.extui %lt3A_289 : vector<16xi1> to vector<16xi32>
      %add3A_290 = arith.addi %get3A_284, %convert_element_type3A : vector<16xi32>
      %swap3A_291 = arith.constant 1 : i32
      %swap3A_292 = arith.index_cast %swap3A_291 : i32 to index
      %swap3A_293 = arith.constant 0 : index
      %swap3A_294 = tpu.vector_load %arg5[%swap3A_292, %swap3A_293] {strides = array<i32>} : memref<32x16xi32, #tpu.memory_space<vmem>>, vector<16xi32>,
      tpu.vector_store %arg5[%swap3A_292, %swap3A_293], %add3A_290 {strides = array<i32>} : memref<32x16xi32, #tpu.memory_space<vmem>>, vector<16xi32>,
    }
    %scan3A_201 = arith.constant 32 : i32
    %scan3A_202 = arith.constant 0 : i32
    %scan3A_203 = arith.constant 32 : i32
    %scan3A_204 = arith.addi %scan3A_202, %scan3A_203 : i32
    %scan3A_205 = arith.constant 1 : i32
    scf.for %scan3A_277 = %scan3A_202 to %scan3A_204 step %scan3A_205  : i32 {
      %mul3A_278 = arith.constant 1 : i32
      %mul3A_279 = arith.muli %scan3A_277, %mul3A_278 : i32
      %add3A_280 = arith.constant 0 : i32
      %add3A_281 = arith.addi %add3A_280, %mul3A_279 : i32
      %get3A = arith.constant 2 : i32
      %get3A_282 = arith.index_cast %get3A : i32 to index
      %get3A_283 = arith.constant 0 : index
      %get3A_284 = tpu.vector_load %arg5[%get3A_282, %get3A_283] {strides = array<i32>} : memref<32x16xi32, #tpu.memory_space<vmem>>, vector<16xi32>,
      %get3A_285 = arith.index_cast %add3A_281 : i32 to index
      %get3A_286 = arith.constant 0 : index
      %get3A_287 = tpu.vector_load %arg4[%get3A_285, %get3A_286] {strides = array<i32>} : memref<32x16xi32, #tpu.memory_space<vmem>>, vector<16xi32>,
      %lt3A = arith.constant 2 : i32
      %lt3A_288 = vector.broadcast %lt3A : i32 to vector<16xi32>
      %lt3A_289 = arith.cmpi slt, %get3A_287, %lt3A_288 : vector<16xi32>
      %convert_element_type3A = arith.extui %lt3A_289 : vector<16xi1> to vector<16xi32>
      %add3A_290 = arith.addi %get3A_284, %convert_element_type3A : vector<16xi32>
      %swap3A_291 = arith.constant 2 : i32
      %swap3A_292 = arith.index_cast %swap3A_291 : i32 to index
      %swap3A_293 = arith.constant 0 : index
      %swap3A_294 = tpu.vector_load %arg5[%swap3A_292, %swap3A_293] {strides = array<i32>} : memref<32x16xi32, #tpu.memory_space<vmem>>, vector<16xi32>,
      tpu.vector_store %arg5[%swap3A_292, %swap3A_293], %add3A_290 {strides = array<i32>} : memref<32x16xi32, #tpu.memory_space<vmem>>, vector<16xi32>,
    }
    %scan3A_206 = arith.constant 32 : i32
    %scan3A_207 = arith.constant 0 : i32
    %scan3A_208 = arith.constant 32 : i32
    %scan3A_209 = arith.addi %scan3A_207, %scan3A_208 : i32
    %scan3A_210 = arith.constant 1 : i32
    scf.for %scan3A_277 = %scan3A_207 to %scan3A_209 step %scan3A_210  : i32 {
      %mul3A_278 = arith.constant 1 : i32
      %mul3A_279 = arith.muli %scan3A_277, %mul3A_278 : i32
      %add3A_280 = arith.constant 0 : i32
      %add3A_281 = arith.addi %add3A_280, %mul3A_279 : i32
      %get3A = arith.constant 3 : i32
      %get3A_282 = arith.index_cast %get3A : i32 to index
      %get3A_283 = arith.constant 0 : index
      %get3A_284 = tpu.vector_load %arg5[%get3A_282, %get3A_283] {strides = array<i32>} : memref<32x16xi32, #tpu.memory_space<vmem>>, vector<16xi32>,
      %get3A_285 = arith.index_cast %add3A_281 : i32 to index
      %get3A_286 = arith.constant 0 : index
      %get3A_287 = tpu.vector_load %arg4[%get3A_285, %get3A_286] {strides = array<i32>} : memref<32x16xi32, #tpu.memory_space<vmem>>, vector<16xi32>,
      %lt3A = arith.constant 3 : i32
      %lt3A_288 = vector.broadcast %lt3A : i32 to vector<16xi32>
      %lt3A_289 = arith.cmpi slt, %get3A_287, %lt3A_288 : vector<16xi32>
      %convert_element_type3A = arith.extui %lt3A_289 : vector<16xi1> to vector<16xi32>
      %add3A_290 = arith.addi %get3A_284, %convert_element_type3A : vector<16xi32>
      %swap3A_291 = arith.constant 3 : i32
      %swap3A_292 = arith.index_cast %swap3A_291 : i32 to index
      %swap3A_293 = arith.constant 0 : index
      %swap3A_294 = tpu.vector_load %arg5[%swap3A_292, %swap3A_293] {strides = array<i32>} : memref<32x16xi32, #tpu.memory_space<vmem>>, vector<16xi32>,
      tpu.vector_store %arg5[%swap3A_292, %swap3A_293], %add3A_290 {strides = array<i32>} : memref<32x16xi32, #tpu.memory_space<vmem>>, vector<16xi32>,
    }
    %scan3A_211 = arith.constant 32 : i32
    %scan3A_212 = arith.constant 0 : i32
    %scan3A_213 = arith.constant 32 : i32
    %scan3A_214 = arith.addi %scan3A_212, %scan3A_213 : i32
    %scan3A_215 = arith.constant 1 : i32
    scf.for %scan3A_277 = %scan3A_212 to %scan3A_214 step %scan3A_215  : i32 {
      %mul3A_278 = arith.constant 1 : i32
      %mul3A_279 = arith.muli %scan3A_277, %mul3A_278 : i32
      %add3A_280 = arith.constant 0 : i32
      %add3A_281 = arith.addi %add3A_280, %mul3A_279 : i32
      %get3A = arith.constant 4 : i32
      %get3A_282 = arith.index_cast %get3A : i32 to index
      %get3A_283 = arith.constant 0 : index
      %get3A_284 = tpu.vector_load %arg5[%get3A_282, %get3A_283] {strides = array<i32>} : memref<32x16xi32, #tpu.memory_space<vmem>>, vector<16xi32>,
      %get3A_285 = arith.index_cast %add3A_281 : i32 to index
      %get3A_286 = arith.constant 0 : index
      %get3A_287 = tpu.vector_load %arg4[%get3A_285, %get3A_286] {strides = array<i32>} : memref<32x16xi32, #tpu.memory_space<vmem>>, vector<16xi32>,
      %lt3A = arith.constant 4 : i32
      %lt3A_288 = vector.broadcast %lt3A : i32 to vector<16xi32>
      %lt3A_289 = arith.cmpi slt, %get3A_287, %lt3A_288 : vector<16xi32>
      %convert_element_type3A = arith.extui %lt3A_289 : vector<16xi1> to vector<16xi32>
      %add3A_290 = arith.addi %get3A_284, %convert_element_type3A : vector<16xi32>
      %swap3A_291 = arith.constant 4 : i32
      %swap3A_292 = arith.index_cast %swap3A_291 : i32 to index
      %swap3A_293 = arith.constant 0 : index
      %swap3A_294 = tpu.vector_load %arg5[%swap3A_292, %swap3A_293] {strides = array<i32>} : memref<32x16xi32, #tpu.memory_space<vmem>>, vector<16xi32>,
      tpu.vector_store %arg5[%swap3A_292, %swap3A_293], %add3A_290 {strides = array<i32>} : memref<32x16xi32, #tpu.memory_space<vmem>>, vector<16xi32>,
    }
    %scan3A_216 = arith.constant 32 : i32
    %scan3A_217 = arith.constant 0 : i32
    %scan3A_218 = arith.constant 32 : i32
    %scan3A_219 = arith.addi %scan3A_217, %scan3A_218 : i32
    %scan3A_220 = arith.constant 1 : i32
    scf.for %scan3A_277 = %scan3A_217 to %scan3A_219 step %scan3A_220  : i32 {
      %mul3A_278 = arith.constant 1 : i32
      %mul3A_279 = arith.muli %scan3A_277, %mul3A_278 : i32
      %add3A_280 = arith.constant 0 : i32
      %add3A_281 = arith.addi %add3A_280, %mul3A_279 : i32
      %get3A = arith.constant 5 : i32
      %get3A_282 = arith.index_cast %get3A : i32 to index
      %get3A_283 = arith.constant 0 : index
      %get3A_284 = tpu.vector_load %arg5[%get3A_282, %get3A_283] {strides = array<i32>} : memref<32x16xi32, #tpu.memory_space<vmem>>, vector<16xi32>,
      %get3A_285 = arith.index_cast %add3A_281 : i32 to index
      %get3A_286 = arith.constant 0 : index
      %get3A_287 = tpu.vector_load %arg4[%get3A_285, %get3A_286] {strides = array<i32>} : memref<32x16xi32, #tpu.memory_space<vmem>>, vector<16xi32>,
      %lt3A = arith.constant 5 : i32
      %lt3A_288 = vector.broadcast %lt3A : i32 to vector<16xi32>
      %lt3A_289 = arith.cmpi slt, %get3A_287, %lt3A_288 : vector<16xi32>
      %convert_element_type3A = arith.extui %lt3A_289 : vector<16xi1> to vector<16xi32>
      %add3A_290 = arith.addi %get3A_284, %convert_element_type3A : vector<16xi32>
      %swap3A_291 = arith.constant 5 : i32
      %swap3A_292 = arith.index_cast %swap3A_291 : i32 to index
      %swap3A_293 = arith.constant 0 : index
      %swap3A_294 = tpu.vector_load %arg5[%swap3A_292, %swap3A_293] {strides = array<i32>} : memref<32x16xi32, #tpu.memory_space<vmem>>, vector<16xi32>,
      tpu.vector_store %arg5[%swap3A_292, %swap3A_293], %add3A_290 {strides = array<i32>} : memref<32x16xi32, #tpu.memory_space<vmem>>, vector<16xi32>,
    }
    %scan3A_221 = arith.constant 32 : i32
    %scan3A_222 = arith.constant 0 : i32
    %scan3A_223 = arith.constant 32 : i32
    %scan3A_224 = arith.addi %scan3A_222, %scan3A_223 : i32
    %scan3A_225 = arith.constant 1 : i32
    scf.for %scan3A_277 = %scan3A_222 to %scan3A_224 step %scan3A_225  : i32 {
      %mul3A_278 = arith.constant 1 : i32
      %mul3A_279 = arith.muli %scan3A_277, %mul3A_278 : i32
      %add3A_280 = arith.constant 0 : i32
      %add3A_281 = arith.addi %add3A_280, %mul3A_279 : i32
      %get3A = arith.constant 6 : i32
      %get3A_282 = arith.index_cast %get3A : i32 to index
      %get3A_283 = arith.constant 0 : index
      %get3A_284 = tpu.vector_load %arg5[%get3A_282, %get3A_283] {strides = array<i32>} : memref<32x16xi32, #tpu.memory_space<vmem>>, vector<16xi32>,
      %get3A_285 = arith.index_cast %add3A_281 : i32 to index
      %get3A_286 = arith.constant 0 : index
      %get3A_287 = tpu.vector_load %arg4[%get3A_285, %get3A_286] {strides = array<i32>} : memref<32x16xi32, #tpu.memory_space<vmem>>, vector<16xi32>,
      %lt3A = arith.constant 6 : i32
      %lt3A_288 = vector.broadcast %lt3A : i32 to vector<16xi32>
      %lt3A_289 = arith.cmpi slt, %get3A_287, %lt3A_288 : vector<16xi32>
      %convert_element_type3A = arith.extui %lt3A_289 : vector<16xi1> to vector<16xi32>
      %add3A_290 = arith.addi %get3A_284, %convert_element_type3A : vector<16xi32>
      %swap3A_291 = arith.constant 6 : i32
      %swap3A_292 = arith.index_cast %swap3A_291 : i32 to index
      %swap3A_293 = arith.constant 0 : index
      %swap3A_294 = tpu.vector_load %arg5[%swap3A_292, %swap3A_293] {strides = array<i32>} : memref<32x16xi32, #tpu.memory_space<vmem>>, vector<16xi32>,
      tpu.vector_store %arg5[%swap3A_292, %swap3A_293], %add3A_290 {strides = array<i32>} : memref<32x16xi32, #tpu.memory_space<vmem>>, vector<16xi32>,
    }
    %scan3A_226 = arith.constant 32 : i32
    %scan3A_227 = arith.constant 0 : i32
    %scan3A_228 = arith.constant 32 : i32
    %scan3A_229 = arith.addi %scan3A_227, %scan3A_228 : i32
    %scan3A_230 = arith.constant 1 : i32
    scf.for %scan3A_277 = %scan3A_227 to %scan3A_229 step %scan3A_230  : i32 {
      %mul3A_278 = arith.constant 1 : i32
      %mul3A_279 = arith.muli %scan3A_277, %mul3A_278 : i32
      %add3A_280 = arith.constant 0 : i32
      %add3A_281 = arith.addi %add3A_280, %mul3A_279 : i32
      %get3A = arith.constant 7 : i32
      %get3A_282 = arith.index_cast %get3A : i32 to index
      %get3A_283 = arith.constant 0 : index
      %get3A_284 = tpu.vector_load %arg5[%get3A_282, %get3A_283] {strides = array<i32>} : memref<32x16xi32, #tpu.memory_space<vmem>>, vector<16xi32>,
      %get3A_285 = arith.index_cast %add3A_281 : i32 to index
      %get3A_286 = arith.constant 0 : index
      %get3A_287 = tpu.vector_load %arg4[%get3A_285, %get3A_286] {strides = array<i32>} : memref<32x16xi32, #tpu.memory_space<vmem>>, vector<16xi32>,
      %lt3A = arith.constant 7 : i32
      %lt3A_288 = vector.broadcast %lt3A : i32 to vector<16xi32>
      %lt3A_289 = arith.cmpi slt, %get3A_287, %lt3A_288 : vector<16xi32>
      %convert_element_type3A = arith.extui %lt3A_289 : vector<16xi1> to vector<16xi32>
      %add3A_290 = arith.addi %get3A_284, %convert_element_type3A : vector<16xi32>
      %swap3A_291 = arith.constant 7 : i32
      %swap3A_292 = arith.index_cast %swap3A_291 : i32 to index
      %swap3A_293 = arith.constant 0 : index
      %swap3A_294 = tpu.vector_load %arg5[%swap3A_292, %swap3A_293] {strides = array<i32>} : memref<32x16xi32, #tpu.memory_space<vmem>>, vector<16xi32>,
      tpu.vector_store %arg5[%swap3A_292, %swap3A_293], %add3A_290 {strides = array<i32>} : memref<32x16xi32, #tpu.memory_space<vmem>>, vector<16xi32>,
    }
    %scan3A_231 = arith.constant 32 : i32
    %scan3A_232 = arith.constant 0 : i32
    %scan3A_233 = arith.constant 32 : i32
    %scan3A_234 = arith.addi %scan3A_232, %scan3A_233 : i32
    %scan3A_235 = arith.constant 1 : i32
    scf.for %scan3A_277 = %scan3A_232 to %scan3A_234 step %scan3A_235  : i32 {
      %mul3A_278 = arith.constant 1 : i32
      %mul3A_279 = arith.muli %scan3A_277, %mul3A_278 : i32
      %add3A_280 = arith.constant 0 : i32
      %add3A_281 = arith.addi %add3A_280, %mul3A_279 : i32
      %get3A = arith.constant 8 : i32
      %get3A_282 = arith.index_cast %get3A : i32 to index
      %get3A_283 = arith.constant 0 : index
      %get3A_284 = tpu.vector_load %arg5[%get3A_282, %get3A_283] {strides = array<i32>} : memref<32x16xi32, #tpu.memory_space<vmem>>, vector<16xi32>,
      %get3A_285 = arith.index_cast %add3A_281 : i32 to index
      %get3A_286 = arith.constant 0 : index
      %get3A_287 = tpu.vector_load %arg4[%get3A_285, %get3A_286] {strides = array<i32>} : memref<32x16xi32, #tpu.memory_space<vmem>>, vector<16xi32>,
      %lt3A = arith.constant 8 : i32
      %lt3A_288 = vector.broadcast %lt3A : i32 to vector<16xi32>
      %lt3A_289 = arith.cmpi slt, %get3A_287, %lt3A_288 : vector<16xi32>
      %convert_element_type3A = arith.extui %lt3A_289 : vector<16xi1> to vector<16xi32>
      %add3A_290 = arith.addi %get3A_284, %convert_element_type3A : vector<16xi32>
      %swap3A_291 = arith.constant 8 : i32
      %swap3A_292 = arith.index_cast %swap3A_291 : i32 to index
      %swap3A_293 = arith.constant 0 : index
      %swap3A_294 = tpu.vector_load %arg5[%swap3A_292, %swap3A_293] {strides = array<i32>} : memref<32x16xi32, #tpu.memory_space<vmem>>, vector<16xi32>,
      tpu.vector_store %arg5[%swap3A_292, %swap3A_293], %add3A_290 {strides = array<i32>} : memref<32x16xi32, #tpu.memory_space<vmem>>, vector<16xi32>,
    }
    %scan3A_236 = arith.constant 32 : i32
    %scan3A_237 = arith.constant 0 : i32
    %scan3A_238 = arith.constant 32 : i32
    %scan3A_239 = arith.addi %scan3A_237, %scan3A_238 : i32
    %scan3A_240 = arith.constant 1 : i32
    scf.for %scan3A_277 = %scan3A_237 to %scan3A_239 step %scan3A_240  : i32 {
      %mul3A_278 = arith.constant 1 : i32
      %mul3A_279 = arith.muli %scan3A_277, %mul3A_278 : i32
      %add3A_280 = arith.constant 0 : i32
      %add3A_281 = arith.addi %add3A_280, %mul3A_279 : i32
      %get3A = arith.constant 9 : i32
      %get3A_282 = arith.index_cast %get3A : i32 to index
      %get3A_283 = arith.constant 0 : index
      %get3A_284 = tpu.vector_load %arg5[%get3A_282, %get3A_283] {strides = array<i32>} : memref<32x16xi32, #tpu.memory_space<vmem>>, vector<16xi32>,
      %get3A_285 = arith.index_cast %add3A_281 : i32 to index
      %get3A_286 = arith.constant 0 : index
      %get3A_287 = tpu.vector_load %arg4[%get3A_285, %get3A_286] {strides = array<i32>} : memref<32x16xi32, #tpu.memory_space<vmem>>, vector<16xi32>,
      %lt3A = arith.constant 9 : i32
      %lt3A_288 = vector.broadcast %lt3A : i32 to vector<16xi32>
      %lt3A_289 = arith.cmpi slt, %get3A_287, %lt3A_288 : vector<16xi32>
      %convert_element_type3A = arith.extui %lt3A_289 : vector<16xi1> to vector<16xi32>
      %add3A_290 = arith.addi %get3A_284, %convert_element_type3A : vector<16xi32>
      %swap3A_291 = arith.constant 9 : i32
      %swap3A_292 = arith.index_cast %swap3A_291 : i32 to index
      %swap3A_293 = arith.constant 0 : index
      %swap3A_294 = tpu.vector_load %arg5[%swap3A_292, %swap3A_293] {strides = array<i32>} : memref<32x16xi32, #tpu.memory_space<vmem>>, vector<16xi32>,
      tpu.vector_store %arg5[%swap3A_292, %swap3A_293], %add3A_290 {strides = array<i32>} : memref<32x16xi32, #tpu.memory_space<vmem>>, vector<16xi32>,
    }
    %scan3A_241 = arith.constant 32 : i32
    %scan3A_242 = arith.constant 0 : i32
    %scan3A_243 = arith.constant 32 : i32
    %scan3A_244 = arith.addi %scan3A_242, %scan3A_243 : i32
    %scan3A_245 = arith.constant 1 : i32
    scf.for %scan3A_277 = %scan3A_242 to %scan3A_244 step %scan3A_245  : i32 {
      %mul3A_278 = arith.constant 1 : i32
      %mul3A_279 = arith.muli %scan3A_277, %mul3A_278 : i32
      %add3A_280 = arith.constant 0 : i32
      %add3A_281 = arith.addi %add3A_280, %mul3A_279 : i32
      %get3A = arith.constant 10 : i32
      %get3A_282 = arith.index_cast %get3A : i32 to index
      %get3A_283 = arith.constant 0 : index
      %get3A_284 = tpu.vector_load %arg5[%get3A_282, %get3A_283] {strides = array<i32>} : memref<32x16xi32, #tpu.memory_space<vmem>>, vector<16xi32>,
      %get3A_285 = arith.index_cast %add3A_281 : i32 to index
      %get3A_286 = arith.constant 0 : index
      %get3A_287 = tpu.vector_load %arg4[%get3A_285, %get3A_286] {strides = array<i32>} : memref<32x16xi32, #tpu.memory_space<vmem>>, vector<16xi32>,
      %lt3A = arith.constant 10 : i32
      %lt3A_288 = vector.broadcast %lt3A : i32 to vector<16xi32>
      %lt3A_289 = arith.cmpi slt, %get3A_287, %lt3A_288 : vector<16xi32>
      %convert_element_type3A = arith.extui %lt3A_289 : vector<16xi1> to vector<16xi32>
      %add3A_290 = arith.addi %get3A_284, %convert_element_type3A : vector<16xi32>
      %swap3A_291 = arith.constant 10 : i32
      %swap3A_292 = arith.index_cast %swap3A_291 : i32 to index
      %swap3A_293 = arith.constant 0 : index
      %swap3A_294 = tpu.vector_load %arg5[%swap3A_292, %swap3A_293] {strides = array<i32>} : memref<32x16xi32, #tpu.memory_space<vmem>>, vector<16xi32>,
      tpu.vector_store %arg5[%swap3A_292, %swap3A_293], %add3A_290 {strides = array<i32>} : memref<32x16xi32, #tpu.memory_space<vmem>>, vector<16xi32>,
    }
    %scan3A_246 = arith.constant 32 : i32
    %scan3A_247 = arith.constant 0 : i32
    %scan3A_248 = arith.constant 32 : i32
    %scan3A_249 = arith.addi %scan3A_247, %scan3A_248 : i32
    %scan3A_250 = arith.constant 1 : i32
    scf.for %scan3A_277 = %scan3A_247 to %scan3A_249 step %scan3A_250  : i32 {
      %mul3A_278 = arith.constant 1 : i32
      %mul3A_279 = arith.muli %scan3A_277, %mul3A_278 : i32
      %add3A_280 = arith.constant 0 : i32
      %add3A_281 = arith.addi %add3A_280, %mul3A_279 : i32
      %get3A = arith.constant 11 : i32
      %get3A_282 = arith.index_cast %get3A : i32 to index
      %get3A_283 = arith.constant 0 : index
      %get3A_284 = tpu.vector_load %arg5[%get3A_282, %get3A_283] {strides = array<i32>} : memref<32x16xi32, #tpu.memory_space<vmem>>, vector<16xi32>,
      %get3A_285 = arith.index_cast %add3A_281 : i32 to index
      %get3A_286 = arith.constant 0 : index
      %get3A_287 = tpu.vector_load %arg4[%get3A_285, %get3A_286] {strides = array<i32>} : memref<32x16xi32, #tpu.memory_space<vmem>>, vector<16xi32>,
      %lt3A = arith.constant 11 : i32
      %lt3A_288 = vector.broadcast %lt3A : i32 to vector<16xi32>
      %lt3A_289 = arith.cmpi slt, %get3A_287, %lt3A_288 : vector<16xi32>
      %convert_element_type3A = arith.extui %lt3A_289 : vector<16xi1> to vector<16xi32>
      %add3A_290 = arith.addi %get3A_284, %convert_element_type3A : vector<16xi32>
      %swap3A_291 = arith.constant 11 : i32
      %swap3A_292 = arith.index_cast %swap3A_291 : i32 to index
      %swap3A_293 = arith.constant 0 : index
      %swap3A_294 = tpu.vector_load %arg5[%swap3A_292, %swap3A_293] {strides = array<i32>} : memref<32x16xi32, #tpu.memory_space<vmem>>, vector<16xi32>,
      tpu.vector_store %arg5[%swap3A_292, %swap3A_293], %add3A_290 {strides = array<i32>} : memref<32x16xi32, #tpu.memory_space<vmem>>, vector<16xi32>,
    }
    %scan3A_251 = arith.constant 32 : i32
    %scan3A_252 = arith.constant 0 : i32
    %scan3A_253 = arith.constant 32 : i32
    %scan3A_254 = arith.addi %scan3A_252, %scan3A_253 : i32
    %scan3A_255 = arith.constant 1 : i32
    scf.for %scan3A_277 = %scan3A_252 to %scan3A_254 step %scan3A_255  : i32 {
      %mul3A_278 = arith.constant 1 : i32
      %mul3A_279 = arith.muli %scan3A_277, %mul3A_278 : i32
      %add3A_280 = arith.constant 0 : i32
      %add3A_281 = arith.addi %add3A_280, %mul3A_279 : i32
      %get3A = arith.constant 12 : i32
      %get3A_282 = arith.index_cast %get3A : i32 to index
      %get3A_283 = arith.constant 0 : index
      %get3A_284 = tpu.vector_load %arg5[%get3A_282, %get3A_283] {strides = array<i32>} : memref<32x16xi32, #tpu.memory_space<vmem>>, vector<16xi32>,
      %get3A_285 = arith.index_cast %add3A_281 : i32 to index
      %get3A_286 = arith.constant 0 : index
      %get3A_287 = tpu.vector_load %arg4[%get3A_285, %get3A_286] {strides = array<i32>} : memref<32x16xi32, #tpu.memory_space<vmem>>, vector<16xi32>,
      %lt3A = arith.constant 12 : i32
      %lt3A_288 = vector.broadcast %lt3A : i32 to vector<16xi32>
      %lt3A_289 = arith.cmpi slt, %get3A_287, %lt3A_288 : vector<16xi32>
      %convert_element_type3A = arith.extui %lt3A_289 : vector<16xi1> to vector<16xi32>
      %add3A_290 = arith.addi %get3A_284, %convert_element_type3A : vector<16xi32>
      %swap3A_291 = arith.constant 12 : i32
      %swap3A_292 = arith.index_cast %swap3A_291 : i32 to index
      %swap3A_293 = arith.constant 0 : index
      %swap3A_294 = tpu.vector_load %arg5[%swap3A_292, %swap3A_293] {strides = array<i32>} : memref<32x16xi32, #tpu.memory_space<vmem>>, vector<16xi32>,
      tpu.vector_store %arg5[%swap3A_292, %swap3A_293], %add3A_290 {strides = array<i32>} : memref<32x16xi32, #tpu.memory_space<vmem>>, vector<16xi32>,
    }
    %scan3A_256 = arith.constant 32 : i32
    %scan3A_257 = arith.constant 0 : i32
    %scan3A_258 = arith.constant 32 : i32
    %scan3A_259 = arith.addi %scan3A_257, %scan3A_258 : i32
    %scan3A_260 = arith.constant 1 : i32
    scf.for %scan3A_277 = %scan3A_257 to %scan3A_259 step %scan3A_260  : i32 {
      %mul3A_278 = arith.constant 1 : i32
      %mul3A_279 = arith.muli %scan3A_277, %mul3A_278 : i32
      %add3A_280 = arith.constant 0 : i32
      %add3A_281 = arith.addi %add3A_280, %mul3A_279 : i32
      %get3A = arith.constant 13 : i32
      %get3A_282 = arith.index_cast %get3A : i32 to index
      %get3A_283 = arith.constant 0 : index
      %get3A_284 = tpu.vector_load %arg5[%get3A_282, %get3A_283] {strides = array<i32>} : memref<32x16xi32, #tpu.memory_space<vmem>>, vector<16xi32>,
      %get3A_285 = arith.index_cast %add3A_281 : i32 to index
      %get3A_286 = arith.constant 0 : index
      %get3A_287 = tpu.vector_load %arg4[%get3A_285, %get3A_286] {strides = array<i32>} : memref<32x16xi32, #tpu.memory_space<vmem>>, vector<16xi32>,
      %lt3A = arith.constant 13 : i32
      %lt3A_288 = vector.broadcast %lt3A : i32 to vector<16xi32>
      %lt3A_289 = arith.cmpi slt, %get3A_287, %lt3A_288 : vector<16xi32>
      %convert_element_type3A = arith.extui %lt3A_289 : vector<16xi1> to vector<16xi32>
      %add3A_290 = arith.addi %get3A_284, %convert_element_type3A : vector<16xi32>
      %swap3A_291 = arith.constant 13 : i32
      %swap3A_292 = arith.index_cast %swap3A_291 : i32 to index
      %swap3A_293 = arith.constant 0 : index
      %swap3A_294 = tpu.vector_load %arg5[%swap3A_292, %swap3A_293] {strides = array<i32>} : memref<32x16xi32, #tpu.memory_space<vmem>>, vector<16xi32>,
      tpu.vector_store %arg5[%swap3A_292, %swap3A_293], %add3A_290 {strides = array<i32>} : memref<32x16xi32, #tpu.memory_space<vmem>>, vector<16xi32>,
    }
    %scan3A_261 = arith.constant 32 : i32
    %scan3A_262 = arith.constant 0 : i32
    %scan3A_263 = arith.constant 32 : i32
    %scan3A_264 = arith.addi %scan3A_262, %scan3A_263 : i32
    %scan3A_265 = arith.constant 1 : i32
    scf.for %scan3A_277 = %scan3A_262 to %scan3A_264 step %scan3A_265  : i32 {
      %mul3A_278 = arith.constant 1 : i32
      %mul3A_279 = arith.muli %scan3A_277, %mul3A_278 : i32
      %add3A_280 = arith.constant 0 : i32
      %add3A_281 = arith.addi %add3A_280, %mul3A_279 : i32
      %get3A = arith.constant 14 : i32
      %get3A_282 = arith.index_cast %get3A : i32 to index
      %get3A_283 = arith.constant 0 : index
      %get3A_284 = tpu.vector_load %arg5[%get3A_282, %get3A_283] {strides = array<i32>} : memref<32x16xi32, #tpu.memory_space<vmem>>, vector<16xi32>,
      %get3A_285 = arith.index_cast %add3A_281 : i32 to index
      %get3A_286 = arith.constant 0 : index
      %get3A_287 = tpu.vector_load %arg4[%get3A_285, %get3A_286] {strides = array<i32>} : memref<32x16xi32, #tpu.memory_space<vmem>>, vector<16xi32>,
      %lt3A = arith.constant 14 : i32
      %lt3A_288 = vector.broadcast %lt3A : i32 to vector<16xi32>
      %lt3A_289 = arith.cmpi slt, %get3A_287, %lt3A_288 : vector<16xi32>
      %convert_element_type3A = arith.extui %lt3A_289 : vector<16xi1> to vector<16xi32>
      %add3A_290 = arith.addi %get3A_284, %convert_element_type3A : vector<16xi32>
      %swap3A_291 = arith.constant 14 : i32
      %swap3A_292 = arith.index_cast %swap3A_291 : i32 to index
      %swap3A_293 = arith.constant 0 : index
      %swap3A_294 = tpu.vector_load %arg5[%swap3A_292, %swap3A_293] {strides = array<i32>} : memref<32x16xi32, #tpu.memory_space<vmem>>, vector<16xi32>,
      tpu.vector_store %arg5[%swap3A_292, %swap3A_293], %add3A_290 {strides = array<i32>} : memref<32x16xi32, #tpu.memory_space<vmem>>, vector<16xi32>,
    }
    %scan3A_266 = arith.constant 32 : i32
    %scan3A_267 = arith.constant 0 : i32
    %scan3A_268 = arith.constant 32 : i32
    %scan3A_269 = arith.addi %scan3A_267, %scan3A_268 : i32
    %scan3A_270 = arith.constant 1 : i32
    scf.for %scan3A_277 = %scan3A_267 to %scan3A_269 step %scan3A_270  : i32 {
      %mul3A_278 = arith.constant 1 : i32
      %mul3A_279 = arith.muli %scan3A_277, %mul3A_278 : i32
      %add3A_280 = arith.constant 0 : i32
      %add3A_281 = arith.addi %add3A_280, %mul3A_279 : i32
      %get3A = arith.constant 15 : i32
      %get3A_282 = arith.index_cast %get3A : i32 to index
      %get3A_283 = arith.constant 0 : index
      %get3A_284 = tpu.vector_load %arg5[%get3A_282, %get3A_283] {strides = array<i32>} : memref<32x16xi32, #tpu.memory_space<vmem>>, vector<16xi32>,
      %get3A_285 = arith.index_cast %add3A_281 : i32 to index
      %get3A_286 = arith.constant 0 : index
      %get3A_287 = tpu.vector_load %arg4[%get3A_285, %get3A_286] {strides = array<i32>} : memref<32x16xi32, #tpu.memory_space<vmem>>, vector<16xi32>,
      %lt3A = arith.constant 15 : i32
      %lt3A_288 = vector.broadcast %lt3A : i32 to vector<16xi32>
      %lt3A_289 = arith.cmpi slt, %get3A_287, %lt3A_288 : vector<16xi32>
      %convert_element_type3A = arith.extui %lt3A_289 : vector<16xi1> to vector<16xi32>
      %add3A_290 = arith.addi %get3A_284, %convert_element_type3A : vector<16xi32>
      %swap3A_291 = arith.constant 15 : i32
      %swap3A_292 = arith.index_cast %swap3A_291 : i32 to index
      %swap3A_293 = arith.constant 0 : index
      %swap3A_294 = tpu.vector_load %arg5[%swap3A_292, %swap3A_293] {strides = array<i32>} : memref<32x16xi32, #tpu.memory_space<vmem>>, vector<16xi32>,
      tpu.vector_store %arg5[%swap3A_292, %swap3A_293], %add3A_290 {strides = array<i32>} : memref<32x16xi32, #tpu.memory_space<vmem>>, vector<16xi32>,
    }
    %scan3A_271 = arith.constant 32 : i32
    %scan3A_272 = arith.constant 0 : i32
    %scan3A_273 = arith.constant 32 : i32
    %scan3A_274 = arith.addi %scan3A_272, %scan3A_273 : i32
    %scan3A_275 = arith.constant 1 : i32
    scf.for %scan3A_277 = %scan3A_272 to %scan3A_274 step %scan3A_275  : i32 {
      %mul3A_278 = arith.constant 1 : i32
      %mul3A_279 = arith.muli %scan3A_277, %mul3A_278 : i32
      %add3A_280 = arith.constant 0 : i32
      %add3A_281 = arith.addi %add3A_280, %mul3A_279 : i32
      %get3A = arith.constant 16 : i32
      %get3A_282 = arith.index_cast %get3A : i32 to index
      %get3A_283 = arith.constant 0 : index
      %get3A_284 = tpu.vector_load %arg5[%get3A_282, %get3A_283] {strides = array<i32>} : memref<32x16xi32, #tpu.memory_space<vmem>>, vector<16xi32>,
      %get3A_285 = arith.index_cast %add3A_281 : i32 to index
      %get3A_286 = arith.constant 0 : index
      %get3A_287 = tpu.vector_load %arg4[%get3A_285, %get3A_286] {strides = array<i32>} : memref<32x16xi32, #tpu.memory_space<vmem>>, vector<16xi32>,
      %lt3A = arith.constant 16 : i32
      %lt3A_288 = vector.broadcast %lt3A : i32 to vector<16xi32>
      %lt3A_289 = arith.cmpi slt, %get3A_287, %lt3A_288 : vector<16xi32>
      %convert_element_type3A = arith.extui %lt3A_289 : vector<16xi1> to vector<16xi32>
      %add3A_290 = arith.addi %get3A_284, %convert_element_type3A : vector<16xi32>
      %swap3A_291 = arith.constant 16 : i32
      %swap3A_292 = arith.index_cast %swap3A_291 : i32 to index
      %swap3A_293 = arith.constant 0 : index
      %swap3A_294 = tpu.vector_load %arg5[%swap3A_292, %swap3A_293] {strides = array<i32>} : memref<32x16xi32, #tpu.memory_space<vmem>>, vector<16xi32>,
      tpu.vector_store %arg5[%swap3A_292, %swap3A_293], %add3A_290 {strides = array<i32>} : memref<32x16xi32, #tpu.memory_space<vmem>>, vector<16xi32>,
    }
    %scan3A_276 = arith.constant 32 : i32
    "tpu.region"() ({
      %run_scoped3A = tpu.sem_alloc : memref<!tpu.dma_semaphore, #tpu.memory_space<semaphore_mem>>
      %dma_start3A = arith.constant 0 : i32
      %dma_start3A_277 = arith.constant 0 : i32
      %dma_start3A_278 = tpu.memref_slice %arg3[%add3A, %dma_start3A, %dma_start3A_277] : memref<32x32x16xi32, #tpu.memory_space<hbm>> -> memref<1x32x16xi32, #tpu.memory_space<hbm>>
      %dma_start3A_279 = tpu.memref_squeeze %dma_start3A_278 : memref<1x32x16xi32, #tpu.memory_space<hbm>> -> memref<32x16xi32, #tpu.memory_space<hbm>>
      %dma_start3A_280 = arith.constant 0 : i32
      %dma_start3A_281 = arith.constant 0 : i32
      %dma_start3A_282 = tpu.memref_slice %arg3[%add3A, %dma_start3A_280, %dma_start3A_281] : memref<32x32x16xi32, #tpu.memory_space<hbm>> -> memref<1x32x16xi32, #tpu.memory_space<hbm>>
      %dma_start3A_283 = tpu.memref_squeeze %dma_start3A_282 : memref<1x32x16xi32, #tpu.memory_space<hbm>> -> memref<32x16xi32, #tpu.memory_space<hbm>>
      tpu.enqueue_dma source(%arg5 : memref<32x16xi32, #tpu.memory_space<vmem>>) target(%dma_start3A_283 : memref<32x16xi32, #tpu.memory_space<hbm>>) target_semaphore(%run_scoped3A : memref<!tpu.dma_semaphore, #tpu.memory_space<semaphore_mem>>)
      %dma_wait3A = arith.constant 0 : i32
      %dma_wait3A_284 = arith.constant 0 : i32
      %dma_wait3A_285 = tpu.memref_slice %arg3[%add3A, %dma_wait3A, %dma_wait3A_284] : memref<32x32x16xi32, #tpu.memory_space<hbm>> -> memref<1x32x16xi32, #tpu.memory_space<hbm>>
      %dma_wait3A_286 = tpu.memref_squeeze %dma_wait3A_285 : memref<1x32x16xi32, #tpu.memory_space<hbm>> -> memref<32x16xi32, #tpu.memory_space<hbm>>
      %dma_wait3A_287 = arith.constant 0 : i32
      %dma_wait3A_288 = arith.constant 0 : i32
      %dma_wait3A_289 = tpu.memref_slice %arg3[%add3A, %dma_wait3A_287, %dma_wait3A_288] : memref<32x32x16xi32, #tpu.memory_space<hbm>> -> memref<1x32x16xi32, #tpu.memory_space<hbm>>
      %dma_wait3A_290 = tpu.memref_squeeze %dma_wait3A_289 : memref<1x32x16xi32, #tpu.memory_space<hbm>> -> memref<32x16xi32, #tpu.memory_space<hbm>>
      tpu.wait_dma2 semaphore(%run_scoped3A : memref<!tpu.dma_semaphore, #tpu.memory_space<semaphore_mem>>) src(%arg5 : memref<32x16xi32, #tpu.memory_space<vmem>>) dst(%dma_wait3A_290 : memref<32x16xi32, #tpu.memory_space<hbm>>)
      tpu.yield
    }) : () -> ()
    return
  }
}

module attributes {stable_mosaic.version = 14 : i64} {
  func.func @_qkv_kernel(%arg0: i32, %arg1: memref<512x512xf32, #tpu.memory_space<vmem>>, %arg2: memref<512x1536xbf16, #tpu.memory_space<vmem>>, %arg3: memref<1x1536xf32, #tpu.memory_space<vmem>>, %arg4: memref<8x512x64xbf16, #tpu.memory_space<vmem>>, %arg5: memref<8x512x64xbf16, #tpu.memory_space<vmem>>, %arg6: memref<8x512x128xbf16, #tpu.memory_space<vmem>>) attributes {dimension_semantics = [#tpu.dimension_semantics<arbitrary>], iteration_bounds = array<i64: 32>, scalar_prefetch = 0 : i64, scratch_operands = 0 : i64, tpu.core_type = #tpu.core_type<tc>, window_params = [{transform_indices = @transform_0, window_bounds = array<i64: 512, 512>}, {pipeline_mode = #tpu.pipeline_mode<synchronous>, transform_indices = @transform_1, window_bounds = array<i64: 512, 1536>}, {pipeline_mode = #tpu.pipeline_mode<synchronous>, transform_indices = @transform_2, window_bounds = array<i64: 1, 1536>}, {transform_indices = @transform_3, window_bounds = array<i64: 8, 512, 64>}, {transform_indices = @transform_4, window_bounds = array<i64: 8, 512, 64>}, {transform_indices = @transform_5, window_bounds = array<i64: 8, 512, 128>}]} {
    %get3A = arith.constant 0 : index
    %get3A_0 = arith.constant 0 : index
    %get3A_1 = vector.load %arg1[%get3A, %get3A_0] : memref<512x512xf32, #tpu.memory_space<vmem>>, vector<512x512xf32>
    %convert_element_type3A = arith.truncf %get3A_1 : vector<512x512xf32> to vector<512x512xbf16>
    %get3A_2 = arith.constant 0 : index
    %get3A_3 = arith.constant 0 : index
    %get3A_4 = vector.load %arg2[%get3A_2, %get3A_3] : memref<512x1536xbf16, #tpu.memory_space<vmem>>, vector<512x1536xbf16>
    %dot_general3A = arith.constant dense<0.000000e+00> : vector<512x1536xf32>
    %dot_general3A_5 = tpu.matmul %convert_element_type3A, %get3A_4, %dot_general3A {dimension_numbers = #tpu.dot_dimension_numbers<[1], [0], [0], [1], [0, 0, 1, 1], [], []>, transpose_lhs_hint = false} : vector<512x512xbf16>, vector<512x1536xbf16>, vector<512x1536xf32> -> vector<512x1536xf32>
    %get3A_6 = arith.constant 0 : index
    %get3A_7 = arith.constant 0 : index
    %get3A_8 = vector.load %arg3[%get3A_6, %get3A_7] : memref<1x1536xf32, #tpu.memory_space<vmem>>, vector<1x1536xf32>
    %add3A = vector.broadcast %get3A_8 : vector<1x1536xf32> to vector<512x1536xf32>
    %add3A_9 = arith.addf %dot_general3A_5, %add3A : vector<512x1536xf32>
    %broadcast_in_dim3A = arith.constant 1.000000e+00 : bf16
    %broadcast_in_dim3A_10 = vector.broadcast %broadcast_in_dim3A : bf16 to vector<512x1xbf16>
    %broadcast_in_dim3A_11 = arith.constant 0.000000e+00 : bf16
    %broadcast_in_dim3A_12 = vector.broadcast %broadcast_in_dim3A_11 : bf16 to vector<512x63xbf16>
    %slice3A = vector.extract_strided_slice %add3A_9 {offsets = [0, 0], sizes = [512, 64], strides = [1, 1]} : vector<512x1536xf32> to vector<512x64xf32>
    %mul3A = arith.constant 1.250000e-01 : f32
    %mul3A_13 = vector.broadcast %mul3A : f32 to vector<512x64xf32>
    %mul3A_14 = arith.mulf %slice3A, %mul3A_13 : vector<512x64xf32>
    %convert_element_type3A_15 = arith.truncf %mul3A_14 : vector<512x64xf32> to vector<512x64xbf16>
    %swap3A = arith.constant 0 : index
    %swap3A_16 = arith.constant 0 : index
    %swap3A_17 = arith.constant 0 : index
    %swap3A_18 = vector.load %arg4[%swap3A, %swap3A_16, %swap3A_17] : memref<8x512x64xbf16, #tpu.memory_space<vmem>>, vector<1x512x64xbf16>
    %swap3A_19 = vector.shape_cast %swap3A_18 : vector<1x512x64xbf16> to vector<512x64xbf16>
    %swap3A_20 = vector.shape_cast %convert_element_type3A_15 : vector<512x64xbf16> to vector<1x512x64xbf16>
    tpu.vector_store %arg4[%swap3A, %swap3A_16, %swap3A_17], %swap3A_20 {strides = array<i32>} : memref<8x512x64xbf16, #tpu.memory_space<vmem>>, vector<1x512x64xbf16>,
    %slice3A_21 = vector.extract_strided_slice %add3A_9 {offsets = [0, 512], sizes = [512, 64], strides = [1, 1]} : vector<512x1536xf32> to vector<512x64xf32>
    %convert_element_type3A_22 = arith.truncf %slice3A_21 : vector<512x64xf32> to vector<512x64xbf16>
    %swap3A_23 = arith.constant 0 : index
    %swap3A_24 = arith.constant 0 : index
    %swap3A_25 = arith.constant 0 : index
    %swap3A_26 = vector.load %arg5[%swap3A_23, %swap3A_24, %swap3A_25] : memref<8x512x64xbf16, #tpu.memory_space<vmem>>, vector<1x512x64xbf16>
    %swap3A_27 = vector.shape_cast %swap3A_26 : vector<1x512x64xbf16> to vector<512x64xbf16>
    %swap3A_28 = vector.shape_cast %convert_element_type3A_22 : vector<512x64xbf16> to vector<1x512x64xbf16>
    tpu.vector_store %arg5[%swap3A_23, %swap3A_24, %swap3A_25], %swap3A_28 {strides = array<i32>} : memref<8x512x64xbf16, #tpu.memory_space<vmem>>, vector<1x512x64xbf16>,
    %slice3A_29 = vector.extract_strided_slice %add3A_9 {offsets = [0, 1024], sizes = [512, 64], strides = [1, 1]} : vector<512x1536xf32> to vector<512x64xf32>
    %convert_element_type3A_30 = arith.truncf %slice3A_29 : vector<512x64xf32> to vector<512x64xbf16>
    %concatenate3A = tpu.concatenate %convert_element_type3A_30, %broadcast_in_dim3A_10, %broadcast_in_dim3A_12 in 1 : vector<512x64xbf16>, vector<512x1xbf16>, vector<512x63xbf16> -> vector<512x128xbf16>
    %swap3A_31 = arith.constant 0 : index
    %swap3A_32 = arith.constant 0 : index
    %swap3A_33 = arith.constant 0 : index
    %swap3A_34 = vector.load %arg6[%swap3A_31, %swap3A_32, %swap3A_33] : memref<8x512x128xbf16, #tpu.memory_space<vmem>>, vector<1x512x128xbf16>
    %swap3A_35 = vector.shape_cast %swap3A_34 : vector<1x512x128xbf16> to vector<512x128xbf16>
    %swap3A_36 = vector.shape_cast %concatenate3A : vector<512x128xbf16> to vector<1x512x128xbf16>
    tpu.vector_store %arg6[%swap3A_31, %swap3A_32, %swap3A_33], %swap3A_36 {strides = array<i32>} : memref<8x512x128xbf16, #tpu.memory_space<vmem>>, vector<1x512x128xbf16>,
    %slice3A_37 = vector.extract_strided_slice %add3A_9 {offsets = [0, 64], sizes = [512, 64], strides = [1, 1]} : vector<512x1536xf32> to vector<512x64xf32>
    %mul3A_38 = arith.constant 1.250000e-01 : f32
    %mul3A_39 = vector.broadcast %mul3A_38 : f32 to vector<512x64xf32>
    %mul3A_40 = arith.mulf %slice3A_37, %mul3A_39 : vector<512x64xf32>
    %convert_element_type3A_41 = arith.truncf %mul3A_40 : vector<512x64xf32> to vector<512x64xbf16>
    %swap3A_42 = arith.constant 1 : index
    %swap3A_43 = arith.constant 0 : index
    %swap3A_44 = arith.constant 0 : index
    %swap3A_45 = vector.load %arg4[%swap3A_42, %swap3A_43, %swap3A_44] : memref<8x512x64xbf16, #tpu.memory_space<vmem>>, vector<1x512x64xbf16>
    %swap3A_46 = vector.shape_cast %swap3A_45 : vector<1x512x64xbf16> to vector<512x64xbf16>
    %swap3A_47 = vector.shape_cast %convert_element_type3A_41 : vector<512x64xbf16> to vector<1x512x64xbf16>
    tpu.vector_store %arg4[%swap3A_42, %swap3A_43, %swap3A_44], %swap3A_47 {strides = array<i32>} : memref<8x512x64xbf16, #tpu.memory_space<vmem>>, vector<1x512x64xbf16>,
    %slice3A_48 = vector.extract_strided_slice %add3A_9 {offsets = [0, 576], sizes = [512, 64], strides = [1, 1]} : vector<512x1536xf32> to vector<512x64xf32>
    %convert_element_type3A_49 = arith.truncf %slice3A_48 : vector<512x64xf32> to vector<512x64xbf16>
    %swap3A_50 = arith.constant 1 : index
    %swap3A_51 = arith.constant 0 : index
    %swap3A_52 = arith.constant 0 : index
    %swap3A_53 = vector.load %arg5[%swap3A_50, %swap3A_51, %swap3A_52] : memref<8x512x64xbf16, #tpu.memory_space<vmem>>, vector<1x512x64xbf16>
    %swap3A_54 = vector.shape_cast %swap3A_53 : vector<1x512x64xbf16> to vector<512x64xbf16>
    %swap3A_55 = vector.shape_cast %convert_element_type3A_49 : vector<512x64xbf16> to vector<1x512x64xbf16>
    tpu.vector_store %arg5[%swap3A_50, %swap3A_51, %swap3A_52], %swap3A_55 {strides = array<i32>} : memref<8x512x64xbf16, #tpu.memory_space<vmem>>, vector<1x512x64xbf16>,
    %slice3A_56 = vector.extract_strided_slice %add3A_9 {offsets = [0, 1088], sizes = [512, 64], strides = [1, 1]} : vector<512x1536xf32> to vector<512x64xf32>
    %convert_element_type3A_57 = arith.truncf %slice3A_56 : vector<512x64xf32> to vector<512x64xbf16>
    %concatenate3A_58 = tpu.concatenate %convert_element_type3A_57, %broadcast_in_dim3A_10, %broadcast_in_dim3A_12 in 1 : vector<512x64xbf16>, vector<512x1xbf16>, vector<512x63xbf16> -> vector<512x128xbf16>
    %swap3A_59 = arith.constant 1 : index
    %swap3A_60 = arith.constant 0 : index
    %swap3A_61 = arith.constant 0 : index
    %swap3A_62 = vector.load %arg6[%swap3A_59, %swap3A_60, %swap3A_61] : memref<8x512x128xbf16, #tpu.memory_space<vmem>>, vector<1x512x128xbf16>
    %swap3A_63 = vector.shape_cast %swap3A_62 : vector<1x512x128xbf16> to vector<512x128xbf16>
    %swap3A_64 = vector.shape_cast %concatenate3A_58 : vector<512x128xbf16> to vector<1x512x128xbf16>
    tpu.vector_store %arg6[%swap3A_59, %swap3A_60, %swap3A_61], %swap3A_64 {strides = array<i32>} : memref<8x512x128xbf16, #tpu.memory_space<vmem>>, vector<1x512x128xbf16>,
    %slice3A_65 = vector.extract_strided_slice %add3A_9 {offsets = [0, 128], sizes = [512, 64], strides = [1, 1]} : vector<512x1536xf32> to vector<512x64xf32>
    %mul3A_66 = arith.constant 1.250000e-01 : f32
    %mul3A_67 = vector.broadcast %mul3A_66 : f32 to vector<512x64xf32>
    %mul3A_68 = arith.mulf %slice3A_65, %mul3A_67 : vector<512x64xf32>
    %convert_element_type3A_69 = arith.truncf %mul3A_68 : vector<512x64xf32> to vector<512x64xbf16>
    %swap3A_70 = arith.constant 2 : index
    %swap3A_71 = arith.constant 0 : index
    %swap3A_72 = arith.constant 0 : index
    %swap3A_73 = vector.load %arg4[%swap3A_70, %swap3A_71, %swap3A_72] : memref<8x512x64xbf16, #tpu.memory_space<vmem>>, vector<1x512x64xbf16>
    %swap3A_74 = vector.shape_cast %swap3A_73 : vector<1x512x64xbf16> to vector<512x64xbf16>
    %swap3A_75 = vector.shape_cast %convert_element_type3A_69 : vector<512x64xbf16> to vector<1x512x64xbf16>
    tpu.vector_store %arg4[%swap3A_70, %swap3A_71, %swap3A_72], %swap3A_75 {strides = array<i32>} : memref<8x512x64xbf16, #tpu.memory_space<vmem>>, vector<1x512x64xbf16>,
    %slice3A_76 = vector.extract_strided_slice %add3A_9 {offsets = [0, 640], sizes = [512, 64], strides = [1, 1]} : vector<512x1536xf32> to vector<512x64xf32>
    %convert_element_type3A_77 = arith.truncf %slice3A_76 : vector<512x64xf32> to vector<512x64xbf16>
    %swap3A_78 = arith.constant 2 : index
    %swap3A_79 = arith.constant 0 : index
    %swap3A_80 = arith.constant 0 : index
    %swap3A_81 = vector.load %arg5[%swap3A_78, %swap3A_79, %swap3A_80] : memref<8x512x64xbf16, #tpu.memory_space<vmem>>, vector<1x512x64xbf16>
    %swap3A_82 = vector.shape_cast %swap3A_81 : vector<1x512x64xbf16> to vector<512x64xbf16>
    %swap3A_83 = vector.shape_cast %convert_element_type3A_77 : vector<512x64xbf16> to vector<1x512x64xbf16>
    tpu.vector_store %arg5[%swap3A_78, %swap3A_79, %swap3A_80], %swap3A_83 {strides = array<i32>} : memref<8x512x64xbf16, #tpu.memory_space<vmem>>, vector<1x512x64xbf16>,
    %slice3A_84 = vector.extract_strided_slice %add3A_9 {offsets = [0, 1152], sizes = [512, 64], strides = [1, 1]} : vector<512x1536xf32> to vector<512x64xf32>
    %convert_element_type3A_85 = arith.truncf %slice3A_84 : vector<512x64xf32> to vector<512x64xbf16>
    %concatenate3A_86 = tpu.concatenate %convert_element_type3A_85, %broadcast_in_dim3A_10, %broadcast_in_dim3A_12 in 1 : vector<512x64xbf16>, vector<512x1xbf16>, vector<512x63xbf16> -> vector<512x128xbf16>
    %swap3A_87 = arith.constant 2 : index
    %swap3A_88 = arith.constant 0 : index
    %swap3A_89 = arith.constant 0 : index
    %swap3A_90 = vector.load %arg6[%swap3A_87, %swap3A_88, %swap3A_89] : memref<8x512x128xbf16, #tpu.memory_space<vmem>>, vector<1x512x128xbf16>
    %swap3A_91 = vector.shape_cast %swap3A_90 : vector<1x512x128xbf16> to vector<512x128xbf16>
    %swap3A_92 = vector.shape_cast %concatenate3A_86 : vector<512x128xbf16> to vector<1x512x128xbf16>
    tpu.vector_store %arg6[%swap3A_87, %swap3A_88, %swap3A_89], %swap3A_92 {strides = array<i32>} : memref<8x512x128xbf16, #tpu.memory_space<vmem>>, vector<1x512x128xbf16>,
    %slice3A_93 = vector.extract_strided_slice %add3A_9 {offsets = [0, 192], sizes = [512, 64], strides = [1, 1]} : vector<512x1536xf32> to vector<512x64xf32>
    %mul3A_94 = arith.constant 1.250000e-01 : f32
    %mul3A_95 = vector.broadcast %mul3A_94 : f32 to vector<512x64xf32>
    %mul3A_96 = arith.mulf %slice3A_93, %mul3A_95 : vector<512x64xf32>
    %convert_element_type3A_97 = arith.truncf %mul3A_96 : vector<512x64xf32> to vector<512x64xbf16>
    %swap3A_98 = arith.constant 3 : index
    %swap3A_99 = arith.constant 0 : index
    %swap3A_100 = arith.constant 0 : index
    %swap3A_101 = vector.load %arg4[%swap3A_98, %swap3A_99, %swap3A_100] : memref<8x512x64xbf16, #tpu.memory_space<vmem>>, vector<1x512x64xbf16>
    %swap3A_102 = vector.shape_cast %swap3A_101 : vector<1x512x64xbf16> to vector<512x64xbf16>
    %swap3A_103 = vector.shape_cast %convert_element_type3A_97 : vector<512x64xbf16> to vector<1x512x64xbf16>
    tpu.vector_store %arg4[%swap3A_98, %swap3A_99, %swap3A_100], %swap3A_103 {strides = array<i32>} : memref<8x512x64xbf16, #tpu.memory_space<vmem>>, vector<1x512x64xbf16>,
    %slice3A_104 = vector.extract_strided_slice %add3A_9 {offsets = [0, 704], sizes = [512, 64], strides = [1, 1]} : vector<512x1536xf32> to vector<512x64xf32>
    %convert_element_type3A_105 = arith.truncf %slice3A_104 : vector<512x64xf32> to vector<512x64xbf16>
    %swap3A_106 = arith.constant 3 : index
    %swap3A_107 = arith.constant 0 : index
    %swap3A_108 = arith.constant 0 : index
    %swap3A_109 = vector.load %arg5[%swap3A_106, %swap3A_107, %swap3A_108] : memref<8x512x64xbf16, #tpu.memory_space<vmem>>, vector<1x512x64xbf16>
    %swap3A_110 = vector.shape_cast %swap3A_109 : vector<1x512x64xbf16> to vector<512x64xbf16>
    %swap3A_111 = vector.shape_cast %convert_element_type3A_105 : vector<512x64xbf16> to vector<1x512x64xbf16>
    tpu.vector_store %arg5[%swap3A_106, %swap3A_107, %swap3A_108], %swap3A_111 {strides = array<i32>} : memref<8x512x64xbf16, #tpu.memory_space<vmem>>, vector<1x512x64xbf16>,
    %slice3A_112 = vector.extract_strided_slice %add3A_9 {offsets = [0, 1216], sizes = [512, 64], strides = [1, 1]} : vector<512x1536xf32> to vector<512x64xf32>
    %convert_element_type3A_113 = arith.truncf %slice3A_112 : vector<512x64xf32> to vector<512x64xbf16>
    %concatenate3A_114 = tpu.concatenate %convert_element_type3A_113, %broadcast_in_dim3A_10, %broadcast_in_dim3A_12 in 1 : vector<512x64xbf16>, vector<512x1xbf16>, vector<512x63xbf16> -> vector<512x128xbf16>
    %swap3A_115 = arith.constant 3 : index
    %swap3A_116 = arith.constant 0 : index
    %swap3A_117 = arith.constant 0 : index
    %swap3A_118 = vector.load %arg6[%swap3A_115, %swap3A_116, %swap3A_117] : memref<8x512x128xbf16, #tpu.memory_space<vmem>>, vector<1x512x128xbf16>
    %swap3A_119 = vector.shape_cast %swap3A_118 : vector<1x512x128xbf16> to vector<512x128xbf16>
    %swap3A_120 = vector.shape_cast %concatenate3A_114 : vector<512x128xbf16> to vector<1x512x128xbf16>
    tpu.vector_store %arg6[%swap3A_115, %swap3A_116, %swap3A_117], %swap3A_120 {strides = array<i32>} : memref<8x512x128xbf16, #tpu.memory_space<vmem>>, vector<1x512x128xbf16>,
    %slice3A_121 = vector.extract_strided_slice %add3A_9 {offsets = [0, 256], sizes = [512, 64], strides = [1, 1]} : vector<512x1536xf32> to vector<512x64xf32>
    %mul3A_122 = arith.constant 1.250000e-01 : f32
    %mul3A_123 = vector.broadcast %mul3A_122 : f32 to vector<512x64xf32>
    %mul3A_124 = arith.mulf %slice3A_121, %mul3A_123 : vector<512x64xf32>
    %convert_element_type3A_125 = arith.truncf %mul3A_124 : vector<512x64xf32> to vector<512x64xbf16>
    %swap3A_126 = arith.constant 4 : index
    %swap3A_127 = arith.constant 0 : index
    %swap3A_128 = arith.constant 0 : index
    %swap3A_129 = vector.load %arg4[%swap3A_126, %swap3A_127, %swap3A_128] : memref<8x512x64xbf16, #tpu.memory_space<vmem>>, vector<1x512x64xbf16>
    %swap3A_130 = vector.shape_cast %swap3A_129 : vector<1x512x64xbf16> to vector<512x64xbf16>
    %swap3A_131 = vector.shape_cast %convert_element_type3A_125 : vector<512x64xbf16> to vector<1x512x64xbf16>
    tpu.vector_store %arg4[%swap3A_126, %swap3A_127, %swap3A_128], %swap3A_131 {strides = array<i32>} : memref<8x512x64xbf16, #tpu.memory_space<vmem>>, vector<1x512x64xbf16>,
    %slice3A_132 = vector.extract_strided_slice %add3A_9 {offsets = [0, 768], sizes = [512, 64], strides = [1, 1]} : vector<512x1536xf32> to vector<512x64xf32>
    %convert_element_type3A_133 = arith.truncf %slice3A_132 : vector<512x64xf32> to vector<512x64xbf16>
    %swap3A_134 = arith.constant 4 : index
    %swap3A_135 = arith.constant 0 : index
    %swap3A_136 = arith.constant 0 : index
    %swap3A_137 = vector.load %arg5[%swap3A_134, %swap3A_135, %swap3A_136] : memref<8x512x64xbf16, #tpu.memory_space<vmem>>, vector<1x512x64xbf16>
    %swap3A_138 = vector.shape_cast %swap3A_137 : vector<1x512x64xbf16> to vector<512x64xbf16>
    %swap3A_139 = vector.shape_cast %convert_element_type3A_133 : vector<512x64xbf16> to vector<1x512x64xbf16>
    tpu.vector_store %arg5[%swap3A_134, %swap3A_135, %swap3A_136], %swap3A_139 {strides = array<i32>} : memref<8x512x64xbf16, #tpu.memory_space<vmem>>, vector<1x512x64xbf16>,
    %slice3A_140 = vector.extract_strided_slice %add3A_9 {offsets = [0, 1280], sizes = [512, 64], strides = [1, 1]} : vector<512x1536xf32> to vector<512x64xf32>
    %convert_element_type3A_141 = arith.truncf %slice3A_140 : vector<512x64xf32> to vector<512x64xbf16>
    %concatenate3A_142 = tpu.concatenate %convert_element_type3A_141, %broadcast_in_dim3A_10, %broadcast_in_dim3A_12 in 1 : vector<512x64xbf16>, vector<512x1xbf16>, vector<512x63xbf16> -> vector<512x128xbf16>
    %swap3A_143 = arith.constant 4 : index
    %swap3A_144 = arith.constant 0 : index
    %swap3A_145 = arith.constant 0 : index
    %swap3A_146 = vector.load %arg6[%swap3A_143, %swap3A_144, %swap3A_145] : memref<8x512x128xbf16, #tpu.memory_space<vmem>>, vector<1x512x128xbf16>
    %swap3A_147 = vector.shape_cast %swap3A_146 : vector<1x512x128xbf16> to vector<512x128xbf16>
    %swap3A_148 = vector.shape_cast %concatenate3A_142 : vector<512x128xbf16> to vector<1x512x128xbf16>
    tpu.vector_store %arg6[%swap3A_143, %swap3A_144, %swap3A_145], %swap3A_148 {strides = array<i32>} : memref<8x512x128xbf16, #tpu.memory_space<vmem>>, vector<1x512x128xbf16>,
    %slice3A_149 = vector.extract_strided_slice %add3A_9 {offsets = [0, 320], sizes = [512, 64], strides = [1, 1]} : vector<512x1536xf32> to vector<512x64xf32>
    %mul3A_150 = arith.constant 1.250000e-01 : f32
    %mul3A_151 = vector.broadcast %mul3A_150 : f32 to vector<512x64xf32>
    %mul3A_152 = arith.mulf %slice3A_149, %mul3A_151 : vector<512x64xf32>
    %convert_element_type3A_153 = arith.truncf %mul3A_152 : vector<512x64xf32> to vector<512x64xbf16>
    %swap3A_154 = arith.constant 5 : index
    %swap3A_155 = arith.constant 0 : index
    %swap3A_156 = arith.constant 0 : index
    %swap3A_157 = vector.load %arg4[%swap3A_154, %swap3A_155, %swap3A_156] : memref<8x512x64xbf16, #tpu.memory_space<vmem>>, vector<1x512x64xbf16>
    %swap3A_158 = vector.shape_cast %swap3A_157 : vector<1x512x64xbf16> to vector<512x64xbf16>
    %swap3A_159 = vector.shape_cast %convert_element_type3A_153 : vector<512x64xbf16> to vector<1x512x64xbf16>
    tpu.vector_store %arg4[%swap3A_154, %swap3A_155, %swap3A_156], %swap3A_159 {strides = array<i32>} : memref<8x512x64xbf16, #tpu.memory_space<vmem>>, vector<1x512x64xbf16>,
    %slice3A_160 = vector.extract_strided_slice %add3A_9 {offsets = [0, 832], sizes = [512, 64], strides = [1, 1]} : vector<512x1536xf32> to vector<512x64xf32>
    %convert_element_type3A_161 = arith.truncf %slice3A_160 : vector<512x64xf32> to vector<512x64xbf16>
    %swap3A_162 = arith.constant 5 : index
    %swap3A_163 = arith.constant 0 : index
    %swap3A_164 = arith.constant 0 : index
    %swap3A_165 = vector.load %arg5[%swap3A_162, %swap3A_163, %swap3A_164] : memref<8x512x64xbf16, #tpu.memory_space<vmem>>, vector<1x512x64xbf16>
    %swap3A_166 = vector.shape_cast %swap3A_165 : vector<1x512x64xbf16> to vector<512x64xbf16>
    %swap3A_167 = vector.shape_cast %convert_element_type3A_161 : vector<512x64xbf16> to vector<1x512x64xbf16>
    tpu.vector_store %arg5[%swap3A_162, %swap3A_163, %swap3A_164], %swap3A_167 {strides = array<i32>} : memref<8x512x64xbf16, #tpu.memory_space<vmem>>, vector<1x512x64xbf16>,
    %slice3A_168 = vector.extract_strided_slice %add3A_9 {offsets = [0, 1344], sizes = [512, 64], strides = [1, 1]} : vector<512x1536xf32> to vector<512x64xf32>
    %convert_element_type3A_169 = arith.truncf %slice3A_168 : vector<512x64xf32> to vector<512x64xbf16>
    %concatenate3A_170 = tpu.concatenate %convert_element_type3A_169, %broadcast_in_dim3A_10, %broadcast_in_dim3A_12 in 1 : vector<512x64xbf16>, vector<512x1xbf16>, vector<512x63xbf16> -> vector<512x128xbf16>
    %swap3A_171 = arith.constant 5 : index
    %swap3A_172 = arith.constant 0 : index
    %swap3A_173 = arith.constant 0 : index
    %swap3A_174 = vector.load %arg6[%swap3A_171, %swap3A_172, %swap3A_173] : memref<8x512x128xbf16, #tpu.memory_space<vmem>>, vector<1x512x128xbf16>
    %swap3A_175 = vector.shape_cast %swap3A_174 : vector<1x512x128xbf16> to vector<512x128xbf16>
    %swap3A_176 = vector.shape_cast %concatenate3A_170 : vector<512x128xbf16> to vector<1x512x128xbf16>
    tpu.vector_store %arg6[%swap3A_171, %swap3A_172, %swap3A_173], %swap3A_176 {strides = array<i32>} : memref<8x512x128xbf16, #tpu.memory_space<vmem>>, vector<1x512x128xbf16>,
    %slice3A_177 = vector.extract_strided_slice %add3A_9 {offsets = [0, 384], sizes = [512, 64], strides = [1, 1]} : vector<512x1536xf32> to vector<512x64xf32>
    %mul3A_178 = arith.constant 1.250000e-01 : f32
    %mul3A_179 = vector.broadcast %mul3A_178 : f32 to vector<512x64xf32>
    %mul3A_180 = arith.mulf %slice3A_177, %mul3A_179 : vector<512x64xf32>
    %convert_element_type3A_181 = arith.truncf %mul3A_180 : vector<512x64xf32> to vector<512x64xbf16>
    %swap3A_182 = arith.constant 6 : index
    %swap3A_183 = arith.constant 0 : index
    %swap3A_184 = arith.constant 0 : index
    %swap3A_185 = vector.load %arg4[%swap3A_182, %swap3A_183, %swap3A_184] : memref<8x512x64xbf16, #tpu.memory_space<vmem>>, vector<1x512x64xbf16>
    %swap3A_186 = vector.shape_cast %swap3A_185 : vector<1x512x64xbf16> to vector<512x64xbf16>
    %swap3A_187 = vector.shape_cast %convert_element_type3A_181 : vector<512x64xbf16> to vector<1x512x64xbf16>
    tpu.vector_store %arg4[%swap3A_182, %swap3A_183, %swap3A_184], %swap3A_187 {strides = array<i32>} : memref<8x512x64xbf16, #tpu.memory_space<vmem>>, vector<1x512x64xbf16>,
    %slice3A_188 = vector.extract_strided_slice %add3A_9 {offsets = [0, 896], sizes = [512, 64], strides = [1, 1]} : vector<512x1536xf32> to vector<512x64xf32>
    %convert_element_type3A_189 = arith.truncf %slice3A_188 : vector<512x64xf32> to vector<512x64xbf16>
    %swap3A_190 = arith.constant 6 : index
    %swap3A_191 = arith.constant 0 : index
    %swap3A_192 = arith.constant 0 : index
    %swap3A_193 = vector.load %arg5[%swap3A_190, %swap3A_191, %swap3A_192] : memref<8x512x64xbf16, #tpu.memory_space<vmem>>, vector<1x512x64xbf16>
    %swap3A_194 = vector.shape_cast %swap3A_193 : vector<1x512x64xbf16> to vector<512x64xbf16>
    %swap3A_195 = vector.shape_cast %convert_element_type3A_189 : vector<512x64xbf16> to vector<1x512x64xbf16>
    tpu.vector_store %arg5[%swap3A_190, %swap3A_191, %swap3A_192], %swap3A_195 {strides = array<i32>} : memref<8x512x64xbf16, #tpu.memory_space<vmem>>, vector<1x512x64xbf16>,
    %slice3A_196 = vector.extract_strided_slice %add3A_9 {offsets = [0, 1408], sizes = [512, 64], strides = [1, 1]} : vector<512x1536xf32> to vector<512x64xf32>
    %convert_element_type3A_197 = arith.truncf %slice3A_196 : vector<512x64xf32> to vector<512x64xbf16>
    %concatenate3A_198 = tpu.concatenate %convert_element_type3A_197, %broadcast_in_dim3A_10, %broadcast_in_dim3A_12 in 1 : vector<512x64xbf16>, vector<512x1xbf16>, vector<512x63xbf16> -> vector<512x128xbf16>
    %swap3A_199 = arith.constant 6 : index
    %swap3A_200 = arith.constant 0 : index
    %swap3A_201 = arith.constant 0 : index
    %swap3A_202 = vector.load %arg6[%swap3A_199, %swap3A_200, %swap3A_201] : memref<8x512x128xbf16, #tpu.memory_space<vmem>>, vector<1x512x128xbf16>
    %swap3A_203 = vector.shape_cast %swap3A_202 : vector<1x512x128xbf16> to vector<512x128xbf16>
    %swap3A_204 = vector.shape_cast %concatenate3A_198 : vector<512x128xbf16> to vector<1x512x128xbf16>
    tpu.vector_store %arg6[%swap3A_199, %swap3A_200, %swap3A_201], %swap3A_204 {strides = array<i32>} : memref<8x512x128xbf16, #tpu.memory_space<vmem>>, vector<1x512x128xbf16>,
    %slice3A_205 = vector.extract_strided_slice %add3A_9 {offsets = [0, 448], sizes = [512, 64], strides = [1, 1]} : vector<512x1536xf32> to vector<512x64xf32>
    %mul3A_206 = arith.constant 1.250000e-01 : f32
    %mul3A_207 = vector.broadcast %mul3A_206 : f32 to vector<512x64xf32>
    %mul3A_208 = arith.mulf %slice3A_205, %mul3A_207 : vector<512x64xf32>
    %convert_element_type3A_209 = arith.truncf %mul3A_208 : vector<512x64xf32> to vector<512x64xbf16>
    %swap3A_210 = arith.constant 7 : index
    %swap3A_211 = arith.constant 0 : index
    %swap3A_212 = arith.constant 0 : index
    %swap3A_213 = vector.load %arg4[%swap3A_210, %swap3A_211, %swap3A_212] : memref<8x512x64xbf16, #tpu.memory_space<vmem>>, vector<1x512x64xbf16>
    %swap3A_214 = vector.shape_cast %swap3A_213 : vector<1x512x64xbf16> to vector<512x64xbf16>
    %swap3A_215 = vector.shape_cast %convert_element_type3A_209 : vector<512x64xbf16> to vector<1x512x64xbf16>
    tpu.vector_store %arg4[%swap3A_210, %swap3A_211, %swap3A_212], %swap3A_215 {strides = array<i32>} : memref<8x512x64xbf16, #tpu.memory_space<vmem>>, vector<1x512x64xbf16>,
    %slice3A_216 = vector.extract_strided_slice %add3A_9 {offsets = [0, 960], sizes = [512, 64], strides = [1, 1]} : vector<512x1536xf32> to vector<512x64xf32>
    %convert_element_type3A_217 = arith.truncf %slice3A_216 : vector<512x64xf32> to vector<512x64xbf16>
    %swap3A_218 = arith.constant 7 : index
    %swap3A_219 = arith.constant 0 : index
    %swap3A_220 = arith.constant 0 : index
    %swap3A_221 = vector.load %arg5[%swap3A_218, %swap3A_219, %swap3A_220] : memref<8x512x64xbf16, #tpu.memory_space<vmem>>, vector<1x512x64xbf16>
    %swap3A_222 = vector.shape_cast %swap3A_221 : vector<1x512x64xbf16> to vector<512x64xbf16>
    %swap3A_223 = vector.shape_cast %convert_element_type3A_217 : vector<512x64xbf16> to vector<1x512x64xbf16>
    tpu.vector_store %arg5[%swap3A_218, %swap3A_219, %swap3A_220], %swap3A_223 {strides = array<i32>} : memref<8x512x64xbf16, #tpu.memory_space<vmem>>, vector<1x512x64xbf16>,
    %slice3A_224 = vector.extract_strided_slice %add3A_9 {offsets = [0, 1472], sizes = [512, 64], strides = [1, 1]} : vector<512x1536xf32> to vector<512x64xf32>
    %convert_element_type3A_225 = arith.truncf %slice3A_224 : vector<512x64xf32> to vector<512x64xbf16>
    %concatenate3A_226 = tpu.concatenate %convert_element_type3A_225, %broadcast_in_dim3A_10, %broadcast_in_dim3A_12 in 1 : vector<512x64xbf16>, vector<512x1xbf16>, vector<512x63xbf16> -> vector<512x128xbf16>
    %swap3A_227 = arith.constant 7 : index
    %swap3A_228 = arith.constant 0 : index
    %swap3A_229 = arith.constant 0 : index
    %swap3A_230 = vector.load %arg6[%swap3A_227, %swap3A_228, %swap3A_229] : memref<8x512x128xbf16, #tpu.memory_space<vmem>>, vector<1x512x128xbf16>
    %swap3A_231 = vector.shape_cast %swap3A_230 : vector<1x512x128xbf16> to vector<512x128xbf16>
    %swap3A_232 = vector.shape_cast %concatenate3A_226 : vector<512x128xbf16> to vector<1x512x128xbf16>
    tpu.vector_store %arg6[%swap3A_227, %swap3A_228, %swap3A_229], %swap3A_232 {strides = array<i32>} : memref<8x512x128xbf16, #tpu.memory_space<vmem>>, vector<1x512x128xbf16>,
    return
  }
  func.func @transform_0(%arg0: i32) -> (i32, i32) {
    %c0_i32 = arith.constant 0 : i32
    %c0_i32_0 = arith.constant 0 : i32
    return %arg0, %c0_i32 : i32, i32
  }
  func.func @transform_1(%arg0: i32) -> (i32, i32) {
    %c0_i32 = arith.constant 0 : i32
    %c0_i32_0 = arith.constant 0 : i32
    %c0_i32_1 = arith.constant 0 : i32
    return %c0_i32, %c0_i32_0 : i32, i32
  }
  func.func @transform_2(%arg0: i32) -> (i32, i32) {
    %c0_i32 = arith.constant 0 : i32
    %c0_i32_0 = arith.constant 0 : i32
    %c0_i32_1 = arith.constant 0 : i32
    return %c0_i32, %c0_i32_0 : i32, i32
  }
  func.func @transform_3(%arg0: i32) -> (i32, i32, i32) {
    %c0_i32 = arith.constant 0 : i32
    %c0_i32_0 = arith.constant 0 : i32
    %c0_i32_1 = arith.constant 0 : i32
    return %c0_i32, %arg0, %c0_i32_0 : i32, i32, i32
  }
  func.func @transform_4(%arg0: i32) -> (i32, i32, i32) {
    %c0_i32 = arith.constant 0 : i32
    %c0_i32_0 = arith.constant 0 : i32
    %c0_i32_1 = arith.constant 0 : i32
    return %c0_i32, %arg0, %c0_i32_0 : i32, i32, i32
  }
  func.func @transform_5(%arg0: i32) -> (i32, i32, i32) {
    %c0_i32 = arith.constant 0 : i32
    %c0_i32_0 = arith.constant 0 : i32
    %c0_i32_1 = arith.constant 0 : i32
    return %c0_i32, %arg0, %c0_i32_0 : i32, i32, i32
  }
}

module attributes {stable_mosaic.version = 14 : i64} {
  func.func @_meta_kernel(%arg0: memref<32x32x16xi32, #tpu.memory_space<vmem>>, %arg1: memref<1x1024xi32, #tpu.memory_space<vmem>>, %arg2: memref<1x1024xi32, #tpu.memory_space<vmem>>, %arg3: memref<1x1024xi32, #tpu.memory_space<vmem>>, %arg4: memref<1x128xi32, #tpu.memory_space<vmem>>) attributes {dimension_semantics = [], scalar_prefetch = 0 : i64, scratch_operands = 0 : i64, tpu.core_type = #tpu.core_type<tc>} {
    %get3A = arith.constant 0 : index
    %get3A_0 = arith.constant 0 : index
    %get3A_1 = arith.constant 0 : index
    %get3A_2 = vector.load %arg0[%get3A, %get3A_0, %get3A_1] : memref<32x32x16xi32, #tpu.memory_space<vmem>>, vector<32x32x16xi32>
    %reduce_sum3A = arith.constant dense<0> : vector<32x16xi32>
    %reduce_sum3A_3 = vector.multi_reduction <add>, %get3A_2, %reduce_sum3A [0] : vector<32x32x16xi32> to vector<32x16xi32>
    %reduce_sum3A_4 = arith.constant dense<0> : vector<32xi32>
    %reduce_sum3A_5 = vector.multi_reduction <add>, %reduce_sum3A_3, %reduce_sum3A_4 [1] : vector<32x16xi32> to vector<32xi32>
    %broadcast_in_dim3A = vector.shape_cast %reduce_sum3A_5 : vector<32xi32> to vector<32x1xi32>
    %slice3A = vector.extract_strided_slice %broadcast_in_dim3A {offsets = [0, 0], sizes = [16, 1], strides = [1, 1]} : vector<32x1xi32> to vector<16x1xi32>
    %slice3A_6 = vector.extract_strided_slice %broadcast_in_dim3A {offsets = [1, 0], sizes = [16, 1], strides = [1, 1]} : vector<32x1xi32> to vector<16x1xi32>
    %broadcast_in_dim3A_7 = vector.shape_cast %slice3A : vector<16x1xi32> to vector<16x1xi32>
    %broadcast_in_dim3A_8 = vector.broadcast %broadcast_in_dim3A_7 : vector<16x1xi32> to vector<16x128xi32>
    %transpose3A = tpu.transpose %broadcast_in_dim3A_8, [1, 0] : vector<16x128xi32> -> vector<128x16xi32>
    %broadcast_in_dim3A_9 = vector.shape_cast %slice3A_6 : vector<16x1xi32> to vector<16x1xi32>
    %broadcast_in_dim3A_10 = vector.broadcast %broadcast_in_dim3A_9 : vector<16x1xi32> to vector<16x128xi32>
    %transpose3A_11 = tpu.transpose %broadcast_in_dim3A_10, [1, 0] : vector<16x128xi32> -> vector<128x16xi32>
    %iota3A = tpu.iota {dimensions = array<i32: 0>} : vector<128x16xi32>
    %add3A = arith.constant 1 : i32
    %add3A_12 = vector.broadcast %add3A : i32 to vector<128x16xi32>
    %add3A_13 = arith.addi %iota3A, %add3A_12 : vector<128x16xi32>
    %mul3A = arith.constant 512 : i32
    %mul3A_14 = vector.broadcast %mul3A : i32 to vector<128x16xi32>
    %mul3A_15 = arith.muli %add3A_13, %mul3A_14 : vector<128x16xi32>
    %lt3A = arith.cmpi slt, %transpose3A, %mul3A_15 : vector<128x16xi32>
    %mul3A_16 = arith.constant 512 : i32
    %mul3A_17 = vector.broadcast %mul3A_16 : i32 to vector<128x16xi32>
    %mul3A_18 = arith.muli %iota3A, %mul3A_17 : vector<128x16xi32>
    %gt3A = arith.cmpi sgt, %transpose3A_11, %mul3A_18 : vector<128x16xi32>
    %and3A = arith.andi %lt3A, %gt3A : vector<128x16xi1>
    %jit3A = arith.constant 16384 : i32
    %broadcast_in_dim3A_19 = vector.broadcast %jit3A : i32 to vector<128x16xi32>
    %select_n3A = arith.select %and3A, %transpose3A, %broadcast_in_dim3A_19 : vector<128x16xi1>, vector<128x16xi32>
    %jit3A_20 = arith.constant 0 : i32
    %broadcast_in_dim3A_21 = vector.broadcast %jit3A_20 : i32 to vector<128x16xi32>
    %select_n3A_22 = arith.select %and3A, %transpose3A_11, %broadcast_in_dim3A_21 : vector<128x16xi1>, vector<128x16xi32>
    %reduce_min3A = arith.constant dense<2147483647> : vector<128xi32>
    %reduce_min3A_23 = vector.multi_reduction <minsi>, %select_n3A, %reduce_min3A [1] : vector<128x16xi32> to vector<128xi32>
    %broadcast_in_dim3A_24 = vector.shape_cast %reduce_min3A_23 : vector<128xi32> to vector<128x1xi32>
    %jit3A_25 = arith.constant 512 : i32
    %div3A = vector.broadcast %jit3A_25 : i32 to vector<128x1xi32>
    %div3A_26 = arith.divsi %broadcast_in_dim3A_24, %div3A : vector<128x1xi32>
    %sign3A = arith.constant 0 : i32
    %sign3A_27 = vector.broadcast %sign3A : i32 to vector<128x1xi32>
    %sign3A_28 = arith.cmpi sgt, %broadcast_in_dim3A_24, %sign3A_27 : vector<128x1xi32>
    %sign3A_29 = arith.extui %sign3A_28 : vector<128x1xi1> to vector<128x1xi32>
    %sign3A_30 = arith.constant 0 : i32
    %sign3A_31 = vector.broadcast %sign3A_30 : i32 to vector<128x1xi32>
    %sign3A_32 = arith.cmpi slt, %broadcast_in_dim3A_24, %sign3A_31 : vector<128x1xi32>
    %sign3A_33 = arith.extui %sign3A_32 : vector<128x1xi1> to vector<128x1xi32>
    %sign3A_34 = arith.subi %sign3A_29, %sign3A_33 : vector<128x1xi32>
    %sign3A_35 = arith.constant 0 : i32
    %sign3A_36 = arith.cmpi sgt, %jit3A_25, %sign3A_35 : i32
    %sign3A_37 = arith.extui %sign3A_36 : i1 to i32
    %sign3A_38 = arith.constant 0 : i32
    %sign3A_39 = arith.cmpi slt, %jit3A_25, %sign3A_38 : i32
    %sign3A_40 = arith.extui %sign3A_39 : i1 to i32
    %sign3A_41 = arith.subi %sign3A_37, %sign3A_40 : i32
    %ne3A = vector.broadcast %sign3A_41 : i32 to vector<128x1xi32>
    %ne3A_42 = arith.cmpi ne, %sign3A_34, %ne3A : vector<128x1xi32>
    %rem3A = vector.broadcast %jit3A_25 : i32 to vector<128x1xi32>
    %rem3A_43 = arith.remsi %broadcast_in_dim3A_24, %rem3A : vector<128x1xi32>
    %ne3A_44 = arith.constant 0 : i32
    %ne3A_45 = vector.broadcast %ne3A_44 : i32 to vector<128x1xi32>
    %ne3A_46 = arith.cmpi ne, %rem3A_43, %ne3A_45 : vector<128x1xi32>
    %and3A_47 = arith.andi %ne3A_42, %ne3A_46 : vector<128x1xi1>
    %sub3A = arith.constant 1 : i32
    %sub3A_48 = vector.broadcast %sub3A : i32 to vector<128x1xi32>
    %sub3A_49 = arith.subi %div3A_26, %sub3A_48 : vector<128x1xi32>
    %select_n3A_50 = arith.select %and3A_47, %sub3A_49, %div3A_26 : vector<128x1xi1>, vector<128x1xi32>
    %jit3A_51 = arith.constant 0 : i32
    %jit3A_52 = arith.constant 31 : i32
    %max3A = vector.broadcast %jit3A_51 : i32 to vector<128x1xi32>
    %max3A_53 = arith.maxsi %max3A, %select_n3A_50 : vector<128x1xi32>
    %min3A = vector.broadcast %jit3A_52 : i32 to vector<128x1xi32>
    %min3A_54 = arith.minsi %min3A, %max3A_53 : vector<128x1xi32>
    %reduce_max3A = arith.constant dense<-2147483648> : vector<128xi32>
    %reduce_max3A_55 = vector.multi_reduction <maxsi>, %select_n3A_22, %reduce_max3A [1] : vector<128x16xi32> to vector<128xi32>
    %broadcast_in_dim3A_56 = vector.shape_cast %reduce_max3A_55 : vector<128xi32> to vector<128x1xi32>
    %sub3A_57 = arith.constant 1 : i32
    %sub3A_58 = vector.broadcast %sub3A_57 : i32 to vector<128x1xi32>
    %sub3A_59 = arith.subi %broadcast_in_dim3A_56, %sub3A_58 : vector<128x1xi32>
    %jit3A_60 = arith.constant 512 : i32
    %div3A_61 = vector.broadcast %jit3A_60 : i32 to vector<128x1xi32>
    %div3A_62 = arith.divsi %sub3A_59, %div3A_61 : vector<128x1xi32>
    %sign3A_63 = arith.constant 0 : i32
    %sign3A_64 = vector.broadcast %sign3A_63 : i32 to vector<128x1xi32>
    %sign3A_65 = arith.cmpi sgt, %sub3A_59, %sign3A_64 : vector<128x1xi32>
    %sign3A_66 = arith.extui %sign3A_65 : vector<128x1xi1> to vector<128x1xi32>
    %sign3A_67 = arith.constant 0 : i32
    %sign3A_68 = vector.broadcast %sign3A_67 : i32 to vector<128x1xi32>
    %sign3A_69 = arith.cmpi slt, %sub3A_59, %sign3A_68 : vector<128x1xi32>
    %sign3A_70 = arith.extui %sign3A_69 : vector<128x1xi1> to vector<128x1xi32>
    %sign3A_71 = arith.subi %sign3A_66, %sign3A_70 : vector<128x1xi32>
    %sign3A_72 = arith.constant 0 : i32
    %sign3A_73 = arith.cmpi sgt, %jit3A_60, %sign3A_72 : i32
    %sign3A_74 = arith.extui %sign3A_73 : i1 to i32
    %sign3A_75 = arith.constant 0 : i32
    %sign3A_76 = arith.cmpi slt, %jit3A_60, %sign3A_75 : i32
    %sign3A_77 = arith.extui %sign3A_76 : i1 to i32
    %sign3A_78 = arith.subi %sign3A_74, %sign3A_77 : i32
    %ne3A_79 = vector.broadcast %sign3A_78 : i32 to vector<128x1xi32>
    %ne3A_80 = arith.cmpi ne, %sign3A_71, %ne3A_79 : vector<128x1xi32>
    %rem3A_81 = vector.broadcast %jit3A_60 : i32 to vector<128x1xi32>
    %rem3A_82 = arith.remsi %sub3A_59, %rem3A_81 : vector<128x1xi32>
    %ne3A_83 = arith.constant 0 : i32
    %ne3A_84 = vector.broadcast %ne3A_83 : i32 to vector<128x1xi32>
    %ne3A_85 = arith.cmpi ne, %rem3A_82, %ne3A_84 : vector<128x1xi32>
    %and3A_86 = arith.andi %ne3A_80, %ne3A_85 : vector<128x1xi1>
    %sub3A_87 = arith.constant 1 : i32
    %sub3A_88 = vector.broadcast %sub3A_87 : i32 to vector<128x1xi32>
    %sub3A_89 = arith.subi %div3A_62, %sub3A_88 : vector<128x1xi32>
    %select_n3A_90 = arith.select %and3A_86, %sub3A_89, %div3A_62 : vector<128x1xi1>, vector<128x1xi32>
    %jit3A_91 = arith.constant 0 : i32
    %jit3A_92 = arith.constant 31 : i32
    %max3A_93 = vector.broadcast %jit3A_91 : i32 to vector<128x1xi32>
    %max3A_94 = arith.maxsi %max3A_93, %select_n3A_90 : vector<128x1xi32>
    %min3A_95 = vector.broadcast %jit3A_92 : i32 to vector<128x1xi32>
    %min3A_96 = arith.minsi %min3A_95, %max3A_94 : vector<128x1xi32>
    %iota3A_97 = tpu.iota {dimensions = array<i32: 0>} : vector<128x1xi32>
    %lt3A_98 = arith.constant 32 : i32
    %lt3A_99 = vector.broadcast %lt3A_98 : i32 to vector<128x1xi32>
    %lt3A_100 = arith.cmpi slt, %iota3A_97, %lt3A_99 : vector<128x1xi32>
    %sub3A_101 = arith.subi %min3A_96, %min3A_54 : vector<128x1xi32>
    %add3A_102 = arith.constant 1 : i32
    %add3A_103 = vector.broadcast %add3A_102 : i32 to vector<128x1xi32>
    %add3A_104 = arith.addi %sub3A_101, %add3A_103 : vector<128x1xi32>
    %jit3A_105 = arith.constant 0 : i32
    %broadcast_in_dim3A_106 = vector.broadcast %jit3A_105 : i32 to vector<128x1xi32>
    %select_n3A_107 = arith.select %lt3A_100, %add3A_104, %broadcast_in_dim3A_106 : vector<128x1xi1>, vector<128x1xi32>
    %slice3A_108 = vector.extract_strided_slice %min3A_54 {offsets = [0, 0], sizes = [32, 1], strides = [1, 1]} : vector<128x1xi32> to vector<32x1xi32>
    %slice3A_109 = vector.extract_strided_slice %select_n3A_107 {offsets = [0, 0], sizes = [32, 1], strides = [1, 1]} : vector<128x1xi32> to vector<32x1xi32>
    %broadcast_in_dim3A_110 = vector.shape_cast %select_n3A_107 : vector<128x1xi32> to vector<128x1xi32>
    %broadcast_in_dim3A_111 = vector.broadcast %broadcast_in_dim3A_110 : vector<128x1xi32> to vector<128x128xi32>
    %transpose3A_112 = tpu.transpose %broadcast_in_dim3A_111, [1, 0] : vector<128x128xi32> -> vector<128x128xi32>
    %slice3A_113 = vector.extract_strided_slice %transpose3A_112 {offsets = [0, 0], sizes = [32, 128], strides = [1, 1]} : vector<128x128xi32> to vector<32x128xi32>
    %iota3A_114 = tpu.iota {dimensions = array<i32: 1>} : vector<32x128xi32>
    %iota3A_115 = tpu.iota {dimensions = array<i32: 0>} : vector<32x128xi32>
    %lt3A_116 = arith.cmpi slt, %iota3A_114, %iota3A_115 : vector<32x128xi32>
    %jit3A_117 = arith.constant 0 : i32
    %broadcast_in_dim3A_118 = vector.broadcast %jit3A_117 : i32 to vector<32x128xi32>
    %select_n3A_119 = arith.select %lt3A_116, %slice3A_113, %broadcast_in_dim3A_118 : vector<32x128xi1>, vector<32x128xi32>
    %reduce_sum3A_120 = arith.constant dense<0> : vector<32xi32>
    %reduce_sum3A_121 = vector.multi_reduction <add>, %select_n3A_119, %reduce_sum3A_120 [1] : vector<32x128xi32> to vector<32xi32>
    %broadcast_in_dim3A_122 = vector.shape_cast %reduce_sum3A_121 : vector<32xi32> to vector<32x1xi32>
    %slice3A_123 = vector.extract_strided_slice %slice3A_113 {offsets = [0, 0], sizes = [1, 128], strides = [1, 1]} : vector<32x128xi32> to vector<1x128xi32>
    %reduce_sum3A_124 = arith.constant dense<0> : vector<1xi32>
    %reduce_sum3A_125 = vector.multi_reduction <add>, %slice3A_123, %reduce_sum3A_124 [1] : vector<1x128xi32> to vector<1xi32>
    %broadcast_in_dim3A_126 = vector.shape_cast %reduce_sum3A_125 : vector<1xi32> to vector<1x1xi32>
    %iota3A_127 = tpu.iota {dimensions = array<i32: 1>} : vector<32x1024xi32>
    %broadcast_in_dim3A_128 = vector.shape_cast %broadcast_in_dim3A_122 : vector<32x1xi32> to vector<32x1xi32>
    %broadcast_in_dim3A_129 = vector.broadcast %broadcast_in_dim3A_128 : vector<32x1xi32> to vector<32x1024xi32>
    %add3A_130 = arith.addi %broadcast_in_dim3A_122, %slice3A_109 : vector<32x1xi32>
    %broadcast_in_dim3A_131 = vector.shape_cast %add3A_130 : vector<32x1xi32> to vector<32x1xi32>
    %broadcast_in_dim3A_132 = vector.broadcast %broadcast_in_dim3A_131 : vector<32x1xi32> to vector<32x1024xi32>
    %le3A = arith.cmpi sle, %broadcast_in_dim3A_132, %iota3A_127 : vector<32x1024xi32>
    %convert_element_type3A = arith.extui %le3A : vector<32x1024xi1> to vector<32x1024xi32>
    %reduce_sum3A_133 = arith.constant dense<0> : vector<1024xi32>
    %reduce_sum3A_134 = vector.multi_reduction <add>, %convert_element_type3A, %reduce_sum3A_133 [0] : vector<32x1024xi32> to vector<1024xi32>
    %broadcast_in_dim3A_135 = vector.shape_cast %reduce_sum3A_134 : vector<1024xi32> to vector<1x1024xi32>
    %le3A_136 = arith.cmpi sle, %broadcast_in_dim3A_129, %iota3A_127 : vector<32x1024xi32>
    %lt3A_137 = arith.cmpi slt, %iota3A_127, %broadcast_in_dim3A_132 : vector<32x1024xi32>
    %and3A_138 = arith.andi %le3A_136, %lt3A_137 : vector<32x1024xi1>
    %convert_element_type3A_139 = arith.extui %and3A_138 : vector<32x1024xi1> to vector<32x1024xi32>
    %broadcast_in_dim3A_140 = vector.shape_cast %slice3A_108 : vector<32x1xi32> to vector<32x1xi32>
    %broadcast_in_dim3A_141 = vector.broadcast %broadcast_in_dim3A_140 : vector<32x1xi32> to vector<32x1024xi32>
    %mul3A_142 = arith.muli %convert_element_type3A_139, %broadcast_in_dim3A_141 : vector<32x1024xi32>
    %reduce_sum3A_143 = arith.constant dense<0> : vector<1024xi32>
    %reduce_sum3A_144 = vector.multi_reduction <add>, %mul3A_142, %reduce_sum3A_143 [0] : vector<32x1024xi32> to vector<1024xi32>
    %broadcast_in_dim3A_145 = vector.shape_cast %reduce_sum3A_144 : vector<1024xi32> to vector<1x1024xi32>
    %mul3A_146 = arith.muli %convert_element_type3A_139, %broadcast_in_dim3A_129 : vector<32x1024xi32>
    %reduce_sum3A_147 = arith.constant dense<0> : vector<1024xi32>
    %reduce_sum3A_148 = vector.multi_reduction <add>, %mul3A_146, %reduce_sum3A_147 [0] : vector<32x1024xi32> to vector<1024xi32>
    %broadcast_in_dim3A_149 = vector.shape_cast %reduce_sum3A_148 : vector<1024xi32> to vector<1x1024xi32>
    %slice3A_150 = vector.extract_strided_slice %iota3A_127 {offsets = [0, 0], sizes = [1, 1024], strides = [1, 1]} : vector<32x1024xi32> to vector<1x1024xi32>
    %add3A_151 = arith.addi %broadcast_in_dim3A_145, %slice3A_150 : vector<1x1024xi32>
    %sub3A_152 = arith.subi %add3A_151, %broadcast_in_dim3A_149 : vector<1x1024xi32>
    %jit3A_153 = arith.constant 0 : i32
    %jit3A_154 = arith.constant 31 : i32
    %max3A_155 = vector.broadcast %jit3A_153 : i32 to vector<1x1024xi32>
    %max3A_156 = arith.maxsi %max3A_155, %broadcast_in_dim3A_135 : vector<1x1024xi32>
    %min3A_157 = vector.broadcast %jit3A_154 : i32 to vector<1x1024xi32>
    %min3A_158 = arith.minsi %min3A_157, %max3A_156 : vector<1x1024xi32>
    %jit3A_159 = arith.constant 0 : i32
    %jit3A_160 = arith.constant 31 : i32
    %max3A_161 = vector.broadcast %jit3A_159 : i32 to vector<1x1024xi32>
    %max3A_162 = arith.maxsi %max3A_161, %sub3A_152 : vector<1x1024xi32>
    %min3A_163 = vector.broadcast %jit3A_160 : i32 to vector<1x1024xi32>
    %min3A_164 = arith.minsi %min3A_163, %max3A_162 : vector<1x1024xi32>
    %mul3A_165 = arith.constant 512 : i32
    %mul3A_166 = vector.broadcast %mul3A_165 : i32 to vector<128x16xi32>
    %mul3A_167 = arith.muli %iota3A, %mul3A_166 : vector<128x16xi32>
    %le3A_168 = arith.cmpi sle, %transpose3A, %mul3A_167 : vector<128x16xi32>
    %add3A_169 = arith.constant 1 : i32
    %add3A_170 = vector.broadcast %add3A_169 : i32 to vector<128x16xi32>
    %add3A_171 = arith.addi %iota3A, %add3A_170 : vector<128x16xi32>
    %mul3A_172 = arith.constant 512 : i32
    %mul3A_173 = vector.broadcast %mul3A_172 : i32 to vector<128x16xi32>
    %mul3A_174 = arith.muli %add3A_171, %mul3A_173 : vector<128x16xi32>
    %ge3A = arith.cmpi sge, %transpose3A_11, %mul3A_174 : vector<128x16xi32>
    %and3A_175 = arith.andi %le3A_168, %ge3A : vector<128x16xi1>
    %iota3A_176 = tpu.iota {dimensions = array<i32: 1>} : vector<128x16xi32>
    %convert_element_type3A_177 = arith.extui %and3A_175 : vector<128x16xi1> to vector<128x16xi32>
    %reduce_max3A_178 = arith.constant dense<-2147483648> : vector<128xi32>
    %reduce_max3A_179 = vector.multi_reduction <maxsi>, %convert_element_type3A_177, %reduce_max3A_178 [1] : vector<128x16xi32> to vector<128xi32>
    %broadcast_in_dim3A_180 = vector.shape_cast %reduce_max3A_179 : vector<128xi32> to vector<128x1xi32>
    %jit3A_181 = arith.constant 0 : i32
    %broadcast_in_dim3A_182 = vector.broadcast %jit3A_181 : i32 to vector<128x16xi32>
    %select_n3A_183 = arith.select %and3A_175, %iota3A_176, %broadcast_in_dim3A_182 : vector<128x16xi1>, vector<128x16xi32>
    %reduce_sum3A_184 = arith.constant dense<0> : vector<128xi32>
    %reduce_sum3A_185 = vector.multi_reduction <add>, %select_n3A_183, %reduce_sum3A_184 [1] : vector<128x16xi32> to vector<128xi32>
    %broadcast_in_dim3A_186 = vector.shape_cast %reduce_sum3A_185 : vector<128xi32> to vector<128x1xi32>
    %slice3A_187 = vector.extract_strided_slice %broadcast_in_dim3A_180 {offsets = [0, 0], sizes = [32, 1], strides = [1, 1]} : vector<128x1xi32> to vector<32x1xi32>
    %broadcast_in_dim3A_188 = vector.shape_cast %slice3A_187 : vector<32x1xi32> to vector<32x1xi32>
    %broadcast_in_dim3A_189 = vector.broadcast %broadcast_in_dim3A_188 : vector<32x1xi32> to vector<32x1024xi32>
    %slice3A_190 = vector.extract_strided_slice %broadcast_in_dim3A_186 {offsets = [0, 0], sizes = [32, 1], strides = [1, 1]} : vector<128x1xi32> to vector<32x1xi32>
    %broadcast_in_dim3A_191 = vector.shape_cast %slice3A_190 : vector<32x1xi32> to vector<32x1xi32>
    %broadcast_in_dim3A_192 = vector.broadcast %broadcast_in_dim3A_191 : vector<32x1xi32> to vector<32x1024xi32>
    %iota3A_193 = tpu.iota {dimensions = array<i32: 0>} : vector<32x1024xi32>
    %broadcast_in_dim3A_194 = vector.shape_cast %min3A_164 : vector<1x1024xi32> to vector<1x1024xi32>
    %broadcast_in_dim3A_195 = vector.broadcast %broadcast_in_dim3A_194 : vector<1x1024xi32> to vector<32x1024xi32>
    %eq3A = arith.cmpi eq, %broadcast_in_dim3A_195, %iota3A_193 : vector<32x1024xi32>
    %convert_element_type3A_196 = arith.extui %eq3A : vector<32x1024xi1> to vector<32x1024xi32>
    %mul3A_197 = arith.muli %convert_element_type3A_139, %broadcast_in_dim3A_189 : vector<32x1024xi32>
    %reduce_sum3A_198 = arith.constant dense<0> : vector<1024xi32>
    %reduce_sum3A_199 = vector.multi_reduction <add>, %mul3A_197, %reduce_sum3A_198 [0] : vector<32x1024xi32> to vector<1024xi32>
    %broadcast_in_dim3A_200 = vector.shape_cast %reduce_sum3A_199 : vector<1024xi32> to vector<1x1024xi32>
    %mul3A_201 = arith.muli %convert_element_type3A_139, %broadcast_in_dim3A_192 : vector<32x1024xi32>
    %reduce_sum3A_202 = arith.constant dense<0> : vector<1024xi32>
    %reduce_sum3A_203 = vector.multi_reduction <add>, %mul3A_201, %reduce_sum3A_202 [0] : vector<32x1024xi32> to vector<1024xi32>
    %broadcast_in_dim3A_204 = vector.shape_cast %reduce_sum3A_203 : vector<1024xi32> to vector<1x1024xi32>
    %mul3A_205 = arith.muli %convert_element_type3A_196, %broadcast_in_dim3A_189 : vector<32x1024xi32>
    %reduce_sum3A_206 = arith.constant dense<0> : vector<1024xi32>
    %reduce_sum3A_207 = vector.multi_reduction <add>, %mul3A_205, %reduce_sum3A_206 [0] : vector<32x1024xi32> to vector<1024xi32>
    %broadcast_in_dim3A_208 = vector.shape_cast %reduce_sum3A_207 : vector<1024xi32> to vector<1x1024xi32>
    %mul3A_209 = arith.muli %convert_element_type3A_196, %broadcast_in_dim3A_192 : vector<32x1024xi32>
    %reduce_sum3A_210 = arith.constant dense<0> : vector<1024xi32>
    %reduce_sum3A_211 = vector.multi_reduction <add>, %mul3A_209, %reduce_sum3A_210 [0] : vector<32x1024xi32> to vector<1024xi32>
    %broadcast_in_dim3A_212 = vector.shape_cast %reduce_sum3A_211 : vector<1024xi32> to vector<1x1024xi32>
    %eq3A_213 = arith.constant 1 : i32
    %eq3A_214 = vector.broadcast %eq3A_213 : i32 to vector<1x1024xi32>
    %eq3A_215 = arith.cmpi eq, %broadcast_in_dim3A_200, %eq3A_214 : vector<1x1024xi32>
    %eq3A_216 = arith.constant 1 : i32
    %eq3A_217 = vector.broadcast %eq3A_216 : i32 to vector<1x1024xi32>
    %eq3A_218 = arith.cmpi eq, %broadcast_in_dim3A_208, %eq3A_217 : vector<1x1024xi32>
    %and3A_219 = arith.andi %eq3A_215, %eq3A_218 : vector<1x1024xi1>
    %eq3A_220 = arith.cmpi eq, %broadcast_in_dim3A_204, %broadcast_in_dim3A_212 : vector<1x1024xi32>
    %and3A_221 = arith.andi %and3A_219, %eq3A_220 : vector<1x1024xi1>
    %convert_element_type3A_222 = arith.extui %and3A_221 : vector<1x1024xi1> to vector<1x1024xi32>
    %swap3A = arith.constant 0 : index
    %swap3A_223 = arith.constant 0 : index
    %swap3A_224 = vector.load %arg1[%swap3A, %swap3A_223] : memref<1x1024xi32, #tpu.memory_space<vmem>>, vector<1x1024xi32>
    tpu.vector_store %arg1[%swap3A, %swap3A_223], %min3A_158 {strides = array<i32>} : memref<1x1024xi32, #tpu.memory_space<vmem>>, vector<1x1024xi32>,
    %swap3A_225 = arith.constant 0 : index
    %swap3A_226 = arith.constant 0 : index
    %swap3A_227 = vector.load %arg2[%swap3A_225, %swap3A_226] : memref<1x1024xi32, #tpu.memory_space<vmem>>, vector<1x1024xi32>
    tpu.vector_store %arg2[%swap3A_225, %swap3A_226], %min3A_164 {strides = array<i32>} : memref<1x1024xi32, #tpu.memory_space<vmem>>, vector<1x1024xi32>,
    %swap3A_228 = arith.constant 0 : index
    %swap3A_229 = arith.constant 0 : index
    %swap3A_230 = vector.load %arg3[%swap3A_228, %swap3A_229] : memref<1x1024xi32, #tpu.memory_space<vmem>>, vector<1x1024xi32>
    tpu.vector_store %arg3[%swap3A_228, %swap3A_229], %convert_element_type3A_222 {strides = array<i32>} : memref<1x1024xi32, #tpu.memory_space<vmem>>, vector<1x1024xi32>,
    %broadcast_in_dim3A_231 = vector.shape_cast %broadcast_in_dim3A_126 : vector<1x1xi32> to vector<1x1xi32>
    %broadcast_in_dim3A_232 = vector.broadcast %broadcast_in_dim3A_231 : vector<1x1xi32> to vector<1x128xi32>
    %swap3A_233 = arith.constant 0 : index
    %swap3A_234 = arith.constant 0 : index
    %swap3A_235 = vector.load %arg4[%swap3A_233, %swap3A_234] : memref<1x128xi32, #tpu.memory_space<vmem>>, vector<1x128xi32>
    tpu.vector_store %arg4[%swap3A_233, %swap3A_234], %broadcast_in_dim3A_232 {strides = array<i32>} : memref<1x128xi32, #tpu.memory_space<vmem>>, vector<1x128xi32>,
    return
  }
}

module attributes {stable_mosaic.version = 14 : i64} {
  func.func @_attn_kernel(%arg0: i32, %arg1: memref<1024xi32, #tpu.memory_space<smem>>, %arg2: memref<1024xi32, #tpu.memory_space<smem>>, %arg3: memref<1024xi32, #tpu.memory_space<smem>>, %arg4: memref<8x512x64xbf16, #tpu.memory_space<vmem>>, %arg5: memref<8x512x64xbf16, #tpu.memory_space<vmem>>, %arg6: memref<8x512x128xbf16, #tpu.memory_space<vmem>>, %arg7: memref<1x1x512xi32, #tpu.memory_space<vmem>>, %arg8: memref<1x1x512xi32, #tpu.memory_space<vmem>>, %arg9: memref<512x512xf32, #tpu.memory_space<vmem>>, %arg10: memref<512x512xbf16, #tpu.memory_space<vmem>>, %arg11: memref<1x512xf32, #tpu.memory_space<vmem>>, %arg12: memref<1x512xf32, #tpu.memory_space<vmem>>, %arg13: memref<1x512xf32, #tpu.memory_space<vmem>>, %arg14: memref<512x2048xbf16, #tpu.memory_space<vmem>>, %arg15: memref<1x2048xf32, #tpu.memory_space<vmem>>, %arg16: memref<2048x512xbf16, #tpu.memory_space<vmem>>, %arg17: memref<1x512xf32, #tpu.memory_space<vmem>>, %arg18: memref<1x512xf32, #tpu.memory_space<vmem>>, %arg19: memref<1x512xf32, #tpu.memory_space<vmem>>, %arg20: memref<512x512xf32, #tpu.memory_space<vmem>>, %arg21: memref<8x512x128xf32, #tpu.memory_space<vmem>>, %arg22: memref<8x512x128xbf16, #tpu.memory_space<vmem>>) attributes {dimension_semantics = [#tpu.dimension_semantics<arbitrary>], iteration_bounds = array<i64: -9223372036854775808>, scalar_prefetch = 3 : i64, scratch_operands = 2 : i64, tpu.core_type = #tpu.core_type<tc>, window_params = [{transform_indices = @transform_0, window_bounds = array<i64: 8, 512, 64>}, {transform_indices = @transform_1, window_bounds = array<i64: 8, 512, 64>}, {transform_indices = @transform_2, window_bounds = array<i64: 8, 512, 128>}, {transform_indices = @transform_3, window_bounds = array<i64: 1, 1, 512>}, {transform_indices = @transform_4, window_bounds = array<i64: 1, 1, 512>}, {transform_indices = @transform_5, window_bounds = array<i64: 512, 512>}, {pipeline_mode = #tpu.pipeline_mode<synchronous>, transform_indices = @transform_6, window_bounds = array<i64: 512, 512>}, {pipeline_mode = #tpu.pipeline_mode<synchronous>, transform_indices = @transform_7, window_bounds = array<i64: 1, 512>}, {pipeline_mode = #tpu.pipeline_mode<synchronous>, transform_indices = @transform_8, window_bounds = array<i64: 1, 512>}, {pipeline_mode = #tpu.pipeline_mode<synchronous>, transform_indices = @transform_9, window_bounds = array<i64: 1, 512>}, {pipeline_mode = #tpu.pipeline_mode<synchronous>, transform_indices = @transform_10, window_bounds = array<i64: 512, 2048>}, {pipeline_mode = #tpu.pipeline_mode<synchronous>, transform_indices = @transform_11, window_bounds = array<i64: 1, 2048>}, {pipeline_mode = #tpu.pipeline_mode<synchronous>, transform_indices = @transform_12, window_bounds = array<i64: 2048, 512>}, {pipeline_mode = #tpu.pipeline_mode<synchronous>, transform_indices = @transform_13, window_bounds = array<i64: 1, 512>}, {pipeline_mode = #tpu.pipeline_mode<synchronous>, transform_indices = @transform_14, window_bounds = array<i64: 1, 512>}, {pipeline_mode = #tpu.pipeline_mode<synchronous>, transform_indices = @transform_15, window_bounds = array<i64: 1, 512>}, {transform_indices = @transform_16, window_bounds = array<i64: 512, 512>}]} {
    %get3A = arith.index_cast %arg0 : i32 to index
    %get3A_0 = memref.load %arg1[%get3A] : memref<1024xi32, #tpu.memory_space<smem>>
    %eq3A = arith.constant 0 : i32
    %eq3A_1 = arith.cmpi eq, %arg0, %eq3A : i32
    %sub3A = arith.constant 1 : i32
    %sub3A_2 = arith.subi %arg0, %sub3A : i32
    %max3A = arith.constant 0 : i32
    %max3A_3 = arith.maxsi %sub3A_2, %max3A : i32
    %get3A_4 = arith.index_cast %max3A_3 : i32 to index
    %get3A_5 = memref.load %arg1[%get3A_4] : memref<1024xi32, #tpu.memory_space<smem>>
    %ne3A = arith.cmpi ne, %get3A_5, %get3A_0 : i32
    %or3A = arith.ori %eq3A_1, %ne3A : i1
    %get3A_6 = arith.index_cast %arg0 : i32 to index
    %get3A_7 = memref.load %arg3[%get3A_6] : memref<1024xi32, #tpu.memory_space<smem>>
    %ne3A_8 = arith.constant 0 : i32
    %ne3A_9 = arith.cmpi ne, %get3A_7, %ne3A_8 : i32
    %and3A = arith.andi %or3A, %ne3A_9 : i1
    %convert_element_type3A = arith.extui %and3A : i1 to i32
    %cond3A = arith.constant 0 : i32
    %cond3A_10 = arith.cmpi ne, %convert_element_type3A, %cond3A : i32
    scf.if %cond3A_10 {
      %get3A_42 = arith.constant 0 : index
      %get3A_43 = arith.constant 0 : index
      %get3A_44 = arith.constant 0 : index
      %get3A_45 = vector.load %arg4[%get3A_42, %get3A_43, %get3A_44] : memref<8x512x64xbf16, #tpu.memory_space<vmem>>, vector<1x512x64xbf16>
      %get3A_46 = vector.shape_cast %get3A_45 : vector<1x512x64xbf16> to vector<512x64xbf16>
      %get3A_47 = arith.constant 0 : index
      %get3A_48 = arith.constant 0 : index
      %get3A_49 = arith.constant 0 : index
      %get3A_50 = vector.load %arg5[%get3A_47, %get3A_48, %get3A_49] : memref<8x512x64xbf16, #tpu.memory_space<vmem>>, vector<1x512x64xbf16>
      %get3A_51 = vector.shape_cast %get3A_50 : vector<1x512x64xbf16> to vector<512x64xbf16>
      %dot_general3A = arith.constant dense<0.000000e+00> : vector<512x512xf32>
      %dot_general3A_52 = tpu.matmul %get3A_46, %get3A_51, %dot_general3A {dimension_numbers = #tpu.dot_dimension_numbers<[1], [1], [0], [0], [0, 0, 1, 0], [], []>, transpose_lhs_hint = false} : vector<512x64xbf16>, vector<512x64xbf16>, vector<512x512xf32> -> vector<512x512xf32>
      %convert_element_type3A_53 = arith.truncf %dot_general3A_52 : vector<512x512xf32> to vector<512x512xbf16>
      %reduce_max3A = arith.constant dense<0xFF80> : vector<512xbf16>
      %reduce_max3A_54 = vector.multi_reduction <maximumf>, %convert_element_type3A_53, %reduce_max3A [1] : vector<512x512xbf16> to vector<512xbf16>
      %broadcast_in_dim3A = vector.shape_cast %reduce_max3A_54 : vector<512xbf16> to vector<512x1xbf16>
      %sub3A_55 = vector.broadcast %broadcast_in_dim3A : vector<512x1xbf16> to vector<512x512xbf16>
      %sub3A_56 = arith.subf %convert_element_type3A_53, %sub3A_55 : vector<512x512xbf16>
      %exp3A = math.exp %sub3A_56 : vector<512x512xbf16>
      %get3A_57 = arith.constant 0 : index
      %get3A_58 = arith.constant 0 : index
      %get3A_59 = arith.constant 0 : index
      %get3A_60 = vector.load %arg6[%get3A_57, %get3A_58, %get3A_59] : memref<8x512x128xbf16, #tpu.memory_space<vmem>>, vector<1x512x128xbf16>
      %get3A_61 = vector.shape_cast %get3A_60 : vector<1x512x128xbf16> to vector<512x128xbf16>
      %dot_general3A_62 = arith.constant dense<0.000000e+00> : vector<512x128xf32>
      %dot_general3A_63 = tpu.matmul %exp3A, %get3A_61, %dot_general3A_62 {dimension_numbers = #tpu.dot_dimension_numbers<[1], [0], [0], [1], [0, 0, 1, 1], [], []>, transpose_lhs_hint = false} : vector<512x512xbf16>, vector<512x128xbf16>, vector<512x128xf32> -> vector<512x128xf32>
      %swap3A = arith.constant 0 : index
      %swap3A_64 = arith.constant 0 : index
      %swap3A_65 = arith.constant 0 : index
      %swap3A_66 = vector.load %arg21[%swap3A, %swap3A_64, %swap3A_65] : memref<8x512x128xf32, #tpu.memory_space<vmem>>, vector<1x512x128xf32>
      %swap3A_67 = vector.shape_cast %swap3A_66 : vector<1x512x128xf32> to vector<512x128xf32>
      %swap3A_68 = vector.shape_cast %dot_general3A_63 : vector<512x128xf32> to vector<1x512x128xf32>
      tpu.vector_store %arg21[%swap3A, %swap3A_64, %swap3A_65], %swap3A_68 {strides = array<i32>} : memref<8x512x128xf32, #tpu.memory_space<vmem>>, vector<1x512x128xf32>,
      %broadcast_in_dim3A_69 = vector.shape_cast %broadcast_in_dim3A : vector<512x1xbf16> to vector<512x1xbf16>
      %broadcast_in_dim3A_70 = vector.broadcast %broadcast_in_dim3A_69 : vector<512x1xbf16> to vector<512x128xbf16>
      %swap3A_71 = arith.constant 0 : index
      %swap3A_72 = arith.constant 0 : index
      %swap3A_73 = arith.constant 0 : index
      %swap3A_74 = vector.load %arg22[%swap3A_71, %swap3A_72, %swap3A_73] : memref<8x512x128xbf16, #tpu.memory_space<vmem>>, vector<1x512x128xbf16>
      %swap3A_75 = vector.shape_cast %swap3A_74 : vector<1x512x128xbf16> to vector<512x128xbf16>
      %swap3A_76 = vector.shape_cast %broadcast_in_dim3A_70 : vector<512x128xbf16> to vector<1x512x128xbf16>
      tpu.vector_store %arg22[%swap3A_71, %swap3A_72, %swap3A_73], %swap3A_76 {strides = array<i32>} : memref<8x512x128xbf16, #tpu.memory_space<vmem>>, vector<1x512x128xbf16>,
      %get3A_77 = arith.constant 1 : index
      %get3A_78 = arith.constant 0 : index
      %get3A_79 = arith.constant 0 : index
      %get3A_80 = vector.load %arg4[%get3A_77, %get3A_78, %get3A_79] : memref<8x512x64xbf16, #tpu.memory_space<vmem>>, vector<1x512x64xbf16>
      %get3A_81 = vector.shape_cast %get3A_80 : vector<1x512x64xbf16> to vector<512x64xbf16>
      %get3A_82 = arith.constant 1 : index
      %get3A_83 = arith.constant 0 : index
      %get3A_84 = arith.constant 0 : index
      %get3A_85 = vector.load %arg5[%get3A_82, %get3A_83, %get3A_84] : memref<8x512x64xbf16, #tpu.memory_space<vmem>>, vector<1x512x64xbf16>
      %get3A_86 = vector.shape_cast %get3A_85 : vector<1x512x64xbf16> to vector<512x64xbf16>
      %dot_general3A_87 = arith.constant dense<0.000000e+00> : vector<512x512xf32>
      %dot_general3A_88 = tpu.matmul %get3A_81, %get3A_86, %dot_general3A_87 {dimension_numbers = #tpu.dot_dimension_numbers<[1], [1], [0], [0], [0, 0, 1, 0], [], []>, transpose_lhs_hint = false} : vector<512x64xbf16>, vector<512x64xbf16>, vector<512x512xf32> -> vector<512x512xf32>
      %convert_element_type3A_89 = arith.truncf %dot_general3A_88 : vector<512x512xf32> to vector<512x512xbf16>
      %reduce_max3A_90 = arith.constant dense<0xFF80> : vector<512xbf16>
      %reduce_max3A_91 = vector.multi_reduction <maximumf>, %convert_element_type3A_89, %reduce_max3A_90 [1] : vector<512x512xbf16> to vector<512xbf16>
      %broadcast_in_dim3A_92 = vector.shape_cast %reduce_max3A_91 : vector<512xbf16> to vector<512x1xbf16>
      %sub3A_93 = vector.broadcast %broadcast_in_dim3A_92 : vector<512x1xbf16> to vector<512x512xbf16>
      %sub3A_94 = arith.subf %convert_element_type3A_89, %sub3A_93 : vector<512x512xbf16>
      %exp3A_95 = math.exp %sub3A_94 : vector<512x512xbf16>
      %get3A_96 = arith.constant 1 : index
      %get3A_97 = arith.constant 0 : index
      %get3A_98 = arith.constant 0 : index
      %get3A_99 = vector.load %arg6[%get3A_96, %get3A_97, %get3A_98] : memref<8x512x128xbf16, #tpu.memory_space<vmem>>, vector<1x512x128xbf16>
      %get3A_100 = vector.shape_cast %get3A_99 : vector<1x512x128xbf16> to vector<512x128xbf16>
      %dot_general3A_101 = arith.constant dense<0.000000e+00> : vector<512x128xf32>
      %dot_general3A_102 = tpu.matmul %exp3A_95, %get3A_100, %dot_general3A_101 {dimension_numbers = #tpu.dot_dimension_numbers<[1], [0], [0], [1], [0, 0, 1, 1], [], []>, transpose_lhs_hint = false} : vector<512x512xbf16>, vector<512x128xbf16>, vector<512x128xf32> -> vector<512x128xf32>
      %swap3A_103 = arith.constant 1 : index
      %swap3A_104 = arith.constant 0 : index
      %swap3A_105 = arith.constant 0 : index
      %swap3A_106 = vector.load %arg21[%swap3A_103, %swap3A_104, %swap3A_105] : memref<8x512x128xf32, #tpu.memory_space<vmem>>, vector<1x512x128xf32>
      %swap3A_107 = vector.shape_cast %swap3A_106 : vector<1x512x128xf32> to vector<512x128xf32>
      %swap3A_108 = vector.shape_cast %dot_general3A_102 : vector<512x128xf32> to vector<1x512x128xf32>
      tpu.vector_store %arg21[%swap3A_103, %swap3A_104, %swap3A_105], %swap3A_108 {strides = array<i32>} : memref<8x512x128xf32, #tpu.memory_space<vmem>>, vector<1x512x128xf32>,
      %broadcast_in_dim3A_109 = vector.shape_cast %broadcast_in_dim3A_92 : vector<512x1xbf16> to vector<512x1xbf16>
      %broadcast_in_dim3A_110 = vector.broadcast %broadcast_in_dim3A_109 : vector<512x1xbf16> to vector<512x128xbf16>
      %swap3A_111 = arith.constant 1 : index
      %swap3A_112 = arith.constant 0 : index
      %swap3A_113 = arith.constant 0 : index
      %swap3A_114 = vector.load %arg22[%swap3A_111, %swap3A_112, %swap3A_113] : memref<8x512x128xbf16, #tpu.memory_space<vmem>>, vector<1x512x128xbf16>
      %swap3A_115 = vector.shape_cast %swap3A_114 : vector<1x512x128xbf16> to vector<512x128xbf16>
      %swap3A_116 = vector.shape_cast %broadcast_in_dim3A_110 : vector<512x128xbf16> to vector<1x512x128xbf16>
      tpu.vector_store %arg22[%swap3A_111, %swap3A_112, %swap3A_113], %swap3A_116 {strides = array<i32>} : memref<8x512x128xbf16, #tpu.memory_space<vmem>>, vector<1x512x128xbf16>,
      %get3A_117 = arith.constant 2 : index
      %get3A_118 = arith.constant 0 : index
      %get3A_119 = arith.constant 0 : index
      %get3A_120 = vector.load %arg4[%get3A_117, %get3A_118, %get3A_119] : memref<8x512x64xbf16, #tpu.memory_space<vmem>>, vector<1x512x64xbf16>
      %get3A_121 = vector.shape_cast %get3A_120 : vector<1x512x64xbf16> to vector<512x64xbf16>
      %get3A_122 = arith.constant 2 : index
      %get3A_123 = arith.constant 0 : index
      %get3A_124 = arith.constant 0 : index
      %get3A_125 = vector.load %arg5[%get3A_122, %get3A_123, %get3A_124] : memref<8x512x64xbf16, #tpu.memory_space<vmem>>, vector<1x512x64xbf16>
      %get3A_126 = vector.shape_cast %get3A_125 : vector<1x512x64xbf16> to vector<512x64xbf16>
      %dot_general3A_127 = arith.constant dense<0.000000e+00> : vector<512x512xf32>
      %dot_general3A_128 = tpu.matmul %get3A_121, %get3A_126, %dot_general3A_127 {dimension_numbers = #tpu.dot_dimension_numbers<[1], [1], [0], [0], [0, 0, 1, 0], [], []>, transpose_lhs_hint = false} : vector<512x64xbf16>, vector<512x64xbf16>, vector<512x512xf32> -> vector<512x512xf32>
      %convert_element_type3A_129 = arith.truncf %dot_general3A_128 : vector<512x512xf32> to vector<512x512xbf16>
      %reduce_max3A_130 = arith.constant dense<0xFF80> : vector<512xbf16>
      %reduce_max3A_131 = vector.multi_reduction <maximumf>, %convert_element_type3A_129, %reduce_max3A_130 [1] : vector<512x512xbf16> to vector<512xbf16>
      %broadcast_in_dim3A_132 = vector.shape_cast %reduce_max3A_131 : vector<512xbf16> to vector<512x1xbf16>
      %sub3A_133 = vector.broadcast %broadcast_in_dim3A_132 : vector<512x1xbf16> to vector<512x512xbf16>
      %sub3A_134 = arith.subf %convert_element_type3A_129, %sub3A_133 : vector<512x512xbf16>
      %exp3A_135 = math.exp %sub3A_134 : vector<512x512xbf16>
      %get3A_136 = arith.constant 2 : index
      %get3A_137 = arith.constant 0 : index
      %get3A_138 = arith.constant 0 : index
      %get3A_139 = vector.load %arg6[%get3A_136, %get3A_137, %get3A_138] : memref<8x512x128xbf16, #tpu.memory_space<vmem>>, vector<1x512x128xbf16>
      %get3A_140 = vector.shape_cast %get3A_139 : vector<1x512x128xbf16> to vector<512x128xbf16>
      %dot_general3A_141 = arith.constant dense<0.000000e+00> : vector<512x128xf32>
      %dot_general3A_142 = tpu.matmul %exp3A_135, %get3A_140, %dot_general3A_141 {dimension_numbers = #tpu.dot_dimension_numbers<[1], [0], [0], [1], [0, 0, 1, 1], [], []>, transpose_lhs_hint = false} : vector<512x512xbf16>, vector<512x128xbf16>, vector<512x128xf32> -> vector<512x128xf32>
      %swap3A_143 = arith.constant 2 : index
      %swap3A_144 = arith.constant 0 : index
      %swap3A_145 = arith.constant 0 : index
      %swap3A_146 = vector.load %arg21[%swap3A_143, %swap3A_144, %swap3A_145] : memref<8x512x128xf32, #tpu.memory_space<vmem>>, vector<1x512x128xf32>
      %swap3A_147 = vector.shape_cast %swap3A_146 : vector<1x512x128xf32> to vector<512x128xf32>
      %swap3A_148 = vector.shape_cast %dot_general3A_142 : vector<512x128xf32> to vector<1x512x128xf32>
      tpu.vector_store %arg21[%swap3A_143, %swap3A_144, %swap3A_145], %swap3A_148 {strides = array<i32>} : memref<8x512x128xf32, #tpu.memory_space<vmem>>, vector<1x512x128xf32>,
      %broadcast_in_dim3A_149 = vector.shape_cast %broadcast_in_dim3A_132 : vector<512x1xbf16> to vector<512x1xbf16>
      %broadcast_in_dim3A_150 = vector.broadcast %broadcast_in_dim3A_149 : vector<512x1xbf16> to vector<512x128xbf16>
      %swap3A_151 = arith.constant 2 : index
      %swap3A_152 = arith.constant 0 : index
      %swap3A_153 = arith.constant 0 : index
      %swap3A_154 = vector.load %arg22[%swap3A_151, %swap3A_152, %swap3A_153] : memref<8x512x128xbf16, #tpu.memory_space<vmem>>, vector<1x512x128xbf16>
      %swap3A_155 = vector.shape_cast %swap3A_154 : vector<1x512x128xbf16> to vector<512x128xbf16>
      %swap3A_156 = vector.shape_cast %broadcast_in_dim3A_150 : vector<512x128xbf16> to vector<1x512x128xbf16>
      tpu.vector_store %arg22[%swap3A_151, %swap3A_152, %swap3A_153], %swap3A_156 {strides = array<i32>} : memref<8x512x128xbf16, #tpu.memory_space<vmem>>, vector<1x512x128xbf16>,
      %get3A_157 = arith.constant 3 : index
      %get3A_158 = arith.constant 0 : index
      %get3A_159 = arith.constant 0 : index
      %get3A_160 = vector.load %arg4[%get3A_157, %get3A_158, %get3A_159] : memref<8x512x64xbf16, #tpu.memory_space<vmem>>, vector<1x512x64xbf16>
      %get3A_161 = vector.shape_cast %get3A_160 : vector<1x512x64xbf16> to vector<512x64xbf16>
      %get3A_162 = arith.constant 3 : index
      %get3A_163 = arith.constant 0 : index
      %get3A_164 = arith.constant 0 : index
      %get3A_165 = vector.load %arg5[%get3A_162, %get3A_163, %get3A_164] : memref<8x512x64xbf16, #tpu.memory_space<vmem>>, vector<1x512x64xbf16>
      %get3A_166 = vector.shape_cast %get3A_165 : vector<1x512x64xbf16> to vector<512x64xbf16>
      %dot_general3A_167 = arith.constant dense<0.000000e+00> : vector<512x512xf32>
      %dot_general3A_168 = tpu.matmul %get3A_161, %get3A_166, %dot_general3A_167 {dimension_numbers = #tpu.dot_dimension_numbers<[1], [1], [0], [0], [0, 0, 1, 0], [], []>, transpose_lhs_hint = false} : vector<512x64xbf16>, vector<512x64xbf16>, vector<512x512xf32> -> vector<512x512xf32>
      %convert_element_type3A_169 = arith.truncf %dot_general3A_168 : vector<512x512xf32> to vector<512x512xbf16>
      %reduce_max3A_170 = arith.constant dense<0xFF80> : vector<512xbf16>
      %reduce_max3A_171 = vector.multi_reduction <maximumf>, %convert_element_type3A_169, %reduce_max3A_170 [1] : vector<512x512xbf16> to vector<512xbf16>
      %broadcast_in_dim3A_172 = vector.shape_cast %reduce_max3A_171 : vector<512xbf16> to vector<512x1xbf16>
      %sub3A_173 = vector.broadcast %broadcast_in_dim3A_172 : vector<512x1xbf16> to vector<512x512xbf16>
      %sub3A_174 = arith.subf %convert_element_type3A_169, %sub3A_173 : vector<512x512xbf16>
      %exp3A_175 = math.exp %sub3A_174 : vector<512x512xbf16>
      %get3A_176 = arith.constant 3 : index
      %get3A_177 = arith.constant 0 : index
      %get3A_178 = arith.constant 0 : index
      %get3A_179 = vector.load %arg6[%get3A_176, %get3A_177, %get3A_178] : memref<8x512x128xbf16, #tpu.memory_space<vmem>>, vector<1x512x128xbf16>
      %get3A_180 = vector.shape_cast %get3A_179 : vector<1x512x128xbf16> to vector<512x128xbf16>
      %dot_general3A_181 = arith.constant dense<0.000000e+00> : vector<512x128xf32>
      %dot_general3A_182 = tpu.matmul %exp3A_175, %get3A_180, %dot_general3A_181 {dimension_numbers = #tpu.dot_dimension_numbers<[1], [0], [0], [1], [0, 0, 1, 1], [], []>, transpose_lhs_hint = false} : vector<512x512xbf16>, vector<512x128xbf16>, vector<512x128xf32> -> vector<512x128xf32>
      %swap3A_183 = arith.constant 3 : index
      %swap3A_184 = arith.constant 0 : index
      %swap3A_185 = arith.constant 0 : index
      %swap3A_186 = vector.load %arg21[%swap3A_183, %swap3A_184, %swap3A_185] : memref<8x512x128xf32, #tpu.memory_space<vmem>>, vector<1x512x128xf32>
      %swap3A_187 = vector.shape_cast %swap3A_186 : vector<1x512x128xf32> to vector<512x128xf32>
      %swap3A_188 = vector.shape_cast %dot_general3A_182 : vector<512x128xf32> to vector<1x512x128xf32>
      tpu.vector_store %arg21[%swap3A_183, %swap3A_184, %swap3A_185], %swap3A_188 {strides = array<i32>} : memref<8x512x128xf32, #tpu.memory_space<vmem>>, vector<1x512x128xf32>,
      %broadcast_in_dim3A_189 = vector.shape_cast %broadcast_in_dim3A_172 : vector<512x1xbf16> to vector<512x1xbf16>
      %broadcast_in_dim3A_190 = vector.broadcast %broadcast_in_dim3A_189 : vector<512x1xbf16> to vector<512x128xbf16>
      %swap3A_191 = arith.constant 3 : index
      %swap3A_192 = arith.constant 0 : index
      %swap3A_193 = arith.constant 0 : index
      %swap3A_194 = vector.load %arg22[%swap3A_191, %swap3A_192, %swap3A_193] : memref<8x512x128xbf16, #tpu.memory_space<vmem>>, vector<1x512x128xbf16>
      %swap3A_195 = vector.shape_cast %swap3A_194 : vector<1x512x128xbf16> to vector<512x128xbf16>
      %swap3A_196 = vector.shape_cast %broadcast_in_dim3A_190 : vector<512x128xbf16> to vector<1x512x128xbf16>
      tpu.vector_store %arg22[%swap3A_191, %swap3A_192, %swap3A_193], %swap3A_196 {strides = array<i32>} : memref<8x512x128xbf16, #tpu.memory_space<vmem>>, vector<1x512x128xbf16>,
      %get3A_197 = arith.constant 4 : index
      %get3A_198 = arith.constant 0 : index
      %get3A_199 = arith.constant 0 : index
      %get3A_200 = vector.load %arg4[%get3A_197, %get3A_198, %get3A_199] : memref<8x512x64xbf16, #tpu.memory_space<vmem>>, vector<1x512x64xbf16>
      %get3A_201 = vector.shape_cast %get3A_200 : vector<1x512x64xbf16> to vector<512x64xbf16>
      %get3A_202 = arith.constant 4 : index
      %get3A_203 = arith.constant 0 : index
      %get3A_204 = arith.constant 0 : index
      %get3A_205 = vector.load %arg5[%get3A_202, %get3A_203, %get3A_204] : memref<8x512x64xbf16, #tpu.memory_space<vmem>>, vector<1x512x64xbf16>
      %get3A_206 = vector.shape_cast %get3A_205 : vector<1x512x64xbf16> to vector<512x64xbf16>
      %dot_general3A_207 = arith.constant dense<0.000000e+00> : vector<512x512xf32>
      %dot_general3A_208 = tpu.matmul %get3A_201, %get3A_206, %dot_general3A_207 {dimension_numbers = #tpu.dot_dimension_numbers<[1], [1], [0], [0], [0, 0, 1, 0], [], []>, transpose_lhs_hint = false} : vector<512x64xbf16>, vector<512x64xbf16>, vector<512x512xf32> -> vector<512x512xf32>
      %convert_element_type3A_209 = arith.truncf %dot_general3A_208 : vector<512x512xf32> to vector<512x512xbf16>
      %reduce_max3A_210 = arith.constant dense<0xFF80> : vector<512xbf16>
      %reduce_max3A_211 = vector.multi_reduction <maximumf>, %convert_element_type3A_209, %reduce_max3A_210 [1] : vector<512x512xbf16> to vector<512xbf16>
      %broadcast_in_dim3A_212 = vector.shape_cast %reduce_max3A_211 : vector<512xbf16> to vector<512x1xbf16>
      %sub3A_213 = vector.broadcast %broadcast_in_dim3A_212 : vector<512x1xbf16> to vector<512x512xbf16>
      %sub3A_214 = arith.subf %convert_element_type3A_209, %sub3A_213 : vector<512x512xbf16>
      %exp3A_215 = math.exp %sub3A_214 : vector<512x512xbf16>
      %get3A_216 = arith.constant 4 : index
      %get3A_217 = arith.constant 0 : index
      %get3A_218 = arith.constant 0 : index
      %get3A_219 = vector.load %arg6[%get3A_216, %get3A_217, %get3A_218] : memref<8x512x128xbf16, #tpu.memory_space<vmem>>, vector<1x512x128xbf16>
      %get3A_220 = vector.shape_cast %get3A_219 : vector<1x512x128xbf16> to vector<512x128xbf16>
      %dot_general3A_221 = arith.constant dense<0.000000e+00> : vector<512x128xf32>
      %dot_general3A_222 = tpu.matmul %exp3A_215, %get3A_220, %dot_general3A_221 {dimension_numbers = #tpu.dot_dimension_numbers<[1], [0], [0], [1], [0, 0, 1, 1], [], []>, transpose_lhs_hint = false} : vector<512x512xbf16>, vector<512x128xbf16>, vector<512x128xf32> -> vector<512x128xf32>
      %swap3A_223 = arith.constant 4 : index
      %swap3A_224 = arith.constant 0 : index
      %swap3A_225 = arith.constant 0 : index
      %swap3A_226 = vector.load %arg21[%swap3A_223, %swap3A_224, %swap3A_225] : memref<8x512x128xf32, #tpu.memory_space<vmem>>, vector<1x512x128xf32>
      %swap3A_227 = vector.shape_cast %swap3A_226 : vector<1x512x128xf32> to vector<512x128xf32>
      %swap3A_228 = vector.shape_cast %dot_general3A_222 : vector<512x128xf32> to vector<1x512x128xf32>
      tpu.vector_store %arg21[%swap3A_223, %swap3A_224, %swap3A_225], %swap3A_228 {strides = array<i32>} : memref<8x512x128xf32, #tpu.memory_space<vmem>>, vector<1x512x128xf32>,
      %broadcast_in_dim3A_229 = vector.shape_cast %broadcast_in_dim3A_212 : vector<512x1xbf16> to vector<512x1xbf16>
      %broadcast_in_dim3A_230 = vector.broadcast %broadcast_in_dim3A_229 : vector<512x1xbf16> to vector<512x128xbf16>
      %swap3A_231 = arith.constant 4 : index
      %swap3A_232 = arith.constant 0 : index
      %swap3A_233 = arith.constant 0 : index
      %swap3A_234 = vector.load %arg22[%swap3A_231, %swap3A_232, %swap3A_233] : memref<8x512x128xbf16, #tpu.memory_space<vmem>>, vector<1x512x128xbf16>
      %swap3A_235 = vector.shape_cast %swap3A_234 : vector<1x512x128xbf16> to vector<512x128xbf16>
      %swap3A_236 = vector.shape_cast %broadcast_in_dim3A_230 : vector<512x128xbf16> to vector<1x512x128xbf16>
      tpu.vector_store %arg22[%swap3A_231, %swap3A_232, %swap3A_233], %swap3A_236 {strides = array<i32>} : memref<8x512x128xbf16, #tpu.memory_space<vmem>>, vector<1x512x128xbf16>,
      %get3A_237 = arith.constant 5 : index
      %get3A_238 = arith.constant 0 : index
      %get3A_239 = arith.constant 0 : index
      %get3A_240 = vector.load %arg4[%get3A_237, %get3A_238, %get3A_239] : memref<8x512x64xbf16, #tpu.memory_space<vmem>>, vector<1x512x64xbf16>
      %get3A_241 = vector.shape_cast %get3A_240 : vector<1x512x64xbf16> to vector<512x64xbf16>
      %get3A_242 = arith.constant 5 : index
      %get3A_243 = arith.constant 0 : index
      %get3A_244 = arith.constant 0 : index
      %get3A_245 = vector.load %arg5[%get3A_242, %get3A_243, %get3A_244] : memref<8x512x64xbf16, #tpu.memory_space<vmem>>, vector<1x512x64xbf16>
      %get3A_246 = vector.shape_cast %get3A_245 : vector<1x512x64xbf16> to vector<512x64xbf16>
      %dot_general3A_247 = arith.constant dense<0.000000e+00> : vector<512x512xf32>
      %dot_general3A_248 = tpu.matmul %get3A_241, %get3A_246, %dot_general3A_247 {dimension_numbers = #tpu.dot_dimension_numbers<[1], [1], [0], [0], [0, 0, 1, 0], [], []>, transpose_lhs_hint = false} : vector<512x64xbf16>, vector<512x64xbf16>, vector<512x512xf32> -> vector<512x512xf32>
      %convert_element_type3A_249 = arith.truncf %dot_general3A_248 : vector<512x512xf32> to vector<512x512xbf16>
      %reduce_max3A_250 = arith.constant dense<0xFF80> : vector<512xbf16>
      %reduce_max3A_251 = vector.multi_reduction <maximumf>, %convert_element_type3A_249, %reduce_max3A_250 [1] : vector<512x512xbf16> to vector<512xbf16>
      %broadcast_in_dim3A_252 = vector.shape_cast %reduce_max3A_251 : vector<512xbf16> to vector<512x1xbf16>
      %sub3A_253 = vector.broadcast %broadcast_in_dim3A_252 : vector<512x1xbf16> to vector<512x512xbf16>
      %sub3A_254 = arith.subf %convert_element_type3A_249, %sub3A_253 : vector<512x512xbf16>
      %exp3A_255 = math.exp %sub3A_254 : vector<512x512xbf16>
      %get3A_256 = arith.constant 5 : index
      %get3A_257 = arith.constant 0 : index
      %get3A_258 = arith.constant 0 : index
      %get3A_259 = vector.load %arg6[%get3A_256, %get3A_257, %get3A_258] : memref<8x512x128xbf16, #tpu.memory_space<vmem>>, vector<1x512x128xbf16>
      %get3A_260 = vector.shape_cast %get3A_259 : vector<1x512x128xbf16> to vector<512x128xbf16>
      %dot_general3A_261 = arith.constant dense<0.000000e+00> : vector<512x128xf32>
      %dot_general3A_262 = tpu.matmul %exp3A_255, %get3A_260, %dot_general3A_261 {dimension_numbers = #tpu.dot_dimension_numbers<[1], [0], [0], [1], [0, 0, 1, 1], [], []>, transpose_lhs_hint = false} : vector<512x512xbf16>, vector<512x128xbf16>, vector<512x128xf32> -> vector<512x128xf32>
      %swap3A_263 = arith.constant 5 : index
      %swap3A_264 = arith.constant 0 : index
      %swap3A_265 = arith.constant 0 : index
      %swap3A_266 = vector.load %arg21[%swap3A_263, %swap3A_264, %swap3A_265] : memref<8x512x128xf32, #tpu.memory_space<vmem>>, vector<1x512x128xf32>
      %swap3A_267 = vector.shape_cast %swap3A_266 : vector<1x512x128xf32> to vector<512x128xf32>
      %swap3A_268 = vector.shape_cast %dot_general3A_262 : vector<512x128xf32> to vector<1x512x128xf32>
      tpu.vector_store %arg21[%swap3A_263, %swap3A_264, %swap3A_265], %swap3A_268 {strides = array<i32>} : memref<8x512x128xf32, #tpu.memory_space<vmem>>, vector<1x512x128xf32>,
      %broadcast_in_dim3A_269 = vector.shape_cast %broadcast_in_dim3A_252 : vector<512x1xbf16> to vector<512x1xbf16>
      %broadcast_in_dim3A_270 = vector.broadcast %broadcast_in_dim3A_269 : vector<512x1xbf16> to vector<512x128xbf16>
      %swap3A_271 = arith.constant 5 : index
      %swap3A_272 = arith.constant 0 : index
      %swap3A_273 = arith.constant 0 : index
      %swap3A_274 = vector.load %arg22[%swap3A_271, %swap3A_272, %swap3A_273] : memref<8x512x128xbf16, #tpu.memory_space<vmem>>, vector<1x512x128xbf16>
      %swap3A_275 = vector.shape_cast %swap3A_274 : vector<1x512x128xbf16> to vector<512x128xbf16>
      %swap3A_276 = vector.shape_cast %broadcast_in_dim3A_270 : vector<512x128xbf16> to vector<1x512x128xbf16>
      tpu.vector_store %arg22[%swap3A_271, %swap3A_272, %swap3A_273], %swap3A_276 {strides = array<i32>} : memref<8x512x128xbf16, #tpu.memory_space<vmem>>, vector<1x512x128xbf16>,
      %get3A_277 = arith.constant 6 : index
      %get3A_278 = arith.constant 0 : index
      %get3A_279 = arith.constant 0 : index
      %get3A_280 = vector.load %arg4[%get3A_277, %get3A_278, %get3A_279] : memref<8x512x64xbf16, #tpu.memory_space<vmem>>, vector<1x512x64xbf16>
      %get3A_281 = vector.shape_cast %get3A_280 : vector<1x512x64xbf16> to vector<512x64xbf16>
      %get3A_282 = arith.constant 6 : index
      %get3A_283 = arith.constant 0 : index
      %get3A_284 = arith.constant 0 : index
      %get3A_285 = vector.load %arg5[%get3A_282, %get3A_283, %get3A_284] : memref<8x512x64xbf16, #tpu.memory_space<vmem>>, vector<1x512x64xbf16>
      %get3A_286 = vector.shape_cast %get3A_285 : vector<1x512x64xbf16> to vector<512x64xbf16>
      %dot_general3A_287 = arith.constant dense<0.000000e+00> : vector<512x512xf32>
      %dot_general3A_288 = tpu.matmul %get3A_281, %get3A_286, %dot_general3A_287 {dimension_numbers = #tpu.dot_dimension_numbers<[1], [1], [0], [0], [0, 0, 1, 0], [], []>, transpose_lhs_hint = false} : vector<512x64xbf16>, vector<512x64xbf16>, vector<512x512xf32> -> vector<512x512xf32>
      %convert_element_type3A_289 = arith.truncf %dot_general3A_288 : vector<512x512xf32> to vector<512x512xbf16>
      %reduce_max3A_290 = arith.constant dense<0xFF80> : vector<512xbf16>
      %reduce_max3A_291 = vector.multi_reduction <maximumf>, %convert_element_type3A_289, %reduce_max3A_290 [1] : vector<512x512xbf16> to vector<512xbf16>
      %broadcast_in_dim3A_292 = vector.shape_cast %reduce_max3A_291 : vector<512xbf16> to vector<512x1xbf16>
      %sub3A_293 = vector.broadcast %broadcast_in_dim3A_292 : vector<512x1xbf16> to vector<512x512xbf16>
      %sub3A_294 = arith.subf %convert_element_type3A_289, %sub3A_293 : vector<512x512xbf16>
      %exp3A_295 = math.exp %sub3A_294 : vector<512x512xbf16>
      %get3A_296 = arith.constant 6 : index
      %get3A_297 = arith.constant 0 : index
      %get3A_298 = arith.constant 0 : index
      %get3A_299 = vector.load %arg6[%get3A_296, %get3A_297, %get3A_298] : memref<8x512x128xbf16, #tpu.memory_space<vmem>>, vector<1x512x128xbf16>
      %get3A_300 = vector.shape_cast %get3A_299 : vector<1x512x128xbf16> to vector<512x128xbf16>
      %dot_general3A_301 = arith.constant dense<0.000000e+00> : vector<512x128xf32>
      %dot_general3A_302 = tpu.matmul %exp3A_295, %get3A_300, %dot_general3A_301 {dimension_numbers = #tpu.dot_dimension_numbers<[1], [0], [0], [1], [0, 0, 1, 1], [], []>, transpose_lhs_hint = false} : vector<512x512xbf16>, vector<512x128xbf16>, vector<512x128xf32> -> vector<512x128xf32>
      %swap3A_303 = arith.constant 6 : index
      %swap3A_304 = arith.constant 0 : index
      %swap3A_305 = arith.constant 0 : index
      %swap3A_306 = vector.load %arg21[%swap3A_303, %swap3A_304, %swap3A_305] : memref<8x512x128xf32, #tpu.memory_space<vmem>>, vector<1x512x128xf32>
      %swap3A_307 = vector.shape_cast %swap3A_306 : vector<1x512x128xf32> to vector<512x128xf32>
      %swap3A_308 = vector.shape_cast %dot_general3A_302 : vector<512x128xf32> to vector<1x512x128xf32>
      tpu.vector_store %arg21[%swap3A_303, %swap3A_304, %swap3A_305], %swap3A_308 {strides = array<i32>} : memref<8x512x128xf32, #tpu.memory_space<vmem>>, vector<1x512x128xf32>,
      %broadcast_in_dim3A_309 = vector.shape_cast %broadcast_in_dim3A_292 : vector<512x1xbf16> to vector<512x1xbf16>
      %broadcast_in_dim3A_310 = vector.broadcast %broadcast_in_dim3A_309 : vector<512x1xbf16> to vector<512x128xbf16>
      %swap3A_311 = arith.constant 6 : index
      %swap3A_312 = arith.constant 0 : index
      %swap3A_313 = arith.constant 0 : index
      %swap3A_314 = vector.load %arg22[%swap3A_311, %swap3A_312, %swap3A_313] : memref<8x512x128xbf16, #tpu.memory_space<vmem>>, vector<1x512x128xbf16>
      %swap3A_315 = vector.shape_cast %swap3A_314 : vector<1x512x128xbf16> to vector<512x128xbf16>
      %swap3A_316 = vector.shape_cast %broadcast_in_dim3A_310 : vector<512x128xbf16> to vector<1x512x128xbf16>
      tpu.vector_store %arg22[%swap3A_311, %swap3A_312, %swap3A_313], %swap3A_316 {strides = array<i32>} : memref<8x512x128xbf16, #tpu.memory_space<vmem>>, vector<1x512x128xbf16>,
      %get3A_317 = arith.constant 7 : index
      %get3A_318 = arith.constant 0 : index
      %get3A_319 = arith.constant 0 : index
      %get3A_320 = vector.load %arg4[%get3A_317, %get3A_318, %get3A_319] : memref<8x512x64xbf16, #tpu.memory_space<vmem>>, vector<1x512x64xbf16>
      %get3A_321 = vector.shape_cast %get3A_320 : vector<1x512x64xbf16> to vector<512x64xbf16>
      %get3A_322 = arith.constant 7 : index
      %get3A_323 = arith.constant 0 : index
      %get3A_324 = arith.constant 0 : index
      %get3A_325 = vector.load %arg5[%get3A_322, %get3A_323, %get3A_324] : memref<8x512x64xbf16, #tpu.memory_space<vmem>>, vector<1x512x64xbf16>
      %get3A_326 = vector.shape_cast %get3A_325 : vector<1x512x64xbf16> to vector<512x64xbf16>
      %dot_general3A_327 = arith.constant dense<0.000000e+00> : vector<512x512xf32>
      %dot_general3A_328 = tpu.matmul %get3A_321, %get3A_326, %dot_general3A_327 {dimension_numbers = #tpu.dot_dimension_numbers<[1], [1], [0], [0], [0, 0, 1, 0], [], []>, transpose_lhs_hint = false} : vector<512x64xbf16>, vector<512x64xbf16>, vector<512x512xf32> -> vector<512x512xf32>
      %convert_element_type3A_329 = arith.truncf %dot_general3A_328 : vector<512x512xf32> to vector<512x512xbf16>
      %reduce_max3A_330 = arith.constant dense<0xFF80> : vector<512xbf16>
      %reduce_max3A_331 = vector.multi_reduction <maximumf>, %convert_element_type3A_329, %reduce_max3A_330 [1] : vector<512x512xbf16> to vector<512xbf16>
      %broadcast_in_dim3A_332 = vector.shape_cast %reduce_max3A_331 : vector<512xbf16> to vector<512x1xbf16>
      %sub3A_333 = vector.broadcast %broadcast_in_dim3A_332 : vector<512x1xbf16> to vector<512x512xbf16>
      %sub3A_334 = arith.subf %convert_element_type3A_329, %sub3A_333 : vector<512x512xbf16>
      %exp3A_335 = math.exp %sub3A_334 : vector<512x512xbf16>
      %get3A_336 = arith.constant 7 : index
      %get3A_337 = arith.constant 0 : index
      %get3A_338 = arith.constant 0 : index
      %get3A_339 = vector.load %arg6[%get3A_336, %get3A_337, %get3A_338] : memref<8x512x128xbf16, #tpu.memory_space<vmem>>, vector<1x512x128xbf16>
      %get3A_340 = vector.shape_cast %get3A_339 : vector<1x512x128xbf16> to vector<512x128xbf16>
      %dot_general3A_341 = arith.constant dense<0.000000e+00> : vector<512x128xf32>
      %dot_general3A_342 = tpu.matmul %exp3A_335, %get3A_340, %dot_general3A_341 {dimension_numbers = #tpu.dot_dimension_numbers<[1], [0], [0], [1], [0, 0, 1, 1], [], []>, transpose_lhs_hint = false} : vector<512x512xbf16>, vector<512x128xbf16>, vector<512x128xf32> -> vector<512x128xf32>
      %swap3A_343 = arith.constant 7 : index
      %swap3A_344 = arith.constant 0 : index
      %swap3A_345 = arith.constant 0 : index
      %swap3A_346 = vector.load %arg21[%swap3A_343, %swap3A_344, %swap3A_345] : memref<8x512x128xf32, #tpu.memory_space<vmem>>, vector<1x512x128xf32>
      %swap3A_347 = vector.shape_cast %swap3A_346 : vector<1x512x128xf32> to vector<512x128xf32>
      %swap3A_348 = vector.shape_cast %dot_general3A_342 : vector<512x128xf32> to vector<1x512x128xf32>
      tpu.vector_store %arg21[%swap3A_343, %swap3A_344, %swap3A_345], %swap3A_348 {strides = array<i32>} : memref<8x512x128xf32, #tpu.memory_space<vmem>>, vector<1x512x128xf32>,
      %broadcast_in_dim3A_349 = vector.shape_cast %broadcast_in_dim3A_332 : vector<512x1xbf16> to vector<512x1xbf16>
      %broadcast_in_dim3A_350 = vector.broadcast %broadcast_in_dim3A_349 : vector<512x1xbf16> to vector<512x128xbf16>
      %swap3A_351 = arith.constant 7 : index
      %swap3A_352 = arith.constant 0 : index
      %swap3A_353 = arith.constant 0 : index
      %swap3A_354 = vector.load %arg22[%swap3A_351, %swap3A_352, %swap3A_353] : memref<8x512x128xbf16, #tpu.memory_space<vmem>>, vector<1x512x128xbf16>
      %swap3A_355 = vector.shape_cast %swap3A_354 : vector<1x512x128xbf16> to vector<512x128xbf16>
      %swap3A_356 = vector.shape_cast %broadcast_in_dim3A_350 : vector<512x128xbf16> to vector<1x512x128xbf16>
      tpu.vector_store %arg22[%swap3A_351, %swap3A_352, %swap3A_353], %swap3A_356 {strides = array<i32>} : memref<8x512x128xbf16, #tpu.memory_space<vmem>>, vector<1x512x128xbf16>,
    } else {
    }
    %not3A = arith.constant true
    %not3A_11 = arith.xori %ne3A_9, %not3A : i1
    %and3A_12 = arith.andi %or3A, %not3A_11 : i1
    %convert_element_type3A_13 = arith.extui %and3A_12 : i1 to i32
    %cond3A_14 = arith.constant 0 : i32
    %cond3A_15 = arith.cmpi ne, %convert_element_type3A_13, %cond3A_14 : i32
    scf.if %cond3A_15 {
      %get3A_42 = arith.constant 0 : index
      %get3A_43 = arith.constant 0 : index
      %get3A_44 = arith.constant 0 : index
      %get3A_45 = vector.load %arg7[%get3A_42, %get3A_43, %get3A_44] : memref<1x1x512xi32, #tpu.memory_space<vmem>>, vector<1x1x512xi32>
      %get3A_46 = vector.shape_cast %get3A_45 : vector<1x1x512xi32> to vector<512xi32>
      %get3A_47 = arith.constant 0 : index
      %get3A_48 = arith.constant 0 : index
      %get3A_49 = arith.constant 0 : index
      %get3A_50 = vector.load %arg8[%get3A_47, %get3A_48, %get3A_49] : memref<1x1x512xi32, #tpu.memory_space<vmem>>, vector<1x1x512xi32>
      %get3A_51 = vector.shape_cast %get3A_50 : vector<1x1x512xi32> to vector<512xi32>
      %broadcast_in_dim3A = vector.shape_cast %get3A_46 : vector<512xi32> to vector<512x1xi32>
      %broadcast_in_dim3A_52 = vector.shape_cast %get3A_51 : vector<512xi32> to vector<1x512xi32>
      %eq3A_53 = vector.broadcast %broadcast_in_dim3A : vector<512x1xi32> to vector<512x512xi32>
      %eq3A_54 = vector.broadcast %broadcast_in_dim3A_52 : vector<1x512xi32> to vector<512x512xi32>
      %eq3A_55 = arith.cmpi eq, %eq3A_53, %eq3A_54 : vector<512x512xi32>
      %jit3A = arith.constant 0.000000e+00 : f32
      %jit3A_56 = arith.constant -1.000000e+09 : f32
      %broadcast_in_dim3A_57 = vector.broadcast %jit3A : f32 to vector<512x512xf32>
      %broadcast_in_dim3A_58 = vector.broadcast %jit3A_56 : f32 to vector<512x512xf32>
      %select_n3A = arith.select %eq3A_55, %broadcast_in_dim3A_57, %broadcast_in_dim3A_58 : vector<512x512xi1>, vector<512x512xf32>
      %convert_element_type3A_59 = arith.truncf %select_n3A : vector<512x512xf32> to vector<512x512xbf16>
      %get3A_60 = arith.constant 0 : index
      %get3A_61 = arith.constant 0 : index
      %get3A_62 = arith.constant 0 : index
      %get3A_63 = vector.load %arg4[%get3A_60, %get3A_61, %get3A_62] : memref<8x512x64xbf16, #tpu.memory_space<vmem>>, vector<1x512x64xbf16>
      %get3A_64 = vector.shape_cast %get3A_63 : vector<1x512x64xbf16> to vector<512x64xbf16>
      %get3A_65 = arith.constant 0 : index
      %get3A_66 = arith.constant 0 : index
      %get3A_67 = arith.constant 0 : index
      %get3A_68 = vector.load %arg5[%get3A_65, %get3A_66, %get3A_67] : memref<8x512x64xbf16, #tpu.memory_space<vmem>>, vector<1x512x64xbf16>
      %get3A_69 = vector.shape_cast %get3A_68 : vector<1x512x64xbf16> to vector<512x64xbf16>
      %dot_general3A = arith.constant dense<0.000000e+00> : vector<512x512xf32>
      %dot_general3A_70 = tpu.matmul %get3A_64, %get3A_69, %dot_general3A {dimension_numbers = #tpu.dot_dimension_numbers<[1], [1], [0], [0], [0, 0, 1, 0], [], []>, transpose_lhs_hint = false} : vector<512x64xbf16>, vector<512x64xbf16>, vector<512x512xf32> -> vector<512x512xf32>
      %convert_element_type3A_71 = arith.truncf %dot_general3A_70 : vector<512x512xf32> to vector<512x512xbf16>
      %add3A_72 = arith.addf %convert_element_type3A_71, %convert_element_type3A_59 : vector<512x512xbf16>
      %reduce_max3A = arith.constant dense<0xFF80> : vector<512xbf16>
      %reduce_max3A_73 = vector.multi_reduction <maximumf>, %add3A_72, %reduce_max3A [1] : vector<512x512xbf16> to vector<512xbf16>
      %broadcast_in_dim3A_74 = vector.shape_cast %reduce_max3A_73 : vector<512xbf16> to vector<512x1xbf16>
      %sub3A_75 = vector.broadcast %broadcast_in_dim3A_74 : vector<512x1xbf16> to vector<512x512xbf16>
      %sub3A_76 = arith.subf %add3A_72, %sub3A_75 : vector<512x512xbf16>
      %exp3A = math.exp %sub3A_76 : vector<512x512xbf16>
      %get3A_77 = arith.constant 0 : index
      %get3A_78 = arith.constant 0 : index
      %get3A_79 = arith.constant 0 : index
      %get3A_80 = vector.load %arg6[%get3A_77, %get3A_78, %get3A_79] : memref<8x512x128xbf16, #tpu.memory_space<vmem>>, vector<1x512x128xbf16>
      %get3A_81 = vector.shape_cast %get3A_80 : vector<1x512x128xbf16> to vector<512x128xbf16>
      %dot_general3A_82 = arith.constant dense<0.000000e+00> : vector<512x128xf32>
      %dot_general3A_83 = tpu.matmul %exp3A, %get3A_81, %dot_general3A_82 {dimension_numbers = #tpu.dot_dimension_numbers<[1], [0], [0], [1], [0, 0, 1, 1], [], []>, transpose_lhs_hint = false} : vector<512x512xbf16>, vector<512x128xbf16>, vector<512x128xf32> -> vector<512x128xf32>
      %swap3A = arith.constant 0 : index
      %swap3A_84 = arith.constant 0 : index
      %swap3A_85 = arith.constant 0 : index
      %swap3A_86 = vector.load %arg21[%swap3A, %swap3A_84, %swap3A_85] : memref<8x512x128xf32, #tpu.memory_space<vmem>>, vector<1x512x128xf32>
      %swap3A_87 = vector.shape_cast %swap3A_86 : vector<1x512x128xf32> to vector<512x128xf32>
      %swap3A_88 = vector.shape_cast %dot_general3A_83 : vector<512x128xf32> to vector<1x512x128xf32>
      tpu.vector_store %arg21[%swap3A, %swap3A_84, %swap3A_85], %swap3A_88 {strides = array<i32>} : memref<8x512x128xf32, #tpu.memory_space<vmem>>, vector<1x512x128xf32>,
      %broadcast_in_dim3A_89 = vector.shape_cast %broadcast_in_dim3A_74 : vector<512x1xbf16> to vector<512x1xbf16>
      %broadcast_in_dim3A_90 = vector.broadcast %broadcast_in_dim3A_89 : vector<512x1xbf16> to vector<512x128xbf16>
      %swap3A_91 = arith.constant 0 : index
      %swap3A_92 = arith.constant 0 : index
      %swap3A_93 = arith.constant 0 : index
      %swap3A_94 = vector.load %arg22[%swap3A_91, %swap3A_92, %swap3A_93] : memref<8x512x128xbf16, #tpu.memory_space<vmem>>, vector<1x512x128xbf16>
      %swap3A_95 = vector.shape_cast %swap3A_94 : vector<1x512x128xbf16> to vector<512x128xbf16>
      %swap3A_96 = vector.shape_cast %broadcast_in_dim3A_90 : vector<512x128xbf16> to vector<1x512x128xbf16>
      tpu.vector_store %arg22[%swap3A_91, %swap3A_92, %swap3A_93], %swap3A_96 {strides = array<i32>} : memref<8x512x128xbf16, #tpu.memory_space<vmem>>, vector<1x512x128xbf16>,
      %get3A_97 = arith.constant 1 : index
      %get3A_98 = arith.constant 0 : index
      %get3A_99 = arith.constant 0 : index
      %get3A_100 = vector.load %arg4[%get3A_97, %get3A_98, %get3A_99] : memref<8x512x64xbf16, #tpu.memory_space<vmem>>, vector<1x512x64xbf16>
      %get3A_101 = vector.shape_cast %get3A_100 : vector<1x512x64xbf16> to vector<512x64xbf16>
      %get3A_102 = arith.constant 1 : index
      %get3A_103 = arith.constant 0 : index
      %get3A_104 = arith.constant 0 : index
      %get3A_105 = vector.load %arg5[%get3A_102, %get3A_103, %get3A_104] : memref<8x512x64xbf16, #tpu.memory_space<vmem>>, vector<1x512x64xbf16>
      %get3A_106 = vector.shape_cast %get3A_105 : vector<1x512x64xbf16> to vector<512x64xbf16>
      %dot_general3A_107 = arith.constant dense<0.000000e+00> : vector<512x512xf32>
      %dot_general3A_108 = tpu.matmul %get3A_101, %get3A_106, %dot_general3A_107 {dimension_numbers = #tpu.dot_dimension_numbers<[1], [1], [0], [0], [0, 0, 1, 0], [], []>, transpose_lhs_hint = false} : vector<512x64xbf16>, vector<512x64xbf16>, vector<512x512xf32> -> vector<512x512xf32>
      %convert_element_type3A_109 = arith.truncf %dot_general3A_108 : vector<512x512xf32> to vector<512x512xbf16>
      %add3A_110 = arith.addf %convert_element_type3A_109, %convert_element_type3A_59 : vector<512x512xbf16>
      %reduce_max3A_111 = arith.constant dense<0xFF80> : vector<512xbf16>
      %reduce_max3A_112 = vector.multi_reduction <maximumf>, %add3A_110, %reduce_max3A_111 [1] : vector<512x512xbf16> to vector<512xbf16>
      %broadcast_in_dim3A_113 = vector.shape_cast %reduce_max3A_112 : vector<512xbf16> to vector<512x1xbf16>
      %sub3A_114 = vector.broadcast %broadcast_in_dim3A_113 : vector<512x1xbf16> to vector<512x512xbf16>
      %sub3A_115 = arith.subf %add3A_110, %sub3A_114 : vector<512x512xbf16>
      %exp3A_116 = math.exp %sub3A_115 : vector<512x512xbf16>
      %get3A_117 = arith.constant 1 : index
      %get3A_118 = arith.constant 0 : index
      %get3A_119 = arith.constant 0 : index
      %get3A_120 = vector.load %arg6[%get3A_117, %get3A_118, %get3A_119] : memref<8x512x128xbf16, #tpu.memory_space<vmem>>, vector<1x512x128xbf16>
      %get3A_121 = vector.shape_cast %get3A_120 : vector<1x512x128xbf16> to vector<512x128xbf16>
      %dot_general3A_122 = arith.constant dense<0.000000e+00> : vector<512x128xf32>
      %dot_general3A_123 = tpu.matmul %exp3A_116, %get3A_121, %dot_general3A_122 {dimension_numbers = #tpu.dot_dimension_numbers<[1], [0], [0], [1], [0, 0, 1, 1], [], []>, transpose_lhs_hint = false} : vector<512x512xbf16>, vector<512x128xbf16>, vector<512x128xf32> -> vector<512x128xf32>
      %swap3A_124 = arith.constant 1 : index
      %swap3A_125 = arith.constant 0 : index
      %swap3A_126 = arith.constant 0 : index
      %swap3A_127 = vector.load %arg21[%swap3A_124, %swap3A_125, %swap3A_126] : memref<8x512x128xf32, #tpu.memory_space<vmem>>, vector<1x512x128xf32>
      %swap3A_128 = vector.shape_cast %swap3A_127 : vector<1x512x128xf32> to vector<512x128xf32>
      %swap3A_129 = vector.shape_cast %dot_general3A_123 : vector<512x128xf32> to vector<1x512x128xf32>
      tpu.vector_store %arg21[%swap3A_124, %swap3A_125, %swap3A_126], %swap3A_129 {strides = array<i32>} : memref<8x512x128xf32, #tpu.memory_space<vmem>>, vector<1x512x128xf32>,
      %broadcast_in_dim3A_130 = vector.shape_cast %broadcast_in_dim3A_113 : vector<512x1xbf16> to vector<512x1xbf16>
      %broadcast_in_dim3A_131 = vector.broadcast %broadcast_in_dim3A_130 : vector<512x1xbf16> to vector<512x128xbf16>
      %swap3A_132 = arith.constant 1 : index
      %swap3A_133 = arith.constant 0 : index
      %swap3A_134 = arith.constant 0 : index
      %swap3A_135 = vector.load %arg22[%swap3A_132, %swap3A_133, %swap3A_134] : memref<8x512x128xbf16, #tpu.memory_space<vmem>>, vector<1x512x128xbf16>
      %swap3A_136 = vector.shape_cast %swap3A_135 : vector<1x512x128xbf16> to vector<512x128xbf16>
      %swap3A_137 = vector.shape_cast %broadcast_in_dim3A_131 : vector<512x128xbf16> to vector<1x512x128xbf16>
      tpu.vector_store %arg22[%swap3A_132, %swap3A_133, %swap3A_134], %swap3A_137 {strides = array<i32>} : memref<8x512x128xbf16, #tpu.memory_space<vmem>>, vector<1x512x128xbf16>,
      %get3A_138 = arith.constant 2 : index
      %get3A_139 = arith.constant 0 : index
      %get3A_140 = arith.constant 0 : index
      %get3A_141 = vector.load %arg4[%get3A_138, %get3A_139, %get3A_140] : memref<8x512x64xbf16, #tpu.memory_space<vmem>>, vector<1x512x64xbf16>
      %get3A_142 = vector.shape_cast %get3A_141 : vector<1x512x64xbf16> to vector<512x64xbf16>
      %get3A_143 = arith.constant 2 : index
      %get3A_144 = arith.constant 0 : index
      %get3A_145 = arith.constant 0 : index
      %get3A_146 = vector.load %arg5[%get3A_143, %get3A_144, %get3A_145] : memref<8x512x64xbf16, #tpu.memory_space<vmem>>, vector<1x512x64xbf16>
      %get3A_147 = vector.shape_cast %get3A_146 : vector<1x512x64xbf16> to vector<512x64xbf16>
      %dot_general3A_148 = arith.constant dense<0.000000e+00> : vector<512x512xf32>
      %dot_general3A_149 = tpu.matmul %get3A_142, %get3A_147, %dot_general3A_148 {dimension_numbers = #tpu.dot_dimension_numbers<[1], [1], [0], [0], [0, 0, 1, 0], [], []>, transpose_lhs_hint = false} : vector<512x64xbf16>, vector<512x64xbf16>, vector<512x512xf32> -> vector<512x512xf32>
      %convert_element_type3A_150 = arith.truncf %dot_general3A_149 : vector<512x512xf32> to vector<512x512xbf16>
      %add3A_151 = arith.addf %convert_element_type3A_150, %convert_element_type3A_59 : vector<512x512xbf16>
      %reduce_max3A_152 = arith.constant dense<0xFF80> : vector<512xbf16>
      %reduce_max3A_153 = vector.multi_reduction <maximumf>, %add3A_151, %reduce_max3A_152 [1] : vector<512x512xbf16> to vector<512xbf16>
      %broadcast_in_dim3A_154 = vector.shape_cast %reduce_max3A_153 : vector<512xbf16> to vector<512x1xbf16>
      %sub3A_155 = vector.broadcast %broadcast_in_dim3A_154 : vector<512x1xbf16> to vector<512x512xbf16>
      %sub3A_156 = arith.subf %add3A_151, %sub3A_155 : vector<512x512xbf16>
      %exp3A_157 = math.exp %sub3A_156 : vector<512x512xbf16>
      %get3A_158 = arith.constant 2 : index
      %get3A_159 = arith.constant 0 : index
      %get3A_160 = arith.constant 0 : index
      %get3A_161 = vector.load %arg6[%get3A_158, %get3A_159, %get3A_160] : memref<8x512x128xbf16, #tpu.memory_space<vmem>>, vector<1x512x128xbf16>
      %get3A_162 = vector.shape_cast %get3A_161 : vector<1x512x128xbf16> to vector<512x128xbf16>
      %dot_general3A_163 = arith.constant dense<0.000000e+00> : vector<512x128xf32>
      %dot_general3A_164 = tpu.matmul %exp3A_157, %get3A_162, %dot_general3A_163 {dimension_numbers = #tpu.dot_dimension_numbers<[1], [0], [0], [1], [0, 0, 1, 1], [], []>, transpose_lhs_hint = false} : vector<512x512xbf16>, vector<512x128xbf16>, vector<512x128xf32> -> vector<512x128xf32>
      %swap3A_165 = arith.constant 2 : index
      %swap3A_166 = arith.constant 0 : index
      %swap3A_167 = arith.constant 0 : index
      %swap3A_168 = vector.load %arg21[%swap3A_165, %swap3A_166, %swap3A_167] : memref<8x512x128xf32, #tpu.memory_space<vmem>>, vector<1x512x128xf32>
      %swap3A_169 = vector.shape_cast %swap3A_168 : vector<1x512x128xf32> to vector<512x128xf32>
      %swap3A_170 = vector.shape_cast %dot_general3A_164 : vector<512x128xf32> to vector<1x512x128xf32>
      tpu.vector_store %arg21[%swap3A_165, %swap3A_166, %swap3A_167], %swap3A_170 {strides = array<i32>} : memref<8x512x128xf32, #tpu.memory_space<vmem>>, vector<1x512x128xf32>,
      %broadcast_in_dim3A_171 = vector.shape_cast %broadcast_in_dim3A_154 : vector<512x1xbf16> to vector<512x1xbf16>
      %broadcast_in_dim3A_172 = vector.broadcast %broadcast_in_dim3A_171 : vector<512x1xbf16> to vector<512x128xbf16>
      %swap3A_173 = arith.constant 2 : index
      %swap3A_174 = arith.constant 0 : index
      %swap3A_175 = arith.constant 0 : index
      %swap3A_176 = vector.load %arg22[%swap3A_173, %swap3A_174, %swap3A_175] : memref<8x512x128xbf16, #tpu.memory_space<vmem>>, vector<1x512x128xbf16>
      %swap3A_177 = vector.shape_cast %swap3A_176 : vector<1x512x128xbf16> to vector<512x128xbf16>
      %swap3A_178 = vector.shape_cast %broadcast_in_dim3A_172 : vector<512x128xbf16> to vector<1x512x128xbf16>
      tpu.vector_store %arg22[%swap3A_173, %swap3A_174, %swap3A_175], %swap3A_178 {strides = array<i32>} : memref<8x512x128xbf16, #tpu.memory_space<vmem>>, vector<1x512x128xbf16>,
      %get3A_179 = arith.constant 3 : index
      %get3A_180 = arith.constant 0 : index
      %get3A_181 = arith.constant 0 : index
      %get3A_182 = vector.load %arg4[%get3A_179, %get3A_180, %get3A_181] : memref<8x512x64xbf16, #tpu.memory_space<vmem>>, vector<1x512x64xbf16>
      %get3A_183 = vector.shape_cast %get3A_182 : vector<1x512x64xbf16> to vector<512x64xbf16>
      %get3A_184 = arith.constant 3 : index
      %get3A_185 = arith.constant 0 : index
      %get3A_186 = arith.constant 0 : index
      %get3A_187 = vector.load %arg5[%get3A_184, %get3A_185, %get3A_186] : memref<8x512x64xbf16, #tpu.memory_space<vmem>>, vector<1x512x64xbf16>
      %get3A_188 = vector.shape_cast %get3A_187 : vector<1x512x64xbf16> to vector<512x64xbf16>
      %dot_general3A_189 = arith.constant dense<0.000000e+00> : vector<512x512xf32>
      %dot_general3A_190 = tpu.matmul %get3A_183, %get3A_188, %dot_general3A_189 {dimension_numbers = #tpu.dot_dimension_numbers<[1], [1], [0], [0], [0, 0, 1, 0], [], []>, transpose_lhs_hint = false} : vector<512x64xbf16>, vector<512x64xbf16>, vector<512x512xf32> -> vector<512x512xf32>
      %convert_element_type3A_191 = arith.truncf %dot_general3A_190 : vector<512x512xf32> to vector<512x512xbf16>
      %add3A_192 = arith.addf %convert_element_type3A_191, %convert_element_type3A_59 : vector<512x512xbf16>
      %reduce_max3A_193 = arith.constant dense<0xFF80> : vector<512xbf16>
      %reduce_max3A_194 = vector.multi_reduction <maximumf>, %add3A_192, %reduce_max3A_193 [1] : vector<512x512xbf16> to vector<512xbf16>
      %broadcast_in_dim3A_195 = vector.shape_cast %reduce_max3A_194 : vector<512xbf16> to vector<512x1xbf16>
      %sub3A_196 = vector.broadcast %broadcast_in_dim3A_195 : vector<512x1xbf16> to vector<512x512xbf16>
      %sub3A_197 = arith.subf %add3A_192, %sub3A_196 : vector<512x512xbf16>
      %exp3A_198 = math.exp %sub3A_197 : vector<512x512xbf16>
      %get3A_199 = arith.constant 3 : index
      %get3A_200 = arith.constant 0 : index
      %get3A_201 = arith.constant 0 : index
      %get3A_202 = vector.load %arg6[%get3A_199, %get3A_200, %get3A_201] : memref<8x512x128xbf16, #tpu.memory_space<vmem>>, vector<1x512x128xbf16>
      %get3A_203 = vector.shape_cast %get3A_202 : vector<1x512x128xbf16> to vector<512x128xbf16>
      %dot_general3A_204 = arith.constant dense<0.000000e+00> : vector<512x128xf32>
      %dot_general3A_205 = tpu.matmul %exp3A_198, %get3A_203, %dot_general3A_204 {dimension_numbers = #tpu.dot_dimension_numbers<[1], [0], [0], [1], [0, 0, 1, 1], [], []>, transpose_lhs_hint = false} : vector<512x512xbf16>, vector<512x128xbf16>, vector<512x128xf32> -> vector<512x128xf32>
      %swap3A_206 = arith.constant 3 : index
      %swap3A_207 = arith.constant 0 : index
      %swap3A_208 = arith.constant 0 : index
      %swap3A_209 = vector.load %arg21[%swap3A_206, %swap3A_207, %swap3A_208] : memref<8x512x128xf32, #tpu.memory_space<vmem>>, vector<1x512x128xf32>
      %swap3A_210 = vector.shape_cast %swap3A_209 : vector<1x512x128xf32> to vector<512x128xf32>
      %swap3A_211 = vector.shape_cast %dot_general3A_205 : vector<512x128xf32> to vector<1x512x128xf32>
      tpu.vector_store %arg21[%swap3A_206, %swap3A_207, %swap3A_208], %swap3A_211 {strides = array<i32>} : memref<8x512x128xf32, #tpu.memory_space<vmem>>, vector<1x512x128xf32>,
      %broadcast_in_dim3A_212 = vector.shape_cast %broadcast_in_dim3A_195 : vector<512x1xbf16> to vector<512x1xbf16>
      %broadcast_in_dim3A_213 = vector.broadcast %broadcast_in_dim3A_212 : vector<512x1xbf16> to vector<512x128xbf16>
      %swap3A_214 = arith.constant 3 : index
      %swap3A_215 = arith.constant 0 : index
      %swap3A_216 = arith.constant 0 : index
      %swap3A_217 = vector.load %arg22[%swap3A_214, %swap3A_215, %swap3A_216] : memref<8x512x128xbf16, #tpu.memory_space<vmem>>, vector<1x512x128xbf16>
      %swap3A_218 = vector.shape_cast %swap3A_217 : vector<1x512x128xbf16> to vector<512x128xbf16>
      %swap3A_219 = vector.shape_cast %broadcast_in_dim3A_213 : vector<512x128xbf16> to vector<1x512x128xbf16>
      tpu.vector_store %arg22[%swap3A_214, %swap3A_215, %swap3A_216], %swap3A_219 {strides = array<i32>} : memref<8x512x128xbf16, #tpu.memory_space<vmem>>, vector<1x512x128xbf16>,
      %get3A_220 = arith.constant 4 : index
      %get3A_221 = arith.constant 0 : index
      %get3A_222 = arith.constant 0 : index
      %get3A_223 = vector.load %arg4[%get3A_220, %get3A_221, %get3A_222] : memref<8x512x64xbf16, #tpu.memory_space<vmem>>, vector<1x512x64xbf16>
      %get3A_224 = vector.shape_cast %get3A_223 : vector<1x512x64xbf16> to vector<512x64xbf16>
      %get3A_225 = arith.constant 4 : index
      %get3A_226 = arith.constant 0 : index
      %get3A_227 = arith.constant 0 : index
      %get3A_228 = vector.load %arg5[%get3A_225, %get3A_226, %get3A_227] : memref<8x512x64xbf16, #tpu.memory_space<vmem>>, vector<1x512x64xbf16>
      %get3A_229 = vector.shape_cast %get3A_228 : vector<1x512x64xbf16> to vector<512x64xbf16>
      %dot_general3A_230 = arith.constant dense<0.000000e+00> : vector<512x512xf32>
      %dot_general3A_231 = tpu.matmul %get3A_224, %get3A_229, %dot_general3A_230 {dimension_numbers = #tpu.dot_dimension_numbers<[1], [1], [0], [0], [0, 0, 1, 0], [], []>, transpose_lhs_hint = false} : vector<512x64xbf16>, vector<512x64xbf16>, vector<512x512xf32> -> vector<512x512xf32>
      %convert_element_type3A_232 = arith.truncf %dot_general3A_231 : vector<512x512xf32> to vector<512x512xbf16>
      %add3A_233 = arith.addf %convert_element_type3A_232, %convert_element_type3A_59 : vector<512x512xbf16>
      %reduce_max3A_234 = arith.constant dense<0xFF80> : vector<512xbf16>
      %reduce_max3A_235 = vector.multi_reduction <maximumf>, %add3A_233, %reduce_max3A_234 [1] : vector<512x512xbf16> to vector<512xbf16>
      %broadcast_in_dim3A_236 = vector.shape_cast %reduce_max3A_235 : vector<512xbf16> to vector<512x1xbf16>
      %sub3A_237 = vector.broadcast %broadcast_in_dim3A_236 : vector<512x1xbf16> to vector<512x512xbf16>
      %sub3A_238 = arith.subf %add3A_233, %sub3A_237 : vector<512x512xbf16>
      %exp3A_239 = math.exp %sub3A_238 : vector<512x512xbf16>
      %get3A_240 = arith.constant 4 : index
      %get3A_241 = arith.constant 0 : index
      %get3A_242 = arith.constant 0 : index
      %get3A_243 = vector.load %arg6[%get3A_240, %get3A_241, %get3A_242] : memref<8x512x128xbf16, #tpu.memory_space<vmem>>, vector<1x512x128xbf16>
      %get3A_244 = vector.shape_cast %get3A_243 : vector<1x512x128xbf16> to vector<512x128xbf16>
      %dot_general3A_245 = arith.constant dense<0.000000e+00> : vector<512x128xf32>
      %dot_general3A_246 = tpu.matmul %exp3A_239, %get3A_244, %dot_general3A_245 {dimension_numbers = #tpu.dot_dimension_numbers<[1], [0], [0], [1], [0, 0, 1, 1], [], []>, transpose_lhs_hint = false} : vector<512x512xbf16>, vector<512x128xbf16>, vector<512x128xf32> -> vector<512x128xf32>
      %swap3A_247 = arith.constant 4 : index
      %swap3A_248 = arith.constant 0 : index
      %swap3A_249 = arith.constant 0 : index
      %swap3A_250 = vector.load %arg21[%swap3A_247, %swap3A_248, %swap3A_249] : memref<8x512x128xf32, #tpu.memory_space<vmem>>, vector<1x512x128xf32>
      %swap3A_251 = vector.shape_cast %swap3A_250 : vector<1x512x128xf32> to vector<512x128xf32>
      %swap3A_252 = vector.shape_cast %dot_general3A_246 : vector<512x128xf32> to vector<1x512x128xf32>
      tpu.vector_store %arg21[%swap3A_247, %swap3A_248, %swap3A_249], %swap3A_252 {strides = array<i32>} : memref<8x512x128xf32, #tpu.memory_space<vmem>>, vector<1x512x128xf32>,
      %broadcast_in_dim3A_253 = vector.shape_cast %broadcast_in_dim3A_236 : vector<512x1xbf16> to vector<512x1xbf16>
      %broadcast_in_dim3A_254 = vector.broadcast %broadcast_in_dim3A_253 : vector<512x1xbf16> to vector<512x128xbf16>
      %swap3A_255 = arith.constant 4 : index
      %swap3A_256 = arith.constant 0 : index
      %swap3A_257 = arith.constant 0 : index
      %swap3A_258 = vector.load %arg22[%swap3A_255, %swap3A_256, %swap3A_257] : memref<8x512x128xbf16, #tpu.memory_space<vmem>>, vector<1x512x128xbf16>
      %swap3A_259 = vector.shape_cast %swap3A_258 : vector<1x512x128xbf16> to vector<512x128xbf16>
      %swap3A_260 = vector.shape_cast %broadcast_in_dim3A_254 : vector<512x128xbf16> to vector<1x512x128xbf16>
      tpu.vector_store %arg22[%swap3A_255, %swap3A_256, %swap3A_257], %swap3A_260 {strides = array<i32>} : memref<8x512x128xbf16, #tpu.memory_space<vmem>>, vector<1x512x128xbf16>,
      %get3A_261 = arith.constant 5 : index
      %get3A_262 = arith.constant 0 : index
      %get3A_263 = arith.constant 0 : index
      %get3A_264 = vector.load %arg4[%get3A_261, %get3A_262, %get3A_263] : memref<8x512x64xbf16, #tpu.memory_space<vmem>>, vector<1x512x64xbf16>
      %get3A_265 = vector.shape_cast %get3A_264 : vector<1x512x64xbf16> to vector<512x64xbf16>
      %get3A_266 = arith.constant 5 : index
      %get3A_267 = arith.constant 0 : index
      %get3A_268 = arith.constant 0 : index
      %get3A_269 = vector.load %arg5[%get3A_266, %get3A_267, %get3A_268] : memref<8x512x64xbf16, #tpu.memory_space<vmem>>, vector<1x512x64xbf16>
      %get3A_270 = vector.shape_cast %get3A_269 : vector<1x512x64xbf16> to vector<512x64xbf16>
      %dot_general3A_271 = arith.constant dense<0.000000e+00> : vector<512x512xf32>
      %dot_general3A_272 = tpu.matmul %get3A_265, %get3A_270, %dot_general3A_271 {dimension_numbers = #tpu.dot_dimension_numbers<[1], [1], [0], [0], [0, 0, 1, 0], [], []>, transpose_lhs_hint = false} : vector<512x64xbf16>, vector<512x64xbf16>, vector<512x512xf32> -> vector<512x512xf32>
      %convert_element_type3A_273 = arith.truncf %dot_general3A_272 : vector<512x512xf32> to vector<512x512xbf16>
      %add3A_274 = arith.addf %convert_element_type3A_273, %convert_element_type3A_59 : vector<512x512xbf16>
      %reduce_max3A_275 = arith.constant dense<0xFF80> : vector<512xbf16>
      %reduce_max3A_276 = vector.multi_reduction <maximumf>, %add3A_274, %reduce_max3A_275 [1] : vector<512x512xbf16> to vector<512xbf16>
      %broadcast_in_dim3A_277 = vector.shape_cast %reduce_max3A_276 : vector<512xbf16> to vector<512x1xbf16>
      %sub3A_278 = vector.broadcast %broadcast_in_dim3A_277 : vector<512x1xbf16> to vector<512x512xbf16>
      %sub3A_279 = arith.subf %add3A_274, %sub3A_278 : vector<512x512xbf16>
      %exp3A_280 = math.exp %sub3A_279 : vector<512x512xbf16>
      %get3A_281 = arith.constant 5 : index
      %get3A_282 = arith.constant 0 : index
      %get3A_283 = arith.constant 0 : index
      %get3A_284 = vector.load %arg6[%get3A_281, %get3A_282, %get3A_283] : memref<8x512x128xbf16, #tpu.memory_space<vmem>>, vector<1x512x128xbf16>
      %get3A_285 = vector.shape_cast %get3A_284 : vector<1x512x128xbf16> to vector<512x128xbf16>
      %dot_general3A_286 = arith.constant dense<0.000000e+00> : vector<512x128xf32>
      %dot_general3A_287 = tpu.matmul %exp3A_280, %get3A_285, %dot_general3A_286 {dimension_numbers = #tpu.dot_dimension_numbers<[1], [0], [0], [1], [0, 0, 1, 1], [], []>, transpose_lhs_hint = false} : vector<512x512xbf16>, vector<512x128xbf16>, vector<512x128xf32> -> vector<512x128xf32>
      %swap3A_288 = arith.constant 5 : index
      %swap3A_289 = arith.constant 0 : index
      %swap3A_290 = arith.constant 0 : index
      %swap3A_291 = vector.load %arg21[%swap3A_288, %swap3A_289, %swap3A_290] : memref<8x512x128xf32, #tpu.memory_space<vmem>>, vector<1x512x128xf32>
      %swap3A_292 = vector.shape_cast %swap3A_291 : vector<1x512x128xf32> to vector<512x128xf32>
      %swap3A_293 = vector.shape_cast %dot_general3A_287 : vector<512x128xf32> to vector<1x512x128xf32>
      tpu.vector_store %arg21[%swap3A_288, %swap3A_289, %swap3A_290], %swap3A_293 {strides = array<i32>} : memref<8x512x128xf32, #tpu.memory_space<vmem>>, vector<1x512x128xf32>,
      %broadcast_in_dim3A_294 = vector.shape_cast %broadcast_in_dim3A_277 : vector<512x1xbf16> to vector<512x1xbf16>
      %broadcast_in_dim3A_295 = vector.broadcast %broadcast_in_dim3A_294 : vector<512x1xbf16> to vector<512x128xbf16>
      %swap3A_296 = arith.constant 5 : index
      %swap3A_297 = arith.constant 0 : index
      %swap3A_298 = arith.constant 0 : index
      %swap3A_299 = vector.load %arg22[%swap3A_296, %swap3A_297, %swap3A_298] : memref<8x512x128xbf16, #tpu.memory_space<vmem>>, vector<1x512x128xbf16>
      %swap3A_300 = vector.shape_cast %swap3A_299 : vector<1x512x128xbf16> to vector<512x128xbf16>
      %swap3A_301 = vector.shape_cast %broadcast_in_dim3A_295 : vector<512x128xbf16> to vector<1x512x128xbf16>
      tpu.vector_store %arg22[%swap3A_296, %swap3A_297, %swap3A_298], %swap3A_301 {strides = array<i32>} : memref<8x512x128xbf16, #tpu.memory_space<vmem>>, vector<1x512x128xbf16>,
      %get3A_302 = arith.constant 6 : index
      %get3A_303 = arith.constant 0 : index
      %get3A_304 = arith.constant 0 : index
      %get3A_305 = vector.load %arg4[%get3A_302, %get3A_303, %get3A_304] : memref<8x512x64xbf16, #tpu.memory_space<vmem>>, vector<1x512x64xbf16>
      %get3A_306 = vector.shape_cast %get3A_305 : vector<1x512x64xbf16> to vector<512x64xbf16>
      %get3A_307 = arith.constant 6 : index
      %get3A_308 = arith.constant 0 : index
      %get3A_309 = arith.constant 0 : index
      %get3A_310 = vector.load %arg5[%get3A_307, %get3A_308, %get3A_309] : memref<8x512x64xbf16, #tpu.memory_space<vmem>>, vector<1x512x64xbf16>
      %get3A_311 = vector.shape_cast %get3A_310 : vector<1x512x64xbf16> to vector<512x64xbf16>
      %dot_general3A_312 = arith.constant dense<0.000000e+00> : vector<512x512xf32>
      %dot_general3A_313 = tpu.matmul %get3A_306, %get3A_311, %dot_general3A_312 {dimension_numbers = #tpu.dot_dimension_numbers<[1], [1], [0], [0], [0, 0, 1, 0], [], []>, transpose_lhs_hint = false} : vector<512x64xbf16>, vector<512x64xbf16>, vector<512x512xf32> -> vector<512x512xf32>
      %convert_element_type3A_314 = arith.truncf %dot_general3A_313 : vector<512x512xf32> to vector<512x512xbf16>
      %add3A_315 = arith.addf %convert_element_type3A_314, %convert_element_type3A_59 : vector<512x512xbf16>
      %reduce_max3A_316 = arith.constant dense<0xFF80> : vector<512xbf16>
      %reduce_max3A_317 = vector.multi_reduction <maximumf>, %add3A_315, %reduce_max3A_316 [1] : vector<512x512xbf16> to vector<512xbf16>
      %broadcast_in_dim3A_318 = vector.shape_cast %reduce_max3A_317 : vector<512xbf16> to vector<512x1xbf16>
      %sub3A_319 = vector.broadcast %broadcast_in_dim3A_318 : vector<512x1xbf16> to vector<512x512xbf16>
      %sub3A_320 = arith.subf %add3A_315, %sub3A_319 : vector<512x512xbf16>
      %exp3A_321 = math.exp %sub3A_320 : vector<512x512xbf16>
      %get3A_322 = arith.constant 6 : index
      %get3A_323 = arith.constant 0 : index
      %get3A_324 = arith.constant 0 : index
      %get3A_325 = vector.load %arg6[%get3A_322, %get3A_323, %get3A_324] : memref<8x512x128xbf16, #tpu.memory_space<vmem>>, vector<1x512x128xbf16>
      %get3A_326 = vector.shape_cast %get3A_325 : vector<1x512x128xbf16> to vector<512x128xbf16>
      %dot_general3A_327 = arith.constant dense<0.000000e+00> : vector<512x128xf32>
      %dot_general3A_328 = tpu.matmul %exp3A_321, %get3A_326, %dot_general3A_327 {dimension_numbers = #tpu.dot_dimension_numbers<[1], [0], [0], [1], [0, 0, 1, 1], [], []>, transpose_lhs_hint = false} : vector<512x512xbf16>, vector<512x128xbf16>, vector<512x128xf32> -> vector<512x128xf32>
      %swap3A_329 = arith.constant 6 : index
      %swap3A_330 = arith.constant 0 : index
      %swap3A_331 = arith.constant 0 : index
      %swap3A_332 = vector.load %arg21[%swap3A_329, %swap3A_330, %swap3A_331] : memref<8x512x128xf32, #tpu.memory_space<vmem>>, vector<1x512x128xf32>
      %swap3A_333 = vector.shape_cast %swap3A_332 : vector<1x512x128xf32> to vector<512x128xf32>
      %swap3A_334 = vector.shape_cast %dot_general3A_328 : vector<512x128xf32> to vector<1x512x128xf32>
      tpu.vector_store %arg21[%swap3A_329, %swap3A_330, %swap3A_331], %swap3A_334 {strides = array<i32>} : memref<8x512x128xf32, #tpu.memory_space<vmem>>, vector<1x512x128xf32>,
      %broadcast_in_dim3A_335 = vector.shape_cast %broadcast_in_dim3A_318 : vector<512x1xbf16> to vector<512x1xbf16>
      %broadcast_in_dim3A_336 = vector.broadcast %broadcast_in_dim3A_335 : vector<512x1xbf16> to vector<512x128xbf16>
      %swap3A_337 = arith.constant 6 : index
      %swap3A_338 = arith.constant 0 : index
      %swap3A_339 = arith.constant 0 : index
      %swap3A_340 = vector.load %arg22[%swap3A_337, %swap3A_338, %swap3A_339] : memref<8x512x128xbf16, #tpu.memory_space<vmem>>, vector<1x512x128xbf16>
      %swap3A_341 = vector.shape_cast %swap3A_340 : vector<1x512x128xbf16> to vector<512x128xbf16>
      %swap3A_342 = vector.shape_cast %broadcast_in_dim3A_336 : vector<512x128xbf16> to vector<1x512x128xbf16>
      tpu.vector_store %arg22[%swap3A_337, %swap3A_338, %swap3A_339], %swap3A_342 {strides = array<i32>} : memref<8x512x128xbf16, #tpu.memory_space<vmem>>, vector<1x512x128xbf16>,
      %get3A_343 = arith.constant 7 : index
      %get3A_344 = arith.constant 0 : index
      %get3A_345 = arith.constant 0 : index
      %get3A_346 = vector.load %arg4[%get3A_343, %get3A_344, %get3A_345] : memref<8x512x64xbf16, #tpu.memory_space<vmem>>, vector<1x512x64xbf16>
      %get3A_347 = vector.shape_cast %get3A_346 : vector<1x512x64xbf16> to vector<512x64xbf16>
      %get3A_348 = arith.constant 7 : index
      %get3A_349 = arith.constant 0 : index
      %get3A_350 = arith.constant 0 : index
      %get3A_351 = vector.load %arg5[%get3A_348, %get3A_349, %get3A_350] : memref<8x512x64xbf16, #tpu.memory_space<vmem>>, vector<1x512x64xbf16>
      %get3A_352 = vector.shape_cast %get3A_351 : vector<1x512x64xbf16> to vector<512x64xbf16>
      %dot_general3A_353 = arith.constant dense<0.000000e+00> : vector<512x512xf32>
      %dot_general3A_354 = tpu.matmul %get3A_347, %get3A_352, %dot_general3A_353 {dimension_numbers = #tpu.dot_dimension_numbers<[1], [1], [0], [0], [0, 0, 1, 0], [], []>, transpose_lhs_hint = false} : vector<512x64xbf16>, vector<512x64xbf16>, vector<512x512xf32> -> vector<512x512xf32>
      %convert_element_type3A_355 = arith.truncf %dot_general3A_354 : vector<512x512xf32> to vector<512x512xbf16>
      %add3A_356 = arith.addf %convert_element_type3A_355, %convert_element_type3A_59 : vector<512x512xbf16>
      %reduce_max3A_357 = arith.constant dense<0xFF80> : vector<512xbf16>
      %reduce_max3A_358 = vector.multi_reduction <maximumf>, %add3A_356, %reduce_max3A_357 [1] : vector<512x512xbf16> to vector<512xbf16>
      %broadcast_in_dim3A_359 = vector.shape_cast %reduce_max3A_358 : vector<512xbf16> to vector<512x1xbf16>
      %sub3A_360 = vector.broadcast %broadcast_in_dim3A_359 : vector<512x1xbf16> to vector<512x512xbf16>
      %sub3A_361 = arith.subf %add3A_356, %sub3A_360 : vector<512x512xbf16>
      %exp3A_362 = math.exp %sub3A_361 : vector<512x512xbf16>
      %get3A_363 = arith.constant 7 : index
      %get3A_364 = arith.constant 0 : index
      %get3A_365 = arith.constant 0 : index
      %get3A_366 = vector.load %arg6[%get3A_363, %get3A_364, %get3A_365] : memref<8x512x128xbf16, #tpu.memory_space<vmem>>, vector<1x512x128xbf16>
      %get3A_367 = vector.shape_cast %get3A_366 : vector<1x512x128xbf16> to vector<512x128xbf16>
      %dot_general3A_368 = arith.constant dense<0.000000e+00> : vector<512x128xf32>
      %dot_general3A_369 = tpu.matmul %exp3A_362, %get3A_367, %dot_general3A_368 {dimension_numbers = #tpu.dot_dimension_numbers<[1], [0], [0], [1], [0, 0, 1, 1], [], []>, transpose_lhs_hint = false} : vector<512x512xbf16>, vector<512x128xbf16>, vector<512x128xf32> -> vector<512x128xf32>
      %swap3A_370 = arith.constant 7 : index
      %swap3A_371 = arith.constant 0 : index
      %swap3A_372 = arith.constant 0 : index
      %swap3A_373 = vector.load %arg21[%swap3A_370, %swap3A_371, %swap3A_372] : memref<8x512x128xf32, #tpu.memory_space<vmem>>, vector<1x512x128xf32>
      %swap3A_374 = vector.shape_cast %swap3A_373 : vector<1x512x128xf32> to vector<512x128xf32>
      %swap3A_375 = vector.shape_cast %dot_general3A_369 : vector<512x128xf32> to vector<1x512x128xf32>
      tpu.vector_store %arg21[%swap3A_370, %swap3A_371, %swap3A_372], %swap3A_375 {strides = array<i32>} : memref<8x512x128xf32, #tpu.memory_space<vmem>>, vector<1x512x128xf32>,
      %broadcast_in_dim3A_376 = vector.shape_cast %broadcast_in_dim3A_359 : vector<512x1xbf16> to vector<512x1xbf16>
      %broadcast_in_dim3A_377 = vector.broadcast %broadcast_in_dim3A_376 : vector<512x1xbf16> to vector<512x128xbf16>
      %swap3A_378 = arith.constant 7 : index
      %swap3A_379 = arith.constant 0 : index
      %swap3A_380 = arith.constant 0 : index
      %swap3A_381 = vector.load %arg22[%swap3A_378, %swap3A_379, %swap3A_380] : memref<8x512x128xbf16, #tpu.memory_space<vmem>>, vector<1x512x128xbf16>
      %swap3A_382 = vector.shape_cast %swap3A_381 : vector<1x512x128xbf16> to vector<512x128xbf16>
      %swap3A_383 = vector.shape_cast %broadcast_in_dim3A_377 : vector<512x128xbf16> to vector<1x512x128xbf16>
      tpu.vector_store %arg22[%swap3A_378, %swap3A_379, %swap3A_380], %swap3A_383 {strides = array<i32>} : memref<8x512x128xbf16, #tpu.memory_space<vmem>>, vector<1x512x128xbf16>,
    } else {
    }
    %not3A_16 = arith.constant true
    %not3A_17 = arith.xori %or3A, %not3A_16 : i1
    %and3A_18 = arith.andi %not3A_17, %ne3A_9 : i1
    %convert_element_type3A_19 = arith.extui %and3A_18 : i1 to i32
    %cond3A_20 = arith.constant 0 : i32
    %cond3A_21 = arith.cmpi ne, %convert_element_type3A_19, %cond3A_20 : i32
    scf.if %cond3A_21 {
      %get3A_42 = arith.constant 0 : index
      %get3A_43 = arith.constant 0 : index
      %get3A_44 = arith.constant 0 : index
      %get3A_45 = vector.load %arg4[%get3A_42, %get3A_43, %get3A_44] : memref<8x512x64xbf16, #tpu.memory_space<vmem>>, vector<1x512x64xbf16>
      %get3A_46 = vector.shape_cast %get3A_45 : vector<1x512x64xbf16> to vector<512x64xbf16>
      %get3A_47 = arith.constant 0 : index
      %get3A_48 = arith.constant 0 : index
      %get3A_49 = arith.constant 0 : index
      %get3A_50 = vector.load %arg5[%get3A_47, %get3A_48, %get3A_49] : memref<8x512x64xbf16, #tpu.memory_space<vmem>>, vector<1x512x64xbf16>
      %get3A_51 = vector.shape_cast %get3A_50 : vector<1x512x64xbf16> to vector<512x64xbf16>
      %dot_general3A = arith.constant dense<0.000000e+00> : vector<512x512xf32>
      %dot_general3A_52 = tpu.matmul %get3A_46, %get3A_51, %dot_general3A {dimension_numbers = #tpu.dot_dimension_numbers<[1], [1], [0], [0], [0, 0, 1, 0], [], []>, transpose_lhs_hint = false} : vector<512x64xbf16>, vector<512x64xbf16>, vector<512x512xf32> -> vector<512x512xf32>
      %convert_element_type3A_53 = arith.truncf %dot_general3A_52 : vector<512x512xf32> to vector<512x512xbf16>
      %reduce_max3A = arith.constant dense<0xFF80> : vector<512xbf16>
      %reduce_max3A_54 = vector.multi_reduction <maximumf>, %convert_element_type3A_53, %reduce_max3A [1] : vector<512x512xbf16> to vector<512xbf16>
      %broadcast_in_dim3A = vector.shape_cast %reduce_max3A_54 : vector<512xbf16> to vector<512x1xbf16>
      %get3A_55 = arith.constant 0 : index
      %get3A_56 = arith.constant 0 : index
      %get3A_57 = arith.constant 0 : index
      %get3A_58 = vector.load %arg22[%get3A_55, %get3A_56, %get3A_57] : memref<8x512x128xbf16, #tpu.memory_space<vmem>>, vector<1x512x128xbf16>
      %get3A_59 = vector.shape_cast %get3A_58 : vector<1x512x128xbf16> to vector<512x128xbf16>
      %slice3A = vector.extract_strided_slice %get3A_59 {offsets = [0, 0], sizes = [512, 1], strides = [1, 1]} : vector<512x128xbf16> to vector<512x1xbf16>
      %max3A_60 = arith.maximumf %slice3A, %broadcast_in_dim3A : vector<512x1xbf16>
      %sub3A_61 = vector.broadcast %max3A_60 : vector<512x1xbf16> to vector<512x512xbf16>
      %sub3A_62 = arith.subf %convert_element_type3A_53, %sub3A_61 : vector<512x512xbf16>
      %exp3A = math.exp %sub3A_62 : vector<512x512xbf16>
      %get3A_63 = arith.constant 0 : index
      %get3A_64 = arith.constant 0 : index
      %get3A_65 = arith.constant 0 : index
      %get3A_66 = vector.load %arg6[%get3A_63, %get3A_64, %get3A_65] : memref<8x512x128xbf16, #tpu.memory_space<vmem>>, vector<1x512x128xbf16>
      %get3A_67 = vector.shape_cast %get3A_66 : vector<1x512x128xbf16> to vector<512x128xbf16>
      %dot_general3A_68 = arith.constant dense<0.000000e+00> : vector<512x128xf32>
      %dot_general3A_69 = tpu.matmul %exp3A, %get3A_67, %dot_general3A_68 {dimension_numbers = #tpu.dot_dimension_numbers<[1], [0], [0], [1], [0, 0, 1, 1], [], []>, transpose_lhs_hint = false} : vector<512x512xbf16>, vector<512x128xbf16>, vector<512x128xf32> -> vector<512x128xf32>
      %sub3A_70 = arith.subf %slice3A, %max3A_60 : vector<512x1xbf16>
      %convert_element_type3A_71 = arith.extf %sub3A_70 : vector<512x1xbf16> to vector<512x1xf32>
      %exp3A_72 = math.exp %convert_element_type3A_71 : vector<512x1xf32>
      %get3A_73 = arith.constant 0 : index
      %get3A_74 = arith.constant 0 : index
      %get3A_75 = arith.constant 0 : index
      %get3A_76 = vector.load %arg21[%get3A_73, %get3A_74, %get3A_75] : memref<8x512x128xf32, #tpu.memory_space<vmem>>, vector<1x512x128xf32>
      %get3A_77 = vector.shape_cast %get3A_76 : vector<1x512x128xf32> to vector<512x128xf32>
      %mul3A = vector.broadcast %exp3A_72 : vector<512x1xf32> to vector<512x128xf32>
      %mul3A_78 = arith.mulf %get3A_77, %mul3A : vector<512x128xf32>
      %add3A_79 = arith.addf %mul3A_78, %dot_general3A_69 : vector<512x128xf32>
      %swap3A = arith.constant 0 : index
      %swap3A_80 = arith.constant 0 : index
      %swap3A_81 = arith.constant 0 : index
      %swap3A_82 = vector.load %arg21[%swap3A, %swap3A_80, %swap3A_81] : memref<8x512x128xf32, #tpu.memory_space<vmem>>, vector<1x512x128xf32>
      %swap3A_83 = vector.shape_cast %swap3A_82 : vector<1x512x128xf32> to vector<512x128xf32>
      %swap3A_84 = vector.shape_cast %add3A_79 : vector<512x128xf32> to vector<1x512x128xf32>
      tpu.vector_store %arg21[%swap3A, %swap3A_80, %swap3A_81], %swap3A_84 {strides = array<i32>} : memref<8x512x128xf32, #tpu.memory_space<vmem>>, vector<1x512x128xf32>,
      %broadcast_in_dim3A_85 = vector.shape_cast %max3A_60 : vector<512x1xbf16> to vector<512x1xbf16>
      %broadcast_in_dim3A_86 = vector.broadcast %broadcast_in_dim3A_85 : vector<512x1xbf16> to vector<512x128xbf16>
      %swap3A_87 = arith.constant 0 : index
      %swap3A_88 = arith.constant 0 : index
      %swap3A_89 = arith.constant 0 : index
      %swap3A_90 = vector.load %arg22[%swap3A_87, %swap3A_88, %swap3A_89] : memref<8x512x128xbf16, #tpu.memory_space<vmem>>, vector<1x512x128xbf16>
      %swap3A_91 = vector.shape_cast %swap3A_90 : vector<1x512x128xbf16> to vector<512x128xbf16>
      %swap3A_92 = vector.shape_cast %broadcast_in_dim3A_86 : vector<512x128xbf16> to vector<1x512x128xbf16>
      tpu.vector_store %arg22[%swap3A_87, %swap3A_88, %swap3A_89], %swap3A_92 {strides = array<i32>} : memref<8x512x128xbf16, #tpu.memory_space<vmem>>, vector<1x512x128xbf16>,
      %get3A_93 = arith.constant 1 : index
      %get3A_94 = arith.constant 0 : index
      %get3A_95 = arith.constant 0 : index
      %get3A_96 = vector.load %arg4[%get3A_93, %get3A_94, %get3A_95] : memref<8x512x64xbf16, #tpu.memory_space<vmem>>, vector<1x512x64xbf16>
      %get3A_97 = vector.shape_cast %get3A_96 : vector<1x512x64xbf16> to vector<512x64xbf16>
      %get3A_98 = arith.constant 1 : index
      %get3A_99 = arith.constant 0 : index
      %get3A_100 = arith.constant 0 : index
      %get3A_101 = vector.load %arg5[%get3A_98, %get3A_99, %get3A_100] : memref<8x512x64xbf16, #tpu.memory_space<vmem>>, vector<1x512x64xbf16>
      %get3A_102 = vector.shape_cast %get3A_101 : vector<1x512x64xbf16> to vector<512x64xbf16>
      %dot_general3A_103 = arith.constant dense<0.000000e+00> : vector<512x512xf32>
      %dot_general3A_104 = tpu.matmul %get3A_97, %get3A_102, %dot_general3A_103 {dimension_numbers = #tpu.dot_dimension_numbers<[1], [1], [0], [0], [0, 0, 1, 0], [], []>, transpose_lhs_hint = false} : vector<512x64xbf16>, vector<512x64xbf16>, vector<512x512xf32> -> vector<512x512xf32>
      %convert_element_type3A_105 = arith.truncf %dot_general3A_104 : vector<512x512xf32> to vector<512x512xbf16>
      %reduce_max3A_106 = arith.constant dense<0xFF80> : vector<512xbf16>
      %reduce_max3A_107 = vector.multi_reduction <maximumf>, %convert_element_type3A_105, %reduce_max3A_106 [1] : vector<512x512xbf16> to vector<512xbf16>
      %broadcast_in_dim3A_108 = vector.shape_cast %reduce_max3A_107 : vector<512xbf16> to vector<512x1xbf16>
      %get3A_109 = arith.constant 1 : index
      %get3A_110 = arith.constant 0 : index
      %get3A_111 = arith.constant 0 : index
      %get3A_112 = vector.load %arg22[%get3A_109, %get3A_110, %get3A_111] : memref<8x512x128xbf16, #tpu.memory_space<vmem>>, vector<1x512x128xbf16>
      %get3A_113 = vector.shape_cast %get3A_112 : vector<1x512x128xbf16> to vector<512x128xbf16>
      %slice3A_114 = vector.extract_strided_slice %get3A_113 {offsets = [0, 0], sizes = [512, 1], strides = [1, 1]} : vector<512x128xbf16> to vector<512x1xbf16>
      %max3A_115 = arith.maximumf %slice3A_114, %broadcast_in_dim3A_108 : vector<512x1xbf16>
      %sub3A_116 = vector.broadcast %max3A_115 : vector<512x1xbf16> to vector<512x512xbf16>
      %sub3A_117 = arith.subf %convert_element_type3A_105, %sub3A_116 : vector<512x512xbf16>
      %exp3A_118 = math.exp %sub3A_117 : vector<512x512xbf16>
      %get3A_119 = arith.constant 1 : index
      %get3A_120 = arith.constant 0 : index
      %get3A_121 = arith.constant 0 : index
      %get3A_122 = vector.load %arg6[%get3A_119, %get3A_120, %get3A_121] : memref<8x512x128xbf16, #tpu.memory_space<vmem>>, vector<1x512x128xbf16>
      %get3A_123 = vector.shape_cast %get3A_122 : vector<1x512x128xbf16> to vector<512x128xbf16>
      %dot_general3A_124 = arith.constant dense<0.000000e+00> : vector<512x128xf32>
      %dot_general3A_125 = tpu.matmul %exp3A_118, %get3A_123, %dot_general3A_124 {dimension_numbers = #tpu.dot_dimension_numbers<[1], [0], [0], [1], [0, 0, 1, 1], [], []>, transpose_lhs_hint = false} : vector<512x512xbf16>, vector<512x128xbf16>, vector<512x128xf32> -> vector<512x128xf32>
      %sub3A_126 = arith.subf %slice3A_114, %max3A_115 : vector<512x1xbf16>
      %convert_element_type3A_127 = arith.extf %sub3A_126 : vector<512x1xbf16> to vector<512x1xf32>
      %exp3A_128 = math.exp %convert_element_type3A_127 : vector<512x1xf32>
      %get3A_129 = arith.constant 1 : index
      %get3A_130 = arith.constant 0 : index
      %get3A_131 = arith.constant 0 : index
      %get3A_132 = vector.load %arg21[%get3A_129, %get3A_130, %get3A_131] : memref<8x512x128xf32, #tpu.memory_space<vmem>>, vector<1x512x128xf32>
      %get3A_133 = vector.shape_cast %get3A_132 : vector<1x512x128xf32> to vector<512x128xf32>
      %mul3A_134 = vector.broadcast %exp3A_128 : vector<512x1xf32> to vector<512x128xf32>
      %mul3A_135 = arith.mulf %get3A_133, %mul3A_134 : vector<512x128xf32>
      %add3A_136 = arith.addf %mul3A_135, %dot_general3A_125 : vector<512x128xf32>
      %swap3A_137 = arith.constant 1 : index
      %swap3A_138 = arith.constant 0 : index
      %swap3A_139 = arith.constant 0 : index
      %swap3A_140 = vector.load %arg21[%swap3A_137, %swap3A_138, %swap3A_139] : memref<8x512x128xf32, #tpu.memory_space<vmem>>, vector<1x512x128xf32>
      %swap3A_141 = vector.shape_cast %swap3A_140 : vector<1x512x128xf32> to vector<512x128xf32>
      %swap3A_142 = vector.shape_cast %add3A_136 : vector<512x128xf32> to vector<1x512x128xf32>
      tpu.vector_store %arg21[%swap3A_137, %swap3A_138, %swap3A_139], %swap3A_142 {strides = array<i32>} : memref<8x512x128xf32, #tpu.memory_space<vmem>>, vector<1x512x128xf32>,
      %broadcast_in_dim3A_143 = vector.shape_cast %max3A_115 : vector<512x1xbf16> to vector<512x1xbf16>
      %broadcast_in_dim3A_144 = vector.broadcast %broadcast_in_dim3A_143 : vector<512x1xbf16> to vector<512x128xbf16>
      %swap3A_145 = arith.constant 1 : index
      %swap3A_146 = arith.constant 0 : index
      %swap3A_147 = arith.constant 0 : index
      %swap3A_148 = vector.load %arg22[%swap3A_145, %swap3A_146, %swap3A_147] : memref<8x512x128xbf16, #tpu.memory_space<vmem>>, vector<1x512x128xbf16>
      %swap3A_149 = vector.shape_cast %swap3A_148 : vector<1x512x128xbf16> to vector<512x128xbf16>
      %swap3A_150 = vector.shape_cast %broadcast_in_dim3A_144 : vector<512x128xbf16> to vector<1x512x128xbf16>
      tpu.vector_store %arg22[%swap3A_145, %swap3A_146, %swap3A_147], %swap3A_150 {strides = array<i32>} : memref<8x512x128xbf16, #tpu.memory_space<vmem>>, vector<1x512x128xbf16>,
      %get3A_151 = arith.constant 2 : index
      %get3A_152 = arith.constant 0 : index
      %get3A_153 = arith.constant 0 : index
      %get3A_154 = vector.load %arg4[%get3A_151, %get3A_152, %get3A_153] : memref<8x512x64xbf16, #tpu.memory_space<vmem>>, vector<1x512x64xbf16>
      %get3A_155 = vector.shape_cast %get3A_154 : vector<1x512x64xbf16> to vector<512x64xbf16>
      %get3A_156 = arith.constant 2 : index
      %get3A_157 = arith.constant 0 : index
      %get3A_158 = arith.constant 0 : index
      %get3A_159 = vector.load %arg5[%get3A_156, %get3A_157, %get3A_158] : memref<8x512x64xbf16, #tpu.memory_space<vmem>>, vector<1x512x64xbf16>
      %get3A_160 = vector.shape_cast %get3A_159 : vector<1x512x64xbf16> to vector<512x64xbf16>
      %dot_general3A_161 = arith.constant dense<0.000000e+00> : vector<512x512xf32>
      %dot_general3A_162 = tpu.matmul %get3A_155, %get3A_160, %dot_general3A_161 {dimension_numbers = #tpu.dot_dimension_numbers<[1], [1], [0], [0], [0, 0, 1, 0], [], []>, transpose_lhs_hint = false} : vector<512x64xbf16>, vector<512x64xbf16>, vector<512x512xf32> -> vector<512x512xf32>
      %convert_element_type3A_163 = arith.truncf %dot_general3A_162 : vector<512x512xf32> to vector<512x512xbf16>
      %reduce_max3A_164 = arith.constant dense<0xFF80> : vector<512xbf16>
      %reduce_max3A_165 = vector.multi_reduction <maximumf>, %convert_element_type3A_163, %reduce_max3A_164 [1] : vector<512x512xbf16> to vector<512xbf16>
      %broadcast_in_dim3A_166 = vector.shape_cast %reduce_max3A_165 : vector<512xbf16> to vector<512x1xbf16>
      %get3A_167 = arith.constant 2 : index
      %get3A_168 = arith.constant 0 : index
      %get3A_169 = arith.constant 0 : index
      %get3A_170 = vector.load %arg22[%get3A_167, %get3A_168, %get3A_169] : memref<8x512x128xbf16, #tpu.memory_space<vmem>>, vector<1x512x128xbf16>
      %get3A_171 = vector.shape_cast %get3A_170 : vector<1x512x128xbf16> to vector<512x128xbf16>
      %slice3A_172 = vector.extract_strided_slice %get3A_171 {offsets = [0, 0], sizes = [512, 1], strides = [1, 1]} : vector<512x128xbf16> to vector<512x1xbf16>
      %max3A_173 = arith.maximumf %slice3A_172, %broadcast_in_dim3A_166 : vector<512x1xbf16>
      %sub3A_174 = vector.broadcast %max3A_173 : vector<512x1xbf16> to vector<512x512xbf16>
      %sub3A_175 = arith.subf %convert_element_type3A_163, %sub3A_174 : vector<512x512xbf16>
      %exp3A_176 = math.exp %sub3A_175 : vector<512x512xbf16>
      %get3A_177 = arith.constant 2 : index
      %get3A_178 = arith.constant 0 : index
      %get3A_179 = arith.constant 0 : index
      %get3A_180 = vector.load %arg6[%get3A_177, %get3A_178, %get3A_179] : memref<8x512x128xbf16, #tpu.memory_space<vmem>>, vector<1x512x128xbf16>
      %get3A_181 = vector.shape_cast %get3A_180 : vector<1x512x128xbf16> to vector<512x128xbf16>
      %dot_general3A_182 = arith.constant dense<0.000000e+00> : vector<512x128xf32>
      %dot_general3A_183 = tpu.matmul %exp3A_176, %get3A_181, %dot_general3A_182 {dimension_numbers = #tpu.dot_dimension_numbers<[1], [0], [0], [1], [0, 0, 1, 1], [], []>, transpose_lhs_hint = false} : vector<512x512xbf16>, vector<512x128xbf16>, vector<512x128xf32> -> vector<512x128xf32>
      %sub3A_184 = arith.subf %slice3A_172, %max3A_173 : vector<512x1xbf16>
      %convert_element_type3A_185 = arith.extf %sub3A_184 : vector<512x1xbf16> to vector<512x1xf32>
      %exp3A_186 = math.exp %convert_element_type3A_185 : vector<512x1xf32>
      %get3A_187 = arith.constant 2 : index
      %get3A_188 = arith.constant 0 : index
      %get3A_189 = arith.constant 0 : index
      %get3A_190 = vector.load %arg21[%get3A_187, %get3A_188, %get3A_189] : memref<8x512x128xf32, #tpu.memory_space<vmem>>, vector<1x512x128xf32>
      %get3A_191 = vector.shape_cast %get3A_190 : vector<1x512x128xf32> to vector<512x128xf32>
      %mul3A_192 = vector.broadcast %exp3A_186 : vector<512x1xf32> to vector<512x128xf32>
      %mul3A_193 = arith.mulf %get3A_191, %mul3A_192 : vector<512x128xf32>
      %add3A_194 = arith.addf %mul3A_193, %dot_general3A_183 : vector<512x128xf32>
      %swap3A_195 = arith.constant 2 : index
      %swap3A_196 = arith.constant 0 : index
      %swap3A_197 = arith.constant 0 : index
      %swap3A_198 = vector.load %arg21[%swap3A_195, %swap3A_196, %swap3A_197] : memref<8x512x128xf32, #tpu.memory_space<vmem>>, vector<1x512x128xf32>
      %swap3A_199 = vector.shape_cast %swap3A_198 : vector<1x512x128xf32> to vector<512x128xf32>
      %swap3A_200 = vector.shape_cast %add3A_194 : vector<512x128xf32> to vector<1x512x128xf32>
      tpu.vector_store %arg21[%swap3A_195, %swap3A_196, %swap3A_197], %swap3A_200 {strides = array<i32>} : memref<8x512x128xf32, #tpu.memory_space<vmem>>, vector<1x512x128xf32>,
      %broadcast_in_dim3A_201 = vector.shape_cast %max3A_173 : vector<512x1xbf16> to vector<512x1xbf16>
      %broadcast_in_dim3A_202 = vector.broadcast %broadcast_in_dim3A_201 : vector<512x1xbf16> to vector<512x128xbf16>
      %swap3A_203 = arith.constant 2 : index
      %swap3A_204 = arith.constant 0 : index
      %swap3A_205 = arith.constant 0 : index
      %swap3A_206 = vector.load %arg22[%swap3A_203, %swap3A_204, %swap3A_205] : memref<8x512x128xbf16, #tpu.memory_space<vmem>>, vector<1x512x128xbf16>
      %swap3A_207 = vector.shape_cast %swap3A_206 : vector<1x512x128xbf16> to vector<512x128xbf16>
      %swap3A_208 = vector.shape_cast %broadcast_in_dim3A_202 : vector<512x128xbf16> to vector<1x512x128xbf16>
      tpu.vector_store %arg22[%swap3A_203, %swap3A_204, %swap3A_205], %swap3A_208 {strides = array<i32>} : memref<8x512x128xbf16, #tpu.memory_space<vmem>>, vector<1x512x128xbf16>,
      %get3A_209 = arith.constant 3 : index
      %get3A_210 = arith.constant 0 : index
      %get3A_211 = arith.constant 0 : index
      %get3A_212 = vector.load %arg4[%get3A_209, %get3A_210, %get3A_211] : memref<8x512x64xbf16, #tpu.memory_space<vmem>>, vector<1x512x64xbf16>
      %get3A_213 = vector.shape_cast %get3A_212 : vector<1x512x64xbf16> to vector<512x64xbf16>
      %get3A_214 = arith.constant 3 : index
      %get3A_215 = arith.constant 0 : index
      %get3A_216 = arith.constant 0 : index
      %get3A_217 = vector.load %arg5[%get3A_214, %get3A_215, %get3A_216] : memref<8x512x64xbf16, #tpu.memory_space<vmem>>, vector<1x512x64xbf16>
      %get3A_218 = vector.shape_cast %get3A_217 : vector<1x512x64xbf16> to vector<512x64xbf16>
      %dot_general3A_219 = arith.constant dense<0.000000e+00> : vector<512x512xf32>
      %dot_general3A_220 = tpu.matmul %get3A_213, %get3A_218, %dot_general3A_219 {dimension_numbers = #tpu.dot_dimension_numbers<[1], [1], [0], [0], [0, 0, 1, 0], [], []>, transpose_lhs_hint = false} : vector<512x64xbf16>, vector<512x64xbf16>, vector<512x512xf32> -> vector<512x512xf32>
      %convert_element_type3A_221 = arith.truncf %dot_general3A_220 : vector<512x512xf32> to vector<512x512xbf16>
      %reduce_max3A_222 = arith.constant dense<0xFF80> : vector<512xbf16>
      %reduce_max3A_223 = vector.multi_reduction <maximumf>, %convert_element_type3A_221, %reduce_max3A_222 [1] : vector<512x512xbf16> to vector<512xbf16>
      %broadcast_in_dim3A_224 = vector.shape_cast %reduce_max3A_223 : vector<512xbf16> to vector<512x1xbf16>
      %get3A_225 = arith.constant 3 : index
      %get3A_226 = arith.constant 0 : index
      %get3A_227 = arith.constant 0 : index
      %get3A_228 = vector.load %arg22[%get3A_225, %get3A_226, %get3A_227] : memref<8x512x128xbf16, #tpu.memory_space<vmem>>, vector<1x512x128xbf16>
      %get3A_229 = vector.shape_cast %get3A_228 : vector<1x512x128xbf16> to vector<512x128xbf16>
      %slice3A_230 = vector.extract_strided_slice %get3A_229 {offsets = [0, 0], sizes = [512, 1], strides = [1, 1]} : vector<512x128xbf16> to vector<512x1xbf16>
      %max3A_231 = arith.maximumf %slice3A_230, %broadcast_in_dim3A_224 : vector<512x1xbf16>
      %sub3A_232 = vector.broadcast %max3A_231 : vector<512x1xbf16> to vector<512x512xbf16>
      %sub3A_233 = arith.subf %convert_element_type3A_221, %sub3A_232 : vector<512x512xbf16>
      %exp3A_234 = math.exp %sub3A_233 : vector<512x512xbf16>
      %get3A_235 = arith.constant 3 : index
      %get3A_236 = arith.constant 0 : index
      %get3A_237 = arith.constant 0 : index
      %get3A_238 = vector.load %arg6[%get3A_235, %get3A_236, %get3A_237] : memref<8x512x128xbf16, #tpu.memory_space<vmem>>, vector<1x512x128xbf16>
      %get3A_239 = vector.shape_cast %get3A_238 : vector<1x512x128xbf16> to vector<512x128xbf16>
      %dot_general3A_240 = arith.constant dense<0.000000e+00> : vector<512x128xf32>
      %dot_general3A_241 = tpu.matmul %exp3A_234, %get3A_239, %dot_general3A_240 {dimension_numbers = #tpu.dot_dimension_numbers<[1], [0], [0], [1], [0, 0, 1, 1], [], []>, transpose_lhs_hint = false} : vector<512x512xbf16>, vector<512x128xbf16>, vector<512x128xf32> -> vector<512x128xf32>
      %sub3A_242 = arith.subf %slice3A_230, %max3A_231 : vector<512x1xbf16>
      %convert_element_type3A_243 = arith.extf %sub3A_242 : vector<512x1xbf16> to vector<512x1xf32>
      %exp3A_244 = math.exp %convert_element_type3A_243 : vector<512x1xf32>
      %get3A_245 = arith.constant 3 : index
      %get3A_246 = arith.constant 0 : index
      %get3A_247 = arith.constant 0 : index
      %get3A_248 = vector.load %arg21[%get3A_245, %get3A_246, %get3A_247] : memref<8x512x128xf32, #tpu.memory_space<vmem>>, vector<1x512x128xf32>
      %get3A_249 = vector.shape_cast %get3A_248 : vector<1x512x128xf32> to vector<512x128xf32>
      %mul3A_250 = vector.broadcast %exp3A_244 : vector<512x1xf32> to vector<512x128xf32>
      %mul3A_251 = arith.mulf %get3A_249, %mul3A_250 : vector<512x128xf32>
      %add3A_252 = arith.addf %mul3A_251, %dot_general3A_241 : vector<512x128xf32>
      %swap3A_253 = arith.constant 3 : index
      %swap3A_254 = arith.constant 0 : index
      %swap3A_255 = arith.constant 0 : index
      %swap3A_256 = vector.load %arg21[%swap3A_253, %swap3A_254, %swap3A_255] : memref<8x512x128xf32, #tpu.memory_space<vmem>>, vector<1x512x128xf32>
      %swap3A_257 = vector.shape_cast %swap3A_256 : vector<1x512x128xf32> to vector<512x128xf32>
      %swap3A_258 = vector.shape_cast %add3A_252 : vector<512x128xf32> to vector<1x512x128xf32>
      tpu.vector_store %arg21[%swap3A_253, %swap3A_254, %swap3A_255], %swap3A_258 {strides = array<i32>} : memref<8x512x128xf32, #tpu.memory_space<vmem>>, vector<1x512x128xf32>,
      %broadcast_in_dim3A_259 = vector.shape_cast %max3A_231 : vector<512x1xbf16> to vector<512x1xbf16>
      %broadcast_in_dim3A_260 = vector.broadcast %broadcast_in_dim3A_259 : vector<512x1xbf16> to vector<512x128xbf16>
      %swap3A_261 = arith.constant 3 : index
      %swap3A_262 = arith.constant 0 : index
      %swap3A_263 = arith.constant 0 : index
      %swap3A_264 = vector.load %arg22[%swap3A_261, %swap3A_262, %swap3A_263] : memref<8x512x128xbf16, #tpu.memory_space<vmem>>, vector<1x512x128xbf16>
      %swap3A_265 = vector.shape_cast %swap3A_264 : vector<1x512x128xbf16> to vector<512x128xbf16>
      %swap3A_266 = vector.shape_cast %broadcast_in_dim3A_260 : vector<512x128xbf16> to vector<1x512x128xbf16>
      tpu.vector_store %arg22[%swap3A_261, %swap3A_262, %swap3A_263], %swap3A_266 {strides = array<i32>} : memref<8x512x128xbf16, #tpu.memory_space<vmem>>, vector<1x512x128xbf16>,
      %get3A_267 = arith.constant 4 : index
      %get3A_268 = arith.constant 0 : index
      %get3A_269 = arith.constant 0 : index
      %get3A_270 = vector.load %arg4[%get3A_267, %get3A_268, %get3A_269] : memref<8x512x64xbf16, #tpu.memory_space<vmem>>, vector<1x512x64xbf16>
      %get3A_271 = vector.shape_cast %get3A_270 : vector<1x512x64xbf16> to vector<512x64xbf16>
      %get3A_272 = arith.constant 4 : index
      %get3A_273 = arith.constant 0 : index
      %get3A_274 = arith.constant 0 : index
      %get3A_275 = vector.load %arg5[%get3A_272, %get3A_273, %get3A_274] : memref<8x512x64xbf16, #tpu.memory_space<vmem>>, vector<1x512x64xbf16>
      %get3A_276 = vector.shape_cast %get3A_275 : vector<1x512x64xbf16> to vector<512x64xbf16>
      %dot_general3A_277 = arith.constant dense<0.000000e+00> : vector<512x512xf32>
      %dot_general3A_278 = tpu.matmul %get3A_271, %get3A_276, %dot_general3A_277 {dimension_numbers = #tpu.dot_dimension_numbers<[1], [1], [0], [0], [0, 0, 1, 0], [], []>, transpose_lhs_hint = false} : vector<512x64xbf16>, vector<512x64xbf16>, vector<512x512xf32> -> vector<512x512xf32>
      %convert_element_type3A_279 = arith.truncf %dot_general3A_278 : vector<512x512xf32> to vector<512x512xbf16>
      %reduce_max3A_280 = arith.constant dense<0xFF80> : vector<512xbf16>
      %reduce_max3A_281 = vector.multi_reduction <maximumf>, %convert_element_type3A_279, %reduce_max3A_280 [1] : vector<512x512xbf16> to vector<512xbf16>
      %broadcast_in_dim3A_282 = vector.shape_cast %reduce_max3A_281 : vector<512xbf16> to vector<512x1xbf16>
      %get3A_283 = arith.constant 4 : index
      %get3A_284 = arith.constant 0 : index
      %get3A_285 = arith.constant 0 : index
      %get3A_286 = vector.load %arg22[%get3A_283, %get3A_284, %get3A_285] : memref<8x512x128xbf16, #tpu.memory_space<vmem>>, vector<1x512x128xbf16>
      %get3A_287 = vector.shape_cast %get3A_286 : vector<1x512x128xbf16> to vector<512x128xbf16>
      %slice3A_288 = vector.extract_strided_slice %get3A_287 {offsets = [0, 0], sizes = [512, 1], strides = [1, 1]} : vector<512x128xbf16> to vector<512x1xbf16>
      %max3A_289 = arith.maximumf %slice3A_288, %broadcast_in_dim3A_282 : vector<512x1xbf16>
      %sub3A_290 = vector.broadcast %max3A_289 : vector<512x1xbf16> to vector<512x512xbf16>
      %sub3A_291 = arith.subf %convert_element_type3A_279, %sub3A_290 : vector<512x512xbf16>
      %exp3A_292 = math.exp %sub3A_291 : vector<512x512xbf16>
      %get3A_293 = arith.constant 4 : index
      %get3A_294 = arith.constant 0 : index
      %get3A_295 = arith.constant 0 : index
      %get3A_296 = vector.load %arg6[%get3A_293, %get3A_294, %get3A_295] : memref<8x512x128xbf16, #tpu.memory_space<vmem>>, vector<1x512x128xbf16>
      %get3A_297 = vector.shape_cast %get3A_296 : vector<1x512x128xbf16> to vector<512x128xbf16>
      %dot_general3A_298 = arith.constant dense<0.000000e+00> : vector<512x128xf32>
      %dot_general3A_299 = tpu.matmul %exp3A_292, %get3A_297, %dot_general3A_298 {dimension_numbers = #tpu.dot_dimension_numbers<[1], [0], [0], [1], [0, 0, 1, 1], [], []>, transpose_lhs_hint = false} : vector<512x512xbf16>, vector<512x128xbf16>, vector<512x128xf32> -> vector<512x128xf32>
      %sub3A_300 = arith.subf %slice3A_288, %max3A_289 : vector<512x1xbf16>
      %convert_element_type3A_301 = arith.extf %sub3A_300 : vector<512x1xbf16> to vector<512x1xf32>
      %exp3A_302 = math.exp %convert_element_type3A_301 : vector<512x1xf32>
      %get3A_303 = arith.constant 4 : index
      %get3A_304 = arith.constant 0 : index
      %get3A_305 = arith.constant 0 : index
      %get3A_306 = vector.load %arg21[%get3A_303, %get3A_304, %get3A_305] : memref<8x512x128xf32, #tpu.memory_space<vmem>>, vector<1x512x128xf32>
      %get3A_307 = vector.shape_cast %get3A_306 : vector<1x512x128xf32> to vector<512x128xf32>
      %mul3A_308 = vector.broadcast %exp3A_302 : vector<512x1xf32> to vector<512x128xf32>
      %mul3A_309 = arith.mulf %get3A_307, %mul3A_308 : vector<512x128xf32>
      %add3A_310 = arith.addf %mul3A_309, %dot_general3A_299 : vector<512x128xf32>
      %swap3A_311 = arith.constant 4 : index
      %swap3A_312 = arith.constant 0 : index
      %swap3A_313 = arith.constant 0 : index
      %swap3A_314 = vector.load %arg21[%swap3A_311, %swap3A_312, %swap3A_313] : memref<8x512x128xf32, #tpu.memory_space<vmem>>, vector<1x512x128xf32>
      %swap3A_315 = vector.shape_cast %swap3A_314 : vector<1x512x128xf32> to vector<512x128xf32>
      %swap3A_316 = vector.shape_cast %add3A_310 : vector<512x128xf32> to vector<1x512x128xf32>
      tpu.vector_store %arg21[%swap3A_311, %swap3A_312, %swap3A_313], %swap3A_316 {strides = array<i32>} : memref<8x512x128xf32, #tpu.memory_space<vmem>>, vector<1x512x128xf32>,
      %broadcast_in_dim3A_317 = vector.shape_cast %max3A_289 : vector<512x1xbf16> to vector<512x1xbf16>
      %broadcast_in_dim3A_318 = vector.broadcast %broadcast_in_dim3A_317 : vector<512x1xbf16> to vector<512x128xbf16>
      %swap3A_319 = arith.constant 4 : index
      %swap3A_320 = arith.constant 0 : index
      %swap3A_321 = arith.constant 0 : index
      %swap3A_322 = vector.load %arg22[%swap3A_319, %swap3A_320, %swap3A_321] : memref<8x512x128xbf16, #tpu.memory_space<vmem>>, vector<1x512x128xbf16>
      %swap3A_323 = vector.shape_cast %swap3A_322 : vector<1x512x128xbf16> to vector<512x128xbf16>
      %swap3A_324 = vector.shape_cast %broadcast_in_dim3A_318 : vector<512x128xbf16> to vector<1x512x128xbf16>
      tpu.vector_store %arg22[%swap3A_319, %swap3A_320, %swap3A_321], %swap3A_324 {strides = array<i32>} : memref<8x512x128xbf16, #tpu.memory_space<vmem>>, vector<1x512x128xbf16>,
      %get3A_325 = arith.constant 5 : index
      %get3A_326 = arith.constant 0 : index
      %get3A_327 = arith.constant 0 : index
      %get3A_328 = vector.load %arg4[%get3A_325, %get3A_326, %get3A_327] : memref<8x512x64xbf16, #tpu.memory_space<vmem>>, vector<1x512x64xbf16>
      %get3A_329 = vector.shape_cast %get3A_328 : vector<1x512x64xbf16> to vector<512x64xbf16>
      %get3A_330 = arith.constant 5 : index
      %get3A_331 = arith.constant 0 : index
      %get3A_332 = arith.constant 0 : index
      %get3A_333 = vector.load %arg5[%get3A_330, %get3A_331, %get3A_332] : memref<8x512x64xbf16, #tpu.memory_space<vmem>>, vector<1x512x64xbf16>
      %get3A_334 = vector.shape_cast %get3A_333 : vector<1x512x64xbf16> to vector<512x64xbf16>
      %dot_general3A_335 = arith.constant dense<0.000000e+00> : vector<512x512xf32>
      %dot_general3A_336 = tpu.matmul %get3A_329, %get3A_334, %dot_general3A_335 {dimension_numbers = #tpu.dot_dimension_numbers<[1], [1], [0], [0], [0, 0, 1, 0], [], []>, transpose_lhs_hint = false} : vector<512x64xbf16>, vector<512x64xbf16>, vector<512x512xf32> -> vector<512x512xf32>
      %convert_element_type3A_337 = arith.truncf %dot_general3A_336 : vector<512x512xf32> to vector<512x512xbf16>
      %reduce_max3A_338 = arith.constant dense<0xFF80> : vector<512xbf16>
      %reduce_max3A_339 = vector.multi_reduction <maximumf>, %convert_element_type3A_337, %reduce_max3A_338 [1] : vector<512x512xbf16> to vector<512xbf16>
      %broadcast_in_dim3A_340 = vector.shape_cast %reduce_max3A_339 : vector<512xbf16> to vector<512x1xbf16>
      %get3A_341 = arith.constant 5 : index
      %get3A_342 = arith.constant 0 : index
      %get3A_343 = arith.constant 0 : index
      %get3A_344 = vector.load %arg22[%get3A_341, %get3A_342, %get3A_343] : memref<8x512x128xbf16, #tpu.memory_space<vmem>>, vector<1x512x128xbf16>
      %get3A_345 = vector.shape_cast %get3A_344 : vector<1x512x128xbf16> to vector<512x128xbf16>
      %slice3A_346 = vector.extract_strided_slice %get3A_345 {offsets = [0, 0], sizes = [512, 1], strides = [1, 1]} : vector<512x128xbf16> to vector<512x1xbf16>
      %max3A_347 = arith.maximumf %slice3A_346, %broadcast_in_dim3A_340 : vector<512x1xbf16>
      %sub3A_348 = vector.broadcast %max3A_347 : vector<512x1xbf16> to vector<512x512xbf16>
      %sub3A_349 = arith.subf %convert_element_type3A_337, %sub3A_348 : vector<512x512xbf16>
      %exp3A_350 = math.exp %sub3A_349 : vector<512x512xbf16>
      %get3A_351 = arith.constant 5 : index
      %get3A_352 = arith.constant 0 : index
      %get3A_353 = arith.constant 0 : index
      %get3A_354 = vector.load %arg6[%get3A_351, %get3A_352, %get3A_353] : memref<8x512x128xbf16, #tpu.memory_space<vmem>>, vector<1x512x128xbf16>
      %get3A_355 = vector.shape_cast %get3A_354 : vector<1x512x128xbf16> to vector<512x128xbf16>
      %dot_general3A_356 = arith.constant dense<0.000000e+00> : vector<512x128xf32>
      %dot_general3A_357 = tpu.matmul %exp3A_350, %get3A_355, %dot_general3A_356 {dimension_numbers = #tpu.dot_dimension_numbers<[1], [0], [0], [1], [0, 0, 1, 1], [], []>, transpose_lhs_hint = false} : vector<512x512xbf16>, vector<512x128xbf16>, vector<512x128xf32> -> vector<512x128xf32>
      %sub3A_358 = arith.subf %slice3A_346, %max3A_347 : vector<512x1xbf16>
      %convert_element_type3A_359 = arith.extf %sub3A_358 : vector<512x1xbf16> to vector<512x1xf32>
      %exp3A_360 = math.exp %convert_element_type3A_359 : vector<512x1xf32>
      %get3A_361 = arith.constant 5 : index
      %get3A_362 = arith.constant 0 : index
      %get3A_363 = arith.constant 0 : index
      %get3A_364 = vector.load %arg21[%get3A_361, %get3A_362, %get3A_363] : memref<8x512x128xf32, #tpu.memory_space<vmem>>, vector<1x512x128xf32>
      %get3A_365 = vector.shape_cast %get3A_364 : vector<1x512x128xf32> to vector<512x128xf32>
      %mul3A_366 = vector.broadcast %exp3A_360 : vector<512x1xf32> to vector<512x128xf32>
      %mul3A_367 = arith.mulf %get3A_365, %mul3A_366 : vector<512x128xf32>
      %add3A_368 = arith.addf %mul3A_367, %dot_general3A_357 : vector<512x128xf32>
      %swap3A_369 = arith.constant 5 : index
      %swap3A_370 = arith.constant 0 : index
      %swap3A_371 = arith.constant 0 : index
      %swap3A_372 = vector.load %arg21[%swap3A_369, %swap3A_370, %swap3A_371] : memref<8x512x128xf32, #tpu.memory_space<vmem>>, vector<1x512x128xf32>
      %swap3A_373 = vector.shape_cast %swap3A_372 : vector<1x512x128xf32> to vector<512x128xf32>
      %swap3A_374 = vector.shape_cast %add3A_368 : vector<512x128xf32> to vector<1x512x128xf32>
      tpu.vector_store %arg21[%swap3A_369, %swap3A_370, %swap3A_371], %swap3A_374 {strides = array<i32>} : memref<8x512x128xf32, #tpu.memory_space<vmem>>, vector<1x512x128xf32>,
      %broadcast_in_dim3A_375 = vector.shape_cast %max3A_347 : vector<512x1xbf16> to vector<512x1xbf16>
      %broadcast_in_dim3A_376 = vector.broadcast %broadcast_in_dim3A_375 : vector<512x1xbf16> to vector<512x128xbf16>
      %swap3A_377 = arith.constant 5 : index
      %swap3A_378 = arith.constant 0 : index
      %swap3A_379 = arith.constant 0 : index
      %swap3A_380 = vector.load %arg22[%swap3A_377, %swap3A_378, %swap3A_379] : memref<8x512x128xbf16, #tpu.memory_space<vmem>>, vector<1x512x128xbf16>
      %swap3A_381 = vector.shape_cast %swap3A_380 : vector<1x512x128xbf16> to vector<512x128xbf16>
      %swap3A_382 = vector.shape_cast %broadcast_in_dim3A_376 : vector<512x128xbf16> to vector<1x512x128xbf16>
      tpu.vector_store %arg22[%swap3A_377, %swap3A_378, %swap3A_379], %swap3A_382 {strides = array<i32>} : memref<8x512x128xbf16, #tpu.memory_space<vmem>>, vector<1x512x128xbf16>,
      %get3A_383 = arith.constant 6 : index
      %get3A_384 = arith.constant 0 : index
      %get3A_385 = arith.constant 0 : index
      %get3A_386 = vector.load %arg4[%get3A_383, %get3A_384, %get3A_385] : memref<8x512x64xbf16, #tpu.memory_space<vmem>>, vector<1x512x64xbf16>
      %get3A_387 = vector.shape_cast %get3A_386 : vector<1x512x64xbf16> to vector<512x64xbf16>
      %get3A_388 = arith.constant 6 : index
      %get3A_389 = arith.constant 0 : index
      %get3A_390 = arith.constant 0 : index
      %get3A_391 = vector.load %arg5[%get3A_388, %get3A_389, %get3A_390] : memref<8x512x64xbf16, #tpu.memory_space<vmem>>, vector<1x512x64xbf16>
      %get3A_392 = vector.shape_cast %get3A_391 : vector<1x512x64xbf16> to vector<512x64xbf16>
      %dot_general3A_393 = arith.constant dense<0.000000e+00> : vector<512x512xf32>
      %dot_general3A_394 = tpu.matmul %get3A_387, %get3A_392, %dot_general3A_393 {dimension_numbers = #tpu.dot_dimension_numbers<[1], [1], [0], [0], [0, 0, 1, 0], [], []>, transpose_lhs_hint = false} : vector<512x64xbf16>, vector<512x64xbf16>, vector<512x512xf32> -> vector<512x512xf32>
      %convert_element_type3A_395 = arith.truncf %dot_general3A_394 : vector<512x512xf32> to vector<512x512xbf16>
      %reduce_max3A_396 = arith.constant dense<0xFF80> : vector<512xbf16>
      %reduce_max3A_397 = vector.multi_reduction <maximumf>, %convert_element_type3A_395, %reduce_max3A_396 [1] : vector<512x512xbf16> to vector<512xbf16>
      %broadcast_in_dim3A_398 = vector.shape_cast %reduce_max3A_397 : vector<512xbf16> to vector<512x1xbf16>
      %get3A_399 = arith.constant 6 : index
      %get3A_400 = arith.constant 0 : index
      %get3A_401 = arith.constant 0 : index
      %get3A_402 = vector.load %arg22[%get3A_399, %get3A_400, %get3A_401] : memref<8x512x128xbf16, #tpu.memory_space<vmem>>, vector<1x512x128xbf16>
      %get3A_403 = vector.shape_cast %get3A_402 : vector<1x512x128xbf16> to vector<512x128xbf16>
      %slice3A_404 = vector.extract_strided_slice %get3A_403 {offsets = [0, 0], sizes = [512, 1], strides = [1, 1]} : vector<512x128xbf16> to vector<512x1xbf16>
      %max3A_405 = arith.maximumf %slice3A_404, %broadcast_in_dim3A_398 : vector<512x1xbf16>
      %sub3A_406 = vector.broadcast %max3A_405 : vector<512x1xbf16> to vector<512x512xbf16>
      %sub3A_407 = arith.subf %convert_element_type3A_395, %sub3A_406 : vector<512x512xbf16>
      %exp3A_408 = math.exp %sub3A_407 : vector<512x512xbf16>
      %get3A_409 = arith.constant 6 : index
      %get3A_410 = arith.constant 0 : index
      %get3A_411 = arith.constant 0 : index
      %get3A_412 = vector.load %arg6[%get3A_409, %get3A_410, %get3A_411] : memref<8x512x128xbf16, #tpu.memory_space<vmem>>, vector<1x512x128xbf16>
      %get3A_413 = vector.shape_cast %get3A_412 : vector<1x512x128xbf16> to vector<512x128xbf16>
      %dot_general3A_414 = arith.constant dense<0.000000e+00> : vector<512x128xf32>
      %dot_general3A_415 = tpu.matmul %exp3A_408, %get3A_413, %dot_general3A_414 {dimension_numbers = #tpu.dot_dimension_numbers<[1], [0], [0], [1], [0, 0, 1, 1], [], []>, transpose_lhs_hint = false} : vector<512x512xbf16>, vector<512x128xbf16>, vector<512x128xf32> -> vector<512x128xf32>
      %sub3A_416 = arith.subf %slice3A_404, %max3A_405 : vector<512x1xbf16>
      %convert_element_type3A_417 = arith.extf %sub3A_416 : vector<512x1xbf16> to vector<512x1xf32>
      %exp3A_418 = math.exp %convert_element_type3A_417 : vector<512x1xf32>
      %get3A_419 = arith.constant 6 : index
      %get3A_420 = arith.constant 0 : index
      %get3A_421 = arith.constant 0 : index
      %get3A_422 = vector.load %arg21[%get3A_419, %get3A_420, %get3A_421] : memref<8x512x128xf32, #tpu.memory_space<vmem>>, vector<1x512x128xf32>
      %get3A_423 = vector.shape_cast %get3A_422 : vector<1x512x128xf32> to vector<512x128xf32>
      %mul3A_424 = vector.broadcast %exp3A_418 : vector<512x1xf32> to vector<512x128xf32>
      %mul3A_425 = arith.mulf %get3A_423, %mul3A_424 : vector<512x128xf32>
      %add3A_426 = arith.addf %mul3A_425, %dot_general3A_415 : vector<512x128xf32>
      %swap3A_427 = arith.constant 6 : index
      %swap3A_428 = arith.constant 0 : index
      %swap3A_429 = arith.constant 0 : index
      %swap3A_430 = vector.load %arg21[%swap3A_427, %swap3A_428, %swap3A_429] : memref<8x512x128xf32, #tpu.memory_space<vmem>>, vector<1x512x128xf32>
      %swap3A_431 = vector.shape_cast %swap3A_430 : vector<1x512x128xf32> to vector<512x128xf32>
      %swap3A_432 = vector.shape_cast %add3A_426 : vector<512x128xf32> to vector<1x512x128xf32>
      tpu.vector_store %arg21[%swap3A_427, %swap3A_428, %swap3A_429], %swap3A_432 {strides = array<i32>} : memref<8x512x128xf32, #tpu.memory_space<vmem>>, vector<1x512x128xf32>,
      %broadcast_in_dim3A_433 = vector.shape_cast %max3A_405 : vector<512x1xbf16> to vector<512x1xbf16>
      %broadcast_in_dim3A_434 = vector.broadcast %broadcast_in_dim3A_433 : vector<512x1xbf16> to vector<512x128xbf16>
      %swap3A_435 = arith.constant 6 : index
      %swap3A_436 = arith.constant 0 : index
      %swap3A_437 = arith.constant 0 : index
      %swap3A_438 = vector.load %arg22[%swap3A_435, %swap3A_436, %swap3A_437] : memref<8x512x128xbf16, #tpu.memory_space<vmem>>, vector<1x512x128xbf16>
      %swap3A_439 = vector.shape_cast %swap3A_438 : vector<1x512x128xbf16> to vector<512x128xbf16>
      %swap3A_440 = vector.shape_cast %broadcast_in_dim3A_434 : vector<512x128xbf16> to vector<1x512x128xbf16>
      tpu.vector_store %arg22[%swap3A_435, %swap3A_436, %swap3A_437], %swap3A_440 {strides = array<i32>} : memref<8x512x128xbf16, #tpu.memory_space<vmem>>, vector<1x512x128xbf16>,
      %get3A_441 = arith.constant 7 : index
      %get3A_442 = arith.constant 0 : index
      %get3A_443 = arith.constant 0 : index
      %get3A_444 = vector.load %arg4[%get3A_441, %get3A_442, %get3A_443] : memref<8x512x64xbf16, #tpu.memory_space<vmem>>, vector<1x512x64xbf16>
      %get3A_445 = vector.shape_cast %get3A_444 : vector<1x512x64xbf16> to vector<512x64xbf16>
      %get3A_446 = arith.constant 7 : index
      %get3A_447 = arith.constant 0 : index
      %get3A_448 = arith.constant 0 : index
      %get3A_449 = vector.load %arg5[%get3A_446, %get3A_447, %get3A_448] : memref<8x512x64xbf16, #tpu.memory_space<vmem>>, vector<1x512x64xbf16>
      %get3A_450 = vector.shape_cast %get3A_449 : vector<1x512x64xbf16> to vector<512x64xbf16>
      %dot_general3A_451 = arith.constant dense<0.000000e+00> : vector<512x512xf32>
      %dot_general3A_452 = tpu.matmul %get3A_445, %get3A_450, %dot_general3A_451 {dimension_numbers = #tpu.dot_dimension_numbers<[1], [1], [0], [0], [0, 0, 1, 0], [], []>, transpose_lhs_hint = false} : vector<512x64xbf16>, vector<512x64xbf16>, vector<512x512xf32> -> vector<512x512xf32>
      %convert_element_type3A_453 = arith.truncf %dot_general3A_452 : vector<512x512xf32> to vector<512x512xbf16>
      %reduce_max3A_454 = arith.constant dense<0xFF80> : vector<512xbf16>
      %reduce_max3A_455 = vector.multi_reduction <maximumf>, %convert_element_type3A_453, %reduce_max3A_454 [1] : vector<512x512xbf16> to vector<512xbf16>
      %broadcast_in_dim3A_456 = vector.shape_cast %reduce_max3A_455 : vector<512xbf16> to vector<512x1xbf16>
      %get3A_457 = arith.constant 7 : index
      %get3A_458 = arith.constant 0 : index
      %get3A_459 = arith.constant 0 : index
      %get3A_460 = vector.load %arg22[%get3A_457, %get3A_458, %get3A_459] : memref<8x512x128xbf16, #tpu.memory_space<vmem>>, vector<1x512x128xbf16>
      %get3A_461 = vector.shape_cast %get3A_460 : vector<1x512x128xbf16> to vector<512x128xbf16>
      %slice3A_462 = vector.extract_strided_slice %get3A_461 {offsets = [0, 0], sizes = [512, 1], strides = [1, 1]} : vector<512x128xbf16> to vector<512x1xbf16>
      %max3A_463 = arith.maximumf %slice3A_462, %broadcast_in_dim3A_456 : vector<512x1xbf16>
      %sub3A_464 = vector.broadcast %max3A_463 : vector<512x1xbf16> to vector<512x512xbf16>
      %sub3A_465 = arith.subf %convert_element_type3A_453, %sub3A_464 : vector<512x512xbf16>
      %exp3A_466 = math.exp %sub3A_465 : vector<512x512xbf16>
      %get3A_467 = arith.constant 7 : index
      %get3A_468 = arith.constant 0 : index
      %get3A_469 = arith.constant 0 : index
      %get3A_470 = vector.load %arg6[%get3A_467, %get3A_468, %get3A_469] : memref<8x512x128xbf16, #tpu.memory_space<vmem>>, vector<1x512x128xbf16>
      %get3A_471 = vector.shape_cast %get3A_470 : vector<1x512x128xbf16> to vector<512x128xbf16>
      %dot_general3A_472 = arith.constant dense<0.000000e+00> : vector<512x128xf32>
      %dot_general3A_473 = tpu.matmul %exp3A_466, %get3A_471, %dot_general3A_472 {dimension_numbers = #tpu.dot_dimension_numbers<[1], [0], [0], [1], [0, 0, 1, 1], [], []>, transpose_lhs_hint = false} : vector<512x512xbf16>, vector<512x128xbf16>, vector<512x128xf32> -> vector<512x128xf32>
      %sub3A_474 = arith.subf %slice3A_462, %max3A_463 : vector<512x1xbf16>
      %convert_element_type3A_475 = arith.extf %sub3A_474 : vector<512x1xbf16> to vector<512x1xf32>
      %exp3A_476 = math.exp %convert_element_type3A_475 : vector<512x1xf32>
      %get3A_477 = arith.constant 7 : index
      %get3A_478 = arith.constant 0 : index
      %get3A_479 = arith.constant 0 : index
      %get3A_480 = vector.load %arg21[%get3A_477, %get3A_478, %get3A_479] : memref<8x512x128xf32, #tpu.memory_space<vmem>>, vector<1x512x128xf32>
      %get3A_481 = vector.shape_cast %get3A_480 : vector<1x512x128xf32> to vector<512x128xf32>
      %mul3A_482 = vector.broadcast %exp3A_476 : vector<512x1xf32> to vector<512x128xf32>
      %mul3A_483 = arith.mulf %get3A_481, %mul3A_482 : vector<512x128xf32>
      %add3A_484 = arith.addf %mul3A_483, %dot_general3A_473 : vector<512x128xf32>
      %swap3A_485 = arith.constant 7 : index
      %swap3A_486 = arith.constant 0 : index
      %swap3A_487 = arith.constant 0 : index
      %swap3A_488 = vector.load %arg21[%swap3A_485, %swap3A_486, %swap3A_487] : memref<8x512x128xf32, #tpu.memory_space<vmem>>, vector<1x512x128xf32>
      %swap3A_489 = vector.shape_cast %swap3A_488 : vector<1x512x128xf32> to vector<512x128xf32>
      %swap3A_490 = vector.shape_cast %add3A_484 : vector<512x128xf32> to vector<1x512x128xf32>
      tpu.vector_store %arg21[%swap3A_485, %swap3A_486, %swap3A_487], %swap3A_490 {strides = array<i32>} : memref<8x512x128xf32, #tpu.memory_space<vmem>>, vector<1x512x128xf32>,
      %broadcast_in_dim3A_491 = vector.shape_cast %max3A_463 : vector<512x1xbf16> to vector<512x1xbf16>
      %broadcast_in_dim3A_492 = vector.broadcast %broadcast_in_dim3A_491 : vector<512x1xbf16> to vector<512x128xbf16>
      %swap3A_493 = arith.constant 7 : index
      %swap3A_494 = arith.constant 0 : index
      %swap3A_495 = arith.constant 0 : index
      %swap3A_496 = vector.load %arg22[%swap3A_493, %swap3A_494, %swap3A_495] : memref<8x512x128xbf16, #tpu.memory_space<vmem>>, vector<1x512x128xbf16>
      %swap3A_497 = vector.shape_cast %swap3A_496 : vector<1x512x128xbf16> to vector<512x128xbf16>
      %swap3A_498 = vector.shape_cast %broadcast_in_dim3A_492 : vector<512x128xbf16> to vector<1x512x128xbf16>
      tpu.vector_store %arg22[%swap3A_493, %swap3A_494, %swap3A_495], %swap3A_498 {strides = array<i32>} : memref<8x512x128xbf16, #tpu.memory_space<vmem>>, vector<1x512x128xbf16>,
    } else {
    }
    %not3A_22 = arith.constant true
    %not3A_23 = arith.xori %or3A, %not3A_22 : i1
    %not3A_24 = arith.constant true
    %not3A_25 = arith.xori %ne3A_9, %not3A_24 : i1
    %and3A_26 = arith.andi %not3A_23, %not3A_25 : i1
    %convert_element_type3A_27 = arith.extui %and3A_26 : i1 to i32
    %cond3A_28 = arith.constant 0 : i32
    %cond3A_29 = arith.cmpi ne, %convert_element_type3A_27, %cond3A_28 : i32
    scf.if %cond3A_29 {
      %get3A_42 = arith.constant 0 : index
      %get3A_43 = arith.constant 0 : index
      %get3A_44 = arith.constant 0 : index
      %get3A_45 = vector.load %arg7[%get3A_42, %get3A_43, %get3A_44] : memref<1x1x512xi32, #tpu.memory_space<vmem>>, vector<1x1x512xi32>
      %get3A_46 = vector.shape_cast %get3A_45 : vector<1x1x512xi32> to vector<512xi32>
      %get3A_47 = arith.constant 0 : index
      %get3A_48 = arith.constant 0 : index
      %get3A_49 = arith.constant 0 : index
      %get3A_50 = vector.load %arg8[%get3A_47, %get3A_48, %get3A_49] : memref<1x1x512xi32, #tpu.memory_space<vmem>>, vector<1x1x512xi32>
      %get3A_51 = vector.shape_cast %get3A_50 : vector<1x1x512xi32> to vector<512xi32>
      %broadcast_in_dim3A = vector.shape_cast %get3A_46 : vector<512xi32> to vector<512x1xi32>
      %broadcast_in_dim3A_52 = vector.shape_cast %get3A_51 : vector<512xi32> to vector<1x512xi32>
      %eq3A_53 = vector.broadcast %broadcast_in_dim3A : vector<512x1xi32> to vector<512x512xi32>
      %eq3A_54 = vector.broadcast %broadcast_in_dim3A_52 : vector<1x512xi32> to vector<512x512xi32>
      %eq3A_55 = arith.cmpi eq, %eq3A_53, %eq3A_54 : vector<512x512xi32>
      %jit3A = arith.constant 0.000000e+00 : f32
      %jit3A_56 = arith.constant -1.000000e+09 : f32
      %broadcast_in_dim3A_57 = vector.broadcast %jit3A : f32 to vector<512x512xf32>
      %broadcast_in_dim3A_58 = vector.broadcast %jit3A_56 : f32 to vector<512x512xf32>
      %select_n3A = arith.select %eq3A_55, %broadcast_in_dim3A_57, %broadcast_in_dim3A_58 : vector<512x512xi1>, vector<512x512xf32>
      %convert_element_type3A_59 = arith.truncf %select_n3A : vector<512x512xf32> to vector<512x512xbf16>
      %get3A_60 = arith.constant 0 : index
      %get3A_61 = arith.constant 0 : index
      %get3A_62 = arith.constant 0 : index
      %get3A_63 = vector.load %arg4[%get3A_60, %get3A_61, %get3A_62] : memref<8x512x64xbf16, #tpu.memory_space<vmem>>, vector<1x512x64xbf16>
      %get3A_64 = vector.shape_cast %get3A_63 : vector<1x512x64xbf16> to vector<512x64xbf16>
      %get3A_65 = arith.constant 0 : index
      %get3A_66 = arith.constant 0 : index
      %get3A_67 = arith.constant 0 : index
      %get3A_68 = vector.load %arg5[%get3A_65, %get3A_66, %get3A_67] : memref<8x512x64xbf16, #tpu.memory_space<vmem>>, vector<1x512x64xbf16>
      %get3A_69 = vector.shape_cast %get3A_68 : vector<1x512x64xbf16> to vector<512x64xbf16>
      %dot_general3A = arith.constant dense<0.000000e+00> : vector<512x512xf32>
      %dot_general3A_70 = tpu.matmul %get3A_64, %get3A_69, %dot_general3A {dimension_numbers = #tpu.dot_dimension_numbers<[1], [1], [0], [0], [0, 0, 1, 0], [], []>, transpose_lhs_hint = false} : vector<512x64xbf16>, vector<512x64xbf16>, vector<512x512xf32> -> vector<512x512xf32>
      %convert_element_type3A_71 = arith.truncf %dot_general3A_70 : vector<512x512xf32> to vector<512x512xbf16>
      %add3A_72 = arith.addf %convert_element_type3A_71, %convert_element_type3A_59 : vector<512x512xbf16>
      %reduce_max3A = arith.constant dense<0xFF80> : vector<512xbf16>
      %reduce_max3A_73 = vector.multi_reduction <maximumf>, %add3A_72, %reduce_max3A [1] : vector<512x512xbf16> to vector<512xbf16>
      %broadcast_in_dim3A_74 = vector.shape_cast %reduce_max3A_73 : vector<512xbf16> to vector<512x1xbf16>
      %get3A_75 = arith.constant 0 : index
      %get3A_76 = arith.constant 0 : index
      %get3A_77 = arith.constant 0 : index
      %get3A_78 = vector.load %arg22[%get3A_75, %get3A_76, %get3A_77] : memref<8x512x128xbf16, #tpu.memory_space<vmem>>, vector<1x512x128xbf16>
      %get3A_79 = vector.shape_cast %get3A_78 : vector<1x512x128xbf16> to vector<512x128xbf16>
      %slice3A = vector.extract_strided_slice %get3A_79 {offsets = [0, 0], sizes = [512, 1], strides = [1, 1]} : vector<512x128xbf16> to vector<512x1xbf16>
      %max3A_80 = arith.maximumf %slice3A, %broadcast_in_dim3A_74 : vector<512x1xbf16>
      %sub3A_81 = vector.broadcast %max3A_80 : vector<512x1xbf16> to vector<512x512xbf16>
      %sub3A_82 = arith.subf %add3A_72, %sub3A_81 : vector<512x512xbf16>
      %exp3A = math.exp %sub3A_82 : vector<512x512xbf16>
      %get3A_83 = arith.constant 0 : index
      %get3A_84 = arith.constant 0 : index
      %get3A_85 = arith.constant 0 : index
      %get3A_86 = vector.load %arg6[%get3A_83, %get3A_84, %get3A_85] : memref<8x512x128xbf16, #tpu.memory_space<vmem>>, vector<1x512x128xbf16>
      %get3A_87 = vector.shape_cast %get3A_86 : vector<1x512x128xbf16> to vector<512x128xbf16>
      %dot_general3A_88 = arith.constant dense<0.000000e+00> : vector<512x128xf32>
      %dot_general3A_89 = tpu.matmul %exp3A, %get3A_87, %dot_general3A_88 {dimension_numbers = #tpu.dot_dimension_numbers<[1], [0], [0], [1], [0, 0, 1, 1], [], []>, transpose_lhs_hint = false} : vector<512x512xbf16>, vector<512x128xbf16>, vector<512x128xf32> -> vector<512x128xf32>
      %sub3A_90 = arith.subf %slice3A, %max3A_80 : vector<512x1xbf16>
      %convert_element_type3A_91 = arith.extf %sub3A_90 : vector<512x1xbf16> to vector<512x1xf32>
      %exp3A_92 = math.exp %convert_element_type3A_91 : vector<512x1xf32>
      %get3A_93 = arith.constant 0 : index
      %get3A_94 = arith.constant 0 : index
      %get3A_95 = arith.constant 0 : index
      %get3A_96 = vector.load %arg21[%get3A_93, %get3A_94, %get3A_95] : memref<8x512x128xf32, #tpu.memory_space<vmem>>, vector<1x512x128xf32>
      %get3A_97 = vector.shape_cast %get3A_96 : vector<1x512x128xf32> to vector<512x128xf32>
      %mul3A = vector.broadcast %exp3A_92 : vector<512x1xf32> to vector<512x128xf32>
      %mul3A_98 = arith.mulf %get3A_97, %mul3A : vector<512x128xf32>
      %add3A_99 = arith.addf %mul3A_98, %dot_general3A_89 : vector<512x128xf32>
      %swap3A = arith.constant 0 : index
      %swap3A_100 = arith.constant 0 : index
      %swap3A_101 = arith.constant 0 : index
      %swap3A_102 = vector.load %arg21[%swap3A, %swap3A_100, %swap3A_101] : memref<8x512x128xf32, #tpu.memory_space<vmem>>, vector<1x512x128xf32>
      %swap3A_103 = vector.shape_cast %swap3A_102 : vector<1x512x128xf32> to vector<512x128xf32>
      %swap3A_104 = vector.shape_cast %add3A_99 : vector<512x128xf32> to vector<1x512x128xf32>
      tpu.vector_store %arg21[%swap3A, %swap3A_100, %swap3A_101], %swap3A_104 {strides = array<i32>} : memref<8x512x128xf32, #tpu.memory_space<vmem>>, vector<1x512x128xf32>,
      %broadcast_in_dim3A_105 = vector.shape_cast %max3A_80 : vector<512x1xbf16> to vector<512x1xbf16>
      %broadcast_in_dim3A_106 = vector.broadcast %broadcast_in_dim3A_105 : vector<512x1xbf16> to vector<512x128xbf16>
      %swap3A_107 = arith.constant 0 : index
      %swap3A_108 = arith.constant 0 : index
      %swap3A_109 = arith.constant 0 : index
      %swap3A_110 = vector.load %arg22[%swap3A_107, %swap3A_108, %swap3A_109] : memref<8x512x128xbf16, #tpu.memory_space<vmem>>, vector<1x512x128xbf16>
      %swap3A_111 = vector.shape_cast %swap3A_110 : vector<1x512x128xbf16> to vector<512x128xbf16>
      %swap3A_112 = vector.shape_cast %broadcast_in_dim3A_106 : vector<512x128xbf16> to vector<1x512x128xbf16>
      tpu.vector_store %arg22[%swap3A_107, %swap3A_108, %swap3A_109], %swap3A_112 {strides = array<i32>} : memref<8x512x128xbf16, #tpu.memory_space<vmem>>, vector<1x512x128xbf16>,
      %get3A_113 = arith.constant 1 : index
      %get3A_114 = arith.constant 0 : index
      %get3A_115 = arith.constant 0 : index
      %get3A_116 = vector.load %arg4[%get3A_113, %get3A_114, %get3A_115] : memref<8x512x64xbf16, #tpu.memory_space<vmem>>, vector<1x512x64xbf16>
      %get3A_117 = vector.shape_cast %get3A_116 : vector<1x512x64xbf16> to vector<512x64xbf16>
      %get3A_118 = arith.constant 1 : index
      %get3A_119 = arith.constant 0 : index
      %get3A_120 = arith.constant 0 : index
      %get3A_121 = vector.load %arg5[%get3A_118, %get3A_119, %get3A_120] : memref<8x512x64xbf16, #tpu.memory_space<vmem>>, vector<1x512x64xbf16>
      %get3A_122 = vector.shape_cast %get3A_121 : vector<1x512x64xbf16> to vector<512x64xbf16>
      %dot_general3A_123 = arith.constant dense<0.000000e+00> : vector<512x512xf32>
      %dot_general3A_124 = tpu.matmul %get3A_117, %get3A_122, %dot_general3A_123 {dimension_numbers = #tpu.dot_dimension_numbers<[1], [1], [0], [0], [0, 0, 1, 0], [], []>, transpose_lhs_hint = false} : vector<512x64xbf16>, vector<512x64xbf16>, vector<512x512xf32> -> vector<512x512xf32>
      %convert_element_type3A_125 = arith.truncf %dot_general3A_124 : vector<512x512xf32> to vector<512x512xbf16>
      %add3A_126 = arith.addf %convert_element_type3A_125, %convert_element_type3A_59 : vector<512x512xbf16>
      %reduce_max3A_127 = arith.constant dense<0xFF80> : vector<512xbf16>
      %reduce_max3A_128 = vector.multi_reduction <maximumf>, %add3A_126, %reduce_max3A_127 [1] : vector<512x512xbf16> to vector<512xbf16>
      %broadcast_in_dim3A_129 = vector.shape_cast %reduce_max3A_128 : vector<512xbf16> to vector<512x1xbf16>
      %get3A_130 = arith.constant 1 : index
      %get3A_131 = arith.constant 0 : index
      %get3A_132 = arith.constant 0 : index
      %get3A_133 = vector.load %arg22[%get3A_130, %get3A_131, %get3A_132] : memref<8x512x128xbf16, #tpu.memory_space<vmem>>, vector<1x512x128xbf16>
      %get3A_134 = vector.shape_cast %get3A_133 : vector<1x512x128xbf16> to vector<512x128xbf16>
      %slice3A_135 = vector.extract_strided_slice %get3A_134 {offsets = [0, 0], sizes = [512, 1], strides = [1, 1]} : vector<512x128xbf16> to vector<512x1xbf16>
      %max3A_136 = arith.maximumf %slice3A_135, %broadcast_in_dim3A_129 : vector<512x1xbf16>
      %sub3A_137 = vector.broadcast %max3A_136 : vector<512x1xbf16> to vector<512x512xbf16>
      %sub3A_138 = arith.subf %add3A_126, %sub3A_137 : vector<512x512xbf16>
      %exp3A_139 = math.exp %sub3A_138 : vector<512x512xbf16>
      %get3A_140 = arith.constant 1 : index
      %get3A_141 = arith.constant 0 : index
      %get3A_142 = arith.constant 0 : index
      %get3A_143 = vector.load %arg6[%get3A_140, %get3A_141, %get3A_142] : memref<8x512x128xbf16, #tpu.memory_space<vmem>>, vector<1x512x128xbf16>
      %get3A_144 = vector.shape_cast %get3A_143 : vector<1x512x128xbf16> to vector<512x128xbf16>
      %dot_general3A_145 = arith.constant dense<0.000000e+00> : vector<512x128xf32>
      %dot_general3A_146 = tpu.matmul %exp3A_139, %get3A_144, %dot_general3A_145 {dimension_numbers = #tpu.dot_dimension_numbers<[1], [0], [0], [1], [0, 0, 1, 1], [], []>, transpose_lhs_hint = false} : vector<512x512xbf16>, vector<512x128xbf16>, vector<512x128xf32> -> vector<512x128xf32>
      %sub3A_147 = arith.subf %slice3A_135, %max3A_136 : vector<512x1xbf16>
      %convert_element_type3A_148 = arith.extf %sub3A_147 : vector<512x1xbf16> to vector<512x1xf32>
      %exp3A_149 = math.exp %convert_element_type3A_148 : vector<512x1xf32>
      %get3A_150 = arith.constant 1 : index
      %get3A_151 = arith.constant 0 : index
      %get3A_152 = arith.constant 0 : index
      %get3A_153 = vector.load %arg21[%get3A_150, %get3A_151, %get3A_152] : memref<8x512x128xf32, #tpu.memory_space<vmem>>, vector<1x512x128xf32>
      %get3A_154 = vector.shape_cast %get3A_153 : vector<1x512x128xf32> to vector<512x128xf32>
      %mul3A_155 = vector.broadcast %exp3A_149 : vector<512x1xf32> to vector<512x128xf32>
      %mul3A_156 = arith.mulf %get3A_154, %mul3A_155 : vector<512x128xf32>
      %add3A_157 = arith.addf %mul3A_156, %dot_general3A_146 : vector<512x128xf32>
      %swap3A_158 = arith.constant 1 : index
      %swap3A_159 = arith.constant 0 : index
      %swap3A_160 = arith.constant 0 : index
      %swap3A_161 = vector.load %arg21[%swap3A_158, %swap3A_159, %swap3A_160] : memref<8x512x128xf32, #tpu.memory_space<vmem>>, vector<1x512x128xf32>
      %swap3A_162 = vector.shape_cast %swap3A_161 : vector<1x512x128xf32> to vector<512x128xf32>
      %swap3A_163 = vector.shape_cast %add3A_157 : vector<512x128xf32> to vector<1x512x128xf32>
      tpu.vector_store %arg21[%swap3A_158, %swap3A_159, %swap3A_160], %swap3A_163 {strides = array<i32>} : memref<8x512x128xf32, #tpu.memory_space<vmem>>, vector<1x512x128xf32>,
      %broadcast_in_dim3A_164 = vector.shape_cast %max3A_136 : vector<512x1xbf16> to vector<512x1xbf16>
      %broadcast_in_dim3A_165 = vector.broadcast %broadcast_in_dim3A_164 : vector<512x1xbf16> to vector<512x128xbf16>
      %swap3A_166 = arith.constant 1 : index
      %swap3A_167 = arith.constant 0 : index
      %swap3A_168 = arith.constant 0 : index
      %swap3A_169 = vector.load %arg22[%swap3A_166, %swap3A_167, %swap3A_168] : memref<8x512x128xbf16, #tpu.memory_space<vmem>>, vector<1x512x128xbf16>
      %swap3A_170 = vector.shape_cast %swap3A_169 : vector<1x512x128xbf16> to vector<512x128xbf16>
      %swap3A_171 = vector.shape_cast %broadcast_in_dim3A_165 : vector<512x128xbf16> to vector<1x512x128xbf16>
      tpu.vector_store %arg22[%swap3A_166, %swap3A_167, %swap3A_168], %swap3A_171 {strides = array<i32>} : memref<8x512x128xbf16, #tpu.memory_space<vmem>>, vector<1x512x128xbf16>,
      %get3A_172 = arith.constant 2 : index
      %get3A_173 = arith.constant 0 : index
      %get3A_174 = arith.constant 0 : index
      %get3A_175 = vector.load %arg4[%get3A_172, %get3A_173, %get3A_174] : memref<8x512x64xbf16, #tpu.memory_space<vmem>>, vector<1x512x64xbf16>
      %get3A_176 = vector.shape_cast %get3A_175 : vector<1x512x64xbf16> to vector<512x64xbf16>
      %get3A_177 = arith.constant 2 : index
      %get3A_178 = arith.constant 0 : index
      %get3A_179 = arith.constant 0 : index
      %get3A_180 = vector.load %arg5[%get3A_177, %get3A_178, %get3A_179] : memref<8x512x64xbf16, #tpu.memory_space<vmem>>, vector<1x512x64xbf16>
      %get3A_181 = vector.shape_cast %get3A_180 : vector<1x512x64xbf16> to vector<512x64xbf16>
      %dot_general3A_182 = arith.constant dense<0.000000e+00> : vector<512x512xf32>
      %dot_general3A_183 = tpu.matmul %get3A_176, %get3A_181, %dot_general3A_182 {dimension_numbers = #tpu.dot_dimension_numbers<[1], [1], [0], [0], [0, 0, 1, 0], [], []>, transpose_lhs_hint = false} : vector<512x64xbf16>, vector<512x64xbf16>, vector<512x512xf32> -> vector<512x512xf32>
      %convert_element_type3A_184 = arith.truncf %dot_general3A_183 : vector<512x512xf32> to vector<512x512xbf16>
      %add3A_185 = arith.addf %convert_element_type3A_184, %convert_element_type3A_59 : vector<512x512xbf16>
      %reduce_max3A_186 = arith.constant dense<0xFF80> : vector<512xbf16>
      %reduce_max3A_187 = vector.multi_reduction <maximumf>, %add3A_185, %reduce_max3A_186 [1] : vector<512x512xbf16> to vector<512xbf16>
      %broadcast_in_dim3A_188 = vector.shape_cast %reduce_max3A_187 : vector<512xbf16> to vector<512x1xbf16>
      %get3A_189 = arith.constant 2 : index
      %get3A_190 = arith.constant 0 : index
      %get3A_191 = arith.constant 0 : index
      %get3A_192 = vector.load %arg22[%get3A_189, %get3A_190, %get3A_191] : memref<8x512x128xbf16, #tpu.memory_space<vmem>>, vector<1x512x128xbf16>
      %get3A_193 = vector.shape_cast %get3A_192 : vector<1x512x128xbf16> to vector<512x128xbf16>
      %slice3A_194 = vector.extract_strided_slice %get3A_193 {offsets = [0, 0], sizes = [512, 1], strides = [1, 1]} : vector<512x128xbf16> to vector<512x1xbf16>
      %max3A_195 = arith.maximumf %slice3A_194, %broadcast_in_dim3A_188 : vector<512x1xbf16>
      %sub3A_196 = vector.broadcast %max3A_195 : vector<512x1xbf16> to vector<512x512xbf16>
      %sub3A_197 = arith.subf %add3A_185, %sub3A_196 : vector<512x512xbf16>
      %exp3A_198 = math.exp %sub3A_197 : vector<512x512xbf16>
      %get3A_199 = arith.constant 2 : index
      %get3A_200 = arith.constant 0 : index
      %get3A_201 = arith.constant 0 : index
      %get3A_202 = vector.load %arg6[%get3A_199, %get3A_200, %get3A_201] : memref<8x512x128xbf16, #tpu.memory_space<vmem>>, vector<1x512x128xbf16>
      %get3A_203 = vector.shape_cast %get3A_202 : vector<1x512x128xbf16> to vector<512x128xbf16>
      %dot_general3A_204 = arith.constant dense<0.000000e+00> : vector<512x128xf32>
      %dot_general3A_205 = tpu.matmul %exp3A_198, %get3A_203, %dot_general3A_204 {dimension_numbers = #tpu.dot_dimension_numbers<[1], [0], [0], [1], [0, 0, 1, 1], [], []>, transpose_lhs_hint = false} : vector<512x512xbf16>, vector<512x128xbf16>, vector<512x128xf32> -> vector<512x128xf32>
      %sub3A_206 = arith.subf %slice3A_194, %max3A_195 : vector<512x1xbf16>
      %convert_element_type3A_207 = arith.extf %sub3A_206 : vector<512x1xbf16> to vector<512x1xf32>
      %exp3A_208 = math.exp %convert_element_type3A_207 : vector<512x1xf32>
      %get3A_209 = arith.constant 2 : index
      %get3A_210 = arith.constant 0 : index
      %get3A_211 = arith.constant 0 : index
      %get3A_212 = vector.load %arg21[%get3A_209, %get3A_210, %get3A_211] : memref<8x512x128xf32, #tpu.memory_space<vmem>>, vector<1x512x128xf32>
      %get3A_213 = vector.shape_cast %get3A_212 : vector<1x512x128xf32> to vector<512x128xf32>
      %mul3A_214 = vector.broadcast %exp3A_208 : vector<512x1xf32> to vector<512x128xf32>
      %mul3A_215 = arith.mulf %get3A_213, %mul3A_214 : vector<512x128xf32>
      %add3A_216 = arith.addf %mul3A_215, %dot_general3A_205 : vector<512x128xf32>
      %swap3A_217 = arith.constant 2 : index
      %swap3A_218 = arith.constant 0 : index
      %swap3A_219 = arith.constant 0 : index
      %swap3A_220 = vector.load %arg21[%swap3A_217, %swap3A_218, %swap3A_219] : memref<8x512x128xf32, #tpu.memory_space<vmem>>, vector<1x512x128xf32>
      %swap3A_221 = vector.shape_cast %swap3A_220 : vector<1x512x128xf32> to vector<512x128xf32>
      %swap3A_222 = vector.shape_cast %add3A_216 : vector<512x128xf32> to vector<1x512x128xf32>
      tpu.vector_store %arg21[%swap3A_217, %swap3A_218, %swap3A_219], %swap3A_222 {strides = array<i32>} : memref<8x512x128xf32, #tpu.memory_space<vmem>>, vector<1x512x128xf32>,
      %broadcast_in_dim3A_223 = vector.shape_cast %max3A_195 : vector<512x1xbf16> to vector<512x1xbf16>
      %broadcast_in_dim3A_224 = vector.broadcast %broadcast_in_dim3A_223 : vector<512x1xbf16> to vector<512x128xbf16>
      %swap3A_225 = arith.constant 2 : index
      %swap3A_226 = arith.constant 0 : index
      %swap3A_227 = arith.constant 0 : index
      %swap3A_228 = vector.load %arg22[%swap3A_225, %swap3A_226, %swap3A_227] : memref<8x512x128xbf16, #tpu.memory_space<vmem>>, vector<1x512x128xbf16>
      %swap3A_229 = vector.shape_cast %swap3A_228 : vector<1x512x128xbf16> to vector<512x128xbf16>
      %swap3A_230 = vector.shape_cast %broadcast_in_dim3A_224 : vector<512x128xbf16> to vector<1x512x128xbf16>
      tpu.vector_store %arg22[%swap3A_225, %swap3A_226, %swap3A_227], %swap3A_230 {strides = array<i32>} : memref<8x512x128xbf16, #tpu.memory_space<vmem>>, vector<1x512x128xbf16>,
      %get3A_231 = arith.constant 3 : index
      %get3A_232 = arith.constant 0 : index
      %get3A_233 = arith.constant 0 : index
      %get3A_234 = vector.load %arg4[%get3A_231, %get3A_232, %get3A_233] : memref<8x512x64xbf16, #tpu.memory_space<vmem>>, vector<1x512x64xbf16>
      %get3A_235 = vector.shape_cast %get3A_234 : vector<1x512x64xbf16> to vector<512x64xbf16>
      %get3A_236 = arith.constant 3 : index
      %get3A_237 = arith.constant 0 : index
      %get3A_238 = arith.constant 0 : index
      %get3A_239 = vector.load %arg5[%get3A_236, %get3A_237, %get3A_238] : memref<8x512x64xbf16, #tpu.memory_space<vmem>>, vector<1x512x64xbf16>
      %get3A_240 = vector.shape_cast %get3A_239 : vector<1x512x64xbf16> to vector<512x64xbf16>
      %dot_general3A_241 = arith.constant dense<0.000000e+00> : vector<512x512xf32>
      %dot_general3A_242 = tpu.matmul %get3A_235, %get3A_240, %dot_general3A_241 {dimension_numbers = #tpu.dot_dimension_numbers<[1], [1], [0], [0], [0, 0, 1, 0], [], []>, transpose_lhs_hint = false} : vector<512x64xbf16>, vector<512x64xbf16>, vector<512x512xf32> -> vector<512x512xf32>
      %convert_element_type3A_243 = arith.truncf %dot_general3A_242 : vector<512x512xf32> to vector<512x512xbf16>
      %add3A_244 = arith.addf %convert_element_type3A_243, %convert_element_type3A_59 : vector<512x512xbf16>
      %reduce_max3A_245 = arith.constant dense<0xFF80> : vector<512xbf16>
      %reduce_max3A_246 = vector.multi_reduction <maximumf>, %add3A_244, %reduce_max3A_245 [1] : vector<512x512xbf16> to vector<512xbf16>
      %broadcast_in_dim3A_247 = vector.shape_cast %reduce_max3A_246 : vector<512xbf16> to vector<512x1xbf16>
      %get3A_248 = arith.constant 3 : index
      %get3A_249 = arith.constant 0 : index
      %get3A_250 = arith.constant 0 : index
      %get3A_251 = vector.load %arg22[%get3A_248, %get3A_249, %get3A_250] : memref<8x512x128xbf16, #tpu.memory_space<vmem>>, vector<1x512x128xbf16>
      %get3A_252 = vector.shape_cast %get3A_251 : vector<1x512x128xbf16> to vector<512x128xbf16>
      %slice3A_253 = vector.extract_strided_slice %get3A_252 {offsets = [0, 0], sizes = [512, 1], strides = [1, 1]} : vector<512x128xbf16> to vector<512x1xbf16>
      %max3A_254 = arith.maximumf %slice3A_253, %broadcast_in_dim3A_247 : vector<512x1xbf16>
      %sub3A_255 = vector.broadcast %max3A_254 : vector<512x1xbf16> to vector<512x512xbf16>
      %sub3A_256 = arith.subf %add3A_244, %sub3A_255 : vector<512x512xbf16>
      %exp3A_257 = math.exp %sub3A_256 : vector<512x512xbf16>
      %get3A_258 = arith.constant 3 : index
      %get3A_259 = arith.constant 0 : index
      %get3A_260 = arith.constant 0 : index
      %get3A_261 = vector.load %arg6[%get3A_258, %get3A_259, %get3A_260] : memref<8x512x128xbf16, #tpu.memory_space<vmem>>, vector<1x512x128xbf16>
      %get3A_262 = vector.shape_cast %get3A_261 : vector<1x512x128xbf16> to vector<512x128xbf16>
      %dot_general3A_263 = arith.constant dense<0.000000e+00> : vector<512x128xf32>
      %dot_general3A_264 = tpu.matmul %exp3A_257, %get3A_262, %dot_general3A_263 {dimension_numbers = #tpu.dot_dimension_numbers<[1], [0], [0], [1], [0, 0, 1, 1], [], []>, transpose_lhs_hint = false} : vector<512x512xbf16>, vector<512x128xbf16>, vector<512x128xf32> -> vector<512x128xf32>
      %sub3A_265 = arith.subf %slice3A_253, %max3A_254 : vector<512x1xbf16>
      %convert_element_type3A_266 = arith.extf %sub3A_265 : vector<512x1xbf16> to vector<512x1xf32>
      %exp3A_267 = math.exp %convert_element_type3A_266 : vector<512x1xf32>
      %get3A_268 = arith.constant 3 : index
      %get3A_269 = arith.constant 0 : index
      %get3A_270 = arith.constant 0 : index
      %get3A_271 = vector.load %arg21[%get3A_268, %get3A_269, %get3A_270] : memref<8x512x128xf32, #tpu.memory_space<vmem>>, vector<1x512x128xf32>
      %get3A_272 = vector.shape_cast %get3A_271 : vector<1x512x128xf32> to vector<512x128xf32>
      %mul3A_273 = vector.broadcast %exp3A_267 : vector<512x1xf32> to vector<512x128xf32>
      %mul3A_274 = arith.mulf %get3A_272, %mul3A_273 : vector<512x128xf32>
      %add3A_275 = arith.addf %mul3A_274, %dot_general3A_264 : vector<512x128xf32>
      %swap3A_276 = arith.constant 3 : index
      %swap3A_277 = arith.constant 0 : index
      %swap3A_278 = arith.constant 0 : index
      %swap3A_279 = vector.load %arg21[%swap3A_276, %swap3A_277, %swap3A_278] : memref<8x512x128xf32, #tpu.memory_space<vmem>>, vector<1x512x128xf32>
      %swap3A_280 = vector.shape_cast %swap3A_279 : vector<1x512x128xf32> to vector<512x128xf32>
      %swap3A_281 = vector.shape_cast %add3A_275 : vector<512x128xf32> to vector<1x512x128xf32>
      tpu.vector_store %arg21[%swap3A_276, %swap3A_277, %swap3A_278], %swap3A_281 {strides = array<i32>} : memref<8x512x128xf32, #tpu.memory_space<vmem>>, vector<1x512x128xf32>,
      %broadcast_in_dim3A_282 = vector.shape_cast %max3A_254 : vector<512x1xbf16> to vector<512x1xbf16>
      %broadcast_in_dim3A_283 = vector.broadcast %broadcast_in_dim3A_282 : vector<512x1xbf16> to vector<512x128xbf16>
      %swap3A_284 = arith.constant 3 : index
      %swap3A_285 = arith.constant 0 : index
      %swap3A_286 = arith.constant 0 : index
      %swap3A_287 = vector.load %arg22[%swap3A_284, %swap3A_285, %swap3A_286] : memref<8x512x128xbf16, #tpu.memory_space<vmem>>, vector<1x512x128xbf16>
      %swap3A_288 = vector.shape_cast %swap3A_287 : vector<1x512x128xbf16> to vector<512x128xbf16>
      %swap3A_289 = vector.shape_cast %broadcast_in_dim3A_283 : vector<512x128xbf16> to vector<1x512x128xbf16>
      tpu.vector_store %arg22[%swap3A_284, %swap3A_285, %swap3A_286], %swap3A_289 {strides = array<i32>} : memref<8x512x128xbf16, #tpu.memory_space<vmem>>, vector<1x512x128xbf16>,
      %get3A_290 = arith.constant 4 : index
      %get3A_291 = arith.constant 0 : index
      %get3A_292 = arith.constant 0 : index
      %get3A_293 = vector.load %arg4[%get3A_290, %get3A_291, %get3A_292] : memref<8x512x64xbf16, #tpu.memory_space<vmem>>, vector<1x512x64xbf16>
      %get3A_294 = vector.shape_cast %get3A_293 : vector<1x512x64xbf16> to vector<512x64xbf16>
      %get3A_295 = arith.constant 4 : index
      %get3A_296 = arith.constant 0 : index
      %get3A_297 = arith.constant 0 : index
      %get3A_298 = vector.load %arg5[%get3A_295, %get3A_296, %get3A_297] : memref<8x512x64xbf16, #tpu.memory_space<vmem>>, vector<1x512x64xbf16>
      %get3A_299 = vector.shape_cast %get3A_298 : vector<1x512x64xbf16> to vector<512x64xbf16>
      %dot_general3A_300 = arith.constant dense<0.000000e+00> : vector<512x512xf32>
      %dot_general3A_301 = tpu.matmul %get3A_294, %get3A_299, %dot_general3A_300 {dimension_numbers = #tpu.dot_dimension_numbers<[1], [1], [0], [0], [0, 0, 1, 0], [], []>, transpose_lhs_hint = false} : vector<512x64xbf16>, vector<512x64xbf16>, vector<512x512xf32> -> vector<512x512xf32>
      %convert_element_type3A_302 = arith.truncf %dot_general3A_301 : vector<512x512xf32> to vector<512x512xbf16>
      %add3A_303 = arith.addf %convert_element_type3A_302, %convert_element_type3A_59 : vector<512x512xbf16>
      %reduce_max3A_304 = arith.constant dense<0xFF80> : vector<512xbf16>
      %reduce_max3A_305 = vector.multi_reduction <maximumf>, %add3A_303, %reduce_max3A_304 [1] : vector<512x512xbf16> to vector<512xbf16>
      %broadcast_in_dim3A_306 = vector.shape_cast %reduce_max3A_305 : vector<512xbf16> to vector<512x1xbf16>
      %get3A_307 = arith.constant 4 : index
      %get3A_308 = arith.constant 0 : index
      %get3A_309 = arith.constant 0 : index
      %get3A_310 = vector.load %arg22[%get3A_307, %get3A_308, %get3A_309] : memref<8x512x128xbf16, #tpu.memory_space<vmem>>, vector<1x512x128xbf16>
      %get3A_311 = vector.shape_cast %get3A_310 : vector<1x512x128xbf16> to vector<512x128xbf16>
      %slice3A_312 = vector.extract_strided_slice %get3A_311 {offsets = [0, 0], sizes = [512, 1], strides = [1, 1]} : vector<512x128xbf16> to vector<512x1xbf16>
      %max3A_313 = arith.maximumf %slice3A_312, %broadcast_in_dim3A_306 : vector<512x1xbf16>
      %sub3A_314 = vector.broadcast %max3A_313 : vector<512x1xbf16> to vector<512x512xbf16>
      %sub3A_315 = arith.subf %add3A_303, %sub3A_314 : vector<512x512xbf16>
      %exp3A_316 = math.exp %sub3A_315 : vector<512x512xbf16>
      %get3A_317 = arith.constant 4 : index
      %get3A_318 = arith.constant 0 : index
      %get3A_319 = arith.constant 0 : index
      %get3A_320 = vector.load %arg6[%get3A_317, %get3A_318, %get3A_319] : memref<8x512x128xbf16, #tpu.memory_space<vmem>>, vector<1x512x128xbf16>
      %get3A_321 = vector.shape_cast %get3A_320 : vector<1x512x128xbf16> to vector<512x128xbf16>
      %dot_general3A_322 = arith.constant dense<0.000000e+00> : vector<512x128xf32>
      %dot_general3A_323 = tpu.matmul %exp3A_316, %get3A_321, %dot_general3A_322 {dimension_numbers = #tpu.dot_dimension_numbers<[1], [0], [0], [1], [0, 0, 1, 1], [], []>, transpose_lhs_hint = false} : vector<512x512xbf16>, vector<512x128xbf16>, vector<512x128xf32> -> vector<512x128xf32>
      %sub3A_324 = arith.subf %slice3A_312, %max3A_313 : vector<512x1xbf16>
      %convert_element_type3A_325 = arith.extf %sub3A_324 : vector<512x1xbf16> to vector<512x1xf32>
      %exp3A_326 = math.exp %convert_element_type3A_325 : vector<512x1xf32>
      %get3A_327 = arith.constant 4 : index
      %get3A_328 = arith.constant 0 : index
      %get3A_329 = arith.constant 0 : index
      %get3A_330 = vector.load %arg21[%get3A_327, %get3A_328, %get3A_329] : memref<8x512x128xf32, #tpu.memory_space<vmem>>, vector<1x512x128xf32>
      %get3A_331 = vector.shape_cast %get3A_330 : vector<1x512x128xf32> to vector<512x128xf32>
      %mul3A_332 = vector.broadcast %exp3A_326 : vector<512x1xf32> to vector<512x128xf32>
      %mul3A_333 = arith.mulf %get3A_331, %mul3A_332 : vector<512x128xf32>
      %add3A_334 = arith.addf %mul3A_333, %dot_general3A_323 : vector<512x128xf32>
      %swap3A_335 = arith.constant 4 : index
      %swap3A_336 = arith.constant 0 : index
      %swap3A_337 = arith.constant 0 : index
      %swap3A_338 = vector.load %arg21[%swap3A_335, %swap3A_336, %swap3A_337] : memref<8x512x128xf32, #tpu.memory_space<vmem>>, vector<1x512x128xf32>
      %swap3A_339 = vector.shape_cast %swap3A_338 : vector<1x512x128xf32> to vector<512x128xf32>
      %swap3A_340 = vector.shape_cast %add3A_334 : vector<512x128xf32> to vector<1x512x128xf32>
      tpu.vector_store %arg21[%swap3A_335, %swap3A_336, %swap3A_337], %swap3A_340 {strides = array<i32>} : memref<8x512x128xf32, #tpu.memory_space<vmem>>, vector<1x512x128xf32>,
      %broadcast_in_dim3A_341 = vector.shape_cast %max3A_313 : vector<512x1xbf16> to vector<512x1xbf16>
      %broadcast_in_dim3A_342 = vector.broadcast %broadcast_in_dim3A_341 : vector<512x1xbf16> to vector<512x128xbf16>
      %swap3A_343 = arith.constant 4 : index
      %swap3A_344 = arith.constant 0 : index
      %swap3A_345 = arith.constant 0 : index
      %swap3A_346 = vector.load %arg22[%swap3A_343, %swap3A_344, %swap3A_345] : memref<8x512x128xbf16, #tpu.memory_space<vmem>>, vector<1x512x128xbf16>
      %swap3A_347 = vector.shape_cast %swap3A_346 : vector<1x512x128xbf16> to vector<512x128xbf16>
      %swap3A_348 = vector.shape_cast %broadcast_in_dim3A_342 : vector<512x128xbf16> to vector<1x512x128xbf16>
      tpu.vector_store %arg22[%swap3A_343, %swap3A_344, %swap3A_345], %swap3A_348 {strides = array<i32>} : memref<8x512x128xbf16, #tpu.memory_space<vmem>>, vector<1x512x128xbf16>,
      %get3A_349 = arith.constant 5 : index
      %get3A_350 = arith.constant 0 : index
      %get3A_351 = arith.constant 0 : index
      %get3A_352 = vector.load %arg4[%get3A_349, %get3A_350, %get3A_351] : memref<8x512x64xbf16, #tpu.memory_space<vmem>>, vector<1x512x64xbf16>
      %get3A_353 = vector.shape_cast %get3A_352 : vector<1x512x64xbf16> to vector<512x64xbf16>
      %get3A_354 = arith.constant 5 : index
      %get3A_355 = arith.constant 0 : index
      %get3A_356 = arith.constant 0 : index
      %get3A_357 = vector.load %arg5[%get3A_354, %get3A_355, %get3A_356] : memref<8x512x64xbf16, #tpu.memory_space<vmem>>, vector<1x512x64xbf16>
      %get3A_358 = vector.shape_cast %get3A_357 : vector<1x512x64xbf16> to vector<512x64xbf16>
      %dot_general3A_359 = arith.constant dense<0.000000e+00> : vector<512x512xf32>
      %dot_general3A_360 = tpu.matmul %get3A_353, %get3A_358, %dot_general3A_359 {dimension_numbers = #tpu.dot_dimension_numbers<[1], [1], [0], [0], [0, 0, 1, 0], [], []>, transpose_lhs_hint = false} : vector<512x64xbf16>, vector<512x64xbf16>, vector<512x512xf32> -> vector<512x512xf32>
      %convert_element_type3A_361 = arith.truncf %dot_general3A_360 : vector<512x512xf32> to vector<512x512xbf16>
      %add3A_362 = arith.addf %convert_element_type3A_361, %convert_element_type3A_59 : vector<512x512xbf16>
      %reduce_max3A_363 = arith.constant dense<0xFF80> : vector<512xbf16>
      %reduce_max3A_364 = vector.multi_reduction <maximumf>, %add3A_362, %reduce_max3A_363 [1] : vector<512x512xbf16> to vector<512xbf16>
      %broadcast_in_dim3A_365 = vector.shape_cast %reduce_max3A_364 : vector<512xbf16> to vector<512x1xbf16>
      %get3A_366 = arith.constant 5 : index
      %get3A_367 = arith.constant 0 : index
      %get3A_368 = arith.constant 0 : index
      %get3A_369 = vector.load %arg22[%get3A_366, %get3A_367, %get3A_368] : memref<8x512x128xbf16, #tpu.memory_space<vmem>>, vector<1x512x128xbf16>
      %get3A_370 = vector.shape_cast %get3A_369 : vector<1x512x128xbf16> to vector<512x128xbf16>
      %slice3A_371 = vector.extract_strided_slice %get3A_370 {offsets = [0, 0], sizes = [512, 1], strides = [1, 1]} : vector<512x128xbf16> to vector<512x1xbf16>
      %max3A_372 = arith.maximumf %slice3A_371, %broadcast_in_dim3A_365 : vector<512x1xbf16>
      %sub3A_373 = vector.broadcast %max3A_372 : vector<512x1xbf16> to vector<512x512xbf16>
      %sub3A_374 = arith.subf %add3A_362, %sub3A_373 : vector<512x512xbf16>
      %exp3A_375 = math.exp %sub3A_374 : vector<512x512xbf16>
      %get3A_376 = arith.constant 5 : index
      %get3A_377 = arith.constant 0 : index
      %get3A_378 = arith.constant 0 : index
      %get3A_379 = vector.load %arg6[%get3A_376, %get3A_377, %get3A_378] : memref<8x512x128xbf16, #tpu.memory_space<vmem>>, vector<1x512x128xbf16>
      %get3A_380 = vector.shape_cast %get3A_379 : vector<1x512x128xbf16> to vector<512x128xbf16>
      %dot_general3A_381 = arith.constant dense<0.000000e+00> : vector<512x128xf32>
      %dot_general3A_382 = tpu.matmul %exp3A_375, %get3A_380, %dot_general3A_381 {dimension_numbers = #tpu.dot_dimension_numbers<[1], [0], [0], [1], [0, 0, 1, 1], [], []>, transpose_lhs_hint = false} : vector<512x512xbf16>, vector<512x128xbf16>, vector<512x128xf32> -> vector<512x128xf32>
      %sub3A_383 = arith.subf %slice3A_371, %max3A_372 : vector<512x1xbf16>
      %convert_element_type3A_384 = arith.extf %sub3A_383 : vector<512x1xbf16> to vector<512x1xf32>
      %exp3A_385 = math.exp %convert_element_type3A_384 : vector<512x1xf32>
      %get3A_386 = arith.constant 5 : index
      %get3A_387 = arith.constant 0 : index
      %get3A_388 = arith.constant 0 : index
      %get3A_389 = vector.load %arg21[%get3A_386, %get3A_387, %get3A_388] : memref<8x512x128xf32, #tpu.memory_space<vmem>>, vector<1x512x128xf32>
      %get3A_390 = vector.shape_cast %get3A_389 : vector<1x512x128xf32> to vector<512x128xf32>
      %mul3A_391 = vector.broadcast %exp3A_385 : vector<512x1xf32> to vector<512x128xf32>
      %mul3A_392 = arith.mulf %get3A_390, %mul3A_391 : vector<512x128xf32>
      %add3A_393 = arith.addf %mul3A_392, %dot_general3A_382 : vector<512x128xf32>
      %swap3A_394 = arith.constant 5 : index
      %swap3A_395 = arith.constant 0 : index
      %swap3A_396 = arith.constant 0 : index
      %swap3A_397 = vector.load %arg21[%swap3A_394, %swap3A_395, %swap3A_396] : memref<8x512x128xf32, #tpu.memory_space<vmem>>, vector<1x512x128xf32>
      %swap3A_398 = vector.shape_cast %swap3A_397 : vector<1x512x128xf32> to vector<512x128xf32>
      %swap3A_399 = vector.shape_cast %add3A_393 : vector<512x128xf32> to vector<1x512x128xf32>
      tpu.vector_store %arg21[%swap3A_394, %swap3A_395, %swap3A_396], %swap3A_399 {strides = array<i32>} : memref<8x512x128xf32, #tpu.memory_space<vmem>>, vector<1x512x128xf32>,
      %broadcast_in_dim3A_400 = vector.shape_cast %max3A_372 : vector<512x1xbf16> to vector<512x1xbf16>
      %broadcast_in_dim3A_401 = vector.broadcast %broadcast_in_dim3A_400 : vector<512x1xbf16> to vector<512x128xbf16>
      %swap3A_402 = arith.constant 5 : index
      %swap3A_403 = arith.constant 0 : index
      %swap3A_404 = arith.constant 0 : index
      %swap3A_405 = vector.load %arg22[%swap3A_402, %swap3A_403, %swap3A_404] : memref<8x512x128xbf16, #tpu.memory_space<vmem>>, vector<1x512x128xbf16>
      %swap3A_406 = vector.shape_cast %swap3A_405 : vector<1x512x128xbf16> to vector<512x128xbf16>
      %swap3A_407 = vector.shape_cast %broadcast_in_dim3A_401 : vector<512x128xbf16> to vector<1x512x128xbf16>
      tpu.vector_store %arg22[%swap3A_402, %swap3A_403, %swap3A_404], %swap3A_407 {strides = array<i32>} : memref<8x512x128xbf16, #tpu.memory_space<vmem>>, vector<1x512x128xbf16>,
      %get3A_408 = arith.constant 6 : index
      %get3A_409 = arith.constant 0 : index
      %get3A_410 = arith.constant 0 : index
      %get3A_411 = vector.load %arg4[%get3A_408, %get3A_409, %get3A_410] : memref<8x512x64xbf16, #tpu.memory_space<vmem>>, vector<1x512x64xbf16>
      %get3A_412 = vector.shape_cast %get3A_411 : vector<1x512x64xbf16> to vector<512x64xbf16>
      %get3A_413 = arith.constant 6 : index
      %get3A_414 = arith.constant 0 : index
      %get3A_415 = arith.constant 0 : index
      %get3A_416 = vector.load %arg5[%get3A_413, %get3A_414, %get3A_415] : memref<8x512x64xbf16, #tpu.memory_space<vmem>>, vector<1x512x64xbf16>
      %get3A_417 = vector.shape_cast %get3A_416 : vector<1x512x64xbf16> to vector<512x64xbf16>
      %dot_general3A_418 = arith.constant dense<0.000000e+00> : vector<512x512xf32>
      %dot_general3A_419 = tpu.matmul %get3A_412, %get3A_417, %dot_general3A_418 {dimension_numbers = #tpu.dot_dimension_numbers<[1], [1], [0], [0], [0, 0, 1, 0], [], []>, transpose_lhs_hint = false} : vector<512x64xbf16>, vector<512x64xbf16>, vector<512x512xf32> -> vector<512x512xf32>
      %convert_element_type3A_420 = arith.truncf %dot_general3A_419 : vector<512x512xf32> to vector<512x512xbf16>
      %add3A_421 = arith.addf %convert_element_type3A_420, %convert_element_type3A_59 : vector<512x512xbf16>
      %reduce_max3A_422 = arith.constant dense<0xFF80> : vector<512xbf16>
      %reduce_max3A_423 = vector.multi_reduction <maximumf>, %add3A_421, %reduce_max3A_422 [1] : vector<512x512xbf16> to vector<512xbf16>
      %broadcast_in_dim3A_424 = vector.shape_cast %reduce_max3A_423 : vector<512xbf16> to vector<512x1xbf16>
      %get3A_425 = arith.constant 6 : index
      %get3A_426 = arith.constant 0 : index
      %get3A_427 = arith.constant 0 : index
      %get3A_428 = vector.load %arg22[%get3A_425, %get3A_426, %get3A_427] : memref<8x512x128xbf16, #tpu.memory_space<vmem>>, vector<1x512x128xbf16>
      %get3A_429 = vector.shape_cast %get3A_428 : vector<1x512x128xbf16> to vector<512x128xbf16>
      %slice3A_430 = vector.extract_strided_slice %get3A_429 {offsets = [0, 0], sizes = [512, 1], strides = [1, 1]} : vector<512x128xbf16> to vector<512x1xbf16>
      %max3A_431 = arith.maximumf %slice3A_430, %broadcast_in_dim3A_424 : vector<512x1xbf16>
      %sub3A_432 = vector.broadcast %max3A_431 : vector<512x1xbf16> to vector<512x512xbf16>
      %sub3A_433 = arith.subf %add3A_421, %sub3A_432 : vector<512x512xbf16>
      %exp3A_434 = math.exp %sub3A_433 : vector<512x512xbf16>
      %get3A_435 = arith.constant 6 : index
      %get3A_436 = arith.constant 0 : index
      %get3A_437 = arith.constant 0 : index
      %get3A_438 = vector.load %arg6[%get3A_435, %get3A_436, %get3A_437] : memref<8x512x128xbf16, #tpu.memory_space<vmem>>, vector<1x512x128xbf16>
      %get3A_439 = vector.shape_cast %get3A_438 : vector<1x512x128xbf16> to vector<512x128xbf16>
      %dot_general3A_440 = arith.constant dense<0.000000e+00> : vector<512x128xf32>
      %dot_general3A_441 = tpu.matmul %exp3A_434, %get3A_439, %dot_general3A_440 {dimension_numbers = #tpu.dot_dimension_numbers<[1], [0], [0], [1], [0, 0, 1, 1], [], []>, transpose_lhs_hint = false} : vector<512x512xbf16>, vector<512x128xbf16>, vector<512x128xf32> -> vector<512x128xf32>
      %sub3A_442 = arith.subf %slice3A_430, %max3A_431 : vector<512x1xbf16>
      %convert_element_type3A_443 = arith.extf %sub3A_442 : vector<512x1xbf16> to vector<512x1xf32>
      %exp3A_444 = math.exp %convert_element_type3A_443 : vector<512x1xf32>
      %get3A_445 = arith.constant 6 : index
      %get3A_446 = arith.constant 0 : index
      %get3A_447 = arith.constant 0 : index
      %get3A_448 = vector.load %arg21[%get3A_445, %get3A_446, %get3A_447] : memref<8x512x128xf32, #tpu.memory_space<vmem>>, vector<1x512x128xf32>
      %get3A_449 = vector.shape_cast %get3A_448 : vector<1x512x128xf32> to vector<512x128xf32>
      %mul3A_450 = vector.broadcast %exp3A_444 : vector<512x1xf32> to vector<512x128xf32>
      %mul3A_451 = arith.mulf %get3A_449, %mul3A_450 : vector<512x128xf32>
      %add3A_452 = arith.addf %mul3A_451, %dot_general3A_441 : vector<512x128xf32>
      %swap3A_453 = arith.constant 6 : index
      %swap3A_454 = arith.constant 0 : index
      %swap3A_455 = arith.constant 0 : index
      %swap3A_456 = vector.load %arg21[%swap3A_453, %swap3A_454, %swap3A_455] : memref<8x512x128xf32, #tpu.memory_space<vmem>>, vector<1x512x128xf32>
      %swap3A_457 = vector.shape_cast %swap3A_456 : vector<1x512x128xf32> to vector<512x128xf32>
      %swap3A_458 = vector.shape_cast %add3A_452 : vector<512x128xf32> to vector<1x512x128xf32>
      tpu.vector_store %arg21[%swap3A_453, %swap3A_454, %swap3A_455], %swap3A_458 {strides = array<i32>} : memref<8x512x128xf32, #tpu.memory_space<vmem>>, vector<1x512x128xf32>,
      %broadcast_in_dim3A_459 = vector.shape_cast %max3A_431 : vector<512x1xbf16> to vector<512x1xbf16>
      %broadcast_in_dim3A_460 = vector.broadcast %broadcast_in_dim3A_459 : vector<512x1xbf16> to vector<512x128xbf16>
      %swap3A_461 = arith.constant 6 : index
      %swap3A_462 = arith.constant 0 : index
      %swap3A_463 = arith.constant 0 : index
      %swap3A_464 = vector.load %arg22[%swap3A_461, %swap3A_462, %swap3A_463] : memref<8x512x128xbf16, #tpu.memory_space<vmem>>, vector<1x512x128xbf16>
      %swap3A_465 = vector.shape_cast %swap3A_464 : vector<1x512x128xbf16> to vector<512x128xbf16>
      %swap3A_466 = vector.shape_cast %broadcast_in_dim3A_460 : vector<512x128xbf16> to vector<1x512x128xbf16>
      tpu.vector_store %arg22[%swap3A_461, %swap3A_462, %swap3A_463], %swap3A_466 {strides = array<i32>} : memref<8x512x128xbf16, #tpu.memory_space<vmem>>, vector<1x512x128xbf16>,
      %get3A_467 = arith.constant 7 : index
      %get3A_468 = arith.constant 0 : index
      %get3A_469 = arith.constant 0 : index
      %get3A_470 = vector.load %arg4[%get3A_467, %get3A_468, %get3A_469] : memref<8x512x64xbf16, #tpu.memory_space<vmem>>, vector<1x512x64xbf16>
      %get3A_471 = vector.shape_cast %get3A_470 : vector<1x512x64xbf16> to vector<512x64xbf16>
      %get3A_472 = arith.constant 7 : index
      %get3A_473 = arith.constant 0 : index
      %get3A_474 = arith.constant 0 : index
      %get3A_475 = vector.load %arg5[%get3A_472, %get3A_473, %get3A_474] : memref<8x512x64xbf16, #tpu.memory_space<vmem>>, vector<1x512x64xbf16>
      %get3A_476 = vector.shape_cast %get3A_475 : vector<1x512x64xbf16> to vector<512x64xbf16>
      %dot_general3A_477 = arith.constant dense<0.000000e+00> : vector<512x512xf32>
      %dot_general3A_478 = tpu.matmul %get3A_471, %get3A_476, %dot_general3A_477 {dimension_numbers = #tpu.dot_dimension_numbers<[1], [1], [0], [0], [0, 0, 1, 0], [], []>, transpose_lhs_hint = false} : vector<512x64xbf16>, vector<512x64xbf16>, vector<512x512xf32> -> vector<512x512xf32>
      %convert_element_type3A_479 = arith.truncf %dot_general3A_478 : vector<512x512xf32> to vector<512x512xbf16>
      %add3A_480 = arith.addf %convert_element_type3A_479, %convert_element_type3A_59 : vector<512x512xbf16>
      %reduce_max3A_481 = arith.constant dense<0xFF80> : vector<512xbf16>
      %reduce_max3A_482 = vector.multi_reduction <maximumf>, %add3A_480, %reduce_max3A_481 [1] : vector<512x512xbf16> to vector<512xbf16>
      %broadcast_in_dim3A_483 = vector.shape_cast %reduce_max3A_482 : vector<512xbf16> to vector<512x1xbf16>
      %get3A_484 = arith.constant 7 : index
      %get3A_485 = arith.constant 0 : index
      %get3A_486 = arith.constant 0 : index
      %get3A_487 = vector.load %arg22[%get3A_484, %get3A_485, %get3A_486] : memref<8x512x128xbf16, #tpu.memory_space<vmem>>, vector<1x512x128xbf16>
      %get3A_488 = vector.shape_cast %get3A_487 : vector<1x512x128xbf16> to vector<512x128xbf16>
      %slice3A_489 = vector.extract_strided_slice %get3A_488 {offsets = [0, 0], sizes = [512, 1], strides = [1, 1]} : vector<512x128xbf16> to vector<512x1xbf16>
      %max3A_490 = arith.maximumf %slice3A_489, %broadcast_in_dim3A_483 : vector<512x1xbf16>
      %sub3A_491 = vector.broadcast %max3A_490 : vector<512x1xbf16> to vector<512x512xbf16>
      %sub3A_492 = arith.subf %add3A_480, %sub3A_491 : vector<512x512xbf16>
      %exp3A_493 = math.exp %sub3A_492 : vector<512x512xbf16>
      %get3A_494 = arith.constant 7 : index
      %get3A_495 = arith.constant 0 : index
      %get3A_496 = arith.constant 0 : index
      %get3A_497 = vector.load %arg6[%get3A_494, %get3A_495, %get3A_496] : memref<8x512x128xbf16, #tpu.memory_space<vmem>>, vector<1x512x128xbf16>
      %get3A_498 = vector.shape_cast %get3A_497 : vector<1x512x128xbf16> to vector<512x128xbf16>
      %dot_general3A_499 = arith.constant dense<0.000000e+00> : vector<512x128xf32>
      %dot_general3A_500 = tpu.matmul %exp3A_493, %get3A_498, %dot_general3A_499 {dimension_numbers = #tpu.dot_dimension_numbers<[1], [0], [0], [1], [0, 0, 1, 1], [], []>, transpose_lhs_hint = false} : vector<512x512xbf16>, vector<512x128xbf16>, vector<512x128xf32> -> vector<512x128xf32>
      %sub3A_501 = arith.subf %slice3A_489, %max3A_490 : vector<512x1xbf16>
      %convert_element_type3A_502 = arith.extf %sub3A_501 : vector<512x1xbf16> to vector<512x1xf32>
      %exp3A_503 = math.exp %convert_element_type3A_502 : vector<512x1xf32>
      %get3A_504 = arith.constant 7 : index
      %get3A_505 = arith.constant 0 : index
      %get3A_506 = arith.constant 0 : index
      %get3A_507 = vector.load %arg21[%get3A_504, %get3A_505, %get3A_506] : memref<8x512x128xf32, #tpu.memory_space<vmem>>, vector<1x512x128xf32>
      %get3A_508 = vector.shape_cast %get3A_507 : vector<1x512x128xf32> to vector<512x128xf32>
      %mul3A_509 = vector.broadcast %exp3A_503 : vector<512x1xf32> to vector<512x128xf32>
      %mul3A_510 = arith.mulf %get3A_508, %mul3A_509 : vector<512x128xf32>
      %add3A_511 = arith.addf %mul3A_510, %dot_general3A_500 : vector<512x128xf32>
      %swap3A_512 = arith.constant 7 : index
      %swap3A_513 = arith.constant 0 : index
      %swap3A_514 = arith.constant 0 : index
      %swap3A_515 = vector.load %arg21[%swap3A_512, %swap3A_513, %swap3A_514] : memref<8x512x128xf32, #tpu.memory_space<vmem>>, vector<1x512x128xf32>
      %swap3A_516 = vector.shape_cast %swap3A_515 : vector<1x512x128xf32> to vector<512x128xf32>
      %swap3A_517 = vector.shape_cast %add3A_511 : vector<512x128xf32> to vector<1x512x128xf32>
      tpu.vector_store %arg21[%swap3A_512, %swap3A_513, %swap3A_514], %swap3A_517 {strides = array<i32>} : memref<8x512x128xf32, #tpu.memory_space<vmem>>, vector<1x512x128xf32>,
      %broadcast_in_dim3A_518 = vector.shape_cast %max3A_490 : vector<512x1xbf16> to vector<512x1xbf16>
      %broadcast_in_dim3A_519 = vector.broadcast %broadcast_in_dim3A_518 : vector<512x1xbf16> to vector<512x128xbf16>
      %swap3A_520 = arith.constant 7 : index
      %swap3A_521 = arith.constant 0 : index
      %swap3A_522 = arith.constant 0 : index
      %swap3A_523 = vector.load %arg22[%swap3A_520, %swap3A_521, %swap3A_522] : memref<8x512x128xbf16, #tpu.memory_space<vmem>>, vector<1x512x128xbf16>
      %swap3A_524 = vector.shape_cast %swap3A_523 : vector<1x512x128xbf16> to vector<512x128xbf16>
      %swap3A_525 = vector.shape_cast %broadcast_in_dim3A_519 : vector<512x128xbf16> to vector<1x512x128xbf16>
      tpu.vector_store %arg22[%swap3A_520, %swap3A_521, %swap3A_522], %swap3A_525 {strides = array<i32>} : memref<8x512x128xbf16, #tpu.memory_space<vmem>>, vector<1x512x128xbf16>,
    } else {
    }
    %num_programs3A = tpu.iteration_bound 0 : i32
    %sub3A_30 = arith.constant 1 : i32
    %sub3A_31 = arith.subi %num_programs3A, %sub3A_30 : i32
    %eq3A_32 = arith.cmpi eq, %arg0, %sub3A_31 : i32
    %add3A = arith.constant 1 : i32
    %add3A_33 = arith.addi %arg0, %add3A : i32
    %min3A = arith.constant 1023 : i32
    %min3A_34 = arith.minsi %add3A_33, %min3A : i32
    %get3A_35 = arith.index_cast %min3A_34 : i32 to index
    %get3A_36 = memref.load %arg1[%get3A_35] : memref<1024xi32, #tpu.memory_space<smem>>
    %ne3A_37 = arith.cmpi ne, %get3A_36, %get3A_0 : i32
    %or3A_38 = arith.ori %eq3A_32, %ne3A_37 : i1
    %convert_element_type3A_39 = arith.extui %or3A_38 : i1 to i32
    %cond3A_40 = arith.constant 0 : i32
    %cond3A_41 = arith.cmpi ne, %convert_element_type3A_39, %cond3A_40 : i32
    scf.if %cond3A_41 {
      %get3A_42 = arith.constant 0 : index
      %get3A_43 = arith.constant 0 : index
      %get3A_44 = arith.constant 0 : index
      %get3A_45 = vector.load %arg21[%get3A_42, %get3A_43, %get3A_44] : memref<8x512x128xf32, #tpu.memory_space<vmem>>, vector<1x512x128xf32>
      %get3A_46 = vector.shape_cast %get3A_45 : vector<1x512x128xf32> to vector<512x128xf32>
      %slice3A = vector.extract_strided_slice %get3A_46 {offsets = [0, 64], sizes = [512, 1], strides = [1, 1]} : vector<512x128xf32> to vector<512x1xf32>
      %div3A = arith.constant 1.000000e+00 : f32
      %div3A_47 = vector.broadcast %div3A : f32 to vector<512x1xf32>
      %div3A_48 = arith.divf %div3A_47, %slice3A : vector<512x1xf32>
      %slice3A_49 = vector.extract_strided_slice %get3A_46 {offsets = [0, 0], sizes = [512, 64], strides = [1, 1]} : vector<512x128xf32> to vector<512x64xf32>
      %mul3A = vector.broadcast %div3A_48 : vector<512x1xf32> to vector<512x64xf32>
      %mul3A_50 = arith.mulf %slice3A_49, %mul3A : vector<512x64xf32>
      %convert_element_type3A_51 = arith.truncf %mul3A_50 : vector<512x64xf32> to vector<512x64xbf16>
      %get3A_52 = arith.constant 1 : index
      %get3A_53 = arith.constant 0 : index
      %get3A_54 = arith.constant 0 : index
      %get3A_55 = vector.load %arg21[%get3A_52, %get3A_53, %get3A_54] : memref<8x512x128xf32, #tpu.memory_space<vmem>>, vector<1x512x128xf32>
      %get3A_56 = vector.shape_cast %get3A_55 : vector<1x512x128xf32> to vector<512x128xf32>
      %slice3A_57 = vector.extract_strided_slice %get3A_56 {offsets = [0, 64], sizes = [512, 1], strides = [1, 1]} : vector<512x128xf32> to vector<512x1xf32>
      %div3A_58 = arith.constant 1.000000e+00 : f32
      %div3A_59 = vector.broadcast %div3A_58 : f32 to vector<512x1xf32>
      %div3A_60 = arith.divf %div3A_59, %slice3A_57 : vector<512x1xf32>
      %slice3A_61 = vector.extract_strided_slice %get3A_56 {offsets = [0, 0], sizes = [512, 64], strides = [1, 1]} : vector<512x128xf32> to vector<512x64xf32>
      %mul3A_62 = vector.broadcast %div3A_60 : vector<512x1xf32> to vector<512x64xf32>
      %mul3A_63 = arith.mulf %slice3A_61, %mul3A_62 : vector<512x64xf32>
      %convert_element_type3A_64 = arith.truncf %mul3A_63 : vector<512x64xf32> to vector<512x64xbf16>
      %get3A_65 = arith.constant 2 : index
      %get3A_66 = arith.constant 0 : index
      %get3A_67 = arith.constant 0 : index
      %get3A_68 = vector.load %arg21[%get3A_65, %get3A_66, %get3A_67] : memref<8x512x128xf32, #tpu.memory_space<vmem>>, vector<1x512x128xf32>
      %get3A_69 = vector.shape_cast %get3A_68 : vector<1x512x128xf32> to vector<512x128xf32>
      %slice3A_70 = vector.extract_strided_slice %get3A_69 {offsets = [0, 64], sizes = [512, 1], strides = [1, 1]} : vector<512x128xf32> to vector<512x1xf32>
      %div3A_71 = arith.constant 1.000000e+00 : f32
      %div3A_72 = vector.broadcast %div3A_71 : f32 to vector<512x1xf32>
      %div3A_73 = arith.divf %div3A_72, %slice3A_70 : vector<512x1xf32>
      %slice3A_74 = vector.extract_strided_slice %get3A_69 {offsets = [0, 0], sizes = [512, 64], strides = [1, 1]} : vector<512x128xf32> to vector<512x64xf32>
      %mul3A_75 = vector.broadcast %div3A_73 : vector<512x1xf32> to vector<512x64xf32>
      %mul3A_76 = arith.mulf %slice3A_74, %mul3A_75 : vector<512x64xf32>
      %convert_element_type3A_77 = arith.truncf %mul3A_76 : vector<512x64xf32> to vector<512x64xbf16>
      %get3A_78 = arith.constant 3 : index
      %get3A_79 = arith.constant 0 : index
      %get3A_80 = arith.constant 0 : index
      %get3A_81 = vector.load %arg21[%get3A_78, %get3A_79, %get3A_80] : memref<8x512x128xf32, #tpu.memory_space<vmem>>, vector<1x512x128xf32>
      %get3A_82 = vector.shape_cast %get3A_81 : vector<1x512x128xf32> to vector<512x128xf32>
      %slice3A_83 = vector.extract_strided_slice %get3A_82 {offsets = [0, 64], sizes = [512, 1], strides = [1, 1]} : vector<512x128xf32> to vector<512x1xf32>
      %div3A_84 = arith.constant 1.000000e+00 : f32
      %div3A_85 = vector.broadcast %div3A_84 : f32 to vector<512x1xf32>
      %div3A_86 = arith.divf %div3A_85, %slice3A_83 : vector<512x1xf32>
      %slice3A_87 = vector.extract_strided_slice %get3A_82 {offsets = [0, 0], sizes = [512, 64], strides = [1, 1]} : vector<512x128xf32> to vector<512x64xf32>
      %mul3A_88 = vector.broadcast %div3A_86 : vector<512x1xf32> to vector<512x64xf32>
      %mul3A_89 = arith.mulf %slice3A_87, %mul3A_88 : vector<512x64xf32>
      %convert_element_type3A_90 = arith.truncf %mul3A_89 : vector<512x64xf32> to vector<512x64xbf16>
      %get3A_91 = arith.constant 4 : index
      %get3A_92 = arith.constant 0 : index
      %get3A_93 = arith.constant 0 : index
      %get3A_94 = vector.load %arg21[%get3A_91, %get3A_92, %get3A_93] : memref<8x512x128xf32, #tpu.memory_space<vmem>>, vector<1x512x128xf32>
      %get3A_95 = vector.shape_cast %get3A_94 : vector<1x512x128xf32> to vector<512x128xf32>
      %slice3A_96 = vector.extract_strided_slice %get3A_95 {offsets = [0, 64], sizes = [512, 1], strides = [1, 1]} : vector<512x128xf32> to vector<512x1xf32>
      %div3A_97 = arith.constant 1.000000e+00 : f32
      %div3A_98 = vector.broadcast %div3A_97 : f32 to vector<512x1xf32>
      %div3A_99 = arith.divf %div3A_98, %slice3A_96 : vector<512x1xf32>
      %slice3A_100 = vector.extract_strided_slice %get3A_95 {offsets = [0, 0], sizes = [512, 64], strides = [1, 1]} : vector<512x128xf32> to vector<512x64xf32>
      %mul3A_101 = vector.broadcast %div3A_99 : vector<512x1xf32> to vector<512x64xf32>
      %mul3A_102 = arith.mulf %slice3A_100, %mul3A_101 : vector<512x64xf32>
      %convert_element_type3A_103 = arith.truncf %mul3A_102 : vector<512x64xf32> to vector<512x64xbf16>
      %get3A_104 = arith.constant 5 : index
      %get3A_105 = arith.constant 0 : index
      %get3A_106 = arith.constant 0 : index
      %get3A_107 = vector.load %arg21[%get3A_104, %get3A_105, %get3A_106] : memref<8x512x128xf32, #tpu.memory_space<vmem>>, vector<1x512x128xf32>
      %get3A_108 = vector.shape_cast %get3A_107 : vector<1x512x128xf32> to vector<512x128xf32>
      %slice3A_109 = vector.extract_strided_slice %get3A_108 {offsets = [0, 64], sizes = [512, 1], strides = [1, 1]} : vector<512x128xf32> to vector<512x1xf32>
      %div3A_110 = arith.constant 1.000000e+00 : f32
      %div3A_111 = vector.broadcast %div3A_110 : f32 to vector<512x1xf32>
      %div3A_112 = arith.divf %div3A_111, %slice3A_109 : vector<512x1xf32>
      %slice3A_113 = vector.extract_strided_slice %get3A_108 {offsets = [0, 0], sizes = [512, 64], strides = [1, 1]} : vector<512x128xf32> to vector<512x64xf32>
      %mul3A_114 = vector.broadcast %div3A_112 : vector<512x1xf32> to vector<512x64xf32>
      %mul3A_115 = arith.mulf %slice3A_113, %mul3A_114 : vector<512x64xf32>
      %convert_element_type3A_116 = arith.truncf %mul3A_115 : vector<512x64xf32> to vector<512x64xbf16>
      %get3A_117 = arith.constant 6 : index
      %get3A_118 = arith.constant 0 : index
      %get3A_119 = arith.constant 0 : index
      %get3A_120 = vector.load %arg21[%get3A_117, %get3A_118, %get3A_119] : memref<8x512x128xf32, #tpu.memory_space<vmem>>, vector<1x512x128xf32>
      %get3A_121 = vector.shape_cast %get3A_120 : vector<1x512x128xf32> to vector<512x128xf32>
      %slice3A_122 = vector.extract_strided_slice %get3A_121 {offsets = [0, 64], sizes = [512, 1], strides = [1, 1]} : vector<512x128xf32> to vector<512x1xf32>
      %div3A_123 = arith.constant 1.000000e+00 : f32
      %div3A_124 = vector.broadcast %div3A_123 : f32 to vector<512x1xf32>
      %div3A_125 = arith.divf %div3A_124, %slice3A_122 : vector<512x1xf32>
      %slice3A_126 = vector.extract_strided_slice %get3A_121 {offsets = [0, 0], sizes = [512, 64], strides = [1, 1]} : vector<512x128xf32> to vector<512x64xf32>
      %mul3A_127 = vector.broadcast %div3A_125 : vector<512x1xf32> to vector<512x64xf32>
      %mul3A_128 = arith.mulf %slice3A_126, %mul3A_127 : vector<512x64xf32>
      %convert_element_type3A_129 = arith.truncf %mul3A_128 : vector<512x64xf32> to vector<512x64xbf16>
      %get3A_130 = arith.constant 7 : index
      %get3A_131 = arith.constant 0 : index
      %get3A_132 = arith.constant 0 : index
      %get3A_133 = vector.load %arg21[%get3A_130, %get3A_131, %get3A_132] : memref<8x512x128xf32, #tpu.memory_space<vmem>>, vector<1x512x128xf32>
      %get3A_134 = vector.shape_cast %get3A_133 : vector<1x512x128xf32> to vector<512x128xf32>
      %slice3A_135 = vector.extract_strided_slice %get3A_134 {offsets = [0, 64], sizes = [512, 1], strides = [1, 1]} : vector<512x128xf32> to vector<512x1xf32>
      %div3A_136 = arith.constant 1.000000e+00 : f32
      %div3A_137 = vector.broadcast %div3A_136 : f32 to vector<512x1xf32>
      %div3A_138 = arith.divf %div3A_137, %slice3A_135 : vector<512x1xf32>
      %slice3A_139 = vector.extract_strided_slice %get3A_134 {offsets = [0, 0], sizes = [512, 64], strides = [1, 1]} : vector<512x128xf32> to vector<512x64xf32>
      %mul3A_140 = vector.broadcast %div3A_138 : vector<512x1xf32> to vector<512x64xf32>
      %mul3A_141 = arith.mulf %slice3A_139, %mul3A_140 : vector<512x64xf32>
      %convert_element_type3A_142 = arith.truncf %mul3A_141 : vector<512x64xf32> to vector<512x64xbf16>
      %concatenate3A = tpu.concatenate %convert_element_type3A_51, %convert_element_type3A_64, %convert_element_type3A_77, %convert_element_type3A_90, %convert_element_type3A_103, %convert_element_type3A_116, %convert_element_type3A_129, %convert_element_type3A_142 in 1 : vector<512x64xbf16>, vector<512x64xbf16>, vector<512x64xbf16>, vector<512x64xbf16>, vector<512x64xbf16>, vector<512x64xbf16>, vector<512x64xbf16>, vector<512x64xbf16> -> vector<512x512xbf16>
      %get3A_143 = arith.constant 0 : index
      %get3A_144 = arith.constant 0 : index
      %get3A_145 = vector.load %arg10[%get3A_143, %get3A_144] : memref<512x512xbf16, #tpu.memory_space<vmem>>, vector<512x512xbf16>
      %dot_general3A = arith.constant dense<0.000000e+00> : vector<512x512xf32>
      %dot_general3A_146 = tpu.matmul %concatenate3A, %get3A_145, %dot_general3A {dimension_numbers = #tpu.dot_dimension_numbers<[1], [0], [0], [1], [0, 0, 1, 1], [], []>, transpose_lhs_hint = false} : vector<512x512xbf16>, vector<512x512xbf16>, vector<512x512xf32> -> vector<512x512xf32>
      %get3A_147 = arith.constant 0 : index
      %get3A_148 = arith.constant 0 : index
      %get3A_149 = vector.load %arg9[%get3A_147, %get3A_148] : memref<512x512xf32, #tpu.memory_space<vmem>>, vector<512x512xf32>
      %add3A_150 = arith.addf %get3A_149, %dot_general3A_146 : vector<512x512xf32>
      %get3A_151 = arith.constant 0 : index
      %get3A_152 = arith.constant 0 : index
      %get3A_153 = vector.load %arg11[%get3A_151, %get3A_152] : memref<1x512xf32, #tpu.memory_space<vmem>>, vector<1x512xf32>
      %add3A_154 = vector.broadcast %get3A_153 : vector<1x512xf32> to vector<512x512xf32>
      %add3A_155 = arith.addf %add3A_150, %add3A_154 : vector<512x512xf32>
      %get3A_156 = arith.constant 0 : index
      %get3A_157 = arith.constant 0 : index
      %get3A_158 = vector.load %arg12[%get3A_156, %get3A_157] : memref<1x512xf32, #tpu.memory_space<vmem>>, vector<1x512xf32>
      %get3A_159 = arith.constant 0 : index
      %get3A_160 = arith.constant 0 : index
      %get3A_161 = vector.load %arg13[%get3A_159, %get3A_160] : memref<1x512xf32, #tpu.memory_space<vmem>>, vector<1x512xf32>
      %reduce_sum3A = arith.constant dense<0.000000e+00> : vector<512xf32>
      %reduce_sum3A_162 = vector.multi_reduction <add>, %add3A_155, %reduce_sum3A [1] : vector<512x512xf32> to vector<512xf32>
      %broadcast_in_dim3A = vector.shape_cast %reduce_sum3A_162 : vector<512xf32> to vector<512x1xf32>
      %div3A_163 = arith.constant 5.120000e+02 : f32
      %div3A_164 = vector.broadcast %div3A_163 : f32 to vector<512x1xf32>
      %div3A_165 = arith.divf %broadcast_in_dim3A, %div3A_164 : vector<512x1xf32>
      %sub3A_166 = vector.broadcast %div3A_165 : vector<512x1xf32> to vector<512x512xf32>
      %sub3A_167 = arith.subf %add3A_155, %sub3A_166 : vector<512x512xf32>
      %mul3A_168 = arith.mulf %sub3A_167, %sub3A_167 : vector<512x512xf32>
      %reduce_sum3A_169 = arith.constant dense<0.000000e+00> : vector<512xf32>
      %reduce_sum3A_170 = vector.multi_reduction <add>, %mul3A_168, %reduce_sum3A_169 [1] : vector<512x512xf32> to vector<512xf32>
      %broadcast_in_dim3A_171 = vector.shape_cast %reduce_sum3A_170 : vector<512xf32> to vector<512x1xf32>
      %div3A_172 = arith.constant 5.120000e+02 : f32
      %div3A_173 = vector.broadcast %div3A_172 : f32 to vector<512x1xf32>
      %div3A_174 = arith.divf %broadcast_in_dim3A_171, %div3A_173 : vector<512x1xf32>
      %add3A_175 = arith.constant 9.99999974E-6 : f32
      %add3A_176 = vector.broadcast %add3A_175 : f32 to vector<512x1xf32>
      %add3A_177 = arith.addf %div3A_174, %add3A_176 : vector<512x1xf32>
      %rsqrt3A = math.rsqrt %add3A_177 : vector<512x1xf32>
      %mul3A_178 = vector.broadcast %rsqrt3A : vector<512x1xf32> to vector<512x512xf32>
      %mul3A_179 = arith.mulf %sub3A_167, %mul3A_178 : vector<512x512xf32>
      %mul3A_180 = vector.broadcast %get3A_158 : vector<1x512xf32> to vector<512x512xf32>
      %mul3A_181 = arith.mulf %mul3A_179, %mul3A_180 : vector<512x512xf32>
      %add3A_182 = vector.broadcast %get3A_161 : vector<1x512xf32> to vector<512x512xf32>
      %add3A_183 = arith.addf %mul3A_181, %add3A_182 : vector<512x512xf32>
      %convert_element_type3A_184 = arith.truncf %add3A_183 : vector<512x512xf32> to vector<512x512xbf16>
      %get3A_185 = arith.constant 0 : index
      %get3A_186 = arith.constant 0 : index
      %get3A_187 = vector.load %arg14[%get3A_185, %get3A_186] : memref<512x2048xbf16, #tpu.memory_space<vmem>>, vector<512x2048xbf16>
      %dot_general3A_188 = arith.constant dense<0.000000e+00> : vector<512x2048xf32>
      %dot_general3A_189 = tpu.matmul %convert_element_type3A_184, %get3A_187, %dot_general3A_188 {dimension_numbers = #tpu.dot_dimension_numbers<[1], [0], [0], [1], [0, 0, 1, 1], [], []>, transpose_lhs_hint = false} : vector<512x512xbf16>, vector<512x2048xbf16>, vector<512x2048xf32> -> vector<512x2048xf32>
      %get3A_190 = arith.constant 0 : index
      %get3A_191 = arith.constant 0 : index
      %get3A_192 = vector.load %arg15[%get3A_190, %get3A_191] : memref<1x2048xf32, #tpu.memory_space<vmem>>, vector<1x2048xf32>
      %add3A_193 = vector.broadcast %get3A_192 : vector<1x2048xf32> to vector<512x2048xf32>
      %add3A_194 = arith.addf %dot_general3A_189, %add3A_193 : vector<512x2048xf32>
      %max3A_195 = arith.constant 0.000000e+00 : f32
      %max3A_196 = vector.broadcast %max3A_195 : f32 to vector<512x2048xf32>
      %max3A_197 = arith.maximumf %add3A_194, %max3A_196 : vector<512x2048xf32>
      %convert_element_type3A_198 = arith.truncf %max3A_197 : vector<512x2048xf32> to vector<512x2048xbf16>
      %get3A_199 = arith.constant 0 : index
      %get3A_200 = arith.constant 0 : index
      %get3A_201 = vector.load %arg16[%get3A_199, %get3A_200] : memref<2048x512xbf16, #tpu.memory_space<vmem>>, vector<2048x512xbf16>
      %dot_general3A_202 = arith.constant dense<0.000000e+00> : vector<512x512xf32>
      %dot_general3A_203 = tpu.matmul %convert_element_type3A_198, %get3A_201, %dot_general3A_202 {dimension_numbers = #tpu.dot_dimension_numbers<[1], [0], [0], [1], [0, 0, 1, 1], [], []>, transpose_lhs_hint = false} : vector<512x2048xbf16>, vector<2048x512xbf16>, vector<512x512xf32> -> vector<512x512xf32>
      %get3A_204 = arith.constant 0 : index
      %get3A_205 = arith.constant 0 : index
      %get3A_206 = vector.load %arg17[%get3A_204, %get3A_205] : memref<1x512xf32, #tpu.memory_space<vmem>>, vector<1x512xf32>
      %add3A_207 = vector.broadcast %get3A_206 : vector<1x512xf32> to vector<512x512xf32>
      %add3A_208 = arith.addf %dot_general3A_203, %add3A_207 : vector<512x512xf32>
      %add3A_209 = arith.addf %add3A_183, %add3A_208 : vector<512x512xf32>
      %get3A_210 = arith.constant 0 : index
      %get3A_211 = arith.constant 0 : index
      %get3A_212 = vector.load %arg18[%get3A_210, %get3A_211] : memref<1x512xf32, #tpu.memory_space<vmem>>, vector<1x512xf32>
      %get3A_213 = arith.constant 0 : index
      %get3A_214 = arith.constant 0 : index
      %get3A_215 = vector.load %arg19[%get3A_213, %get3A_214] : memref<1x512xf32, #tpu.memory_space<vmem>>, vector<1x512xf32>
      %reduce_sum3A_216 = arith.constant dense<0.000000e+00> : vector<512xf32>
      %reduce_sum3A_217 = vector.multi_reduction <add>, %add3A_209, %reduce_sum3A_216 [1] : vector<512x512xf32> to vector<512xf32>
      %broadcast_in_dim3A_218 = vector.shape_cast %reduce_sum3A_217 : vector<512xf32> to vector<512x1xf32>
      %div3A_219 = arith.constant 5.120000e+02 : f32
      %div3A_220 = vector.broadcast %div3A_219 : f32 to vector<512x1xf32>
      %div3A_221 = arith.divf %broadcast_in_dim3A_218, %div3A_220 : vector<512x1xf32>
      %sub3A_222 = vector.broadcast %div3A_221 : vector<512x1xf32> to vector<512x512xf32>
      %sub3A_223 = arith.subf %add3A_209, %sub3A_222 : vector<512x512xf32>
      %mul3A_224 = arith.mulf %sub3A_223, %sub3A_223 : vector<512x512xf32>
      %reduce_sum3A_225 = arith.constant dense<0.000000e+00> : vector<512xf32>
      %reduce_sum3A_226 = vector.multi_reduction <add>, %mul3A_224, %reduce_sum3A_225 [1] : vector<512x512xf32> to vector<512xf32>
      %broadcast_in_dim3A_227 = vector.shape_cast %reduce_sum3A_226 : vector<512xf32> to vector<512x1xf32>
      %div3A_228 = arith.constant 5.120000e+02 : f32
      %div3A_229 = vector.broadcast %div3A_228 : f32 to vector<512x1xf32>
      %div3A_230 = arith.divf %broadcast_in_dim3A_227, %div3A_229 : vector<512x1xf32>
      %add3A_231 = arith.constant 9.99999974E-6 : f32
      %add3A_232 = vector.broadcast %add3A_231 : f32 to vector<512x1xf32>
      %add3A_233 = arith.addf %div3A_230, %add3A_232 : vector<512x1xf32>
      %rsqrt3A_234 = math.rsqrt %add3A_233 : vector<512x1xf32>
      %mul3A_235 = vector.broadcast %rsqrt3A_234 : vector<512x1xf32> to vector<512x512xf32>
      %mul3A_236 = arith.mulf %sub3A_223, %mul3A_235 : vector<512x512xf32>
      %mul3A_237 = vector.broadcast %get3A_212 : vector<1x512xf32> to vector<512x512xf32>
      %mul3A_238 = arith.mulf %mul3A_236, %mul3A_237 : vector<512x512xf32>
      %add3A_239 = vector.broadcast %get3A_215 : vector<1x512xf32> to vector<512x512xf32>
      %add3A_240 = arith.addf %mul3A_238, %add3A_239 : vector<512x512xf32>
      %swap3A = arith.constant 0 : index
      %swap3A_241 = arith.constant 0 : index
      %swap3A_242 = vector.load %arg20[%swap3A, %swap3A_241] : memref<512x512xf32, #tpu.memory_space<vmem>>, vector<512x512xf32>
      tpu.vector_store %arg20[%swap3A, %swap3A_241], %add3A_240 {strides = array<i32>} : memref<512x512xf32, #tpu.memory_space<vmem>>, vector<512x512xf32>,
    } else {
    }
    return
  }
  func.func @transform_0(%arg0: i32, %arg1: memref<1024xi32, #tpu.memory_space<smem>>, %arg2: memref<1024xi32, #tpu.memory_space<smem>>, %arg3: memref<1024xi32, #tpu.memory_space<smem>>) -> (i32, i32, i32) {
    %get3A = arith.index_cast %arg0 : i32 to index
    %get3A_0 = memref.load %arg1[%get3A] : memref<1024xi32, #tpu.memory_space<smem>>
    %c0_i32 = arith.constant 0 : i32
    %c0_i32_1 = arith.constant 0 : i32
    %c0_i32_2 = arith.constant 0 : i32
    return %c0_i32, %get3A_0, %c0_i32_1 : i32, i32, i32
  }
  func.func @transform_1(%arg0: i32, %arg1: memref<1024xi32, #tpu.memory_space<smem>>, %arg2: memref<1024xi32, #tpu.memory_space<smem>>, %arg3: memref<1024xi32, #tpu.memory_space<smem>>) -> (i32, i32, i32) {
    %get3A = arith.index_cast %arg0 : i32 to index
    %get3A_0 = memref.load %arg2[%get3A] : memref<1024xi32, #tpu.memory_space<smem>>
    %c0_i32 = arith.constant 0 : i32
    %c0_i32_1 = arith.constant 0 : i32
    %c0_i32_2 = arith.constant 0 : i32
    return %c0_i32, %get3A_0, %c0_i32_1 : i32, i32, i32
  }
  func.func @transform_2(%arg0: i32, %arg1: memref<1024xi32, #tpu.memory_space<smem>>, %arg2: memref<1024xi32, #tpu.memory_space<smem>>, %arg3: memref<1024xi32, #tpu.memory_space<smem>>) -> (i32, i32, i32) {
    %get3A = arith.index_cast %arg0 : i32 to index
    %get3A_0 = memref.load %arg2[%get3A] : memref<1024xi32, #tpu.memory_space<smem>>
    %c0_i32 = arith.constant 0 : i32
    %c0_i32_1 = arith.constant 0 : i32
    %c0_i32_2 = arith.constant 0 : i32
    return %c0_i32, %get3A_0, %c0_i32_1 : i32, i32, i32
  }
  func.func @transform_3(%arg0: i32, %arg1: memref<1024xi32, #tpu.memory_space<smem>>, %arg2: memref<1024xi32, #tpu.memory_space<smem>>, %arg3: memref<1024xi32, #tpu.memory_space<smem>>) -> (i32, i32, i32) {
    %get3A = arith.index_cast %arg0 : i32 to index
    %get3A_0 = memref.load %arg1[%get3A] : memref<1024xi32, #tpu.memory_space<smem>>
    %c0_i32 = arith.constant 0 : i32
    %c0_i32_1 = arith.constant 0 : i32
    %c0_i32_2 = arith.constant 0 : i32
    return %get3A_0, %c0_i32, %c0_i32_1 : i32, i32, i32
  }
  func.func @transform_4(%arg0: i32, %arg1: memref<1024xi32, #tpu.memory_space<smem>>, %arg2: memref<1024xi32, #tpu.memory_space<smem>>, %arg3: memref<1024xi32, #tpu.memory_space<smem>>) -> (i32, i32, i32) {
    %get3A = arith.index_cast %arg0 : i32 to index
    %get3A_0 = memref.load %arg2[%get3A] : memref<1024xi32, #tpu.memory_space<smem>>
    %c0_i32 = arith.constant 0 : i32
    %c0_i32_1 = arith.constant 0 : i32
    %c0_i32_2 = arith.constant 0 : i32
    return %get3A_0, %c0_i32, %c0_i32_1 : i32, i32, i32
  }
  func.func @transform_5(%arg0: i32, %arg1: memref<1024xi32, #tpu.memory_space<smem>>, %arg2: memref<1024xi32, #tpu.memory_space<smem>>, %arg3: memref<1024xi32, #tpu.memory_space<smem>>) -> (i32, i32) {
    %get3A = arith.index_cast %arg0 : i32 to index
    %get3A_0 = memref.load %arg1[%get3A] : memref<1024xi32, #tpu.memory_space<smem>>
    %c0_i32 = arith.constant 0 : i32
    %c0_i32_1 = arith.constant 0 : i32
    return %get3A_0, %c0_i32 : i32, i32
  }
  func.func @transform_6(%arg0: i32, %arg1: memref<1024xi32, #tpu.memory_space<smem>>, %arg2: memref<1024xi32, #tpu.memory_space<smem>>, %arg3: memref<1024xi32, #tpu.memory_space<smem>>) -> (i32, i32) {
    %c0_i32 = arith.constant 0 : i32
    %c0_i32_0 = arith.constant 0 : i32
    %c0_i32_1 = arith.constant 0 : i32
    return %c0_i32, %c0_i32_0 : i32, i32
  }
  func.func @transform_7(%arg0: i32, %arg1: memref<1024xi32, #tpu.memory_space<smem>>, %arg2: memref<1024xi32, #tpu.memory_space<smem>>, %arg3: memref<1024xi32, #tpu.memory_space<smem>>) -> (i32, i32) {
    %c0_i32 = arith.constant 0 : i32
    %c0_i32_0 = arith.constant 0 : i32
    %c0_i32_1 = arith.constant 0 : i32
    return %c0_i32, %c0_i32_0 : i32, i32
  }
  func.func @transform_8(%arg0: i32, %arg1: memref<1024xi32, #tpu.memory_space<smem>>, %arg2: memref<1024xi32, #tpu.memory_space<smem>>, %arg3: memref<1024xi32, #tpu.memory_space<smem>>) -> (i32, i32) {
    %c0_i32 = arith.constant 0 : i32
    %c0_i32_0 = arith.constant 0 : i32
    %c0_i32_1 = arith.constant 0 : i32
    return %c0_i32, %c0_i32_0 : i32, i32
  }
  func.func @transform_9(%arg0: i32, %arg1: memref<1024xi32, #tpu.memory_space<smem>>, %arg2: memref<1024xi32, #tpu.memory_space<smem>>, %arg3: memref<1024xi32, #tpu.memory_space<smem>>) -> (i32, i32) {
    %c0_i32 = arith.constant 0 : i32
    %c0_i32_0 = arith.constant 0 : i32
    %c0_i32_1 = arith.constant 0 : i32
    return %c0_i32, %c0_i32_0 : i32, i32
  }
  func.func @transform_10(%arg0: i32, %arg1: memref<1024xi32, #tpu.memory_space<smem>>, %arg2: memref<1024xi32, #tpu.memory_space<smem>>, %arg3: memref<1024xi32, #tpu.memory_space<smem>>) -> (i32, i32) {
    %c0_i32 = arith.constant 0 : i32
    %c0_i32_0 = arith.constant 0 : i32
    %c0_i32_1 = arith.constant 0 : i32
    return %c0_i32, %c0_i32_0 : i32, i32
  }
  func.func @transform_11(%arg0: i32, %arg1: memref<1024xi32, #tpu.memory_space<smem>>, %arg2: memref<1024xi32, #tpu.memory_space<smem>>, %arg3: memref<1024xi32, #tpu.memory_space<smem>>) -> (i32, i32) {
    %c0_i32 = arith.constant 0 : i32
    %c0_i32_0 = arith.constant 0 : i32
    %c0_i32_1 = arith.constant 0 : i32
    return %c0_i32, %c0_i32_0 : i32, i32
  }
  func.func @transform_12(%arg0: i32, %arg1: memref<1024xi32, #tpu.memory_space<smem>>, %arg2: memref<1024xi32, #tpu.memory_space<smem>>, %arg3: memref<1024xi32, #tpu.memory_space<smem>>) -> (i32, i32) {
    %c0_i32 = arith.constant 0 : i32
    %c0_i32_0 = arith.constant 0 : i32
    %c0_i32_1 = arith.constant 0 : i32
    return %c0_i32, %c0_i32_0 : i32, i32
  }
  func.func @transform_13(%arg0: i32, %arg1: memref<1024xi32, #tpu.memory_space<smem>>, %arg2: memref<1024xi32, #tpu.memory_space<smem>>, %arg3: memref<1024xi32, #tpu.memory_space<smem>>) -> (i32, i32) {
    %c0_i32 = arith.constant 0 : i32
    %c0_i32_0 = arith.constant 0 : i32
    %c0_i32_1 = arith.constant 0 : i32
    return %c0_i32, %c0_i32_0 : i32, i32
  }
  func.func @transform_14(%arg0: i32, %arg1: memref<1024xi32, #tpu.memory_space<smem>>, %arg2: memref<1024xi32, #tpu.memory_space<smem>>, %arg3: memref<1024xi32, #tpu.memory_space<smem>>) -> (i32, i32) {
    %c0_i32 = arith.constant 0 : i32
    %c0_i32_0 = arith.constant 0 : i32
    %c0_i32_1 = arith.constant 0 : i32
    return %c0_i32, %c0_i32_0 : i32, i32
  }
  func.func @transform_15(%arg0: i32, %arg1: memref<1024xi32, #tpu.memory_space<smem>>, %arg2: memref<1024xi32, #tpu.memory_space<smem>>, %arg3: memref<1024xi32, #tpu.memory_space<smem>>) -> (i32, i32) {
    %c0_i32 = arith.constant 0 : i32
    %c0_i32_0 = arith.constant 0 : i32
    %c0_i32_1 = arith.constant 0 : i32
    return %c0_i32, %c0_i32_0 : i32, i32
  }
  func.func @transform_16(%arg0: i32, %arg1: memref<1024xi32, #tpu.memory_space<smem>>, %arg2: memref<1024xi32, #tpu.memory_space<smem>>, %arg3: memref<1024xi32, #tpu.memory_space<smem>>) -> (i32, i32) {
    %get3A = arith.index_cast %arg0 : i32 to index
    %get3A_0 = memref.load %arg1[%get3A] : memref<1024xi32, #tpu.memory_space<smem>>
    %c0_i32 = arith.constant 0 : i32
    %c0_i32_1 = arith.constant 0 : i32
    return %get3A_0, %c0_i32 : i32, i32
  }
}

</mosaic_0001>

<sc_bundles>
// kernel: kernel.6.cloned.1.call-start
scs
__scs_entry_jumppad:
0x0: {  	(pc) =	sbr.rel $0x88, $3  }
0x1: {  	(tag) =	ssettag $0x0;
	lr =	simm.s32 $0x1  }
0x2: {  	[smem:$0x3F8F] =	sst lr;
	_ =	strace $0xD0000000  }
0x3: {  	_ = 	snop  }
0x4: {  	_ = 	snop  }
0x5: {  	_ = 	snop  }
0x6: {  	_ = 	snop  }
0x7: {  	_ = 	snop  }
__scs_overlays_trampoline_lowered:
0x8: {  	[smem:$0x3F9E] =	sst s0  }
0x9: {  	[smem:$0x3F9F] =	sst s1  }
0xa: {  	[smem:$0x3FA0] =	sst s2  }
0xb: {  	[smem:$0x3FA1] =	sst s3  }
0xc: {  	[smem:$0x3FA2] =	sst s4  }
0xd: {  	[smem:$0x3FA3] =	sst s5  }
0xe: {  	[smem:$0x3FA4] =	sst s6  }
0xf: {  	[smem:$0x3FA5] =	sst s7  }
0x10: {  	[smem:$0x3FA6] =	sst s8  }
0x11: {  	[smem:$0x3FA7] =	sst s9;
	s0 =	simm.s32 @!p0 $0x0  }
0x12: {  	s1 =	sld [smem:$0x3F8D];
	s0 =	simm.s32 @p0 $0x1  }
0x13: {  	[smem:$0x3FA8] =	sst s0;
	s0 =	simm.s32 @!p1 $0x0  }
0x14: {  	s2 =	sld [smem:$0x3F8C];
	s0 =	simm.s32 @p1 $0x1  }
0x15: {  	[smem:$0x3FA9] =	sst s0;
	s0 =	simm.s32 @!p2 $0x0  }
0x16: {  	s3 =	sld [smem:$0x3FDB];
	s0 =	simm.s32 @p2 $0x1  }
0x17: {  	s4 =	simm.s32 $0x1BF5;
	[smem:$0x3FAB] =	sst s0  }
0x18: {  	s0 =	sld [smem:$0x3F8E];
	_ =	swait.ge [sflag:s4], $0x0  }
0x19: {  	s7 =	sld [smem:$0x3F8F]  }
0x1a: {  	s8 =	sadd.s32 $0xFFFFE003, lr  }
0x1b: {  	s9 =	sadd.s32 $0xFFFFFEF7, lr;
	s5 =	simm.s32 $0xFFFFFFFF;
	p2 =	slt.u32 s8, $0xFFFFF086  }
0x1c: {  	p1 =	slt.u32 s9, $0xF7A;
	s5 =	simm.s32 @!p2 $0x0  }
0x1d: {  	s5 =	simm.s32 @p1 $0x1;
	p0 =	seq.s32 s7, s2  }
0x1e: {  	s7 =	smul.u32 @!p0 $0xF7A, s2;
	p2 =	seq.s32 @!p0 s5, $0x0  }
0x1f: {  	s9 =	smul.u32 $0xF7A, s1;
	s8 =	simm.s32 @!p0 $0x1BF5;
	p2 =	por !p2, p0  }
0x20: {  	[sflag:s8] =	ssyncset.s32 @!p0 $0xFFFFF086;
	s6 =	sadd.s32 @!p0 s3, s7;
	s7 =	simm.s32 @!p0 $0x108  }
0x21: {  	s3 =	sadd.s32 s3, s9;
	s6 =	sadd.s32 @!p0 $0x88, s6;
	s7 =	simm.s32 @p2 $0x1082  }
0x22: {  	[simem:s7], [sflag:s8] =	dma.local @!p0 [hbm:s6], $0xF7A  }
0x23: {  	s9 =	sor.u32 $0xD0000000, s2;
	s6 =	simm.s32 $0x108;
	_ =	swait.ge @!p0 [sflag:s8], $0x0  }
0x24: {  	s3 =	sadd.s32 $0x88, s3;
	s6 =	simm.s32 @!p1 $0x1082;
	[sflag:s4] =	ssyncset.s32 $0xFFFFF086  }
0x25: {  	[simem:s6], [sflag:s4] =	dma.local [hbm:s3], $0xF7A  }
0x26: {  	[smem:$0x3F8F] =	sst s1;
	(tag) =	ssettag s2;
	_ =	strace s9  }
0x27: {  	s1 =	sld [smem:$0x3F9F]  }
0x28: {  	s2 =	sld [smem:$0x3FA0]  }
0x29: {  	s4 =	sld [smem:$0x3FA2]  }
0x2a: {  	p0 =	seq.s32 s5, $0x0;
	s5 =	sld [smem:$0x3FA3]  }
0x2b: {  	s6 =	sld [smem:$0x3FA4]  }
0x2c: {  	s7 =	sld [smem:$0x3FA5]  }
0x2d: {  	s3 =	simm.s32 $0x108;
	s8 =	sld [smem:$0x3FA6]  }
0x2e: {  	s3 =	simm.s32 @!p0 $0x1082;
	s9 =	sld [smem:$0x3FA7]  }
0x2f: {  	lr =	sadd.s32 s0, s3;
	s0 =	sld [smem:$0x3F9E]  }
0x30: {  	s3 =	sld [smem:$0x3FA1]  }
0x31: {  	[smem:$0x3FAA] =	sst s10  }
0x32: {  	s10 =	sld [smem:$0x3FA8];
	_ =	sdelay $0x3  }
0x33: {  	p0 =	seq.s32 s10, $0x1;
	s10 =	sld [smem:$0x3FAA];
	_ =	sdelay $0x3  }
0x34: {  	[smem:$0x3FAA] =	sst s10  }
0x35: {  	s10 =	sld [smem:$0x3FA9];
	_ =	sdelay $0x3  }
0x36: {  	p1 =	seq.s32 s10, $0x1;
	s10 =	sld [smem:$0x3FAA];
	_ =	sdelay $0x3  }
0x37: {  	[smem:$0x3FAA] =	sst s10  }
0x38: {  	s10 =	sld [smem:$0x3FAB]  }
0x39: {  	_ = 	snop;
	(pc) =	sbr.ind lr, $3  }
0x3a: {  	_ = 	snop  }
0x3b: {  	_ = 	snop  }
0x3c: {  	p2 =	seq.s32 s10, $0x1;
	s10 =	sld [smem:$0x3FAA]  }
0x3d: {  	_ =	shalt  }
0x3e: {  	_ =	shalt  }
0x3f: {  	_ =	shalt  }
0x40: {  	_ =	shalt  }
0x41: {  	_ =	shalt  }
0x42: {  	_ =	shalt  }
0x43: {  	_ =	shalt  }
0x44: {  	_ =	shalt  }
0x45: {  	_ =	shalt  }
0x46: {  	_ =	shalt  }
0x47: {  	_ =	shalt  }
0x48: {  	_ =	shalt  }
0x49: {  	_ =	shalt  }
0x4a: {  	_ =	shalt  }
0x4b: {  	_ =	shalt  }
0x4c: {  	_ =	shalt  }
0x4d: {  	_ =	shalt  }
0x4e: {  	_ =	shalt  }
0x4f: {  	_ =	shalt  }
0x50: {  	_ =	shalt  }
0x51: {  	_ =	shalt  }
0x52: {  	_ =	shalt  }
0x53: {  	_ =	shalt  }
0x54: {  	_ =	shalt  }
0x55: {  	_ =	shalt  }
0x56: {  	_ =	shalt  }
0x57: {  	_ =	shalt  }
0x58: {  	_ =	shalt  }
0x59: {  	_ =	shalt  }
0x5a: {  	_ =	shalt  }
0x5b: {  	_ =	shalt  }
0x5c: {  	_ =	shalt  }
0x5d: {  	_ =	shalt  }
0x5e: {  	_ =	shalt  }
0x5f: {  	_ =	shalt  }
0x60: {  	_ =	shalt  }
0x61: {  	_ =	shalt  }
0x62: {  	_ =	shalt  }
0x63: {  	_ =	shalt  }
0x64: {  	_ =	shalt  }
0x65: {  	_ =	shalt  }
0x66: {  	_ =	shalt  }
0x67: {  	_ =	shalt  }
0x68: {  	_ =	shalt  }
0x69: {  	_ =	shalt  }
0x6a: {  	_ =	shalt  }
0x6b: {  	_ =	shalt  }
0x6c: {  	_ =	shalt  }
0x6d: {  	_ =	shalt  }
0x6e: {  	_ =	shalt  }
0x6f: {  	_ =	shalt  }
0x70: {  	_ =	shalt  }
0x71: {  	_ =	shalt  }
0x72: {  	_ =	shalt  }
0x73: {  	_ =	shalt  }
0x74: {  	_ =	shalt  }
0x75: {  	_ =	shalt  }
0x76: {  	_ =	shalt  }
0x77: {  	_ =	shalt  }
0x78: {  	_ =	shalt  }
0x79: {  	_ =	shalt  }
0x7a: {  	_ =	shalt  }
0x7b: {  	_ =	shalt  }
0x7c: {  	_ =	shalt  }
0x7d: {  	_ =	shalt  }
0x7e: {  	_ =	shalt  }
0x7f: {  	_ =	shalt  }
0x80: {  	_ =	shalt  }
0x81: {  	_ =	shalt  }
0x82: {  	_ =	shalt  }
0x83: {  	_ =	shalt  }
0x84: {  	_ =	shalt  }
0x85: {  	_ =	shalt  }
0x86: {  	_ =	shalt  }
0x87: {  	_ =	shalt  }
.Lfunc_end0:
.L_simem_size_0:
called_computation_lowered:
.L_overlay_start_0:
0x88: {  	s2 =	sld [smem:$0x3FD9]  }
0x89: {  	s3 =	sld [smem:$0x3FFE];
	_ =	sdelay $0x1  }
0x8a: {  	s1 =	srdreg.scid  }
0x8b: {  	s0 =	sand.u32 $0x1, s1  }
0x8c: {  	s17 =	sshll.u32 s0, $0xA;
	s2 =	sadd.s32 s3, s2  }
0x8d: {  	s2 =	sadd.s32 s2, s17  }
0x8e: {  	[smem:$0x3FB6] =	sst s2  }
0x8f: {  	_ = 	snop  }
0x90: {  	s2 =	sld [smem:$0x3FD0];
	(tm) =	ssettm $0x1  }
0x91: {  	s18 =	sld [smem:$0x3FFB];
	_ =	sdelay $0x3  }
0x92: {  	_ =	strace s18  }
0x93: {  	s3 =	sld [smem:$0x3FFC];
	_ =	sdelay $0x3  }
0x94: {  	_ =	strace s3  }
0x95: {  	s3 =	sld [smem:$0x3FFD];
	_ =	sdelay $0x3  }
0x96: {  	_ =	strace s3  }
0x97: {  	_ =	strace $0x8FFFFFFF  }
0x98: {  	s19 =	sld [smem:$0x3FDB];
	_ =	sdelay $0x1  }
0x99: {  	s4 =	simm.s32 $_scs_section_size  }
0x9a: {  	s5 =	simm.s32 $_size__tile_overlayer_lowered;
	s6 =	simm.s32 $_tile_overlayer_lowered  }
0x9b: {  	s22 =	simm.s32 $0x1BFF;
	s21 =	sshll.u32 s6, $0x1;
	s3 =	sadd.s32 s4, s19  }
0x9c: {  	s7 =	simm.s32 $0x0;
	s20 =	sshll.u32 s5, $0x1;
	s5 =	sadd.s32 s21, s3  }
0x9d: {  	[timem:s7], [sflag:s22] =	dma.local [hbm:s5], s20  }
0x9e: {  	_ =	swait.ge [sflag:s22], s20  }
0x9f: {  	s4 =	ssub.s32 $0x0, s20;
	[sflag:s22] =	ssyncset.done $0x0  }
0xa0: {  	[sflag:s22] =	ssyncadd.s32 s4;
	_ =	sdelay $0x1  }
0xa1: {  	s23 =	simm.s32 $0x1B8B  }
0xa2: {  	_ =	swait.ge [sflag:s23], $0x1  }
0xa3: {  	[sflag:s23] =	ssyncset.done $0x0  }
0xa4: {  	s25 =	simm.s32 $0x1B8E;
	s24 =	sld [smem:$0x3FFE];
	[sflag:s23] =	ssyncadd.s32 $0xFFFFFFFF  }
0xa5: {  	s26 =	simm.s32 $execute0_lowered;
	[smem:$0x3FD2] =	sst s25  }
0xa6: {  	s5 =	sshll.u32 s26, $0x1;
	_ =	strace $0x80000046;
	[dreg:$0x1] =	wrdreg $0xFFFFFFFF  }
0xa7: {  	s28 =	simm.s32 $_size_execute0_lowered;
	s3 =	sadd.s32 s3, s5;
	[dreg:$0x0] =	wrdreg $0x0  }
0xa8: {  	s5 =	sshll.u32 s28, $0x1;
	[dreg:$0x2] =	wrdreg s3  }
0xa9: {  	[dreg:$0x3] =	wrdreg s5  }
0xaa: {  	[dreg:$0x4] =	wrdreg $0xC0  }
0xab: {  	_ =	task [dreg:s7], $0x5FFFF  }
0xac: {  	[dreg:$0x1] =	wrdreg $0xFFFFFFFF  }
0xad: {  	[dreg:$0x0] =	wrdreg $0x60  }
0xae: {  	[dreg:$0x2] =	wrdreg s2  }
0xaf: {  	[dreg:$0x3] =	wrdreg s24  }
0xb0: {  	[dreg:$0x4] =	wrdreg $0x9  }
0xb1: {  	_ =	task.clear_ibuf [dreg:s7], $0x5FFFF;
	_ =	strace $0x90000046  }
0xb2: {  	s29 =	simm.s32 $0x9;
	_ =	strace $0x80000048  }
0xb3: {  	_ =	swait.ge [sflag:s29], $0x1  }
0xb4: {  	[sflag:s29] =	ssyncadd.s32 $0xFFFFFFFF  }
0xb5: {  	_ =	strace $0x90000048  }
0xb6: {  	_ =	sfence  }
0xb7: {  	s30 =	sld [smem:$0x0];
	_ =	sdelay $0x2  }
0xb8: {  	s31 =	sshll.u32 s1, $0xD;
	s1 =	sshrl.u32 s1, $0x2  }
0xb9: {  	s3 =	sand.u32 $0x4000, s31;
	s1 =	sadd.s32 s1, s30  }
0xba: {  	s0 =	sor.u32 s3, s0;
	s1 =	sshll.u32 s1, $0x11  }
0xbb: {  	s0 =	sor.u32 s1, s0  }
0xbc: {  	s0 =	sadd.s32 $0x8F2B, s0  }
0xbd: {  	[sflag:s0] =	ssyncadd.remote.s32 $0x1  }
0xbe: {  	_ =	sfence.sel $0xFFFF  }
0xbf: {  	[dreg:$0x0] =	wrdreg $0xFFFFFFFF;
	(pc) =	sbr.abs _section_cstart, $3  }
0xc0: {  	[dreg:$0x1] =	wrdreg $0xFFFFFFFF  }
0xc1: {  	_ =	task.clear_ibuf [dreg:s7], $0x2FFFF;
	_ =	strace $0x9FFFFFFF  }
0xc2: {  	(tm) =	ssettm $0x7FFFFFFF  }
0xc3: {  	_ =	shalt  }
tec
execute0_lowered:
.L_overlay_start_1:
0x0: {  	(tag) =	ssettag $0x1  }
0x1: {  	s3 =	rddreg [dreg:$0x0]  }
0x2: {  	s4 =	rddreg [dreg:$0x1]  }
0x3: {  	s0 =	rddreg [dreg:$0x2];
	s5 =	srdreg.scid  }
0x4: {  	s2 =	simm.s32 $0x0;
	s1 =	stileid.u32;
	s8 =	simm.s32 $0x0  }
0x5: {  	s5 =	sand.u32 $0x1, s5;
	s7 =	sshll.u32 s1, $0x9;
	[smem:$0x7FF] =	sst s2  }
0x6: {  	s6 =	sshll.u32 s5, $0xD;
	s5 =	ssub.s32 $0x2, s5;
	_ =	strace $0x80000047  }
0x7: {  	s6 =	sor.u32 s7, s6;
	s31 =	sshrl.u32 s5, $0x1;
	s7 =	simm.s32 $0x1000  }
0x8: {  	s4 =	sadd.s32 s6, s4;
	s5 =	ssub.s32 s5, s31;
	s3 =	sadd.s32 s3, s6  }
0x9: {  	v0 =	vimm.s32 $0x0;
	s6 =	simm.s32 $0x1;
	s4 =	sadd.s32 $0x2C00, s4;
	s5 =	smax.u32 s5, $0x1  }
.LBB2_1:
0xa: {  	[tilespmem:s2], [sflag:$0x1] =	stream.linear.gather [hbm4b:s3+s2], $0x1000, $0x38;
	[tilespmem:$0x2000] =	vst v63  }
0xb: {  	_ =	swait.ge [sflag:s6], $0x1000  }
0xc: {  	[sflag:s6] =	ssyncset.done $0x0  }
0xd: {  	[sflag:s6] =	ssyncadd.s32 $0xFFFFF000  }
0xe: {  	[tilespmem:$0x1000] =	vst v0  }
0xf: {  	[tilespmem:$0x1080] =	vst v0  }
0x10: {  	[tilespmem:$0x1100] =	vst v0  }
0x11: {  	[tilespmem:$0x1180] =	vst v0  }
0x12: {  	[tilespmem:$0x1200] =	vst v0  }
0x13: {  	[tilespmem:$0x1280] =	vst v0  }
0x14: {  	[tilespmem:$0x1300] =	vst v0  }
0x15: {  	[tilespmem:$0x1380] =	vst v0  }
0x16: {  	[tilespmem:$0x1400] =	vst v0  }
0x17: {  	[tilespmem:$0x1480] =	vst v0  }
0x18: {  	[tilespmem:$0x1500] =	vst v0  }
0x19: {  	[tilespmem:$0x1580] =	vst v0  }
0x1a: {  	[tilespmem:$0x1600] =	vst v0  }
0x1b: {  	[tilespmem:$0x1680] =	vst v0  }
0x1c: {  	[tilespmem:$0x1700] =	vst v0  }
0x1d: {  	[tilespmem:$0x1780] =	vst v0  }
0x1e: {  	[tilespmem:$0x1800] =	vst v0  }
0x1f: {  	[tilespmem:$0x1880] =	vst v0  }
0x20: {  	[tilespmem:$0x1900] =	vst v0  }
0x21: {  	[tilespmem:$0x1980] =	vst v0  }
0x22: {  	[tilespmem:$0x1A00] =	vst v0  }
0x23: {  	[tilespmem:$0x1A80] =	vst v0  }
0x24: {  	[tilespmem:$0x1B00] =	vst v0  }
0x25: {  	[tilespmem:$0x1B80] =	vst v0  }
0x26: {  	[tilespmem:$0x1C00] =	vst v0  }
0x27: {  	[tilespmem:$0x1C80] =	vst v0  }
0x28: {  	[tilespmem:$0x1D00] =	vst v0  }
0x29: {  	[tilespmem:$0x1D80] =	vst v0  }
0x2a: {  	[tilespmem:$0x1E00] =	vst v0  }
0x2b: {  	[tilespmem:$0x1E80] =	vst v0  }
0x2c: {  	[tilespmem:$0x1F00] =	vst v0  }
0x2d: {  	s10 =	simm.s32 $0x0;
	s9 =	simm.s32 $0x200;
	v1 =	vimm.s32 $0x0;
	[tilespmem:$0x1F80] =	vst v0  }
.LBB2_2:
0x2e: {  	p0 =	sne.s32 s9, $0x3E00;
	v2 =	vld [tilespmem:s10+$0x0];
	_ =	sdelay $0x2  }
.Ltmp0:
0x2f: {  	(pc) =	sbr.rel @p0 .LBB2_2-.Ltmp0, $4  }
0x30: {  	_ = 	snop  }
0x31: {  	v2 =	vshrl.u32 v2, $0x1F  }
0x32: {  	v1 =	vadd.s32 v1, v2  }
0x33: {  	s10 =	sshra.s32 s9, $0x2;
	s9 =	sadd.s32 $0x200, s9;
	[tilespmem:$0x1000] =	vst v1  }
0x34: {  	v2 =	vld [tilespmem:s10+$0x0];
	_ =	sdelay $0x4  }
0x35: {  	v2 =	vshrl.u32 v2, $0x1F  }
0x36: {  	v1 =	vadd.s32 v1, v2  }
0x37: {  	s10 =	simm.s32 $0x0;
	s9 =	simm.s32 $0x200;
	v2 =	vimm.s32 $0x0;
	[tilespmem:$0x1000] =	vst v1;
	v1 =	vimm.s32 $0x0  }
.LBB2_4:
0x38: {  	p0 =	sne.s32 s9, $0x3E00;
	v3 =	vld [tilespmem:s10+$0x0];
	_ =	sdelay $0x3  }
.Ltmp1:
0x39: {  	(pc) =	sbr.rel @p0 .LBB2_4-.Ltmp1, $4  }
0x3a: {  	vm0 =	vlt.s32 v3, $0x1  }
0x3b: {  	v3 =	vsel vm0, $0x1, v0  }
0x3c: {  	v2 =	vadd.s32 v3, v2  }
0x3d: {  	s10 =	sshra.s32 s9, $0x2;
	s9 =	sadd.s32 $0x200, s9;
	[tilespmem:$0x1080] =	vst v2  }
0x3e: {  	v3 =	vld [tilespmem:s10+$0x0];
	_ =	sdelay $0x4  }
0x3f: {  	vm0 =	vlt.s32 v3, $0x1  }
0x40: {  	v3 =	vsel vm0, $0x1, v0  }
0x41: {  	v2 =	vadd.s32 v3, v2  }
0x42: {  	s10 =	simm.s32 $0x0;
	s9 =	simm.s32 $0x200;
	[tilespmem:$0x1080] =	vst v2  }
.LBB2_6:
0x43: {  	p0 =	sne.s32 s9, $0x3E00;
	v2 =	vld [tilespmem:s10+$0x0];
	_ =	sdelay $0x3  }
.Ltmp2:
0x44: {  	(pc) =	sbr.rel @p0 .LBB2_6-.Ltmp2, $4  }
0x45: {  	vm0 =	vlt.s32 v2, $0x2  }
0x46: {  	v2 =	vsel vm0, $0x1, v0  }
0x47: {  	v1 =	vadd.s32 v2, v1  }
0x48: {  	s10 =	sshra.s32 s9, $0x2;
	s9 =	sadd.s32 $0x200, s9;
	[tilespmem:$0x1100] =	vst v1  }
0x49: {  	v2 =	vld [tilespmem:s10+$0x0];
	_ =	sdelay $0x4  }
0x4a: {  	vm0 =	vlt.s32 v2, $0x2  }
0x4b: {  	v2 =	vsel vm0, $0x1, v0  }
0x4c: {  	v1 =	vadd.s32 v2, v1  }
0x4d: {  	s10 =	simm.s32 $0x0;
	s9 =	simm.s32 $0x200;
	v2 =	vimm.s32 $0x0;
	[tilespmem:$0x1100] =	vst v1;
	v1 =	vimm.s32 $0x0  }
.LBB2_8:
0x4e: {  	p0 =	sne.s32 s9, $0x3E00;
	v3 =	vld [tilespmem:s10+$0x0];
	_ =	sdelay $0x3  }
.Ltmp3:
0x4f: {  	(pc) =	sbr.rel @p0 .LBB2_8-.Ltmp3, $4  }
0x50: {  	vm0 =	vlt.s32 v3, $0x3  }
0x51: {  	v3 =	vsel vm0, $0x1, v0  }
0x52: {  	v2 =	vadd.s32 v3, v2  }
0x53: {  	s10 =	sshra.s32 s9, $0x2;
	s9 =	sadd.s32 $0x200, s9;
	[tilespmem:$0x1180] =	vst v2  }
0x54: {  	v3 =	vld [tilespmem:s10+$0x0];
	_ =	sdelay $0x4  }
0x55: {  	vm0 =	vlt.s32 v3, $0x3  }
0x56: {  	v3 =	vsel vm0, $0x1, v0  }
0x57: {  	v2 =	vadd.s32 v3, v2  }
0x58: {  	s10 =	simm.s32 $0x0;
	s9 =	simm.s32 $0x200;
	[tilespmem:$0x1180] =	vst v2  }
.LBB2_10:
0x59: {  	p0 =	sne.s32 s9, $0x3E00;
	v2 =	vld [tilespmem:s10+$0x0];
	_ =	sdelay $0x3  }
.Ltmp4:
0x5a: {  	(pc) =	sbr.rel @p0 .LBB2_10-.Ltmp4, $4  }
0x5b: {  	vm0 =	vlt.s32 v2, $0x4  }
0x5c: {  	v2 =	vsel vm0, $0x1, v0  }
0x5d: {  	v1 =	vadd.s32 v2, v1  }
0x5e: {  	s10 =	sshra.s32 s9, $0x2;
	s9 =	sadd.s32 $0x200, s9;
	[tilespmem:$0x1200] =	vst v1  }
0x5f: {  	v2 =	vld [tilespmem:s10+$0x0];
	_ =	sdelay $0x4  }
0x60: {  	vm0 =	vlt.s32 v2, $0x4  }
0x61: {  	v2 =	vsel vm0, $0x1, v0  }
0x62: {  	v1 =	vadd.s32 v2, v1  }
0x63: {  	s10 =	simm.s32 $0x0;
	s9 =	simm.s32 $0x200;
	v2 =	vimm.s32 $0x0;
	[tilespmem:$0x1200] =	vst v1;
	v1 =	vimm.s32 $0x0  }
.LBB2_12:
0x64: {  	p0 =	sne.s32 s9, $0x3E00;
	v3 =	vld [tilespmem:s10+$0x0];
	_ =	sdelay $0x3  }
.Ltmp5:
0x65: {  	(pc) =	sbr.rel @p0 .LBB2_12-.Ltmp5, $4  }
0x66: {  	vm0 =	vlt.s32 v3, $0x5  }
0x67: {  	v3 =	vsel vm0, $0x1, v0  }
0x68: {  	v2 =	vadd.s32 v3, v2  }
0x69: {  	s10 =	sshra.s32 s9, $0x2;
	s9 =	sadd.s32 $0x200, s9;
	[tilespmem:$0x1280] =	vst v2  }
0x6a: {  	v3 =	vld [tilespmem:s10+$0x0];
	_ =	sdelay $0x4  }
0x6b: {  	vm0 =	vlt.s32 v3, $0x5  }
0x6c: {  	v3 =	vsel vm0, $0x1, v0  }
0x6d: {  	v2 =	vadd.s32 v3, v2  }
0x6e: {  	s10 =	simm.s32 $0x0;
	s9 =	simm.s32 $0x200;
	[tilespmem:$0x1280] =	vst v2  }
.LBB2_14:
0x6f: {  	p0 =	sne.s32 s9, $0x3E00;
	v2 =	vld [tilespmem:s10+$0x0];
	_ =	sdelay $0x3  }
.Ltmp6:
0x70: {  	(pc) =	sbr.rel @p0 .LBB2_14-.Ltmp6, $4  }
0x71: {  	vm0 =	vlt.s32 v2, $0x6  }
0x72: {  	v2 =	vsel vm0, $0x1, v0  }
0x73: {  	v1 =	vadd.s32 v2, v1  }
0x74: {  	s10 =	sshra.s32 s9, $0x2;
	s9 =	sadd.s32 $0x200, s9;
	[tilespmem:$0x1300] =	vst v1  }
0x75: {  	v2 =	vld [tilespmem:s10+$0x0];
	_ =	sdelay $0x4  }
0x76: {  	vm0 =	vlt.s32 v2, $0x6  }
0x77: {  	v2 =	vsel vm0, $0x1, v0  }
0x78: {  	v1 =	vadd.s32 v2, v1  }
0x79: {  	s10 =	simm.s32 $0x0;
	s9 =	simm.s32 $0x200;
	v2 =	vimm.s32 $0x0;
	[tilespmem:$0x1300] =	vst v1;
	v1 =	vimm.s32 $0x0  }
.LBB2_16:
0x7a: {  	p0 =	sne.s32 s9, $0x3E00;
	v3 =	vld [tilespmem:s10+$0x0];
	_ =	sdelay $0x3  }
.Ltmp7:
0x7b: {  	(pc) =	sbr.rel @p0 .LBB2_16-.Ltmp7, $4  }
0x7c: {  	vm0 =	vlt.s32 v3, $0x7  }
0x7d: {  	v3 =	vsel vm0, $0x1, v0  }
0x7e: {  	v2 =	vadd.s32 v3, v2  }
0x7f: {  	s10 =	sshra.s32 s9, $0x2;
	s9 =	sadd.s32 $0x200, s9;
	[tilespmem:$0x1380] =	vst v2  }
0x80: {  	v3 =	vld [tilespmem:s10+$0x0];
	_ =	sdelay $0x4  }
0x81: {  	vm0 =	vlt.s32 v3, $0x7  }
0x82: {  	v3 =	vsel vm0, $0x1, v0  }
0x83: {  	v2 =	vadd.s32 v3, v2  }
0x84: {  	s10 =	simm.s32 $0x0;
	s9 =	simm.s32 $0x200;
	[tilespmem:$0x1380] =	vst v2  }
.LBB2_18:
0x85: {  	p0 =	sne.s32 s9, $0x3E00;
	v2 =	vld [tilespmem:s10+$0x0];
	_ =	sdelay $0x3  }
.Ltmp8:
0x86: {  	(pc) =	sbr.rel @p0 .LBB2_18-.Ltmp8, $4  }
0x87: {  	vm0 =	vlt.s32 v2, $0x8  }
0x88: {  	v2 =	vsel vm0, $0x1, v0  }
0x89: {  	v1 =	vadd.s32 v2, v1  }
0x8a: {  	s10 =	sshra.s32 s9, $0x2;
	s9 =	sadd.s32 $0x200, s9;
	[tilespmem:$0x1400] =	vst v1  }
0x8b: {  	v2 =	vld [tilespmem:s10+$0x0];
	_ =	sdelay $0x4  }
0x8c: {  	vm0 =	vlt.s32 v2, $0x8  }
0x8d: {  	v2 =	vsel vm0, $0x1, v0  }
0x8e: {  	v1 =	vadd.s32 v2, v1  }
0x8f: {  	s10 =	simm.s32 $0x0;
	s9 =	simm.s32 $0x200;
	v2 =	vimm.s32 $0x0;
	[tilespmem:$0x1400] =	vst v1;
	v1 =	vimm.s32 $0x0  }
.LBB2_20:
0x90: {  	p0 =	sne.s32 s9, $0x3E00;
	v3 =	vld [tilespmem:s10+$0x0];
	_ =	sdelay $0x3  }
.Ltmp9:
0x91: {  	(pc) =	sbr.rel @p0 .LBB2_20-.Ltmp9, $4  }
0x92: {  	vm0 =	vlt.s32 v3, $0x9  }
0x93: {  	v3 =	vsel vm0, $0x1, v0  }
0x94: {  	v2 =	vadd.s32 v3, v2  }
0x95: {  	s10 =	sshra.s32 s9, $0x2;
	s9 =	sadd.s32 $0x200, s9;
	[tilespmem:$0x1480] =	vst v2  }
0x96: {  	v3 =	vld [tilespmem:s10+$0x0];
	_ =	sdelay $0x4  }
0x97: {  	vm0 =	vlt.s32 v3, $0x9  }
0x98: {  	v3 =	vsel vm0, $0x1, v0  }
0x99: {  	v2 =	vadd.s32 v3, v2  }
0x9a: {  	s10 =	simm.s32 $0x0;
	s9 =	simm.s32 $0x200;
	[tilespmem:$0x1480] =	vst v2  }
.LBB2_22:
0x9b: {  	p0 =	sne.s32 s9, $0x3E00;
	v2 =	vld [tilespmem:s10+$0x0];
	_ =	sdelay $0x3  }
.Ltmp10:
0x9c: {  	(pc) =	sbr.rel @p0 .LBB2_22-.Ltmp10, $4  }
0x9d: {  	vm0 =	vlt.s32 v2, $0xA  }
0x9e: {  	v2 =	vsel vm0, $0x1, v0  }
0x9f: {  	v1 =	vadd.s32 v2, v1  }
0xa0: {  	s10 =	sshra.s32 s9, $0x2;
	s9 =	sadd.s32 $0x200, s9;
	[tilespmem:$0x1500] =	vst v1  }
0xa1: {  	v2 =	vld [tilespmem:s10+$0x0];
	_ =	sdelay $0x4  }
0xa2: {  	vm0 =	vlt.s32 v2, $0xA  }
0xa3: {  	v2 =	vsel vm0, $0x1, v0  }
0xa4: {  	v1 =	vadd.s32 v2, v1  }
0xa5: {  	s10 =	simm.s32 $0x0;
	s9 =	simm.s32 $0x200;
	v2 =	vimm.s32 $0x0;
	[tilespmem:$0x1500] =	vst v1;
	v1 =	vimm.s32 $0x0  }
.LBB2_24:
0xa6: {  	p0 =	sne.s32 s9, $0x3E00;
	v3 =	vld [tilespmem:s10+$0x0];
	_ =	sdelay $0x3  }
.Ltmp11:
0xa7: {  	(pc) =	sbr.rel @p0 .LBB2_24-.Ltmp11, $4  }
0xa8: {  	vm0 =	vlt.s32 v3, $0xB  }
0xa9: {  	v3 =	vsel vm0, $0x1, v0  }
0xaa: {  	v2 =	vadd.s32 v3, v2  }
0xab: {  	s10 =	sshra.s32 s9, $0x2;
	s9 =	sadd.s32 $0x200, s9;
	[tilespmem:$0x1580] =	vst v2  }
0xac: {  	v3 =	vld [tilespmem:s10+$0x0];
	_ =	sdelay $0x4  }
0xad: {  	vm0 =	vlt.s32 v3, $0xB  }
0xae: {  	v3 =	vsel vm0, $0x1, v0  }
0xaf: {  	v2 =	vadd.s32 v3, v2  }
0xb0: {  	s10 =	simm.s32 $0x0;
	s9 =	simm.s32 $0x200;
	[tilespmem:$0x1580] =	vst v2  }
.LBB2_26:
0xb1: {  	p0 =	sne.s32 s9, $0x3E00;
	v2 =	vld [tilespmem:s10+$0x0];
	_ =	sdelay $0x3  }
.Ltmp12:
0xb2: {  	(pc) =	sbr.rel @p0 .LBB2_26-.Ltmp12, $4  }
0xb3: {  	vm0 =	vlt.s32 v2, $0xC  }
0xb4: {  	v2 =	vsel vm0, $0x1, v0  }
0xb5: {  	v1 =	vadd.s32 v2, v1  }
0xb6: {  	s10 =	sshra.s32 s9, $0x2;
	s9 =	sadd.s32 $0x200, s9;
	[tilespmem:$0x1600] =	vst v1  }
0xb7: {  	v2 =	vld [tilespmem:s10+$0x0];
	_ =	sdelay $0x4  }
0xb8: {  	vm0 =	vlt.s32 v2, $0xC  }
0xb9: {  	v2 =	vsel vm0, $0x1, v0  }
0xba: {  	v1 =	vadd.s32 v2, v1  }
0xbb: {  	s10 =	simm.s32 $0x0;
	s9 =	simm.s32 $0x200;
	v2 =	vimm.s32 $0x0;
	[tilespmem:$0x1600] =	vst v1;
	v1 =	vimm.s32 $0x0  }
.LBB2_28:
0xbc: {  	p0 =	sne.s32 s9, $0x3E00;
	v3 =	vld [tilespmem:s10+$0x0];
	_ =	sdelay $0x3  }
.Ltmp13:
0xbd: {  	(pc) =	sbr.rel @p0 .LBB2_28-.Ltmp13, $4  }
0xbe: {  	vm0 =	vlt.s32 v3, $0xD  }
0xbf: {  	v3 =	vsel vm0, $0x1, v0  }
0xc0: {  	v2 =	vadd.s32 v3, v2  }
0xc1: {  	s10 =	sshra.s32 s9, $0x2;
	s9 =	sadd.s32 $0x200, s9;
	[tilespmem:$0x1680] =	vst v2  }
0xc2: {  	v3 =	vld [tilespmem:s10+$0x0];
	_ =	sdelay $0x4  }
0xc3: {  	vm0 =	vlt.s32 v3, $0xD  }
0xc4: {  	v3 =	vsel vm0, $0x1, v0  }
0xc5: {  	v2 =	vadd.s32 v3, v2  }
0xc6: {  	s10 =	simm.s32 $0x0;
	s9 =	simm.s32 $0x200;
	[tilespmem:$0x1680] =	vst v2  }
.LBB2_30:
0xc7: {  	p0 =	sne.s32 s9, $0x3E00;
	v2 =	vld [tilespmem:s10+$0x0];
	_ =	sdelay $0x3  }
.Ltmp14:
0xc8: {  	(pc) =	sbr.rel @p0 .LBB2_30-.Ltmp14, $4  }
0xc9: {  	vm0 =	vlt.s32 v2, $0xE  }
0xca: {  	v2 =	vsel vm0, $0x1, v0  }
0xcb: {  	v1 =	vadd.s32 v2, v1  }
0xcc: {  	s10 =	sshra.s32 s9, $0x2;
	s9 =	sadd.s32 $0x200, s9;
	[tilespmem:$0x1700] =	vst v1  }
0xcd: {  	v2 =	vld [tilespmem:s10+$0x0];
	_ =	sdelay $0x4  }
0xce: {  	vm0 =	vlt.s32 v2, $0xE  }
0xcf: {  	v2 =	vsel vm0, $0x1, v0  }
0xd0: {  	v1 =	vadd.s32 v2, v1  }
0xd1: {  	s10 =	simm.s32 $0x0;
	s9 =	simm.s32 $0x200;
	v2 =	vimm.s32 $0x0;
	[tilespmem:$0x1700] =	vst v1;
	v1 =	vimm.s32 $0x0  }
.LBB2_32:
0xd2: {  	p0 =	sne.s32 s9, $0x3E00;
	v3 =	vld [tilespmem:s10+$0x0];
	_ =	sdelay $0x3  }
.Ltmp15:
0xd3: {  	(pc) =	sbr.rel @p0 .LBB2_32-.Ltmp15, $4  }
0xd4: {  	vm0 =	vlt.s32 v3, $0xF  }
0xd5: {  	v3 =	vsel vm0, $0x1, v0  }
0xd6: {  	v2 =	vadd.s32 v3, v2  }
0xd7: {  	s10 =	sshra.s32 s9, $0x2;
	s9 =	sadd.s32 $0x200, s9;
	[tilespmem:$0x1780] =	vst v2  }
0xd8: {  	v3 =	vld [tilespmem:s10+$0x0];
	_ =	sdelay $0x4  }
0xd9: {  	vm0 =	vlt.s32 v3, $0xF  }
0xda: {  	v3 =	vsel vm0, $0x1, v0  }
0xdb: {  	v2 =	vadd.s32 v3, v2  }
0xdc: {  	s10 =	simm.s32 $0x0;
	s9 =	simm.s32 $0x200;
	[tilespmem:$0x1780] =	vst v2  }
.LBB2_34:
0xdd: {  	p0 =	sne.s32 s9, $0x3E00;
	v2 =	vld [tilespmem:s10+$0x0];
	_ =	sdelay $0x3  }
.Ltmp16:
0xde: {  	(pc) =	sbr.rel @p0 .LBB2_34-.Ltmp16, $4  }
0xdf: {  	vm0 =	vlt.s32 v2, $0x10  }
0xe0: {  	v2 =	vsel vm0, $0x1, v0  }
0xe1: {  	v1 =	vadd.s32 v2, v1  }
0xe2: {  	s10 =	sshra.s32 s9, $0x2;
	s9 =	sadd.s32 $0x200, s9;
	[tilespmem:$0x1800] =	vst v1  }
0xe3: {  	v2 =	vld [tilespmem:s10+$0x0];
	_ =	sdelay $0x4  }
0xe4: {  	vm0 =	vlt.s32 v2, $0x10  }
0xe5: {  	s8 =	sadd.s32 $0x1, s8;
	v2 =	vsel vm0, $0x1, v0  }
0xe6: {  	p0 =	sne.s32 s8, s5;
	v1 =	vadd.s32 v2, v1  }
.Ltmp17:
0xe7: {  	[tilespmem:$0x1800] =	vst v1;
	(pc) =	sbr.rel @p0 .LBB2_1-.Ltmp17, $4  }
0xe8: {  	[hbm4b:s4+s2] =	stream.linear.scatter [tilespmem:s7], [sflag:$0x1], $0x1000, $0x38;
	[tilespmem:$0x2000] =	vst v63  }
0xe9: {  	_ =	swait.ge [sflag:s6], $0x1000  }
0xea: {  	[sflag:s6] =	ssyncset.done $0x0  }
0xeb: {  	[sflag:s6] =	ssyncadd.s32 $0xFFFFF000  }
0xec: {  	_ =	sfence.sel $0x180000  }
0xed: {  	[bflag:$0x0] =	sbarrier.arrive $0xFFFF  }
0xee: {  	p0 =	sne.s32 s1, $0x0;
	_ =	strace $0x90000047  }
0xef: {  	s0 =	sadd.s32 @!p0 $0x100000, s0;
	[bflag:$0x2] =	sbarrier.arrive $0xFFFF  }
0xf0: {  	[sflag:s0] =	ssyncadd.tile.s32 @!p0 $0x1;
	_ =	shalt  }
.Lfunc_end2:
_tile_overlayer_lowered:
.L_overlay_start_2:
0xf1: {  	(tag) =	ssettag $0x2  }
0xf2: {  	s0 =	rddreg [dreg:$0x0];
	s2 =	stileid.u32  }
0xf3: {  	s1 =	rddreg [dreg:$0x1];
	p0 =	sne.s32 s2, $0x0  }
0xf4: {  	s3 =	rddreg [dreg:$0x2];
	[bflag:$0x3] =	sbarrier.arrive $0xFFFF;
	s2 =	simm.s32 @!p0 $0x1C01  }
0xf5: {  	[timem:s3], [sflag:s2] =	dma.local @!p0 [hbm:s0], s1  }
0xf6: {  	s0 =	simm.s32 @!p0 $0x1  }
0xf7: {  	_ =	swait.ge @!p0 [sflag:s0], s1  }
0xf8: {  	s1 =	ssub.s32 @!p0 $0x0, s1;
	[sflag:s0] =	ssyncset.done @!p0 $0x0  }
0xf9: {  	[sflag:s0] =	ssyncadd.s32 @!p0 s1  }
0xfa: {  	[bflag:$0x3] =	sbarrier.arrive $0xFFFF  }
0xfb: {  	_ =	shalt  }

</sc_bundles>
